<compile_context>
chip_gen: v7x
topology: tpu7x:2x2x1
jax: 0.10.2.dev20260603
libtpu: 0.0.44.dev20260713+nightly
codegen_flags: <defaults>
</compile_context>

<pallas_src>
import dataclasses
import functools

import jax
import jax.numpy as jnp
from jax import lax
from jax.experimental import pallas as pl
from jax.experimental.pallas import tpu as pltpu
from jax.experimental.pallas import tpu_sc as plsc

NUM_CORES = 2
NUM_SUBCORES = 16
NUM_WORKERS = NUM_CORES * NUM_SUBCORES
LANES = 16
L_PAD = 56
EOUT = 8
NBUF = 4
T_UNROLL = 10


@functools.partial(jax.jit, static_argnames=("B", "L", "Dw"))
def _pooled_lookup(idx, table_pk, B, L, Dw):
    b_per_w = B // NUM_WORKERS
    mesh = plsc.VectorSubcoreMesh(core_axis_name="c", subcore_axis_name="s")
    inv_l = jnp.float32(1.0 / L)
    n_chunks = b_per_w // EOUT

    cp = pltpu.CompilerParams()
    if "needs_layout_passes" in pltpu.CompilerParams.__dataclass_fields__:
        cp = dataclasses.replace(cp, needs_layout_passes=False)

    @functools.partial(
        pl.kernel,
        mesh=mesh,
        compiler_params=cp,
        out_type=jax.ShapeDtypeStruct((B, Dw), jnp.int32),
        scratch_types=[
            pltpu.VMEM((b_per_w, L_PAD), jnp.int32),
            pltpu.VMEM((NBUF, L_PAD, Dw), jnp.int32),
            pltpu.VMEM((EOUT, Dw), jnp.int32),
        ]
        + [pltpu.SemaphoreType.DMA] * NBUF,
    )
    def k(idx_hbm, table_hbm, out_hbm, idx_v, rows_v, obuf_v, *sems):
        wid = lax.axis_index("s") * NUM_CORES + lax.axis_index("c")
        pltpu.sync_copy(idx_hbm.at[wid], idx_v)

        def start_gather(e, slot):
            e = jnp.minimum(e, b_per_w - 1)
            pltpu.async_copy(
                table_hbm.at[idx_v.at[e]], rows_v.at[slot], sems[slot]
            )

        def wait_gather(slot):
            pltpu.make_async_copy(
                table_hbm.at[idx_v.at[0]], rows_v.at[slot], sems[slot]
            ).wait()

        def reduce_into(slot, i):
            buf = rows_v.at[slot]

            @pl.loop(0, Dw, step=LANES)
            def _dblock(db):
                def tblock(tb, carry):
                    acc_e, acc_o = carry
                    base = tb * T_UNROLL
                    for j in range(T_UNROLL):
                        w = buf[base + j, pl.ds(db, LANES)]
                        a, b = plsc.unpack(
                            plsc.bitcast(w, jnp.bfloat16),
                            format=plsc.PackFormat.INTERLEAVED,
                        )
                        acc_e = acc_e + a
                        acc_o = acc_o + b
                    return acc_e, acc_o

                zeros = jnp.zeros((LANES,), jnp.float32)
                acc_e, acc_o = lax.fori_loop(
                    0, L // T_UNROLL, tblock, (zeros, zeros)
                )
                pooled = plsc.pack(
                    acc_e * inv_l,
                    acc_o * inv_l,
                    format=plsc.PackFormat.INTERLEAVED,
                )
                obuf_v[i, pl.ds(db, LANES)] = plsc.bitcast(pooled, jnp.int32)

        for s in range(NBUF - 1):
            start_gather(s, s)

        @pl.loop(0, n_chunks)
        def _chunk(c):
            e0 = c * EOUT
            for q in range(EOUT):
                slot = q % NBUF
                wait_gather(slot)
                start_gather(e0 + q + NBUF - 1, (q + NBUF - 1) % NBUF)
                reduce_into(slot, q)

            pltpu.sync_copy(
                obuf_v, out_hbm.at[pl.ds(wid * b_per_w + e0, EOUT)]
            )

        for s in range(NBUF - 1):
            wait_gather(s)

    return k(idx, table_pk)


def kernel(input_ids, table):
    B, L = input_ids.shape
    V, D = table.shape
    idx = input_ids.astype(jnp.int32)
    if L_PAD != L:
        idx = jnp.pad(idx, ((0, 0), (0, L_PAD - L)))
    idx = idx.reshape(NUM_WORKERS, B // NUM_WORKERS, L_PAD)
    table_pk = lax.bitcast_convert_type(
        table.astype(jnp.bfloat16).reshape(V, D // 2, 2), jnp.int32
    )
    out_pk = _pooled_lookup(idx, table_pk, B, L, D // 2)
    out_bf = lax.bitcast_convert_type(out_pk, jnp.bfloat16).reshape(B, D)
    return out_bf.astype(jnp.float32)

# --- scband reference (transcript-rebuilt; emitter-appended) ---
"""Pipeline reference for scband-bertwords-embeddings-model-31138512896748 (READ-ONLY COPY).

The authoritative reference and input builder live on the scoring server;
editing this copy changes nothing except your own understanding.
"""

import jax, jax.numpy as jnp
import numpy as np

VOCAB = 30522
EMBED_DIM = 768
BATCH = 4096
SEQ_LEN = 50
PAD_TOKEN_ID = 0


def setup_inputs(seed: int = 0) -> dict:
    key = jax.random.key(seed)
    k1, k2 = jax.random.split(key)
    input_ids = jax.random.randint(k1, (BATCH, SEQ_LEN), 0, VOCAB, dtype=jnp.int64 if jax.config.jax_enable_x64 else jnp.int32)
    # precomputed BERT token embedding table (nn.Embedding.from_pretrained)
    table = jax.random.normal(k2, (VOCAB, EMBED_DIM), dtype=jnp.float32) * 0.02
    return {"input_ids": input_ids, "table": table}


def reference(input_ids, table):
    # embedding lookup: self.embeddings(input_ids) -> [B, L, D]
    emb = jnp.take(table, input_ids, axis=0)
    # torch.mean(embedding, dim=1) -> [B, D]
    return jnp.mean(emb, axis=1)

if __name__ == "__main__":
    import jax
    _d = setup_inputs()
    print(jax.jit(kernel)(*tuple(_d.values())))

</pallas_src>

<mosaic_0001>
#map = affine_map<(d0, d1) -> (0, 0, 0)>
#map1 = affine_map<(d0, d1) -> (0, 0)>
#map2 = affine_map<(d0, d1) -> (0)>
module attributes {stable_mosaic.version = 14 : i64} {
  func.func @_rewritten_body(%arg0: i32, %arg1: i32, %arg2: memref<32x128x56xi32, #tpu.memory_space<hbm>>, %arg3: memref<30522x384xi32, #tpu.memory_space<hbm>>, %arg4: memref<1xf32, #tpu.memory_space<hbm>>, %arg5: memref<4096x384xi32, #tpu.memory_space<hbm>>, %arg6: memref<128x56xi32, #tpu.memory_space<vmem>>, %arg7: memref<4x56x384xi32, #tpu.memory_space<vmem>>, %arg8: memref<8x384xi32, #tpu.memory_space<vmem>>, %arg9: memref<!tpu.dma_semaphore, #tpu.memory_space<semaphore_mem>>, %arg10: memref<!tpu.dma_semaphore, #tpu.memory_space<semaphore_mem>>, %arg11: memref<!tpu.dma_semaphore, #tpu.memory_space<semaphore_mem>>, %arg12: memref<!tpu.dma_semaphore, #tpu.memory_space<semaphore_mem>>) attributes {dimension_semantics = [#tpu.dimension_semantics<core_parallel>, #tpu.dimension_semantics<subcore_parallel>], iteration_bounds = array<i64: 2, 16>, scalar_prefetch = 0 : i64, scratch_operands = 7 : i64, tpu.core_type = #tpu.core_type<sc_vector_subcore>, window_params = [{transform_indices = #map}, {transform_indices = #map1}, {transform_indices = #map2}, {transform_indices = #map1}]} {
    %empty_ref3A = memref.alloca() : memref<16xf32, #tpu.memory_space<vmem>>
    "tpu.region"() ({
      %run_scoped3A = tpu.sem_alloc : memref<!tpu.dma_semaphore, #tpu.memory_space<semaphore_mem>>
      %dma_start3A_81 = arith.constant 0 : i32
      %dma_start3A_82 = tpu.memref_slice %empty_ref3A[%dma_start3A_81] : memref<16xf32, #tpu.memory_space<vmem>> -> memref<1xf32, #tpu.memory_space<vmem>>
      %dma_start3A_83 = arith.constant 0 : i32
      %dma_start3A_84 = tpu.memref_slice %empty_ref3A[%dma_start3A_83] : memref<16xf32, #tpu.memory_space<vmem>> -> memref<1xf32, #tpu.memory_space<vmem>>
      tpu.enqueue_dma source(%arg4 : memref<1xf32, #tpu.memory_space<hbm>>) target(%dma_start3A_84 : memref<1xf32, #tpu.memory_space<vmem>>) target_semaphore(%run_scoped3A : memref<!tpu.dma_semaphore, #tpu.memory_space<semaphore_mem>>)
      %dma_wait3A_85 = arith.constant 0 : i32
      %dma_wait3A_86 = tpu.memref_slice %empty_ref3A[%dma_wait3A_85] : memref<16xf32, #tpu.memory_space<vmem>> -> memref<1xf32, #tpu.memory_space<vmem>>
      %dma_wait3A_87 = arith.constant 0 : i32
      %dma_wait3A_88 = tpu.memref_slice %empty_ref3A[%dma_wait3A_87] : memref<16xf32, #tpu.memory_space<vmem>> -> memref<1xf32, #tpu.memory_space<vmem>>
      tpu.wait_dma2 semaphore(%run_scoped3A : memref<!tpu.dma_semaphore, #tpu.memory_space<semaphore_mem>>) src(%arg4 : memref<1xf32, #tpu.memory_space<hbm>>) dst(%dma_wait3A_88 : memref<1xf32, #tpu.memory_space<vmem>>)
      tpu.yield
    }) : () -> ()
    %get3A = arith.constant 0 : index
    %get3A_0 = tpu.vector_load %empty_ref3A[%get3A] {strides = array<i32>} : memref<16xf32, #tpu.memory_space<vmem>>, vector<16xf32>,
    %slice3A = vector.extract_strided_slice %get3A_0 {offsets = [0], sizes = [1], strides = [1]} : vector<16xf32> to vector<1xf32>
    %squeeze3A = vector.extract %slice3A[0] : f32 from vector<1xf32>
    %mul3A = arith.constant 2 : i32
    %mul3A_1 = arith.muli %arg1, %mul3A : i32
    %add3A = arith.addi %mul3A_1, %arg0 : i32
    "tpu.region"() ({
      %run_scoped3A = tpu.sem_alloc : memref<!tpu.dma_semaphore, #tpu.memory_space<semaphore_mem>>
      %dma_start3A_81 = arith.constant 0 : i32
      %dma_start3A_82 = arith.constant 0 : i32
      %dma_start3A_83 = tpu.memref_slice %arg2[%add3A, %dma_start3A_81, %dma_start3A_82] : memref<32x128x56xi32, #tpu.memory_space<hbm>> -> memref<1x128x56xi32, #tpu.memory_space<hbm>>
      %dma_start3A_84 = tpu.memref_squeeze %dma_start3A_83 : memref<1x128x56xi32, #tpu.memory_space<hbm>> -> memref<128x56xi32, #tpu.memory_space<hbm>>
      %dma_start3A_85 = arith.constant 0 : i32
      %dma_start3A_86 = arith.constant 0 : i32
      %dma_start3A_87 = tpu.memref_slice %arg2[%add3A, %dma_start3A_85, %dma_start3A_86] : memref<32x128x56xi32, #tpu.memory_space<hbm>> -> memref<1x128x56xi32, #tpu.memory_space<hbm>>
      %dma_start3A_88 = tpu.memref_squeeze %dma_start3A_87 : memref<1x128x56xi32, #tpu.memory_space<hbm>> -> memref<128x56xi32, #tpu.memory_space<hbm>>
      tpu.enqueue_dma source(%dma_start3A_88 : memref<128x56xi32, #tpu.memory_space<hbm>>) target(%arg6 : memref<128x56xi32, #tpu.memory_space<vmem>>) target_semaphore(%run_scoped3A : memref<!tpu.dma_semaphore, #tpu.memory_space<semaphore_mem>>)
      %dma_wait3A_89 = arith.constant 0 : i32
      %dma_wait3A_90 = arith.constant 0 : i32
      %dma_wait3A_91 = tpu.memref_slice %arg2[%add3A, %dma_wait3A_89, %dma_wait3A_90] : memref<32x128x56xi32, #tpu.memory_space<hbm>> -> memref<1x128x56xi32, #tpu.memory_space<hbm>>
      %dma_wait3A_92 = tpu.memref_squeeze %dma_wait3A_91 : memref<1x128x56xi32, #tpu.memory_space<hbm>> -> memref<128x56xi32, #tpu.memory_space<hbm>>
      %dma_wait3A_93 = arith.constant 0 : i32
      %dma_wait3A_94 = arith.constant 0 : i32
      %dma_wait3A_95 = tpu.memref_slice %arg2[%add3A, %dma_wait3A_93, %dma_wait3A_94] : memref<32x128x56xi32, #tpu.memory_space<hbm>> -> memref<1x128x56xi32, #tpu.memory_space<hbm>>
      %dma_wait3A_96 = tpu.memref_squeeze %dma_wait3A_95 : memref<1x128x56xi32, #tpu.memory_space<hbm>> -> memref<128x56xi32, #tpu.memory_space<hbm>>
      tpu.wait_dma2 semaphore(%run_scoped3A : memref<!tpu.dma_semaphore, #tpu.memory_space<semaphore_mem>>) src(%dma_wait3A_96 : memref<128x56xi32, #tpu.memory_space<hbm>>) dst(%arg6 : memref<128x56xi32, #tpu.memory_space<vmem>>)
      tpu.yield
    }) : () -> ()
    %min3A = arith.constant 0 : i32
    %min3A_2 = arith.constant 127 : i32
    %min3A_3 = arith.minsi %min3A, %min3A_2 : i32
    %dma_start3A = arith.constant 0 : i32
    %dma_start3A_4 = arith.constant 0 : i32
    %dma_start3A_5 = arith.constant 0 : i32
    %dma_start3A_6 = tpu.memref_slice %arg7[%dma_start3A, %dma_start3A_4, %dma_start3A_5] : memref<4x56x384xi32, #tpu.memory_space<vmem>> -> memref<1x56x384xi32, #tpu.memory_space<vmem>>
    %dma_start3A_7 = tpu.memref_squeeze %dma_start3A_6 : memref<1x56x384xi32, #tpu.memory_space<vmem>> -> memref<56x384xi32, #tpu.memory_space<vmem>>
    %dma_start3A_8 = arith.constant 0 : i32
    %dma_start3A_9 = tpu.memref_slice %arg6[%min3A_3, %dma_start3A_8] : memref<128x56xi32, #tpu.memory_space<vmem>> -> memref<1x56xi32, #tpu.memory_space<vmem>>
    %dma_start3A_10 = tpu.memref_squeeze %dma_start3A_9 : memref<1x56xi32, #tpu.memory_space<vmem>> -> memref<56xi32, #tpu.memory_space<vmem>>
    %dma_start3A_11 = arith.constant 0 : i32
    %dma_start3A_12 = arith.constant 0 : i32
    %dma_start3A_13 = tpu.memref_slice %arg3[%dma_start3A_11, %dma_start3A_12] : memref<30522x384xi32, #tpu.memory_space<hbm>> -> memref<30522x384xi32, #tpu.memory_space<hbm>>
    tpu.enqueue_indirect_dma source(%dma_start3A_13 : memref<30522x384xi32, #tpu.memory_space<hbm>>) target(%dma_start3A_7 : memref<56x384xi32, #tpu.memory_space<vmem>>) offsets(%dma_start3A_10 : memref<56xi32, #tpu.memory_space<vmem>>) semaphore(%arg9 : memref<!tpu.dma_semaphore, #tpu.memory_space<semaphore_mem>>)
    %min3A_14 = arith.constant 1 : i32
    %min3A_15 = arith.constant 127 : i32
    %min3A_16 = arith.minsi %min3A_14, %min3A_15 : i32
    %dma_start3A_17 = arith.constant 1 : i32
    %dma_start3A_18 = arith.constant 0 : i32
    %dma_start3A_19 = arith.constant 0 : i32
    %dma_start3A_20 = tpu.memref_slice %arg7[%dma_start3A_17, %dma_start3A_18, %dma_start3A_19] : memref<4x56x384xi32, #tpu.memory_space<vmem>> -> memref<1x56x384xi32, #tpu.memory_space<vmem>>
    %dma_start3A_21 = tpu.memref_squeeze %dma_start3A_20 : memref<1x56x384xi32, #tpu.memory_space<vmem>> -> memref<56x384xi32, #tpu.memory_space<vmem>>
    %dma_start3A_22 = arith.constant 0 : i32
    %dma_start3A_23 = tpu.memref_slice %arg6[%min3A_16, %dma_start3A_22] : memref<128x56xi32, #tpu.memory_space<vmem>> -> memref<1x56xi32, #tpu.memory_space<vmem>>
    %dma_start3A_24 = tpu.memref_squeeze %dma_start3A_23 : memref<1x56xi32, #tpu.memory_space<vmem>> -> memref<56xi32, #tpu.memory_space<vmem>>
    %dma_start3A_25 = arith.constant 0 : i32
    %dma_start3A_26 = arith.constant 0 : i32
    %dma_start3A_27 = tpu.memref_slice %arg3[%dma_start3A_25, %dma_start3A_26] : memref<30522x384xi32, #tpu.memory_space<hbm>> -> memref<30522x384xi32, #tpu.memory_space<hbm>>
    tpu.enqueue_indirect_dma source(%dma_start3A_27 : memref<30522x384xi32, #tpu.memory_space<hbm>>) target(%dma_start3A_21 : memref<56x384xi32, #tpu.memory_space<vmem>>) offsets(%dma_start3A_24 : memref<56xi32, #tpu.memory_space<vmem>>) semaphore(%arg10 : memref<!tpu.dma_semaphore, #tpu.memory_space<semaphore_mem>>)
    %min3A_28 = arith.constant 2 : i32
    %min3A_29 = arith.constant 127 : i32
    %min3A_30 = arith.minsi %min3A_28, %min3A_29 : i32
    %dma_start3A_31 = arith.constant 2 : i32
    %dma_start3A_32 = arith.constant 0 : i32
    %dma_start3A_33 = arith.constant 0 : i32
    %dma_start3A_34 = tpu.memref_slice %arg7[%dma_start3A_31, %dma_start3A_32, %dma_start3A_33] : memref<4x56x384xi32, #tpu.memory_space<vmem>> -> memref<1x56x384xi32, #tpu.memory_space<vmem>>
    %dma_start3A_35 = tpu.memref_squeeze %dma_start3A_34 : memref<1x56x384xi32, #tpu.memory_space<vmem>> -> memref<56x384xi32, #tpu.memory_space<vmem>>
    %dma_start3A_36 = arith.constant 0 : i32
    %dma_start3A_37 = tpu.memref_slice %arg6[%min3A_30, %dma_start3A_36] : memref<128x56xi32, #tpu.memory_space<vmem>> -> memref<1x56xi32, #tpu.memory_space<vmem>>
    %dma_start3A_38 = tpu.memref_squeeze %dma_start3A_37 : memref<1x56xi32, #tpu.memory_space<vmem>> -> memref<56xi32, #tpu.memory_space<vmem>>
    %dma_start3A_39 = arith.constant 0 : i32
    %dma_start3A_40 = arith.constant 0 : i32
    %dma_start3A_41 = tpu.memref_slice %arg3[%dma_start3A_39, %dma_start3A_40] : memref<30522x384xi32, #tpu.memory_space<hbm>> -> memref<30522x384xi32, #tpu.memory_space<hbm>>
    tpu.enqueue_indirect_dma source(%dma_start3A_41 : memref<30522x384xi32, #tpu.memory_space<hbm>>) target(%dma_start3A_35 : memref<56x384xi32, #tpu.memory_space<vmem>>) offsets(%dma_start3A_38 : memref<56xi32, #tpu.memory_space<vmem>>) semaphore(%arg11 : memref<!tpu.dma_semaphore, #tpu.memory_space<semaphore_mem>>)
    %scan3A = arith.constant 0 : i32
    %scan3A_42 = arith.constant 16 : i32
    %scan3A_43 = arith.addi %scan3A, %scan3A_42 : i32
    %scan3A_44 = arith.constant 1 : i32
    scf.for %scan3A_81 = %scan3A to %scan3A_43 step %scan3A_44  : i32 {
      %mul3A_82 = arith.constant 1 : i32
      %mul3A_83 = arith.muli %scan3A_81, %mul3A_82 : i32
      %add3A_84 = arith.constant 0 : i32
      %add3A_85 = arith.addi %add3A_84, %mul3A_83 : i32
      %mul3A_86 = arith.constant 8 : i32
      %mul3A_87 = arith.muli %add3A_85, %mul3A_86 : i32
      %dma_wait3A_88 = arith.constant 0 : i32
      %dma_wait3A_89 = arith.constant 0 : i32
      %dma_wait3A_90 = arith.constant 0 : i32
      %dma_wait3A_91 = arith.constant 0 : i32
      %dma_wait3A_92 = tpu.memref_slice %arg7[%dma_wait3A_89, %dma_wait3A_90, %dma_wait3A_91] : memref<4x56x384xi32, #tpu.memory_space<vmem>> -> memref<1x56x384xi32, #tpu.memory_space<vmem>>
      %dma_wait3A_93 = tpu.memref_squeeze %dma_wait3A_92 : memref<1x56x384xi32, #tpu.memory_space<vmem>> -> memref<56x384xi32, #tpu.memory_space<vmem>>
      %dma_wait3A_94 = arith.constant 0 : i32
      %dma_wait3A_95 = tpu.memref_slice %arg6[%dma_wait3A_88, %dma_wait3A_94] : memref<128x56xi32, #tpu.memory_space<vmem>> -> memref<1x56xi32, #tpu.memory_space<vmem>>
      %dma_wait3A_96 = tpu.memref_squeeze %dma_wait3A_95 : memref<1x56xi32, #tpu.memory_space<vmem>> -> memref<56xi32, #tpu.memory_space<vmem>>
      %dma_wait3A_97 = arith.constant 0 : i32
      %dma_wait3A_98 = arith.constant 0 : i32
      %dma_wait3A_99 = tpu.memref_slice %arg3[%dma_wait3A_97, %dma_wait3A_98] : memref<30522x384xi32, #tpu.memory_space<hbm>> -> memref<30522x384xi32, #tpu.memory_space<hbm>>
      tpu.wait_indirect_dma semaphore(%arg9 : memref<!tpu.dma_semaphore, #tpu.memory_space<semaphore_mem>>) src(%dma_wait3A_99 : memref<30522x384xi32, #tpu.memory_space<hbm>>) dst(%dma_wait3A_93 : memref<56x384xi32, #tpu.memory_space<vmem>>)
      %add3A_100 = arith.constant 0 : i32
      %add3A_101 = arith.addi %mul3A_87, %add3A_100 : i32
      %add3A_102 = arith.constant 4 : i32
      %add3A_103 = arith.addi %add3A_101, %add3A_102 : i32
      %sub3A = arith.constant 1 : i32
      %sub3A_104 = arith.subi %add3A_103, %sub3A : i32
      %min3A_105 = arith.constant 127 : i32
      %min3A_106 = arith.minsi %sub3A_104, %min3A_105 : i32
      %dma_start3A_107 = arith.constant 3 : i32
      %dma_start3A_108 = arith.constant 0 : i32
      %dma_start3A_109 = arith.constant 0 : i32
      %dma_start3A_110 = tpu.memref_slice %arg7[%dma_start3A_107, %dma_start3A_108, %dma_start3A_109] : memref<4x56x384xi32, #tpu.memory_space<vmem>> -> memref<1x56x384xi32, #tpu.memory_space<vmem>>
      %dma_start3A_111 = tpu.memref_squeeze %dma_start3A_110 : memref<1x56x384xi32, #tpu.memory_space<vmem>> -> memref<56x384xi32, #tpu.memory_space<vmem>>
      %dma_start3A_112 = arith.constant 0 : i32
      %dma_start3A_113 = tpu.memref_slice %arg6[%min3A_106, %dma_start3A_112] : memref<128x56xi32, #tpu.memory_space<vmem>> -> memref<1x56xi32, #tpu.memory_space<vmem>>
      %dma_start3A_114 = tpu.memref_squeeze %dma_start3A_113 : memref<1x56xi32, #tpu.memory_space<vmem>> -> memref<56xi32, #tpu.memory_space<vmem>>
      %dma_start3A_115 = arith.constant 0 : i32
      %dma_start3A_116 = arith.constant 0 : i32
      %dma_start3A_117 = tpu.memref_slice %arg3[%dma_start3A_115, %dma_start3A_116] : memref<30522x384xi32, #tpu.memory_space<hbm>> -> memref<30522x384xi32, #tpu.memory_space<hbm>>
      tpu.enqueue_indirect_dma source(%dma_start3A_117 : memref<30522x384xi32, #tpu.memory_space<hbm>>) target(%dma_start3A_111 : memref<56x384xi32, #tpu.memory_space<vmem>>) offsets(%dma_start3A_114 : memref<56xi32, #tpu.memory_space<vmem>>) semaphore(%arg12 : memref<!tpu.dma_semaphore, #tpu.memory_space<semaphore_mem>>)
      %scan3A_118 = arith.constant 0 : i32
      %scan3A_119 = arith.constant 0 : i32
      %scan3A_120 = arith.constant 24 : i32
      %scan3A_121 = arith.addi %scan3A_119, %scan3A_120 : i32
      %scan3A_122 = arith.constant 1 : i32
      scf.for %scan3A_386 = %scan3A_119 to %scan3A_121 step %scan3A_122  : i32 {
        %mul3A_387 = arith.constant 16 : i32
        %mul3A_388 = arith.muli %scan3A_386, %mul3A_387 : i32
        %add3A_389 = arith.constant 0 : i32
        %add3A_390 = arith.addi %add3A_389, %mul3A_388 : i32
        %broadcast_in_dim3A = arith.constant 0.000000e+00 : f32
        %broadcast_in_dim3A_391 = vector.broadcast %broadcast_in_dim3A : f32 to vector<16xf32>
        %scan3A_392 = arith.constant 0 : i32
        %scan3A_393 = arith.constant 5 : i32
        %scan3A_394 = arith.addi %scan3A_392, %scan3A_393 : i32
        %scan3A_395 = arith.constant 1 : i32
        %scan3A_396:2 = scf.for %scan3A_405 = %scan3A_392 to %scan3A_394 step %scan3A_395 iter_args(%scan3A_406 = %broadcast_in_dim3A_391, %scan3A_407 = %broadcast_in_dim3A_391) -> (vector<16xf32>, vector<16xf32>)  : i32 {
          %mul3A_408 = arith.constant 10 : i32
          %mul3A_409 = arith.muli %scan3A_405, %mul3A_408 : i32
          %add3A_410 = arith.constant 0 : i32
          %add3A_411 = arith.addi %mul3A_409, %add3A_410 : i32
          %get3A_412 = arith.constant 0 : i32
          %get3A_413 = arith.constant 0 : i32
          %get3A_414 = tpu.memref_slice %arg7[%scan3A_118, %get3A_412, %get3A_413] : memref<4x56x384xi32, #tpu.memory_space<vmem>> -> memref<1x56x384xi32, #tpu.memory_space<vmem>>
          %get3A_415 = tpu.memref_squeeze %get3A_414 : memref<1x56x384xi32, #tpu.memory_space<vmem>> -> memref<56x384xi32, #tpu.memory_space<vmem>>
          %get3A_416 = arith.index_cast %add3A_411 : i32 to index
          %get3A_417 = arith.index_cast %add3A_390 : i32 to index
          %get3A_418 = tpu.vector_load %get3A_415[%get3A_416, %get3A_417] {strides = array<i32>} : memref<56x384xi32, #tpu.memory_space<vmem>>, vector<16xi32>,
          %bitcast3A_419 = vector.bitcast %get3A_418 : vector<16xi32> to vector<32xbf16>
          %unpack3A = tpu.unpack_subelements %bitcast3A_419, 0 {pack_format = #tpu.pack_format<interleaved>} : vector<32xbf16> -> vector<16xf32>
          %unpack3A_420 = tpu.unpack_subelements %bitcast3A_419, 1 {pack_format = #tpu.pack_format<interleaved>} : vector<32xbf16> -> vector<16xf32>
          %add3A_421 = arith.addf %scan3A_406, %unpack3A : vector<16xf32>
          %add3A_422 = arith.addf %scan3A_407, %unpack3A_420 : vector<16xf32>
          %add3A_423 = arith.constant 1 : i32
          %add3A_424 = arith.addi %mul3A_409, %add3A_423 : i32
          %get3A_425 = arith.constant 0 : i32
          %get3A_426 = arith.constant 0 : i32
          %get3A_427 = tpu.memref_slice %arg7[%scan3A_118, %get3A_425, %get3A_426] : memref<4x56x384xi32, #tpu.memory_space<vmem>> -> memref<1x56x384xi32, #tpu.memory_space<vmem>>
          %get3A_428 = tpu.memref_squeeze %get3A_427 : memref<1x56x384xi32, #tpu.memory_space<vmem>> -> memref<56x384xi32, #tpu.memory_space<vmem>>
          %get3A_429 = arith.index_cast %add3A_424 : i32 to index
          %get3A_430 = arith.index_cast %add3A_390 : i32 to index
          %get3A_431 = tpu.vector_load %get3A_428[%get3A_429, %get3A_430] {strides = array<i32>} : memref<56x384xi32, #tpu.memory_space<vmem>>, vector<16xi32>,
          %bitcast3A_432 = vector.bitcast %get3A_431 : vector<16xi32> to vector<32xbf16>
          %unpack3A_433 = tpu.unpack_subelements %bitcast3A_432, 0 {pack_format = #tpu.pack_format<interleaved>} : vector<32xbf16> -> vector<16xf32>
          %unpack3A_434 = tpu.unpack_subelements %bitcast3A_432, 1 {pack_format = #tpu.pack_format<interleaved>} : vector<32xbf16> -> vector<16xf32>
          %add3A_435 = arith.addf %add3A_421, %unpack3A_433 : vector<16xf32>
          %add3A_436 = arith.addf %add3A_422, %unpack3A_434 : vector<16xf32>
          %add3A_437 = arith.constant 2 : i32
          %add3A_438 = arith.addi %mul3A_409, %add3A_437 : i32
          %get3A_439 = arith.constant 0 : i32
          %get3A_440 = arith.constant 0 : i32
          %get3A_441 = tpu.memref_slice %arg7[%scan3A_118, %get3A_439, %get3A_440] : memref<4x56x384xi32, #tpu.memory_space<vmem>> -> memref<1x56x384xi32, #tpu.memory_space<vmem>>
          %get3A_442 = tpu.memref_squeeze %get3A_441 : memref<1x56x384xi32, #tpu.memory_space<vmem>> -> memref<56x384xi32, #tpu.memory_space<vmem>>
          %get3A_443 = arith.index_cast %add3A_438 : i32 to index
          %get3A_444 = arith.index_cast %add3A_390 : i32 to index
          %get3A_445 = tpu.vector_load %get3A_442[%get3A_443, %get3A_444] {strides = array<i32>} : memref<56x384xi32, #tpu.memory_space<vmem>>, vector<16xi32>,
          %bitcast3A_446 = vector.bitcast %get3A_445 : vector<16xi32> to vector<32xbf16>
          %unpack3A_447 = tpu.unpack_subelements %bitcast3A_446, 0 {pack_format = #tpu.pack_format<interleaved>} : vector<32xbf16> -> vector<16xf32>
          %unpack3A_448 = tpu.unpack_subelements %bitcast3A_446, 1 {pack_format = #tpu.pack_format<interleaved>} : vector<32xbf16> -> vector<16xf32>
          %add3A_449 = arith.addf %add3A_435, %unpack3A_447 : vector<16xf32>
          %add3A_450 = arith.addf %add3A_436, %unpack3A_448 : vector<16xf32>
          %add3A_451 = arith.constant 3 : i32
          %add3A_452 = arith.addi %mul3A_409, %add3A_451 : i32
          %get3A_453 = arith.constant 0 : i32
          %get3A_454 = arith.constant 0 : i32
          %get3A_455 = tpu.memref_slice %arg7[%scan3A_118, %get3A_453, %get3A_454] : memref<4x56x384xi32, #tpu.memory_space<vmem>> -> memref<1x56x384xi32, #tpu.memory_space<vmem>>
          %get3A_456 = tpu.memref_squeeze %get3A_455 : memref<1x56x384xi32, #tpu.memory_space<vmem>> -> memref<56x384xi32, #tpu.memory_space<vmem>>
          %get3A_457 = arith.index_cast %add3A_452 : i32 to index
          %get3A_458 = arith.index_cast %add3A_390 : i32 to index
          %get3A_459 = tpu.vector_load %get3A_456[%get3A_457, %get3A_458] {strides = array<i32>} : memref<56x384xi32, #tpu.memory_space<vmem>>, vector<16xi32>,
          %bitcast3A_460 = vector.bitcast %get3A_459 : vector<16xi32> to vector<32xbf16>
          %unpack3A_461 = tpu.unpack_subelements %bitcast3A_460, 0 {pack_format = #tpu.pack_format<interleaved>} : vector<32xbf16> -> vector<16xf32>
          %unpack3A_462 = tpu.unpack_subelements %bitcast3A_460, 1 {pack_format = #tpu.pack_format<interleaved>} : vector<32xbf16> -> vector<16xf32>
          %add3A_463 = arith.addf %add3A_449, %unpack3A_461 : vector<16xf32>
          %add3A_464 = arith.addf %add3A_450, %unpack3A_462 : vector<16xf32>
          %add3A_465 = arith.constant 4 : i32
          %add3A_466 = arith.addi %mul3A_409, %add3A_465 : i32
          %get3A_467 = arith.constant 0 : i32
          %get3A_468 = arith.constant 0 : i32
          %get3A_469 = tpu.memref_slice %arg7[%scan3A_118, %get3A_467, %get3A_468] : memref<4x56x384xi32, #tpu.memory_space<vmem>> -> memref<1x56x384xi32, #tpu.memory_space<vmem>>
          %get3A_470 = tpu.memref_squeeze %get3A_469 : memref<1x56x384xi32, #tpu.memory_space<vmem>> -> memref<56x384xi32, #tpu.memory_space<vmem>>
          %get3A_471 = arith.index_cast %add3A_466 : i32 to index
          %get3A_472 = arith.index_cast %add3A_390 : i32 to index
          %get3A_473 = tpu.vector_load %get3A_470[%get3A_471, %get3A_472] {strides = array<i32>} : memref<56x384xi32, #tpu.memory_space<vmem>>, vector<16xi32>,
          %bitcast3A_474 = vector.bitcast %get3A_473 : vector<16xi32> to vector<32xbf16>
          %unpack3A_475 = tpu.unpack_subelements %bitcast3A_474, 0 {pack_format = #tpu.pack_format<interleaved>} : vector<32xbf16> -> vector<16xf32>
          %unpack3A_476 = tpu.unpack_subelements %bitcast3A_474, 1 {pack_format = #tpu.pack_format<interleaved>} : vector<32xbf16> -> vector<16xf32>
          %add3A_477 = arith.addf %add3A_463, %unpack3A_475 : vector<16xf32>
          %add3A_478 = arith.addf %add3A_464, %unpack3A_476 : vector<16xf32>
          %add3A_479 = arith.constant 5 : i32
          %add3A_480 = arith.addi %mul3A_409, %add3A_479 : i32
          %get3A_481 = arith.constant 0 : i32
          %get3A_482 = arith.constant 0 : i32
          %get3A_483 = tpu.memref_slice %arg7[%scan3A_118, %get3A_481, %get3A_482] : memref<4x56x384xi32, #tpu.memory_space<vmem>> -> memref<1x56x384xi32, #tpu.memory_space<vmem>>
          %get3A_484 = tpu.memref_squeeze %get3A_483 : memref<1x56x384xi32, #tpu.memory_space<vmem>> -> memref<56x384xi32, #tpu.memory_space<vmem>>
          %get3A_485 = arith.index_cast %add3A_480 : i32 to index
          %get3A_486 = arith.index_cast %add3A_390 : i32 to index
          %get3A_487 = tpu.vector_load %get3A_484[%get3A_485, %get3A_486] {strides = array<i32>} : memref<56x384xi32, #tpu.memory_space<vmem>>, vector<16xi32>,
          %bitcast3A_488 = vector.bitcast %get3A_487 : vector<16xi32> to vector<32xbf16>
          %unpack3A_489 = tpu.unpack_subelements %bitcast3A_488, 0 {pack_format = #tpu.pack_format<interleaved>} : vector<32xbf16> -> vector<16xf32>
          %unpack3A_490 = tpu.unpack_subelements %bitcast3A_488, 1 {pack_format = #tpu.pack_format<interleaved>} : vector<32xbf16> -> vector<16xf32>
          %add3A_491 = arith.addf %add3A_477, %unpack3A_489 : vector<16xf32>
          %add3A_492 = arith.addf %add3A_478, %unpack3A_490 : vector<16xf32>
          %add3A_493 = arith.constant 6 : i32
          %add3A_494 = arith.addi %mul3A_409, %add3A_493 : i32
          %get3A_495 = arith.constant 0 : i32
          %get3A_496 = arith.constant 0 : i32
          %get3A_497 = tpu.memref_slice %arg7[%scan3A_118, %get3A_495, %get3A_496] : memref<4x56x384xi32, #tpu.memory_space<vmem>> -> memref<1x56x384xi32, #tpu.memory_space<vmem>>
          %get3A_498 = tpu.memref_squeeze %get3A_497 : memref<1x56x384xi32, #tpu.memory_space<vmem>> -> memref<56x384xi32, #tpu.memory_space<vmem>>
          %get3A_499 = arith.index_cast %add3A_494 : i32 to index
          %get3A_500 = arith.index_cast %add3A_390 : i32 to index
          %get3A_501 = tpu.vector_load %get3A_498[%get3A_499, %get3A_500] {strides = array<i32>} : memref<56x384xi32, #tpu.memory_space<vmem>>, vector<16xi32>,
          %bitcast3A_502 = vector.bitcast %get3A_501 : vector<16xi32> to vector<32xbf16>
          %unpack3A_503 = tpu.unpack_subelements %bitcast3A_502, 0 {pack_format = #tpu.pack_format<interleaved>} : vector<32xbf16> -> vector<16xf32>
          %unpack3A_504 = tpu.unpack_subelements %bitcast3A_502, 1 {pack_format = #tpu.pack_format<interleaved>} : vector<32xbf16> -> vector<16xf32>
          %add3A_505 = arith.addf %add3A_491, %unpack3A_503 : vector<16xf32>
          %add3A_506 = arith.addf %add3A_492, %unpack3A_504 : vector<16xf32>
          %add3A_507 = arith.constant 7 : i32
          %add3A_508 = arith.addi %mul3A_409, %add3A_507 : i32
          %get3A_509 = arith.constant 0 : i32
          %get3A_510 = arith.constant 0 : i32
          %get3A_511 = tpu.memref_slice %arg7[%scan3A_118, %get3A_509, %get3A_510] : memref<4x56x384xi32, #tpu.memory_space<vmem>> -> memref<1x56x384xi32, #tpu.memory_space<vmem>>
          %get3A_512 = tpu.memref_squeeze %get3A_511 : memref<1x56x384xi32, #tpu.memory_space<vmem>> -> memref<56x384xi32, #tpu.memory_space<vmem>>
          %get3A_513 = arith.index_cast %add3A_508 : i32 to index
          %get3A_514 = arith.index_cast %add3A_390 : i32 to index
          %get3A_515 = tpu.vector_load %get3A_512[%get3A_513, %get3A_514] {strides = array<i32>} : memref<56x384xi32, #tpu.memory_space<vmem>>, vector<16xi32>,
          %bitcast3A_516 = vector.bitcast %get3A_515 : vector<16xi32> to vector<32xbf16>
          %unpack3A_517 = tpu.unpack_subelements %bitcast3A_516, 0 {pack_format = #tpu.pack_format<interleaved>} : vector<32xbf16> -> vector<16xf32>
          %unpack3A_518 = tpu.unpack_subelements %bitcast3A_516, 1 {pack_format = #tpu.pack_format<interleaved>} : vector<32xbf16> -> vector<16xf32>
          %add3A_519 = arith.addf %add3A_505, %unpack3A_517 : vector<16xf32>
          %add3A_520 = arith.addf %add3A_506, %unpack3A_518 : vector<16xf32>
          %add3A_521 = arith.constant 8 : i32
          %add3A_522 = arith.addi %mul3A_409, %add3A_521 : i32
          %get3A_523 = arith.constant 0 : i32
          %get3A_524 = arith.constant 0 : i32
          %get3A_525 = tpu.memref_slice %arg7[%scan3A_118, %get3A_523, %get3A_524] : memref<4x56x384xi32, #tpu.memory_space<vmem>> -> memref<1x56x384xi32, #tpu.memory_space<vmem>>
          %get3A_526 = tpu.memref_squeeze %get3A_525 : memref<1x56x384xi32, #tpu.memory_space<vmem>> -> memref<56x384xi32, #tpu.memory_space<vmem>>
          %get3A_527 = arith.index_cast %add3A_522 : i32 to index
          %get3A_528 = arith.index_cast %add3A_390 : i32 to index
          %get3A_529 = tpu.vector_load %get3A_526[%get3A_527, %get3A_528] {strides = array<i32>} : memref<56x384xi32, #tpu.memory_space<vmem>>, vector<16xi32>,
          %bitcast3A_530 = vector.bitcast %get3A_529 : vector<16xi32> to vector<32xbf16>
          %unpack3A_531 = tpu.unpack_subelements %bitcast3A_530, 0 {pack_format = #tpu.pack_format<interleaved>} : vector<32xbf16> -> vector<16xf32>
          %unpack3A_532 = tpu.unpack_subelements %bitcast3A_530, 1 {pack_format = #tpu.pack_format<interleaved>} : vector<32xbf16> -> vector<16xf32>
          %add3A_533 = arith.addf %add3A_519, %unpack3A_531 : vector<16xf32>
          %add3A_534 = arith.addf %add3A_520, %unpack3A_532 : vector<16xf32>
          %add3A_535 = arith.constant 9 : i32
          %add3A_536 = arith.addi %mul3A_409, %add3A_535 : i32
          %get3A_537 = arith.constant 0 : i32
          %get3A_538 = arith.constant 0 : i32
          %get3A_539 = tpu.memref_slice %arg7[%scan3A_118, %get3A_537, %get3A_538] : memref<4x56x384xi32, #tpu.memory_space<vmem>> -> memref<1x56x384xi32, #tpu.memory_space<vmem>>
          %get3A_540 = tpu.memref_squeeze %get3A_539 : memref<1x56x384xi32, #tpu.memory_space<vmem>> -> memref<56x384xi32, #tpu.memory_space<vmem>>
          %get3A_541 = arith.index_cast %add3A_536 : i32 to index
          %get3A_542 = arith.index_cast %add3A_390 : i32 to index
          %get3A_543 = tpu.vector_load %get3A_540[%get3A_541, %get3A_542] {strides = array<i32>} : memref<56x384xi32, #tpu.memory_space<vmem>>, vector<16xi32>,
          %bitcast3A_544 = vector.bitcast %get3A_543 : vector<16xi32> to vector<32xbf16>
          %unpack3A_545 = tpu.unpack_subelements %bitcast3A_544, 0 {pack_format = #tpu.pack_format<interleaved>} : vector<32xbf16> -> vector<16xf32>
          %unpack3A_546 = tpu.unpack_subelements %bitcast3A_544, 1 {pack_format = #tpu.pack_format<interleaved>} : vector<32xbf16> -> vector<16xf32>
          %add3A_547 = arith.addf %add3A_533, %unpack3A_545 : vector<16xf32>
          %add3A_548 = arith.addf %add3A_534, %unpack3A_546 : vector<16xf32>
          scf.yield %add3A_547, %add3A_548 : vector<16xf32>, vector<16xf32>
        }
        %scan3A_397 = arith.constant 5 : i32
        %mul3A_398 = vector.broadcast %squeeze3A : f32 to vector<16xf32>
        %mul3A_399 = arith.mulf %scan3A_396#0, %mul3A_398 : vector<16xf32>
        %mul3A_400 = vector.broadcast %squeeze3A : f32 to vector<16xf32>
        %mul3A_401 = arith.mulf %scan3A_396#1, %mul3A_400 : vector<16xf32>
        %pack3A = tpu.pack_subelements %mul3A_399, %mul3A_401 {pack_format = #tpu.pack_format<interleaved>, positions = array<i32: 0, 1>} : vector<16xf32>, vector<16xf32> -> vector<32xbf16>
        %bitcast3A = vector.bitcast %pack3A : vector<32xbf16> to vector<16xi32>
        %swap3A = arith.constant 0 : i32
        %swap3A_402 = arith.index_cast %swap3A : i32 to index
        %swap3A_403 = arith.index_cast %add3A_390 : i32 to index
        %swap3A_404 = tpu.vector_load %arg8[%swap3A_402, %swap3A_403] {strides = array<i32>} : memref<8x384xi32, #tpu.memory_space<vmem>>, vector<16xi32>,
        tpu.vector_store %arg8[%swap3A_402, %swap3A_403], %bitcast3A {strides = array<i32>} : memref<8x384xi32, #tpu.memory_space<vmem>>, vector<16xi32>,
      }
      %scan3A_123 = arith.constant 24 : i32
      %dma_wait3A_124 = arith.constant 0 : i32
      %dma_wait3A_125 = arith.constant 1 : i32
      %dma_wait3A_126 = arith.constant 0 : i32
      %dma_wait3A_127 = arith.constant 0 : i32
      %dma_wait3A_128 = tpu.memref_slice %arg7[%dma_wait3A_125, %dma_wait3A_126, %dma_wait3A_127] : memref<4x56x384xi32, #tpu.memory_space<vmem>> -> memref<1x56x384xi32, #tpu.memory_space<vmem>>
      %dma_wait3A_129 = tpu.memref_squeeze %dma_wait3A_128 : memref<1x56x384xi32, #tpu.memory_space<vmem>> -> memref<56x384xi32, #tpu.memory_space<vmem>>
      %dma_wait3A_130 = arith.constant 0 : i32
      %dma_wait3A_131 = tpu.memref_slice %arg6[%dma_wait3A_124, %dma_wait3A_130] : memref<128x56xi32, #tpu.memory_space<vmem>> -> memref<1x56xi32, #tpu.memory_space<vmem>>
      %dma_wait3A_132 = tpu.memref_squeeze %dma_wait3A_131 : memref<1x56xi32, #tpu.memory_space<vmem>> -> memref<56xi32, #tpu.memory_space<vmem>>
      %dma_wait3A_133 = arith.constant 0 : i32
      %dma_wait3A_134 = arith.constant 0 : i32
      %dma_wait3A_135 = tpu.memref_slice %arg3[%dma_wait3A_133, %dma_wait3A_134] : memref<30522x384xi32, #tpu.memory_space<hbm>> -> memref<30522x384xi32, #tpu.memory_space<hbm>>
      tpu.wait_indirect_dma semaphore(%arg10 : memref<!tpu.dma_semaphore, #tpu.memory_space<semaphore_mem>>) src(%dma_wait3A_135 : memref<30522x384xi32, #tpu.memory_space<hbm>>) dst(%dma_wait3A_129 : memref<56x384xi32, #tpu.memory_space<vmem>>)
      %add3A_136 = arith.constant 1 : i32
      %add3A_137 = arith.addi %mul3A_87, %add3A_136 : i32
      %add3A_138 = arith.constant 4 : i32
      %add3A_139 = arith.addi %add3A_137, %add3A_138 : i32
      %sub3A_140 = arith.constant 1 : i32
      %sub3A_141 = arith.subi %add3A_139, %sub3A_140 : i32
      %min3A_142 = arith.constant 127 : i32
      %min3A_143 = arith.minsi %sub3A_141, %min3A_142 : i32
      %dma_start3A_144 = arith.constant 0 : i32
      %dma_start3A_145 = arith.constant 0 : i32
      %dma_start3A_146 = arith.constant 0 : i32
      %dma_start3A_147 = tpu.memref_slice %arg7[%dma_start3A_144, %dma_start3A_145, %dma_start3A_146] : memref<4x56x384xi32, #tpu.memory_space<vmem>> -> memref<1x56x384xi32, #tpu.memory_space<vmem>>
      %dma_start3A_148 = tpu.memref_squeeze %dma_start3A_147 : memref<1x56x384xi32, #tpu.memory_space<vmem>> -> memref<56x384xi32, #tpu.memory_space<vmem>>
      %dma_start3A_149 = arith.constant 0 : i32
      %dma_start3A_150 = tpu.memref_slice %arg6[%min3A_143, %dma_start3A_149] : memref<128x56xi32, #tpu.memory_space<vmem>> -> memref<1x56xi32, #tpu.memory_space<vmem>>
      %dma_start3A_151 = tpu.memref_squeeze %dma_start3A_150 : memref<1x56xi32, #tpu.memory_space<vmem>> -> memref<56xi32, #tpu.memory_space<vmem>>
      %dma_start3A_152 = arith.constant 0 : i32
      %dma_start3A_153 = arith.constant 0 : i32
      %dma_start3A_154 = tpu.memref_slice %arg3[%dma_start3A_152, %dma_start3A_153] : memref<30522x384xi32, #tpu.memory_space<hbm>> -> memref<30522x384xi32, #tpu.memory_space<hbm>>
      tpu.enqueue_indirect_dma source(%dma_start3A_154 : memref<30522x384xi32, #tpu.memory_space<hbm>>) target(%dma_start3A_148 : memref<56x384xi32, #tpu.memory_space<vmem>>) offsets(%dma_start3A_151 : memref<56xi32, #tpu.memory_space<vmem>>) semaphore(%arg9 : memref<!tpu.dma_semaphore, #tpu.memory_space<semaphore_mem>>)
      %scan3A_155 = arith.constant 1 : i32
      %scan3A_156 = arith.constant 0 : i32
      %scan3A_157 = arith.constant 24 : i32
      %scan3A_158 = arith.addi %scan3A_156, %scan3A_157 : i32
      %scan3A_159 = arith.constant 1 : i32
      scf.for %scan3A_386 = %scan3A_156 to %scan3A_158 step %scan3A_159  : i32 {
        %mul3A_387 = arith.constant 16 : i32
        %mul3A_388 = arith.muli %scan3A_386, %mul3A_387 : i32
        %add3A_389 = arith.constant 0 : i32
        %add3A_390 = arith.addi %add3A_389, %mul3A_388 : i32
        %broadcast_in_dim3A = arith.constant 0.000000e+00 : f32
        %broadcast_in_dim3A_391 = vector.broadcast %broadcast_in_dim3A : f32 to vector<16xf32>
        %scan3A_392 = arith.constant 0 : i32
        %scan3A_393 = arith.constant 5 : i32
        %scan3A_394 = arith.addi %scan3A_392, %scan3A_393 : i32
        %scan3A_395 = arith.constant 1 : i32
        %scan3A_396:2 = scf.for %scan3A_405 = %scan3A_392 to %scan3A_394 step %scan3A_395 iter_args(%scan3A_406 = %broadcast_in_dim3A_391, %scan3A_407 = %broadcast_in_dim3A_391) -> (vector<16xf32>, vector<16xf32>)  : i32 {
          %mul3A_408 = arith.constant 10 : i32
          %mul3A_409 = arith.muli %scan3A_405, %mul3A_408 : i32
          %add3A_410 = arith.constant 0 : i32
          %add3A_411 = arith.addi %mul3A_409, %add3A_410 : i32
          %get3A_412 = arith.constant 0 : i32
          %get3A_413 = arith.constant 0 : i32
          %get3A_414 = tpu.memref_slice %arg7[%scan3A_155, %get3A_412, %get3A_413] : memref<4x56x384xi32, #tpu.memory_space<vmem>> -> memref<1x56x384xi32, #tpu.memory_space<vmem>>
          %get3A_415 = tpu.memref_squeeze %get3A_414 : memref<1x56x384xi32, #tpu.memory_space<vmem>> -> memref<56x384xi32, #tpu.memory_space<vmem>>
          %get3A_416 = arith.index_cast %add3A_411 : i32 to index
          %get3A_417 = arith.index_cast %add3A_390 : i32 to index
          %get3A_418 = tpu.vector_load %get3A_415[%get3A_416, %get3A_417] {strides = array<i32>} : memref<56x384xi32, #tpu.memory_space<vmem>>, vector<16xi32>,
          %bitcast3A_419 = vector.bitcast %get3A_418 : vector<16xi32> to vector<32xbf16>
          %unpack3A = tpu.unpack_subelements %bitcast3A_419, 0 {pack_format = #tpu.pack_format<interleaved>} : vector<32xbf16> -> vector<16xf32>
          %unpack3A_420 = tpu.unpack_subelements %bitcast3A_419, 1 {pack_format = #tpu.pack_format<interleaved>} : vector<32xbf16> -> vector<16xf32>
          %add3A_421 = arith.addf %scan3A_406, %unpack3A : vector<16xf32>
          %add3A_422 = arith.addf %scan3A_407, %unpack3A_420 : vector<16xf32>
          %add3A_423 = arith.constant 1 : i32
          %add3A_424 = arith.addi %mul3A_409, %add3A_423 : i32
          %get3A_425 = arith.constant 0 : i32
          %get3A_426 = arith.constant 0 : i32
          %get3A_427 = tpu.memref_slice %arg7[%scan3A_155, %get3A_425, %get3A_426] : memref<4x56x384xi32, #tpu.memory_space<vmem>> -> memref<1x56x384xi32, #tpu.memory_space<vmem>>
          %get3A_428 = tpu.memref_squeeze %get3A_427 : memref<1x56x384xi32, #tpu.memory_space<vmem>> -> memref<56x384xi32, #tpu.memory_space<vmem>>
          %get3A_429 = arith.index_cast %add3A_424 : i32 to index
          %get3A_430 = arith.index_cast %add3A_390 : i32 to index
          %get3A_431 = tpu.vector_load %get3A_428[%get3A_429, %get3A_430] {strides = array<i32>} : memref<56x384xi32, #tpu.memory_space<vmem>>, vector<16xi32>,
          %bitcast3A_432 = vector.bitcast %get3A_431 : vector<16xi32> to vector<32xbf16>
          %unpack3A_433 = tpu.unpack_subelements %bitcast3A_432, 0 {pack_format = #tpu.pack_format<interleaved>} : vector<32xbf16> -> vector<16xf32>
          %unpack3A_434 = tpu.unpack_subelements %bitcast3A_432, 1 {pack_format = #tpu.pack_format<interleaved>} : vector<32xbf16> -> vector<16xf32>
          %add3A_435 = arith.addf %add3A_421, %unpack3A_433 : vector<16xf32>
          %add3A_436 = arith.addf %add3A_422, %unpack3A_434 : vector<16xf32>
          %add3A_437 = arith.constant 2 : i32
          %add3A_438 = arith.addi %mul3A_409, %add3A_437 : i32
          %get3A_439 = arith.constant 0 : i32
          %get3A_440 = arith.constant 0 : i32
          %get3A_441 = tpu.memref_slice %arg7[%scan3A_155, %get3A_439, %get3A_440] : memref<4x56x384xi32, #tpu.memory_space<vmem>> -> memref<1x56x384xi32, #tpu.memory_space<vmem>>
          %get3A_442 = tpu.memref_squeeze %get3A_441 : memref<1x56x384xi32, #tpu.memory_space<vmem>> -> memref<56x384xi32, #tpu.memory_space<vmem>>
          %get3A_443 = arith.index_cast %add3A_438 : i32 to index
          %get3A_444 = arith.index_cast %add3A_390 : i32 to index
          %get3A_445 = tpu.vector_load %get3A_442[%get3A_443, %get3A_444] {strides = array<i32>} : memref<56x384xi32, #tpu.memory_space<vmem>>, vector<16xi32>,
          %bitcast3A_446 = vector.bitcast %get3A_445 : vector<16xi32> to vector<32xbf16>
          %unpack3A_447 = tpu.unpack_subelements %bitcast3A_446, 0 {pack_format = #tpu.pack_format<interleaved>} : vector<32xbf16> -> vector<16xf32>
          %unpack3A_448 = tpu.unpack_subelements %bitcast3A_446, 1 {pack_format = #tpu.pack_format<interleaved>} : vector<32xbf16> -> vector<16xf32>
          %add3A_449 = arith.addf %add3A_435, %unpack3A_447 : vector<16xf32>
          %add3A_450 = arith.addf %add3A_436, %unpack3A_448 : vector<16xf32>
          %add3A_451 = arith.constant 3 : i32
          %add3A_452 = arith.addi %mul3A_409, %add3A_451 : i32
          %get3A_453 = arith.constant 0 : i32
          %get3A_454 = arith.constant 0 : i32
          %get3A_455 = tpu.memref_slice %arg7[%scan3A_155, %get3A_453, %get3A_454] : memref<4x56x384xi32, #tpu.memory_space<vmem>> -> memref<1x56x384xi32, #tpu.memory_space<vmem>>
          %get3A_456 = tpu.memref_squeeze %get3A_455 : memref<1x56x384xi32, #tpu.memory_space<vmem>> -> memref<56x384xi32, #tpu.memory_space<vmem>>
          %get3A_457 = arith.index_cast %add3A_452 : i32 to index
          %get3A_458 = arith.index_cast %add3A_390 : i32 to index
          %get3A_459 = tpu.vector_load %get3A_456[%get3A_457, %get3A_458] {strides = array<i32>} : memref<56x384xi32, #tpu.memory_space<vmem>>, vector<16xi32>,
          %bitcast3A_460 = vector.bitcast %get3A_459 : vector<16xi32> to vector<32xbf16>
          %unpack3A_461 = tpu.unpack_subelements %bitcast3A_460, 0 {pack_format = #tpu.pack_format<interleaved>} : vector<32xbf16> -> vector<16xf32>
          %unpack3A_462 = tpu.unpack_subelements %bitcast3A_460, 1 {pack_format = #tpu.pack_format<interleaved>} : vector<32xbf16> -> vector<16xf32>
          %add3A_463 = arith.addf %add3A_449, %unpack3A_461 : vector<16xf32>
          %add3A_464 = arith.addf %add3A_450, %unpack3A_462 : vector<16xf32>
          %add3A_465 = arith.constant 4 : i32
          %add3A_466 = arith.addi %mul3A_409, %add3A_465 : i32
          %get3A_467 = arith.constant 0 : i32
          %get3A_468 = arith.constant 0 : i32
          %get3A_469 = tpu.memref_slice %arg7[%scan3A_155, %get3A_467, %get3A_468] : memref<4x56x384xi32, #tpu.memory_space<vmem>> -> memref<1x56x384xi32, #tpu.memory_space<vmem>>
          %get3A_470 = tpu.memref_squeeze %get3A_469 : memref<1x56x384xi32, #tpu.memory_space<vmem>> -> memref<56x384xi32, #tpu.memory_space<vmem>>
          %get3A_471 = arith.index_cast %add3A_466 : i32 to index
          %get3A_472 = arith.index_cast %add3A_390 : i32 to index
          %get3A_473 = tpu.vector_load %get3A_470[%get3A_471, %get3A_472] {strides = array<i32>} : memref<56x384xi32, #tpu.memory_space<vmem>>, vector<16xi32>,
          %bitcast3A_474 = vector.bitcast %get3A_473 : vector<16xi32> to vector<32xbf16>
          %unpack3A_475 = tpu.unpack_subelements %bitcast3A_474, 0 {pack_format = #tpu.pack_format<interleaved>} : vector<32xbf16> -> vector<16xf32>
          %unpack3A_476 = tpu.unpack_subelements %bitcast3A_474, 1 {pack_format = #tpu.pack_format<interleaved>} : vector<32xbf16> -> vector<16xf32>
          %add3A_477 = arith.addf %add3A_463, %unpack3A_475 : vector<16xf32>
          %add3A_478 = arith.addf %add3A_464, %unpack3A_476 : vector<16xf32>
          %add3A_479 = arith.constant 5 : i32
          %add3A_480 = arith.addi %mul3A_409, %add3A_479 : i32
          %get3A_481 = arith.constant 0 : i32
          %get3A_482 = arith.constant 0 : i32
          %get3A_483 = tpu.memref_slice %arg7[%scan3A_155, %get3A_481, %get3A_482] : memref<4x56x384xi32, #tpu.memory_space<vmem>> -> memref<1x56x384xi32, #tpu.memory_space<vmem>>
          %get3A_484 = tpu.memref_squeeze %get3A_483 : memref<1x56x384xi32, #tpu.memory_space<vmem>> -> memref<56x384xi32, #tpu.memory_space<vmem>>
          %get3A_485 = arith.index_cast %add3A_480 : i32 to index
          %get3A_486 = arith.index_cast %add3A_390 : i32 to index
          %get3A_487 = tpu.vector_load %get3A_484[%get3A_485, %get3A_486] {strides = array<i32>} : memref<56x384xi32, #tpu.memory_space<vmem>>, vector<16xi32>,
          %bitcast3A_488 = vector.bitcast %get3A_487 : vector<16xi32> to vector<32xbf16>
          %unpack3A_489 = tpu.unpack_subelements %bitcast3A_488, 0 {pack_format = #tpu.pack_format<interleaved>} : vector<32xbf16> -> vector<16xf32>
          %unpack3A_490 = tpu.unpack_subelements %bitcast3A_488, 1 {pack_format = #tpu.pack_format<interleaved>} : vector<32xbf16> -> vector<16xf32>
          %add3A_491 = arith.addf %add3A_477, %unpack3A_489 : vector<16xf32>
          %add3A_492 = arith.addf %add3A_478, %unpack3A_490 : vector<16xf32>
          %add3A_493 = arith.constant 6 : i32
          %add3A_494 = arith.addi %mul3A_409, %add3A_493 : i32
          %get3A_495 = arith.constant 0 : i32
          %get3A_496 = arith.constant 0 : i32
          %get3A_497 = tpu.memref_slice %arg7[%scan3A_155, %get3A_495, %get3A_496] : memref<4x56x384xi32, #tpu.memory_space<vmem>> -> memref<1x56x384xi32, #tpu.memory_space<vmem>>
          %get3A_498 = tpu.memref_squeeze %get3A_497 : memref<1x56x384xi32, #tpu.memory_space<vmem>> -> memref<56x384xi32, #tpu.memory_space<vmem>>
          %get3A_499 = arith.index_cast %add3A_494 : i32 to index
          %get3A_500 = arith.index_cast %add3A_390 : i32 to index
          %get3A_501 = tpu.vector_load %get3A_498[%get3A_499, %get3A_500] {strides = array<i32>} : memref<56x384xi32, #tpu.memory_space<vmem>>, vector<16xi32>,
          %bitcast3A_502 = vector.bitcast %get3A_501 : vector<16xi32> to vector<32xbf16>
          %unpack3A_503 = tpu.unpack_subelements %bitcast3A_502, 0 {pack_format = #tpu.pack_format<interleaved>} : vector<32xbf16> -> vector<16xf32>
          %unpack3A_504 = tpu.unpack_subelements %bitcast3A_502, 1 {pack_format = #tpu.pack_format<interleaved>} : vector<32xbf16> -> vector<16xf32>
          %add3A_505 = arith.addf %add3A_491, %unpack3A_503 : vector<16xf32>
          %add3A_506 = arith.addf %add3A_492, %unpack3A_504 : vector<16xf32>
          %add3A_507 = arith.constant 7 : i32
          %add3A_508 = arith.addi %mul3A_409, %add3A_507 : i32
          %get3A_509 = arith.constant 0 : i32
          %get3A_510 = arith.constant 0 : i32
          %get3A_511 = tpu.memref_slice %arg7[%scan3A_155, %get3A_509, %get3A_510] : memref<4x56x384xi32, #tpu.memory_space<vmem>> -> memref<1x56x384xi32, #tpu.memory_space<vmem>>
          %get3A_512 = tpu.memref_squeeze %get3A_511 : memref<1x56x384xi32, #tpu.memory_space<vmem>> -> memref<56x384xi32, #tpu.memory_space<vmem>>
          %get3A_513 = arith.index_cast %add3A_508 : i32 to index
          %get3A_514 = arith.index_cast %add3A_390 : i32 to index
          %get3A_515 = tpu.vector_load %get3A_512[%get3A_513, %get3A_514] {strides = array<i32>} : memref<56x384xi32, #tpu.memory_space<vmem>>, vector<16xi32>,
          %bitcast3A_516 = vector.bitcast %get3A_515 : vector<16xi32> to vector<32xbf16>
          %unpack3A_517 = tpu.unpack_subelements %bitcast3A_516, 0 {pack_format = #tpu.pack_format<interleaved>} : vector<32xbf16> -> vector<16xf32>
          %unpack3A_518 = tpu.unpack_subelements %bitcast3A_516, 1 {pack_format = #tpu.pack_format<interleaved>} : vector<32xbf16> -> vector<16xf32>
          %add3A_519 = arith.addf %add3A_505, %unpack3A_517 : vector<16xf32>
          %add3A_520 = arith.addf %add3A_506, %unpack3A_518 : vector<16xf32>
          %add3A_521 = arith.constant 8 : i32
          %add3A_522 = arith.addi %mul3A_409, %add3A_521 : i32
          %get3A_523 = arith.constant 0 : i32
          %get3A_524 = arith.constant 0 : i32
          %get3A_525 = tpu.memref_slice %arg7[%scan3A_155, %get3A_523, %get3A_524] : memref<4x56x384xi32, #tpu.memory_space<vmem>> -> memref<1x56x384xi32, #tpu.memory_space<vmem>>
          %get3A_526 = tpu.memref_squeeze %get3A_525 : memref<1x56x384xi32, #tpu.memory_space<vmem>> -> memref<56x384xi32, #tpu.memory_space<vmem>>
          %get3A_527 = arith.index_cast %add3A_522 : i32 to index
          %get3A_528 = arith.index_cast %add3A_390 : i32 to index
          %get3A_529 = tpu.vector_load %get3A_526[%get3A_527, %get3A_528] {strides = array<i32>} : memref<56x384xi32, #tpu.memory_space<vmem>>, vector<16xi32>,
          %bitcast3A_530 = vector.bitcast %get3A_529 : vector<16xi32> to vector<32xbf16>
          %unpack3A_531 = tpu.unpack_subelements %bitcast3A_530, 0 {pack_format = #tpu.pack_format<interleaved>} : vector<32xbf16> -> vector<16xf32>
          %unpack3A_532 = tpu.unpack_subelements %bitcast3A_530, 1 {pack_format = #tpu.pack_format<interleaved>} : vector<32xbf16> -> vector<16xf32>
          %add3A_533 = arith.addf %add3A_519, %unpack3A_531 : vector<16xf32>
          %add3A_534 = arith.addf %add3A_520, %unpack3A_532 : vector<16xf32>
          %add3A_535 = arith.constant 9 : i32
          %add3A_536 = arith.addi %mul3A_409, %add3A_535 : i32
          %get3A_537 = arith.constant 0 : i32
          %get3A_538 = arith.constant 0 : i32
          %get3A_539 = tpu.memref_slice %arg7[%scan3A_155, %get3A_537, %get3A_538] : memref<4x56x384xi32, #tpu.memory_space<vmem>> -> memref<1x56x384xi32, #tpu.memory_space<vmem>>
          %get3A_540 = tpu.memref_squeeze %get3A_539 : memref<1x56x384xi32, #tpu.memory_space<vmem>> -> memref<56x384xi32, #tpu.memory_space<vmem>>
          %get3A_541 = arith.index_cast %add3A_536 : i32 to index
          %get3A_542 = arith.index_cast %add3A_390 : i32 to index
          %get3A_543 = tpu.vector_load %get3A_540[%get3A_541, %get3A_542] {strides = array<i32>} : memref<56x384xi32, #tpu.memory_space<vmem>>, vector<16xi32>,
          %bitcast3A_544 = vector.bitcast %get3A_543 : vector<16xi32> to vector<32xbf16>
          %unpack3A_545 = tpu.unpack_subelements %bitcast3A_544, 0 {pack_format = #tpu.pack_format<interleaved>} : vector<32xbf16> -> vector<16xf32>
          %unpack3A_546 = tpu.unpack_subelements %bitcast3A_544, 1 {pack_format = #tpu.pack_format<interleaved>} : vector<32xbf16> -> vector<16xf32>
          %add3A_547 = arith.addf %add3A_533, %unpack3A_545 : vector<16xf32>
          %add3A_548 = arith.addf %add3A_534, %unpack3A_546 : vector<16xf32>
          scf.yield %add3A_547, %add3A_548 : vector<16xf32>, vector<16xf32>
        }
        %scan3A_397 = arith.constant 5 : i32
        %mul3A_398 = vector.broadcast %squeeze3A : f32 to vector<16xf32>
        %mul3A_399 = arith.mulf %scan3A_396#0, %mul3A_398 : vector<16xf32>
        %mul3A_400 = vector.broadcast %squeeze3A : f32 to vector<16xf32>
        %mul3A_401 = arith.mulf %scan3A_396#1, %mul3A_400 : vector<16xf32>
        %pack3A = tpu.pack_subelements %mul3A_399, %mul3A_401 {pack_format = #tpu.pack_format<interleaved>, positions = array<i32: 0, 1>} : vector<16xf32>, vector<16xf32> -> vector<32xbf16>
        %bitcast3A = vector.bitcast %pack3A : vector<32xbf16> to vector<16xi32>
        %swap3A = arith.constant 1 : i32
        %swap3A_402 = arith.index_cast %swap3A : i32 to index
        %swap3A_403 = arith.index_cast %add3A_390 : i32 to index
        %swap3A_404 = tpu.vector_load %arg8[%swap3A_402, %swap3A_403] {strides = array<i32>} : memref<8x384xi32, #tpu.memory_space<vmem>>, vector<16xi32>,
        tpu.vector_store %arg8[%swap3A_402, %swap3A_403], %bitcast3A {strides = array<i32>} : memref<8x384xi32, #tpu.memory_space<vmem>>, vector<16xi32>,
      }
      %scan3A_160 = arith.constant 24 : i32
      %dma_wait3A_161 = arith.constant 0 : i32
      %dma_wait3A_162 = arith.constant 2 : i32
      %dma_wait3A_163 = arith.constant 0 : i32
      %dma_wait3A_164 = arith.constant 0 : i32
      %dma_wait3A_165 = tpu.memref_slice %arg7[%dma_wait3A_162, %dma_wait3A_163, %dma_wait3A_164] : memref<4x56x384xi32, #tpu.memory_space<vmem>> -> memref<1x56x384xi32, #tpu.memory_space<vmem>>
      %dma_wait3A_166 = tpu.memref_squeeze %dma_wait3A_165 : memref<1x56x384xi32, #tpu.memory_space<vmem>> -> memref<56x384xi32, #tpu.memory_space<vmem>>
      %dma_wait3A_167 = arith.constant 0 : i32
      %dma_wait3A_168 = tpu.memref_slice %arg6[%dma_wait3A_161, %dma_wait3A_167] : memref<128x56xi32, #tpu.memory_space<vmem>> -> memref<1x56xi32, #tpu.memory_space<vmem>>
      %dma_wait3A_169 = tpu.memref_squeeze %dma_wait3A_168 : memref<1x56xi32, #tpu.memory_space<vmem>> -> memref<56xi32, #tpu.memory_space<vmem>>
      %dma_wait3A_170 = arith.constant 0 : i32
      %dma_wait3A_171 = arith.constant 0 : i32
      %dma_wait3A_172 = tpu.memref_slice %arg3[%dma_wait3A_170, %dma_wait3A_171] : memref<30522x384xi32, #tpu.memory_space<hbm>> -> memref<30522x384xi32, #tpu.memory_space<hbm>>
      tpu.wait_indirect_dma semaphore(%arg11 : memref<!tpu.dma_semaphore, #tpu.memory_space<semaphore_mem>>) src(%dma_wait3A_172 : memref<30522x384xi32, #tpu.memory_space<hbm>>) dst(%dma_wait3A_166 : memref<56x384xi32, #tpu.memory_space<vmem>>)
      %add3A_173 = arith.constant 2 : i32
      %add3A_174 = arith.addi %mul3A_87, %add3A_173 : i32
      %add3A_175 = arith.constant 4 : i32
      %add3A_176 = arith.addi %add3A_174, %add3A_175 : i32
      %sub3A_177 = arith.constant 1 : i32
      %sub3A_178 = arith.subi %add3A_176, %sub3A_177 : i32
      %min3A_179 = arith.constant 127 : i32
      %min3A_180 = arith.minsi %sub3A_178, %min3A_179 : i32
      %dma_start3A_181 = arith.constant 1 : i32
      %dma_start3A_182 = arith.constant 0 : i32
      %dma_start3A_183 = arith.constant 0 : i32
      %dma_start3A_184 = tpu.memref_slice %arg7[%dma_start3A_181, %dma_start3A_182, %dma_start3A_183] : memref<4x56x384xi32, #tpu.memory_space<vmem>> -> memref<1x56x384xi32, #tpu.memory_space<vmem>>
      %dma_start3A_185 = tpu.memref_squeeze %dma_start3A_184 : memref<1x56x384xi32, #tpu.memory_space<vmem>> -> memref<56x384xi32, #tpu.memory_space<vmem>>
      %dma_start3A_186 = arith.constant 0 : i32
      %dma_start3A_187 = tpu.memref_slice %arg6[%min3A_180, %dma_start3A_186] : memref<128x56xi32, #tpu.memory_space<vmem>> -> memref<1x56xi32, #tpu.memory_space<vmem>>
      %dma_start3A_188 = tpu.memref_squeeze %dma_start3A_187 : memref<1x56xi32, #tpu.memory_space<vmem>> -> memref<56xi32, #tpu.memory_space<vmem>>
      %dma_start3A_189 = arith.constant 0 : i32
      %dma_start3A_190 = arith.constant 0 : i32
      %dma_start3A_191 = tpu.memref_slice %arg3[%dma_start3A_189, %dma_start3A_190] : memref<30522x384xi32, #tpu.memory_space<hbm>> -> memref<30522x384xi32, #tpu.memory_space<hbm>>
      tpu.enqueue_indirect_dma source(%dma_start3A_191 : memref<30522x384xi32, #tpu.memory_space<hbm>>) target(%dma_start3A_185 : memref<56x384xi32, #tpu.memory_space<vmem>>) offsets(%dma_start3A_188 : memref<56xi32, #tpu.memory_space<vmem>>) semaphore(%arg10 : memref<!tpu.dma_semaphore, #tpu.memory_space<semaphore_mem>>)
      %scan3A_192 = arith.constant 2 : i32
      %scan3A_193 = arith.constant 0 : i32
      %scan3A_194 = arith.constant 24 : i32
      %scan3A_195 = arith.addi %scan3A_193, %scan3A_194 : i32
      %scan3A_196 = arith.constant 1 : i32
      scf.for %scan3A_386 = %scan3A_193 to %scan3A_195 step %scan3A_196  : i32 {
        %mul3A_387 = arith.constant 16 : i32
        %mul3A_388 = arith.muli %scan3A_386, %mul3A_387 : i32
        %add3A_389 = arith.constant 0 : i32
        %add3A_390 = arith.addi %add3A_389, %mul3A_388 : i32
        %broadcast_in_dim3A = arith.constant 0.000000e+00 : f32
        %broadcast_in_dim3A_391 = vector.broadcast %broadcast_in_dim3A : f32 to vector<16xf32>
        %scan3A_392 = arith.constant 0 : i32
        %scan3A_393 = arith.constant 5 : i32
        %scan3A_394 = arith.addi %scan3A_392, %scan3A_393 : i32
        %scan3A_395 = arith.constant 1 : i32
        %scan3A_396:2 = scf.for %scan3A_405 = %scan3A_392 to %scan3A_394 step %scan3A_395 iter_args(%scan3A_406 = %broadcast_in_dim3A_391, %scan3A_407 = %broadcast_in_dim3A_391) -> (vector<16xf32>, vector<16xf32>)  : i32 {
          %mul3A_408 = arith.constant 10 : i32
          %mul3A_409 = arith.muli %scan3A_405, %mul3A_408 : i32
          %add3A_410 = arith.constant 0 : i32
          %add3A_411 = arith.addi %mul3A_409, %add3A_410 : i32
          %get3A_412 = arith.constant 0 : i32
          %get3A_413 = arith.constant 0 : i32
          %get3A_414 = tpu.memref_slice %arg7[%scan3A_192, %get3A_412, %get3A_413] : memref<4x56x384xi32, #tpu.memory_space<vmem>> -> memref<1x56x384xi32, #tpu.memory_space<vmem>>
          %get3A_415 = tpu.memref_squeeze %get3A_414 : memref<1x56x384xi32, #tpu.memory_space<vmem>> -> memref<56x384xi32, #tpu.memory_space<vmem>>
          %get3A_416 = arith.index_cast %add3A_411 : i32 to index
          %get3A_417 = arith.index_cast %add3A_390 : i32 to index
          %get3A_418 = tpu.vector_load %get3A_415[%get3A_416, %get3A_417] {strides = array<i32>} : memref<56x384xi32, #tpu.memory_space<vmem>>, vector<16xi32>,
          %bitcast3A_419 = vector.bitcast %get3A_418 : vector<16xi32> to vector<32xbf16>
          %unpack3A = tpu.unpack_subelements %bitcast3A_419, 0 {pack_format = #tpu.pack_format<interleaved>} : vector<32xbf16> -> vector<16xf32>
          %unpack3A_420 = tpu.unpack_subelements %bitcast3A_419, 1 {pack_format = #tpu.pack_format<interleaved>} : vector<32xbf16> -> vector<16xf32>
          %add3A_421 = arith.addf %scan3A_406, %unpack3A : vector<16xf32>
          %add3A_422 = arith.addf %scan3A_407, %unpack3A_420 : vector<16xf32>
          %add3A_423 = arith.constant 1 : i32
          %add3A_424 = arith.addi %mul3A_409, %add3A_423 : i32
          %get3A_425 = arith.constant 0 : i32
          %get3A_426 = arith.constant 0 : i32
          %get3A_427 = tpu.memref_slice %arg7[%scan3A_192, %get3A_425, %get3A_426] : memref<4x56x384xi32, #tpu.memory_space<vmem>> -> memref<1x56x384xi32, #tpu.memory_space<vmem>>
          %get3A_428 = tpu.memref_squeeze %get3A_427 : memref<1x56x384xi32, #tpu.memory_space<vmem>> -> memref<56x384xi32, #tpu.memory_space<vmem>>
          %get3A_429 = arith.index_cast %add3A_424 : i32 to index
          %get3A_430 = arith.index_cast %add3A_390 : i32 to index
          %get3A_431 = tpu.vector_load %get3A_428[%get3A_429, %get3A_430] {strides = array<i32>} : memref<56x384xi32, #tpu.memory_space<vmem>>, vector<16xi32>,
          %bitcast3A_432 = vector.bitcast %get3A_431 : vector<16xi32> to vector<32xbf16>
          %unpack3A_433 = tpu.unpack_subelements %bitcast3A_432, 0 {pack_format = #tpu.pack_format<interleaved>} : vector<32xbf16> -> vector<16xf32>
          %unpack3A_434 = tpu.unpack_subelements %bitcast3A_432, 1 {pack_format = #tpu.pack_format<interleaved>} : vector<32xbf16> -> vector<16xf32>
          %add3A_435 = arith.addf %add3A_421, %unpack3A_433 : vector<16xf32>
          %add3A_436 = arith.addf %add3A_422, %unpack3A_434 : vector<16xf32>
          %add3A_437 = arith.constant 2 : i32
          %add3A_438 = arith.addi %mul3A_409, %add3A_437 : i32
          %get3A_439 = arith.constant 0 : i32
          %get3A_440 = arith.constant 0 : i32
          %get3A_441 = tpu.memref_slice %arg7[%scan3A_192, %get3A_439, %get3A_440] : memref<4x56x384xi32, #tpu.memory_space<vmem>> -> memref<1x56x384xi32, #tpu.memory_space<vmem>>
          %get3A_442 = tpu.memref_squeeze %get3A_441 : memref<1x56x384xi32, #tpu.memory_space<vmem>> -> memref<56x384xi32, #tpu.memory_space<vmem>>
          %get3A_443 = arith.index_cast %add3A_438 : i32 to index
          %get3A_444 = arith.index_cast %add3A_390 : i32 to index
          %get3A_445 = tpu.vector_load %get3A_442[%get3A_443, %get3A_444] {strides = array<i32>} : memref<56x384xi32, #tpu.memory_space<vmem>>, vector<16xi32>,
          %bitcast3A_446 = vector.bitcast %get3A_445 : vector<16xi32> to vector<32xbf16>
          %unpack3A_447 = tpu.unpack_subelements %bitcast3A_446, 0 {pack_format = #tpu.pack_format<interleaved>} : vector<32xbf16> -> vector<16xf32>
          %unpack3A_448 = tpu.unpack_subelements %bitcast3A_446, 1 {pack_format = #tpu.pack_format<interleaved>} : vector<32xbf16> -> vector<16xf32>
          %add3A_449 = arith.addf %add3A_435, %unpack3A_447 : vector<16xf32>
          %add3A_450 = arith.addf %add3A_436, %unpack3A_448 : vector<16xf32>
          %add3A_451 = arith.constant 3 : i32
          %add3A_452 = arith.addi %mul3A_409, %add3A_451 : i32
          %get3A_453 = arith.constant 0 : i32
          %get3A_454 = arith.constant 0 : i32
          %get3A_455 = tpu.memref_slice %arg7[%scan3A_192, %get3A_453, %get3A_454] : memref<4x56x384xi32, #tpu.memory_space<vmem>> -> memref<1x56x384xi32, #tpu.memory_space<vmem>>
          %get3A_456 = tpu.memref_squeeze %get3A_455 : memref<1x56x384xi32, #tpu.memory_space<vmem>> -> memref<56x384xi32, #tpu.memory_space<vmem>>
          %get3A_457 = arith.index_cast %add3A_452 : i32 to index
          %get3A_458 = arith.index_cast %add3A_390 : i32 to index
          %get3A_459 = tpu.vector_load %get3A_456[%get3A_457, %get3A_458] {strides = array<i32>} : memref<56x384xi32, #tpu.memory_space<vmem>>, vector<16xi32>,
          %bitcast3A_460 = vector.bitcast %get3A_459 : vector<16xi32> to vector<32xbf16>
          %unpack3A_461 = tpu.unpack_subelements %bitcast3A_460, 0 {pack_format = #tpu.pack_format<interleaved>} : vector<32xbf16> -> vector<16xf32>
          %unpack3A_462 = tpu.unpack_subelements %bitcast3A_460, 1 {pack_format = #tpu.pack_format<interleaved>} : vector<32xbf16> -> vector<16xf32>
          %add3A_463 = arith.addf %add3A_449, %unpack3A_461 : vector<16xf32>
          %add3A_464 = arith.addf %add3A_450, %unpack3A_462 : vector<16xf32>
          %add3A_465 = arith.constant 4 : i32
          %add3A_466 = arith.addi %mul3A_409, %add3A_465 : i32
          %get3A_467 = arith.constant 0 : i32
          %get3A_468 = arith.constant 0 : i32
          %get3A_469 = tpu.memref_slice %arg7[%scan3A_192, %get3A_467, %get3A_468] : memref<4x56x384xi32, #tpu.memory_space<vmem>> -> memref<1x56x384xi32, #tpu.memory_space<vmem>>
          %get3A_470 = tpu.memref_squeeze %get3A_469 : memref<1x56x384xi32, #tpu.memory_space<vmem>> -> memref<56x384xi32, #tpu.memory_space<vmem>>
          %get3A_471 = arith.index_cast %add3A_466 : i32 to index
          %get3A_472 = arith.index_cast %add3A_390 : i32 to index
          %get3A_473 = tpu.vector_load %get3A_470[%get3A_471, %get3A_472] {strides = array<i32>} : memref<56x384xi32, #tpu.memory_space<vmem>>, vector<16xi32>,
          %bitcast3A_474 = vector.bitcast %get3A_473 : vector<16xi32> to vector<32xbf16>
          %unpack3A_475 = tpu.unpack_subelements %bitcast3A_474, 0 {pack_format = #tpu.pack_format<interleaved>} : vector<32xbf16> -> vector<16xf32>
          %unpack3A_476 = tpu.unpack_subelements %bitcast3A_474, 1 {pack_format = #tpu.pack_format<interleaved>} : vector<32xbf16> -> vector<16xf32>
          %add3A_477 = arith.addf %add3A_463, %unpack3A_475 : vector<16xf32>
          %add3A_478 = arith.addf %add3A_464, %unpack3A_476 : vector<16xf32>
          %add3A_479 = arith.constant 5 : i32
          %add3A_480 = arith.addi %mul3A_409, %add3A_479 : i32
          %get3A_481 = arith.constant 0 : i32
          %get3A_482 = arith.constant 0 : i32
          %get3A_483 = tpu.memref_slice %arg7[%scan3A_192, %get3A_481, %get3A_482] : memref<4x56x384xi32, #tpu.memory_space<vmem>> -> memref<1x56x384xi32, #tpu.memory_space<vmem>>
          %get3A_484 = tpu.memref_squeeze %get3A_483 : memref<1x56x384xi32, #tpu.memory_space<vmem>> -> memref<56x384xi32, #tpu.memory_space<vmem>>
          %get3A_485 = arith.index_cast %add3A_480 : i32 to index
          %get3A_486 = arith.index_cast %add3A_390 : i32 to index
          %get3A_487 = tpu.vector_load %get3A_484[%get3A_485, %get3A_486] {strides = array<i32>} : memref<56x384xi32, #tpu.memory_space<vmem>>, vector<16xi32>,
          %bitcast3A_488 = vector.bitcast %get3A_487 : vector<16xi32> to vector<32xbf16>
          %unpack3A_489 = tpu.unpack_subelements %bitcast3A_488, 0 {pack_format = #tpu.pack_format<interleaved>} : vector<32xbf16> -> vector<16xf32>
          %unpack3A_490 = tpu.unpack_subelements %bitcast3A_488, 1 {pack_format = #tpu.pack_format<interleaved>} : vector<32xbf16> -> vector<16xf32>
          %add3A_491 = arith.addf %add3A_477, %unpack3A_489 : vector<16xf32>
          %add3A_492 = arith.addf %add3A_478, %unpack3A_490 : vector<16xf32>
          %add3A_493 = arith.constant 6 : i32
          %add3A_494 = arith.addi %mul3A_409, %add3A_493 : i32
          %get3A_495 = arith.constant 0 : i32
          %get3A_496 = arith.constant 0 : i32
          %get3A_497 = tpu.memref_slice %arg7[%scan3A_192, %get3A_495, %get3A_496] : memref<4x56x384xi32, #tpu.memory_space<vmem>> -> memref<1x56x384xi32, #tpu.memory_space<vmem>>
          %get3A_498 = tpu.memref_squeeze %get3A_497 : memref<1x56x384xi32, #tpu.memory_space<vmem>> -> memref<56x384xi32, #tpu.memory_space<vmem>>
          %get3A_499 = arith.index_cast %add3A_494 : i32 to index
          %get3A_500 = arith.index_cast %add3A_390 : i32 to index
          %get3A_501 = tpu.vector_load %get3A_498[%get3A_499, %get3A_500] {strides = array<i32>} : memref<56x384xi32, #tpu.memory_space<vmem>>, vector<16xi32>,
          %bitcast3A_502 = vector.bitcast %get3A_501 : vector<16xi32> to vector<32xbf16>
          %unpack3A_503 = tpu.unpack_subelements %bitcast3A_502, 0 {pack_format = #tpu.pack_format<interleaved>} : vector<32xbf16> -> vector<16xf32>
          %unpack3A_504 = tpu.unpack_subelements %bitcast3A_502, 1 {pack_format = #tpu.pack_format<interleaved>} : vector<32xbf16> -> vector<16xf32>
          %add3A_505 = arith.addf %add3A_491, %unpack3A_503 : vector<16xf32>
          %add3A_506 = arith.addf %add3A_492, %unpack3A_504 : vector<16xf32>
          %add3A_507 = arith.constant 7 : i32
          %add3A_508 = arith.addi %mul3A_409, %add3A_507 : i32
          %get3A_509 = arith.constant 0 : i32
          %get3A_510 = arith.constant 0 : i32
          %get3A_511 = tpu.memref_slice %arg7[%scan3A_192, %get3A_509, %get3A_510] : memref<4x56x384xi32, #tpu.memory_space<vmem>> -> memref<1x56x384xi32, #tpu.memory_space<vmem>>
          %get3A_512 = tpu.memref_squeeze %get3A_511 : memref<1x56x384xi32, #tpu.memory_space<vmem>> -> memref<56x384xi32, #tpu.memory_space<vmem>>
          %get3A_513 = arith.index_cast %add3A_508 : i32 to index
          %get3A_514 = arith.index_cast %add3A_390 : i32 to index
          %get3A_515 = tpu.vector_load %get3A_512[%get3A_513, %get3A_514] {strides = array<i32>} : memref<56x384xi32, #tpu.memory_space<vmem>>, vector<16xi32>,
          %bitcast3A_516 = vector.bitcast %get3A_515 : vector<16xi32> to vector<32xbf16>
          %unpack3A_517 = tpu.unpack_subelements %bitcast3A_516, 0 {pack_format = #tpu.pack_format<interleaved>} : vector<32xbf16> -> vector<16xf32>
          %unpack3A_518 = tpu.unpack_subelements %bitcast3A_516, 1 {pack_format = #tpu.pack_format<interleaved>} : vector<32xbf16> -> vector<16xf32>
          %add3A_519 = arith.addf %add3A_505, %unpack3A_517 : vector<16xf32>
          %add3A_520 = arith.addf %add3A_506, %unpack3A_518 : vector<16xf32>
          %add3A_521 = arith.constant 8 : i32
          %add3A_522 = arith.addi %mul3A_409, %add3A_521 : i32
          %get3A_523 = arith.constant 0 : i32
          %get3A_524 = arith.constant 0 : i32
          %get3A_525 = tpu.memref_slice %arg7[%scan3A_192, %get3A_523, %get3A_524] : memref<4x56x384xi32, #tpu.memory_space<vmem>> -> memref<1x56x384xi32, #tpu.memory_space<vmem>>
          %get3A_526 = tpu.memref_squeeze %get3A_525 : memref<1x56x384xi32, #tpu.memory_space<vmem>> -> memref<56x384xi32, #tpu.memory_space<vmem>>
          %get3A_527 = arith.index_cast %add3A_522 : i32 to index
          %get3A_528 = arith.index_cast %add3A_390 : i32 to index
          %get3A_529 = tpu.vector_load %get3A_526[%get3A_527, %get3A_528] {strides = array<i32>} : memref<56x384xi32, #tpu.memory_space<vmem>>, vector<16xi32>,
          %bitcast3A_530 = vector.bitcast %get3A_529 : vector<16xi32> to vector<32xbf16>
          %unpack3A_531 = tpu.unpack_subelements %bitcast3A_530, 0 {pack_format = #tpu.pack_format<interleaved>} : vector<32xbf16> -> vector<16xf32>
          %unpack3A_532 = tpu.unpack_subelements %bitcast3A_530, 1 {pack_format = #tpu.pack_format<interleaved>} : vector<32xbf16> -> vector<16xf32>
          %add3A_533 = arith.addf %add3A_519, %unpack3A_531 : vector<16xf32>
          %add3A_534 = arith.addf %add3A_520, %unpack3A_532 : vector<16xf32>
          %add3A_535 = arith.constant 9 : i32
          %add3A_536 = arith.addi %mul3A_409, %add3A_535 : i32
          %get3A_537 = arith.constant 0 : i32
          %get3A_538 = arith.constant 0 : i32
          %get3A_539 = tpu.memref_slice %arg7[%scan3A_192, %get3A_537, %get3A_538] : memref<4x56x384xi32, #tpu.memory_space<vmem>> -> memref<1x56x384xi32, #tpu.memory_space<vmem>>
          %get3A_540 = tpu.memref_squeeze %get3A_539 : memref<1x56x384xi32, #tpu.memory_space<vmem>> -> memref<56x384xi32, #tpu.memory_space<vmem>>
          %get3A_541 = arith.index_cast %add3A_536 : i32 to index
          %get3A_542 = arith.index_cast %add3A_390 : i32 to index
          %get3A_543 = tpu.vector_load %get3A_540[%get3A_541, %get3A_542] {strides = array<i32>} : memref<56x384xi32, #tpu.memory_space<vmem>>, vector<16xi32>,
          %bitcast3A_544 = vector.bitcast %get3A_543 : vector<16xi32> to vector<32xbf16>
          %unpack3A_545 = tpu.unpack_subelements %bitcast3A_544, 0 {pack_format = #tpu.pack_format<interleaved>} : vector<32xbf16> -> vector<16xf32>
          %unpack3A_546 = tpu.unpack_subelements %bitcast3A_544, 1 {pack_format = #tpu.pack_format<interleaved>} : vector<32xbf16> -> vector<16xf32>
          %add3A_547 = arith.addf %add3A_533, %unpack3A_545 : vector<16xf32>
          %add3A_548 = arith.addf %add3A_534, %unpack3A_546 : vector<16xf32>
          scf.yield %add3A_547, %add3A_548 : vector<16xf32>, vector<16xf32>
        }
        %scan3A_397 = arith.constant 5 : i32
        %mul3A_398 = vector.broadcast %squeeze3A : f32 to vector<16xf32>
        %mul3A_399 = arith.mulf %scan3A_396#0, %mul3A_398 : vector<16xf32>
        %mul3A_400 = vector.broadcast %squeeze3A : f32 to vector<16xf32>
        %mul3A_401 = arith.mulf %scan3A_396#1, %mul3A_400 : vector<16xf32>
        %pack3A = tpu.pack_subelements %mul3A_399, %mul3A_401 {pack_format = #tpu.pack_format<interleaved>, positions = array<i32: 0, 1>} : vector<16xf32>, vector<16xf32> -> vector<32xbf16>
        %bitcast3A = vector.bitcast %pack3A : vector<32xbf16> to vector<16xi32>
        %swap3A = arith.constant 2 : i32
        %swap3A_402 = arith.index_cast %swap3A : i32 to index
        %swap3A_403 = arith.index_cast %add3A_390 : i32 to index
        %swap3A_404 = tpu.vector_load %arg8[%swap3A_402, %swap3A_403] {strides = array<i32>} : memref<8x384xi32, #tpu.memory_space<vmem>>, vector<16xi32>,
        tpu.vector_store %arg8[%swap3A_402, %swap3A_403], %bitcast3A {strides = array<i32>} : memref<8x384xi32, #tpu.memory_space<vmem>>, vector<16xi32>,
      }
      %scan3A_197 = arith.constant 24 : i32
      %dma_wait3A_198 = arith.constant 0 : i32
      %dma_wait3A_199 = arith.constant 3 : i32
      %dma_wait3A_200 = arith.constant 0 : i32
      %dma_wait3A_201 = arith.constant 0 : i32
      %dma_wait3A_202 = tpu.memref_slice %arg7[%dma_wait3A_199, %dma_wait3A_200, %dma_wait3A_201] : memref<4x56x384xi32, #tpu.memory_space<vmem>> -> memref<1x56x384xi32, #tpu.memory_space<vmem>>
      %dma_wait3A_203 = tpu.memref_squeeze %dma_wait3A_202 : memref<1x56x384xi32, #tpu.memory_space<vmem>> -> memref<56x384xi32, #tpu.memory_space<vmem>>
      %dma_wait3A_204 = arith.constant 0 : i32
      %dma_wait3A_205 = tpu.memref_slice %arg6[%dma_wait3A_198, %dma_wait3A_204] : memref<128x56xi32, #tpu.memory_space<vmem>> -> memref<1x56xi32, #tpu.memory_space<vmem>>
      %dma_wait3A_206 = tpu.memref_squeeze %dma_wait3A_205 : memref<1x56xi32, #tpu.memory_space<vmem>> -> memref<56xi32, #tpu.memory_space<vmem>>
      %dma_wait3A_207 = arith.constant 0 : i32
      %dma_wait3A_208 = arith.constant 0 : i32
      %dma_wait3A_209 = tpu.memref_slice %arg3[%dma_wait3A_207, %dma_wait3A_208] : memref<30522x384xi32, #tpu.memory_space<hbm>> -> memref<30522x384xi32, #tpu.memory_space<hbm>>
      tpu.wait_indirect_dma semaphore(%arg12 : memref<!tpu.dma_semaphore, #tpu.memory_space<semaphore_mem>>) src(%dma_wait3A_209 : memref<30522x384xi32, #tpu.memory_space<hbm>>) dst(%dma_wait3A_203 : memref<56x384xi32, #tpu.memory_space<vmem>>)
      %add3A_210 = arith.constant 3 : i32
      %add3A_211 = arith.addi %mul3A_87, %add3A_210 : i32
      %add3A_212 = arith.constant 4 : i32
      %add3A_213 = arith.addi %add3A_211, %add3A_212 : i32
      %sub3A_214 = arith.constant 1 : i32
      %sub3A_215 = arith.subi %add3A_213, %sub3A_214 : i32
      %min3A_216 = arith.constant 127 : i32
      %min3A_217 = arith.minsi %sub3A_215, %min3A_216 : i32
      %dma_start3A_218 = arith.constant 2 : i32
      %dma_start3A_219 = arith.constant 0 : i32
      %dma_start3A_220 = arith.constant 0 : i32
      %dma_start3A_221 = tpu.memref_slice %arg7[%dma_start3A_218, %dma_start3A_219, %dma_start3A_220] : memref<4x56x384xi32, #tpu.memory_space<vmem>> -> memref<1x56x384xi32, #tpu.memory_space<vmem>>
      %dma_start3A_222 = tpu.memref_squeeze %dma_start3A_221 : memref<1x56x384xi32, #tpu.memory_space<vmem>> -> memref<56x384xi32, #tpu.memory_space<vmem>>
      %dma_start3A_223 = arith.constant 0 : i32
      %dma_start3A_224 = tpu.memref_slice %arg6[%min3A_217, %dma_start3A_223] : memref<128x56xi32, #tpu.memory_space<vmem>> -> memref<1x56xi32, #tpu.memory_space<vmem>>
      %dma_start3A_225 = tpu.memref_squeeze %dma_start3A_224 : memref<1x56xi32, #tpu.memory_space<vmem>> -> memref<56xi32, #tpu.memory_space<vmem>>
      %dma_start3A_226 = arith.constant 0 : i32
      %dma_start3A_227 = arith.constant 0 : i32
      %dma_start3A_228 = tpu.memref_slice %arg3[%dma_start3A_226, %dma_start3A_227] : memref<30522x384xi32, #tpu.memory_space<hbm>> -> memref<30522x384xi32, #tpu.memory_space<hbm>>
      tpu.enqueue_indirect_dma source(%dma_start3A_228 : memref<30522x384xi32, #tpu.memory_space<hbm>>) target(%dma_start3A_222 : memref<56x384xi32, #tpu.memory_space<vmem>>) offsets(%dma_start3A_225 : memref<56xi32, #tpu.memory_space<vmem>>) semaphore(%arg11 : memref<!tpu.dma_semaphore, #tpu.memory_space<semaphore_mem>>)
      %scan3A_229 = arith.constant 3 : i32
      %scan3A_230 = arith.constant 0 : i32
      %scan3A_231 = arith.constant 24 : i32
      %scan3A_232 = arith.addi %scan3A_230, %scan3A_231 : i32
      %scan3A_233 = arith.constant 1 : i32
      scf.for %scan3A_386 = %scan3A_230 to %scan3A_232 step %scan3A_233  : i32 {
        %mul3A_387 = arith.constant 16 : i32
        %mul3A_388 = arith.muli %scan3A_386, %mul3A_387 : i32
        %add3A_389 = arith.constant 0 : i32
        %add3A_390 = arith.addi %add3A_389, %mul3A_388 : i32
        %broadcast_in_dim3A = arith.constant 0.000000e+00 : f32
        %broadcast_in_dim3A_391 = vector.broadcast %broadcast_in_dim3A : f32 to vector<16xf32>
        %scan3A_392 = arith.constant 0 : i32
        %scan3A_393 = arith.constant 5 : i32
        %scan3A_394 = arith.addi %scan3A_392, %scan3A_393 : i32
        %scan3A_395 = arith.constant 1 : i32
        %scan3A_396:2 = scf.for %scan3A_405 = %scan3A_392 to %scan3A_394 step %scan3A_395 iter_args(%scan3A_406 = %broadcast_in_dim3A_391, %scan3A_407 = %broadcast_in_dim3A_391) -> (vector<16xf32>, vector<16xf32>)  : i32 {
          %mul3A_408 = arith.constant 10 : i32
          %mul3A_409 = arith.muli %scan3A_405, %mul3A_408 : i32
          %add3A_410 = arith.constant 0 : i32
          %add3A_411 = arith.addi %mul3A_409, %add3A_410 : i32
          %get3A_412 = arith.constant 0 : i32
          %get3A_413 = arith.constant 0 : i32
          %get3A_414 = tpu.memref_slice %arg7[%scan3A_229, %get3A_412, %get3A_413] : memref<4x56x384xi32, #tpu.memory_space<vmem>> -> memref<1x56x384xi32, #tpu.memory_space<vmem>>
          %get3A_415 = tpu.memref_squeeze %get3A_414 : memref<1x56x384xi32, #tpu.memory_space<vmem>> -> memref<56x384xi32, #tpu.memory_space<vmem>>
          %get3A_416 = arith.index_cast %add3A_411 : i32 to index
          %get3A_417 = arith.index_cast %add3A_390 : i32 to index
          %get3A_418 = tpu.vector_load %get3A_415[%get3A_416, %get3A_417] {strides = array<i32>} : memref<56x384xi32, #tpu.memory_space<vmem>>, vector<16xi32>,
          %bitcast3A_419 = vector.bitcast %get3A_418 : vector<16xi32> to vector<32xbf16>
          %unpack3A = tpu.unpack_subelements %bitcast3A_419, 0 {pack_format = #tpu.pack_format<interleaved>} : vector<32xbf16> -> vector<16xf32>
          %unpack3A_420 = tpu.unpack_subelements %bitcast3A_419, 1 {pack_format = #tpu.pack_format<interleaved>} : vector<32xbf16> -> vector<16xf32>
          %add3A_421 = arith.addf %scan3A_406, %unpack3A : vector<16xf32>
          %add3A_422 = arith.addf %scan3A_407, %unpack3A_420 : vector<16xf32>
          %add3A_423 = arith.constant 1 : i32
          %add3A_424 = arith.addi %mul3A_409, %add3A_423 : i32
          %get3A_425 = arith.constant 0 : i32
          %get3A_426 = arith.constant 0 : i32
          %get3A_427 = tpu.memref_slice %arg7[%scan3A_229, %get3A_425, %get3A_426] : memref<4x56x384xi32, #tpu.memory_space<vmem>> -> memref<1x56x384xi32, #tpu.memory_space<vmem>>
          %get3A_428 = tpu.memref_squeeze %get3A_427 : memref<1x56x384xi32, #tpu.memory_space<vmem>> -> memref<56x384xi32, #tpu.memory_space<vmem>>
          %get3A_429 = arith.index_cast %add3A_424 : i32 to index
          %get3A_430 = arith.index_cast %add3A_390 : i32 to index
          %get3A_431 = tpu.vector_load %get3A_428[%get3A_429, %get3A_430] {strides = array<i32>} : memref<56x384xi32, #tpu.memory_space<vmem>>, vector<16xi32>,
          %bitcast3A_432 = vector.bitcast %get3A_431 : vector<16xi32> to vector<32xbf16>
          %unpack3A_433 = tpu.unpack_subelements %bitcast3A_432, 0 {pack_format = #tpu.pack_format<interleaved>} : vector<32xbf16> -> vector<16xf32>
          %unpack3A_434 = tpu.unpack_subelements %bitcast3A_432, 1 {pack_format = #tpu.pack_format<interleaved>} : vector<32xbf16> -> vector<16xf32>
          %add3A_435 = arith.addf %add3A_421, %unpack3A_433 : vector<16xf32>
          %add3A_436 = arith.addf %add3A_422, %unpack3A_434 : vector<16xf32>
          %add3A_437 = arith.constant 2 : i32
          %add3A_438 = arith.addi %mul3A_409, %add3A_437 : i32
          %get3A_439 = arith.constant 0 : i32
          %get3A_440 = arith.constant 0 : i32
          %get3A_441 = tpu.memref_slice %arg7[%scan3A_229, %get3A_439, %get3A_440] : memref<4x56x384xi32, #tpu.memory_space<vmem>> -> memref<1x56x384xi32, #tpu.memory_space<vmem>>
          %get3A_442 = tpu.memref_squeeze %get3A_441 : memref<1x56x384xi32, #tpu.memory_space<vmem>> -> memref<56x384xi32, #tpu.memory_space<vmem>>
          %get3A_443 = arith.index_cast %add3A_438 : i32 to index
          %get3A_444 = arith.index_cast %add3A_390 : i32 to index
          %get3A_445 = tpu.vector_load %get3A_442[%get3A_443, %get3A_444] {strides = array<i32>} : memref<56x384xi32, #tpu.memory_space<vmem>>, vector<16xi32>,
          %bitcast3A_446 = vector.bitcast %get3A_445 : vector<16xi32> to vector<32xbf16>
          %unpack3A_447 = tpu.unpack_subelements %bitcast3A_446, 0 {pack_format = #tpu.pack_format<interleaved>} : vector<32xbf16> -> vector<16xf32>
          %unpack3A_448 = tpu.unpack_subelements %bitcast3A_446, 1 {pack_format = #tpu.pack_format<interleaved>} : vector<32xbf16> -> vector<16xf32>
          %add3A_449 = arith.addf %add3A_435, %unpack3A_447 : vector<16xf32>
          %add3A_450 = arith.addf %add3A_436, %unpack3A_448 : vector<16xf32>
          %add3A_451 = arith.constant 3 : i32
          %add3A_452 = arith.addi %mul3A_409, %add3A_451 : i32
          %get3A_453 = arith.constant 0 : i32
          %get3A_454 = arith.constant 0 : i32
          %get3A_455 = tpu.memref_slice %arg7[%scan3A_229, %get3A_453, %get3A_454] : memref<4x56x384xi32, #tpu.memory_space<vmem>> -> memref<1x56x384xi32, #tpu.memory_space<vmem>>
          %get3A_456 = tpu.memref_squeeze %get3A_455 : memref<1x56x384xi32, #tpu.memory_space<vmem>> -> memref<56x384xi32, #tpu.memory_space<vmem>>
          %get3A_457 = arith.index_cast %add3A_452 : i32 to index
          %get3A_458 = arith.index_cast %add3A_390 : i32 to index
          %get3A_459 = tpu.vector_load %get3A_456[%get3A_457, %get3A_458] {strides = array<i32>} : memref<56x384xi32, #tpu.memory_space<vmem>>, vector<16xi32>,
          %bitcast3A_460 = vector.bitcast %get3A_459 : vector<16xi32> to vector<32xbf16>
          %unpack3A_461 = tpu.unpack_subelements %bitcast3A_460, 0 {pack_format = #tpu.pack_format<interleaved>} : vector<32xbf16> -> vector<16xf32>
          %unpack3A_462 = tpu.unpack_subelements %bitcast3A_460, 1 {pack_format = #tpu.pack_format<interleaved>} : vector<32xbf16> -> vector<16xf32>
          %add3A_463 = arith.addf %add3A_449, %unpack3A_461 : vector<16xf32>
          %add3A_464 = arith.addf %add3A_450, %unpack3A_462 : vector<16xf32>
          %add3A_465 = arith.constant 4 : i32
          %add3A_466 = arith.addi %mul3A_409, %add3A_465 : i32
          %get3A_467 = arith.constant 0 : i32
          %get3A_468 = arith.constant 0 : i32
          %get3A_469 = tpu.memref_slice %arg7[%scan3A_229, %get3A_467, %get3A_468] : memref<4x56x384xi32, #tpu.memory_space<vmem>> -> memref<1x56x384xi32, #tpu.memory_space<vmem>>
          %get3A_470 = tpu.memref_squeeze %get3A_469 : memref<1x56x384xi32, #tpu.memory_space<vmem>> -> memref<56x384xi32, #tpu.memory_space<vmem>>
          %get3A_471 = arith.index_cast %add3A_466 : i32 to index
          %get3A_472 = arith.index_cast %add3A_390 : i32 to index
          %get3A_473 = tpu.vector_load %get3A_470[%get3A_471, %get3A_472] {strides = array<i32>} : memref<56x384xi32, #tpu.memory_space<vmem>>, vector<16xi32>,
          %bitcast3A_474 = vector.bitcast %get3A_473 : vector<16xi32> to vector<32xbf16>
          %unpack3A_475 = tpu.unpack_subelements %bitcast3A_474, 0 {pack_format = #tpu.pack_format<interleaved>} : vector<32xbf16> -> vector<16xf32>
          %unpack3A_476 = tpu.unpack_subelements %bitcast3A_474, 1 {pack_format = #tpu.pack_format<interleaved>} : vector<32xbf16> -> vector<16xf32>
          %add3A_477 = arith.addf %add3A_463, %unpack3A_475 : vector<16xf32>
          %add3A_478 = arith.addf %add3A_464, %unpack3A_476 : vector<16xf32>
          %add3A_479 = arith.constant 5 : i32
          %add3A_480 = arith.addi %mul3A_409, %add3A_479 : i32
          %get3A_481 = arith.constant 0 : i32
          %get3A_482 = arith.constant 0 : i32
          %get3A_483 = tpu.memref_slice %arg7[%scan3A_229, %get3A_481, %get3A_482] : memref<4x56x384xi32, #tpu.memory_space<vmem>> -> memref<1x56x384xi32, #tpu.memory_space<vmem>>
          %get3A_484 = tpu.memref_squeeze %get3A_483 : memref<1x56x384xi32, #tpu.memory_space<vmem>> -> memref<56x384xi32, #tpu.memory_space<vmem>>
          %get3A_485 = arith.index_cast %add3A_480 : i32 to index
          %get3A_486 = arith.index_cast %add3A_390 : i32 to index
          %get3A_487 = tpu.vector_load %get3A_484[%get3A_485, %get3A_486] {strides = array<i32>} : memref<56x384xi32, #tpu.memory_space<vmem>>, vector<16xi32>,
          %bitcast3A_488 = vector.bitcast %get3A_487 : vector<16xi32> to vector<32xbf16>
          %unpack3A_489 = tpu.unpack_subelements %bitcast3A_488, 0 {pack_format = #tpu.pack_format<interleaved>} : vector<32xbf16> -> vector<16xf32>
          %unpack3A_490 = tpu.unpack_subelements %bitcast3A_488, 1 {pack_format = #tpu.pack_format<interleaved>} : vector<32xbf16> -> vector<16xf32>
          %add3A_491 = arith.addf %add3A_477, %unpack3A_489 : vector<16xf32>
          %add3A_492 = arith.addf %add3A_478, %unpack3A_490 : vector<16xf32>
          %add3A_493 = arith.constant 6 : i32
          %add3A_494 = arith.addi %mul3A_409, %add3A_493 : i32
          %get3A_495 = arith.constant 0 : i32
          %get3A_496 = arith.constant 0 : i32
          %get3A_497 = tpu.memref_slice %arg7[%scan3A_229, %get3A_495, %get3A_496] : memref<4x56x384xi32, #tpu.memory_space<vmem>> -> memref<1x56x384xi32, #tpu.memory_space<vmem>>
          %get3A_498 = tpu.memref_squeeze %get3A_497 : memref<1x56x384xi32, #tpu.memory_space<vmem>> -> memref<56x384xi32, #tpu.memory_space<vmem>>
          %get3A_499 = arith.index_cast %add3A_494 : i32 to index
          %get3A_500 = arith.index_cast %add3A_390 : i32 to index
          %get3A_501 = tpu.vector_load %get3A_498[%get3A_499, %get3A_500] {strides = array<i32>} : memref<56x384xi32, #tpu.memory_space<vmem>>, vector<16xi32>,
          %bitcast3A_502 = vector.bitcast %get3A_501 : vector<16xi32> to vector<32xbf16>
          %unpack3A_503 = tpu.unpack_subelements %bitcast3A_502, 0 {pack_format = #tpu.pack_format<interleaved>} : vector<32xbf16> -> vector<16xf32>
          %unpack3A_504 = tpu.unpack_subelements %bitcast3A_502, 1 {pack_format = #tpu.pack_format<interleaved>} : vector<32xbf16> -> vector<16xf32>
          %add3A_505 = arith.addf %add3A_491, %unpack3A_503 : vector<16xf32>
          %add3A_506 = arith.addf %add3A_492, %unpack3A_504 : vector<16xf32>
          %add3A_507 = arith.constant 7 : i32
          %add3A_508 = arith.addi %mul3A_409, %add3A_507 : i32
          %get3A_509 = arith.constant 0 : i32
          %get3A_510 = arith.constant 0 : i32
          %get3A_511 = tpu.memref_slice %arg7[%scan3A_229, %get3A_509, %get3A_510] : memref<4x56x384xi32, #tpu.memory_space<vmem>> -> memref<1x56x384xi32, #tpu.memory_space<vmem>>
          %get3A_512 = tpu.memref_squeeze %get3A_511 : memref<1x56x384xi32, #tpu.memory_space<vmem>> -> memref<56x384xi32, #tpu.memory_space<vmem>>
          %get3A_513 = arith.index_cast %add3A_508 : i32 to index
          %get3A_514 = arith.index_cast %add3A_390 : i32 to index
          %get3A_515 = tpu.vector_load %get3A_512[%get3A_513, %get3A_514] {strides = array<i32>} : memref<56x384xi32, #tpu.memory_space<vmem>>, vector<16xi32>,
          %bitcast3A_516 = vector.bitcast %get3A_515 : vector<16xi32> to vector<32xbf16>
          %unpack3A_517 = tpu.unpack_subelements %bitcast3A_516, 0 {pack_format = #tpu.pack_format<interleaved>} : vector<32xbf16> -> vector<16xf32>
          %unpack3A_518 = tpu.unpack_subelements %bitcast3A_516, 1 {pack_format = #tpu.pack_format<interleaved>} : vector<32xbf16> -> vector<16xf32>
          %add3A_519 = arith.addf %add3A_505, %unpack3A_517 : vector<16xf32>
          %add3A_520 = arith.addf %add3A_506, %unpack3A_518 : vector<16xf32>
          %add3A_521 = arith.constant 8 : i32
          %add3A_522 = arith.addi %mul3A_409, %add3A_521 : i32
          %get3A_523 = arith.constant 0 : i32
          %get3A_524 = arith.constant 0 : i32
          %get3A_525 = tpu.memref_slice %arg7[%scan3A_229, %get3A_523, %get3A_524] : memref<4x56x384xi32, #tpu.memory_space<vmem>> -> memref<1x56x384xi32, #tpu.memory_space<vmem>>
          %get3A_526 = tpu.memref_squeeze %get3A_525 : memref<1x56x384xi32, #tpu.memory_space<vmem>> -> memref<56x384xi32, #tpu.memory_space<vmem>>
          %get3A_527 = arith.index_cast %add3A_522 : i32 to index
          %get3A_528 = arith.index_cast %add3A_390 : i32 to index
          %get3A_529 = tpu.vector_load %get3A_526[%get3A_527, %get3A_528] {strides = array<i32>} : memref<56x384xi32, #tpu.memory_space<vmem>>, vector<16xi32>,
          %bitcast3A_530 = vector.bitcast %get3A_529 : vector<16xi32> to vector<32xbf16>
          %unpack3A_531 = tpu.unpack_subelements %bitcast3A_530, 0 {pack_format = #tpu.pack_format<interleaved>} : vector<32xbf16> -> vector<16xf32>
          %unpack3A_532 = tpu.unpack_subelements %bitcast3A_530, 1 {pack_format = #tpu.pack_format<interleaved>} : vector<32xbf16> -> vector<16xf32>
          %add3A_533 = arith.addf %add3A_519, %unpack3A_531 : vector<16xf32>
          %add3A_534 = arith.addf %add3A_520, %unpack3A_532 : vector<16xf32>
          %add3A_535 = arith.constant 9 : i32
          %add3A_536 = arith.addi %mul3A_409, %add3A_535 : i32
          %get3A_537 = arith.constant 0 : i32
          %get3A_538 = arith.constant 0 : i32
          %get3A_539 = tpu.memref_slice %arg7[%scan3A_229, %get3A_537, %get3A_538] : memref<4x56x384xi32, #tpu.memory_space<vmem>> -> memref<1x56x384xi32, #tpu.memory_space<vmem>>
          %get3A_540 = tpu.memref_squeeze %get3A_539 : memref<1x56x384xi32, #tpu.memory_space<vmem>> -> memref<56x384xi32, #tpu.memory_space<vmem>>
          %get3A_541 = arith.index_cast %add3A_536 : i32 to index
          %get3A_542 = arith.index_cast %add3A_390 : i32 to index
          %get3A_543 = tpu.vector_load %get3A_540[%get3A_541, %get3A_542] {strides = array<i32>} : memref<56x384xi32, #tpu.memory_space<vmem>>, vector<16xi32>,
          %bitcast3A_544 = vector.bitcast %get3A_543 : vector<16xi32> to vector<32xbf16>
          %unpack3A_545 = tpu.unpack_subelements %bitcast3A_544, 0 {pack_format = #tpu.pack_format<interleaved>} : vector<32xbf16> -> vector<16xf32>
          %unpack3A_546 = tpu.unpack_subelements %bitcast3A_544, 1 {pack_format = #tpu.pack_format<interleaved>} : vector<32xbf16> -> vector<16xf32>
          %add3A_547 = arith.addf %add3A_533, %unpack3A_545 : vector<16xf32>
          %add3A_548 = arith.addf %add3A_534, %unpack3A_546 : vector<16xf32>
          scf.yield %add3A_547, %add3A_548 : vector<16xf32>, vector<16xf32>
        }
        %scan3A_397 = arith.constant 5 : i32
        %mul3A_398 = vector.broadcast %squeeze3A : f32 to vector<16xf32>
        %mul3A_399 = arith.mulf %scan3A_396#0, %mul3A_398 : vector<16xf32>
        %mul3A_400 = vector.broadcast %squeeze3A : f32 to vector<16xf32>
        %mul3A_401 = arith.mulf %scan3A_396#1, %mul3A_400 : vector<16xf32>
        %pack3A = tpu.pack_subelements %mul3A_399, %mul3A_401 {pack_format = #tpu.pack_format<interleaved>, positions = array<i32: 0, 1>} : vector<16xf32>, vector<16xf32> -> vector<32xbf16>
        %bitcast3A = vector.bitcast %pack3A : vector<32xbf16> to vector<16xi32>
        %swap3A = arith.constant 3 : i32
        %swap3A_402 = arith.index_cast %swap3A : i32 to index
        %swap3A_403 = arith.index_cast %add3A_390 : i32 to index
        %swap3A_404 = tpu.vector_load %arg8[%swap3A_402, %swap3A_403] {strides = array<i32>} : memref<8x384xi32, #tpu.memory_space<vmem>>, vector<16xi32>,
        tpu.vector_store %arg8[%swap3A_402, %swap3A_403], %bitcast3A {strides = array<i32>} : memref<8x384xi32, #tpu.memory_space<vmem>>, vector<16xi32>,
      }
      %scan3A_234 = arith.constant 24 : i32
      %dma_wait3A_235 = arith.constant 0 : i32
      %dma_wait3A_236 = arith.constant 0 : i32
      %dma_wait3A_237 = arith.constant 0 : i32
      %dma_wait3A_238 = arith.constant 0 : i32
      %dma_wait3A_239 = tpu.memref_slice %arg7[%dma_wait3A_236, %dma_wait3A_237, %dma_wait3A_238] : memref<4x56x384xi32, #tpu.memory_space<vmem>> -> memref<1x56x384xi32, #tpu.memory_space<vmem>>
      %dma_wait3A_240 = tpu.memref_squeeze %dma_wait3A_239 : memref<1x56x384xi32, #tpu.memory_space<vmem>> -> memref<56x384xi32, #tpu.memory_space<vmem>>
      %dma_wait3A_241 = arith.constant 0 : i32
      %dma_wait3A_242 = tpu.memref_slice %arg6[%dma_wait3A_235, %dma_wait3A_241] : memref<128x56xi32, #tpu.memory_space<vmem>> -> memref<1x56xi32, #tpu.memory_space<vmem>>
      %dma_wait3A_243 = tpu.memref_squeeze %dma_wait3A_242 : memref<1x56xi32, #tpu.memory_space<vmem>> -> memref<56xi32, #tpu.memory_space<vmem>>
      %dma_wait3A_244 = arith.constant 0 : i32
      %dma_wait3A_245 = arith.constant 0 : i32
      %dma_wait3A_246 = tpu.memref_slice %arg3[%dma_wait3A_244, %dma_wait3A_245] : memref<30522x384xi32, #tpu.memory_space<hbm>> -> memref<30522x384xi32, #tpu.memory_space<hbm>>
      tpu.wait_indirect_dma semaphore(%arg9 : memref<!tpu.dma_semaphore, #tpu.memory_space<semaphore_mem>>) src(%dma_wait3A_246 : memref<30522x384xi32, #tpu.memory_space<hbm>>) dst(%dma_wait3A_240 : memref<56x384xi32, #tpu.memory_space<vmem>>)
      %add3A_247 = arith.constant 4 : i32
      %add3A_248 = arith.addi %mul3A_87, %add3A_247 : i32
      %add3A_249 = arith.constant 4 : i32
      %add3A_250 = arith.addi %add3A_248, %add3A_249 : i32
      %sub3A_251 = arith.constant 1 : i32
      %sub3A_252 = arith.subi %add3A_250, %sub3A_251 : i32
      %min3A_253 = arith.constant 127 : i32
      %min3A_254 = arith.minsi %sub3A_252, %min3A_253 : i32
      %dma_start3A_255 = arith.constant 3 : i32
      %dma_start3A_256 = arith.constant 0 : i32
      %dma_start3A_257 = arith.constant 0 : i32
      %dma_start3A_258 = tpu.memref_slice %arg7[%dma_start3A_255, %dma_start3A_256, %dma_start3A_257] : memref<4x56x384xi32, #tpu.memory_space<vmem>> -> memref<1x56x384xi32, #tpu.memory_space<vmem>>
      %dma_start3A_259 = tpu.memref_squeeze %dma_start3A_258 : memref<1x56x384xi32, #tpu.memory_space<vmem>> -> memref<56x384xi32, #tpu.memory_space<vmem>>
      %dma_start3A_260 = arith.constant 0 : i32
      %dma_start3A_261 = tpu.memref_slice %arg6[%min3A_254, %dma_start3A_260] : memref<128x56xi32, #tpu.memory_space<vmem>> -> memref<1x56xi32, #tpu.memory_space<vmem>>
      %dma_start3A_262 = tpu.memref_squeeze %dma_start3A_261 : memref<1x56xi32, #tpu.memory_space<vmem>> -> memref<56xi32, #tpu.memory_space<vmem>>
      %dma_start3A_263 = arith.constant 0 : i32
      %dma_start3A_264 = arith.constant 0 : i32
      %dma_start3A_265 = tpu.memref_slice %arg3[%dma_start3A_263, %dma_start3A_264] : memref<30522x384xi32, #tpu.memory_space<hbm>> -> memref<30522x384xi32, #tpu.memory_space<hbm>>
      tpu.enqueue_indirect_dma source(%dma_start3A_265 : memref<30522x384xi32, #tpu.memory_space<hbm>>) target(%dma_start3A_259 : memref<56x384xi32, #tpu.memory_space<vmem>>) offsets(%dma_start3A_262 : memref<56xi32, #tpu.memory_space<vmem>>) semaphore(%arg12 : memref<!tpu.dma_semaphore, #tpu.memory_space<semaphore_mem>>)
      %scan3A_266 = arith.constant 0 : i32
      %scan3A_267 = arith.constant 0 : i32
      %scan3A_268 = arith.constant 24 : i32
      %scan3A_269 = arith.addi %scan3A_267, %scan3A_268 : i32
      %scan3A_270 = arith.constant 1 : i32
      scf.for %scan3A_386 = %scan3A_267 to %scan3A_269 step %scan3A_270  : i32 {
        %mul3A_387 = arith.constant 16 : i32
        %mul3A_388 = arith.muli %scan3A_386, %mul3A_387 : i32
        %add3A_389 = arith.constant 0 : i32
        %add3A_390 = arith.addi %add3A_389, %mul3A_388 : i32
        %broadcast_in_dim3A = arith.constant 0.000000e+00 : f32
        %broadcast_in_dim3A_391 = vector.broadcast %broadcast_in_dim3A : f32 to vector<16xf32>
        %scan3A_392 = arith.constant 0 : i32
        %scan3A_393 = arith.constant 5 : i32
        %scan3A_394 = arith.addi %scan3A_392, %scan3A_393 : i32
        %scan3A_395 = arith.constant 1 : i32
        %scan3A_396:2 = scf.for %scan3A_405 = %scan3A_392 to %scan3A_394 step %scan3A_395 iter_args(%scan3A_406 = %broadcast_in_dim3A_391, %scan3A_407 = %broadcast_in_dim3A_391) -> (vector<16xf32>, vector<16xf32>)  : i32 {
          %mul3A_408 = arith.constant 10 : i32
          %mul3A_409 = arith.muli %scan3A_405, %mul3A_408 : i32
          %add3A_410 = arith.constant 0 : i32
          %add3A_411 = arith.addi %mul3A_409, %add3A_410 : i32
          %get3A_412 = arith.constant 0 : i32
          %get3A_413 = arith.constant 0 : i32
          %get3A_414 = tpu.memref_slice %arg7[%scan3A_266, %get3A_412, %get3A_413] : memref<4x56x384xi32, #tpu.memory_space<vmem>> -> memref<1x56x384xi32, #tpu.memory_space<vmem>>
          %get3A_415 = tpu.memref_squeeze %get3A_414 : memref<1x56x384xi32, #tpu.memory_space<vmem>> -> memref<56x384xi32, #tpu.memory_space<vmem>>
          %get3A_416 = arith.index_cast %add3A_411 : i32 to index
          %get3A_417 = arith.index_cast %add3A_390 : i32 to index
          %get3A_418 = tpu.vector_load %get3A_415[%get3A_416, %get3A_417] {strides = array<i32>} : memref<56x384xi32, #tpu.memory_space<vmem>>, vector<16xi32>,
          %bitcast3A_419 = vector.bitcast %get3A_418 : vector<16xi32> to vector<32xbf16>
          %unpack3A = tpu.unpack_subelements %bitcast3A_419, 0 {pack_format = #tpu.pack_format<interleaved>} : vector<32xbf16> -> vector<16xf32>
          %unpack3A_420 = tpu.unpack_subelements %bitcast3A_419, 1 {pack_format = #tpu.pack_format<interleaved>} : vector<32xbf16> -> vector<16xf32>
          %add3A_421 = arith.addf %scan3A_406, %unpack3A : vector<16xf32>
          %add3A_422 = arith.addf %scan3A_407, %unpack3A_420 : vector<16xf32>
          %add3A_423 = arith.constant 1 : i32
          %add3A_424 = arith.addi %mul3A_409, %add3A_423 : i32
          %get3A_425 = arith.constant 0 : i32
          %get3A_426 = arith.constant 0 : i32
          %get3A_427 = tpu.memref_slice %arg7[%scan3A_266, %get3A_425, %get3A_426] : memref<4x56x384xi32, #tpu.memory_space<vmem>> -> memref<1x56x384xi32, #tpu.memory_space<vmem>>
          %get3A_428 = tpu.memref_squeeze %get3A_427 : memref<1x56x384xi32, #tpu.memory_space<vmem>> -> memref<56x384xi32, #tpu.memory_space<vmem>>
          %get3A_429 = arith.index_cast %add3A_424 : i32 to index
          %get3A_430 = arith.index_cast %add3A_390 : i32 to index
          %get3A_431 = tpu.vector_load %get3A_428[%get3A_429, %get3A_430] {strides = array<i32>} : memref<56x384xi32, #tpu.memory_space<vmem>>, vector<16xi32>,
          %bitcast3A_432 = vector.bitcast %get3A_431 : vector<16xi32> to vector<32xbf16>
          %unpack3A_433 = tpu.unpack_subelements %bitcast3A_432, 0 {pack_format = #tpu.pack_format<interleaved>} : vector<32xbf16> -> vector<16xf32>
          %unpack3A_434 = tpu.unpack_subelements %bitcast3A_432, 1 {pack_format = #tpu.pack_format<interleaved>} : vector<32xbf16> -> vector<16xf32>
          %add3A_435 = arith.addf %add3A_421, %unpack3A_433 : vector<16xf32>
          %add3A_436 = arith.addf %add3A_422, %unpack3A_434 : vector<16xf32>
          %add3A_437 = arith.constant 2 : i32
          %add3A_438 = arith.addi %mul3A_409, %add3A_437 : i32
          %get3A_439 = arith.constant 0 : i32
          %get3A_440 = arith.constant 0 : i32
          %get3A_441 = tpu.memref_slice %arg7[%scan3A_266, %get3A_439, %get3A_440] : memref<4x56x384xi32, #tpu.memory_space<vmem>> -> memref<1x56x384xi32, #tpu.memory_space<vmem>>
          %get3A_442 = tpu.memref_squeeze %get3A_441 : memref<1x56x384xi32, #tpu.memory_space<vmem>> -> memref<56x384xi32, #tpu.memory_space<vmem>>
          %get3A_443 = arith.index_cast %add3A_438 : i32 to index
          %get3A_444 = arith.index_cast %add3A_390 : i32 to index
          %get3A_445 = tpu.vector_load %get3A_442[%get3A_443, %get3A_444] {strides = array<i32>} : memref<56x384xi32, #tpu.memory_space<vmem>>, vector<16xi32>,
          %bitcast3A_446 = vector.bitcast %get3A_445 : vector<16xi32> to vector<32xbf16>
          %unpack3A_447 = tpu.unpack_subelements %bitcast3A_446, 0 {pack_format = #tpu.pack_format<interleaved>} : vector<32xbf16> -> vector<16xf32>
          %unpack3A_448 = tpu.unpack_subelements %bitcast3A_446, 1 {pack_format = #tpu.pack_format<interleaved>} : vector<32xbf16> -> vector<16xf32>
          %add3A_449 = arith.addf %add3A_435, %unpack3A_447 : vector<16xf32>
          %add3A_450 = arith.addf %add3A_436, %unpack3A_448 : vector<16xf32>
          %add3A_451 = arith.constant 3 : i32
          %add3A_452 = arith.addi %mul3A_409, %add3A_451 : i32
          %get3A_453 = arith.constant 0 : i32
          %get3A_454 = arith.constant 0 : i32
          %get3A_455 = tpu.memref_slice %arg7[%scan3A_266, %get3A_453, %get3A_454] : memref<4x56x384xi32, #tpu.memory_space<vmem>> -> memref<1x56x384xi32, #tpu.memory_space<vmem>>
          %get3A_456 = tpu.memref_squeeze %get3A_455 : memref<1x56x384xi32, #tpu.memory_space<vmem>> -> memref<56x384xi32, #tpu.memory_space<vmem>>
          %get3A_457 = arith.index_cast %add3A_452 : i32 to index
          %get3A_458 = arith.index_cast %add3A_390 : i32 to index
          %get3A_459 = tpu.vector_load %get3A_456[%get3A_457, %get3A_458] {strides = array<i32>} : memref<56x384xi32, #tpu.memory_space<vmem>>, vector<16xi32>,
          %bitcast3A_460 = vector.bitcast %get3A_459 : vector<16xi32> to vector<32xbf16>
          %unpack3A_461 = tpu.unpack_subelements %bitcast3A_460, 0 {pack_format = #tpu.pack_format<interleaved>} : vector<32xbf16> -> vector<16xf32>
          %unpack3A_462 = tpu.unpack_subelements %bitcast3A_460, 1 {pack_format = #tpu.pack_format<interleaved>} : vector<32xbf16> -> vector<16xf32>
          %add3A_463 = arith.addf %add3A_449, %unpack3A_461 : vector<16xf32>
          %add3A_464 = arith.addf %add3A_450, %unpack3A_462 : vector<16xf32>
          %add3A_465 = arith.constant 4 : i32
          %add3A_466 = arith.addi %mul3A_409, %add3A_465 : i32
          %get3A_467 = arith.constant 0 : i32
          %get3A_468 = arith.constant 0 : i32
          %get3A_469 = tpu.memref_slice %arg7[%scan3A_266, %get3A_467, %get3A_468] : memref<4x56x384xi32, #tpu.memory_space<vmem>> -> memref<1x56x384xi32, #tpu.memory_space<vmem>>
          %get3A_470 = tpu.memref_squeeze %get3A_469 : memref<1x56x384xi32, #tpu.memory_space<vmem>> -> memref<56x384xi32, #tpu.memory_space<vmem>>
          %get3A_471 = arith.index_cast %add3A_466 : i32 to index
          %get3A_472 = arith.index_cast %add3A_390 : i32 to index
          %get3A_473 = tpu.vector_load %get3A_470[%get3A_471, %get3A_472] {strides = array<i32>} : memref<56x384xi32, #tpu.memory_space<vmem>>, vector<16xi32>,
          %bitcast3A_474 = vector.bitcast %get3A_473 : vector<16xi32> to vector<32xbf16>
          %unpack3A_475 = tpu.unpack_subelements %bitcast3A_474, 0 {pack_format = #tpu.pack_format<interleaved>} : vector<32xbf16> -> vector<16xf32>
          %unpack3A_476 = tpu.unpack_subelements %bitcast3A_474, 1 {pack_format = #tpu.pack_format<interleaved>} : vector<32xbf16> -> vector<16xf32>
          %add3A_477 = arith.addf %add3A_463, %unpack3A_475 : vector<16xf32>
          %add3A_478 = arith.addf %add3A_464, %unpack3A_476 : vector<16xf32>
          %add3A_479 = arith.constant 5 : i32
          %add3A_480 = arith.addi %mul3A_409, %add3A_479 : i32
          %get3A_481 = arith.constant 0 : i32
          %get3A_482 = arith.constant 0 : i32
          %get3A_483 = tpu.memref_slice %arg7[%scan3A_266, %get3A_481, %get3A_482] : memref<4x56x384xi32, #tpu.memory_space<vmem>> -> memref<1x56x384xi32, #tpu.memory_space<vmem>>
          %get3A_484 = tpu.memref_squeeze %get3A_483 : memref<1x56x384xi32, #tpu.memory_space<vmem>> -> memref<56x384xi32, #tpu.memory_space<vmem>>
          %get3A_485 = arith.index_cast %add3A_480 : i32 to index
          %get3A_486 = arith.index_cast %add3A_390 : i32 to index
          %get3A_487 = tpu.vector_load %get3A_484[%get3A_485, %get3A_486] {strides = array<i32>} : memref<56x384xi32, #tpu.memory_space<vmem>>, vector<16xi32>,
          %bitcast3A_488 = vector.bitcast %get3A_487 : vector<16xi32> to vector<32xbf16>
          %unpack3A_489 = tpu.unpack_subelements %bitcast3A_488, 0 {pack_format = #tpu.pack_format<interleaved>} : vector<32xbf16> -> vector<16xf32>
          %unpack3A_490 = tpu.unpack_subelements %bitcast3A_488, 1 {pack_format = #tpu.pack_format<interleaved>} : vector<32xbf16> -> vector<16xf32>
          %add3A_491 = arith.addf %add3A_477, %unpack3A_489 : vector<16xf32>
          %add3A_492 = arith.addf %add3A_478, %unpack3A_490 : vector<16xf32>
          %add3A_493 = arith.constant 6 : i32
          %add3A_494 = arith.addi %mul3A_409, %add3A_493 : i32
          %get3A_495 = arith.constant 0 : i32
          %get3A_496 = arith.constant 0 : i32
          %get3A_497 = tpu.memref_slice %arg7[%scan3A_266, %get3A_495, %get3A_496] : memref<4x56x384xi32, #tpu.memory_space<vmem>> -> memref<1x56x384xi32, #tpu.memory_space<vmem>>
          %get3A_498 = tpu.memref_squeeze %get3A_497 : memref<1x56x384xi32, #tpu.memory_space<vmem>> -> memref<56x384xi32, #tpu.memory_space<vmem>>
          %get3A_499 = arith.index_cast %add3A_494 : i32 to index
          %get3A_500 = arith.index_cast %add3A_390 : i32 to index
          %get3A_501 = tpu.vector_load %get3A_498[%get3A_499, %get3A_500] {strides = array<i32>} : memref<56x384xi32, #tpu.memory_space<vmem>>, vector<16xi32>,
          %bitcast3A_502 = vector.bitcast %get3A_501 : vector<16xi32> to vector<32xbf16>
          %unpack3A_503 = tpu.unpack_subelements %bitcast3A_502, 0 {pack_format = #tpu.pack_format<interleaved>} : vector<32xbf16> -> vector<16xf32>
          %unpack3A_504 = tpu.unpack_subelements %bitcast3A_502, 1 {pack_format = #tpu.pack_format<interleaved>} : vector<32xbf16> -> vector<16xf32>
          %add3A_505 = arith.addf %add3A_491, %unpack3A_503 : vector<16xf32>
          %add3A_506 = arith.addf %add3A_492, %unpack3A_504 : vector<16xf32>
          %add3A_507 = arith.constant 7 : i32
          %add3A_508 = arith.addi %mul3A_409, %add3A_507 : i32
          %get3A_509 = arith.constant 0 : i32
          %get3A_510 = arith.constant 0 : i32
          %get3A_511 = tpu.memref_slice %arg7[%scan3A_266, %get3A_509, %get3A_510] : memref<4x56x384xi32, #tpu.memory_space<vmem>> -> memref<1x56x384xi32, #tpu.memory_space<vmem>>
          %get3A_512 = tpu.memref_squeeze %get3A_511 : memref<1x56x384xi32, #tpu.memory_space<vmem>> -> memref<56x384xi32, #tpu.memory_space<vmem>>
          %get3A_513 = arith.index_cast %add3A_508 : i32 to index
          %get3A_514 = arith.index_cast %add3A_390 : i32 to index
          %get3A_515 = tpu.vector_load %get3A_512[%get3A_513, %get3A_514] {strides = array<i32>} : memref<56x384xi32, #tpu.memory_space<vmem>>, vector<16xi32>,
          %bitcast3A_516 = vector.bitcast %get3A_515 : vector<16xi32> to vector<32xbf16>
          %unpack3A_517 = tpu.unpack_subelements %bitcast3A_516, 0 {pack_format = #tpu.pack_format<interleaved>} : vector<32xbf16> -> vector<16xf32>
          %unpack3A_518 = tpu.unpack_subelements %bitcast3A_516, 1 {pack_format = #tpu.pack_format<interleaved>} : vector<32xbf16> -> vector<16xf32>
          %add3A_519 = arith.addf %add3A_505, %unpack3A_517 : vector<16xf32>
          %add3A_520 = arith.addf %add3A_506, %unpack3A_518 : vector<16xf32>
          %add3A_521 = arith.constant 8 : i32
          %add3A_522 = arith.addi %mul3A_409, %add3A_521 : i32
          %get3A_523 = arith.constant 0 : i32
          %get3A_524 = arith.constant 0 : i32
          %get3A_525 = tpu.memref_slice %arg7[%scan3A_266, %get3A_523, %get3A_524] : memref<4x56x384xi32, #tpu.memory_space<vmem>> -> memref<1x56x384xi32, #tpu.memory_space<vmem>>
          %get3A_526 = tpu.memref_squeeze %get3A_525 : memref<1x56x384xi32, #tpu.memory_space<vmem>> -> memref<56x384xi32, #tpu.memory_space<vmem>>
          %get3A_527 = arith.index_cast %add3A_522 : i32 to index
          %get3A_528 = arith.index_cast %add3A_390 : i32 to index
          %get3A_529 = tpu.vector_load %get3A_526[%get3A_527, %get3A_528] {strides = array<i32>} : memref<56x384xi32, #tpu.memory_space<vmem>>, vector<16xi32>,
          %bitcast3A_530 = vector.bitcast %get3A_529 : vector<16xi32> to vector<32xbf16>
          %unpack3A_531 = tpu.unpack_subelements %bitcast3A_530, 0 {pack_format = #tpu.pack_format<interleaved>} : vector<32xbf16> -> vector<16xf32>
          %unpack3A_532 = tpu.unpack_subelements %bitcast3A_530, 1 {pack_format = #tpu.pack_format<interleaved>} : vector<32xbf16> -> vector<16xf32>
          %add3A_533 = arith.addf %add3A_519, %unpack3A_531 : vector<16xf32>
          %add3A_534 = arith.addf %add3A_520, %unpack3A_532 : vector<16xf32>
          %add3A_535 = arith.constant 9 : i32
          %add3A_536 = arith.addi %mul3A_409, %add3A_535 : i32
          %get3A_537 = arith.constant 0 : i32
          %get3A_538 = arith.constant 0 : i32
          %get3A_539 = tpu.memref_slice %arg7[%scan3A_266, %get3A_537, %get3A_538] : memref<4x56x384xi32, #tpu.memory_space<vmem>> -> memref<1x56x384xi32, #tpu.memory_space<vmem>>
          %get3A_540 = tpu.memref_squeeze %get3A_539 : memref<1x56x384xi32, #tpu.memory_space<vmem>> -> memref<56x384xi32, #tpu.memory_space<vmem>>
          %get3A_541 = arith.index_cast %add3A_536 : i32 to index
          %get3A_542 = arith.index_cast %add3A_390 : i32 to index
          %get3A_543 = tpu.vector_load %get3A_540[%get3A_541, %get3A_542] {strides = array<i32>} : memref<56x384xi32, #tpu.memory_space<vmem>>, vector<16xi32>,
          %bitcast3A_544 = vector.bitcast %get3A_543 : vector<16xi32> to vector<32xbf16>
          %unpack3A_545 = tpu.unpack_subelements %bitcast3A_544, 0 {pack_format = #tpu.pack_format<interleaved>} : vector<32xbf16> -> vector<16xf32>
          %unpack3A_546 = tpu.unpack_subelements %bitcast3A_544, 1 {pack_format = #tpu.pack_format<interleaved>} : vector<32xbf16> -> vector<16xf32>
          %add3A_547 = arith.addf %add3A_533, %unpack3A_545 : vector<16xf32>
          %add3A_548 = arith.addf %add3A_534, %unpack3A_546 : vector<16xf32>
          scf.yield %add3A_547, %add3A_548 : vector<16xf32>, vector<16xf32>
        }
        %scan3A_397 = arith.constant 5 : i32
        %mul3A_398 = vector.broadcast %squeeze3A : f32 to vector<16xf32>
        %mul3A_399 = arith.mulf %scan3A_396#0, %mul3A_398 : vector<16xf32>
        %mul3A_400 = vector.broadcast %squeeze3A : f32 to vector<16xf32>
        %mul3A_401 = arith.mulf %scan3A_396#1, %mul3A_400 : vector<16xf32>
        %pack3A = tpu.pack_subelements %mul3A_399, %mul3A_401 {pack_format = #tpu.pack_format<interleaved>, positions = array<i32: 0, 1>} : vector<16xf32>, vector<16xf32> -> vector<32xbf16>
        %bitcast3A = vector.bitcast %pack3A : vector<32xbf16> to vector<16xi32>
        %swap3A = arith.constant 4 : i32
        %swap3A_402 = arith.index_cast %swap3A : i32 to index
        %swap3A_403 = arith.index_cast %add3A_390 : i32 to index
        %swap3A_404 = tpu.vector_load %arg8[%swap3A_402, %swap3A_403] {strides = array<i32>} : memref<8x384xi32, #tpu.memory_space<vmem>>, vector<16xi32>,
        tpu.vector_store %arg8[%swap3A_402, %swap3A_403], %bitcast3A {strides = array<i32>} : memref<8x384xi32, #tpu.memory_space<vmem>>, vector<16xi32>,
      }
      %scan3A_271 = arith.constant 24 : i32
      %dma_wait3A_272 = arith.constant 0 : i32
      %dma_wait3A_273 = arith.constant 1 : i32
      %dma_wait3A_274 = arith.constant 0 : i32
      %dma_wait3A_275 = arith.constant 0 : i32
      %dma_wait3A_276 = tpu.memref_slice %arg7[%dma_wait3A_273, %dma_wait3A_274, %dma_wait3A_275] : memref<4x56x384xi32, #tpu.memory_space<vmem>> -> memref<1x56x384xi32, #tpu.memory_space<vmem>>
      %dma_wait3A_277 = tpu.memref_squeeze %dma_wait3A_276 : memref<1x56x384xi32, #tpu.memory_space<vmem>> -> memref<56x384xi32, #tpu.memory_space<vmem>>
      %dma_wait3A_278 = arith.constant 0 : i32
      %dma_wait3A_279 = tpu.memref_slice %arg6[%dma_wait3A_272, %dma_wait3A_278] : memref<128x56xi32, #tpu.memory_space<vmem>> -> memref<1x56xi32, #tpu.memory_space<vmem>>
      %dma_wait3A_280 = tpu.memref_squeeze %dma_wait3A_279 : memref<1x56xi32, #tpu.memory_space<vmem>> -> memref<56xi32, #tpu.memory_space<vmem>>
      %dma_wait3A_281 = arith.constant 0 : i32
      %dma_wait3A_282 = arith.constant 0 : i32
      %dma_wait3A_283 = tpu.memref_slice %arg3[%dma_wait3A_281, %dma_wait3A_282] : memref<30522x384xi32, #tpu.memory_space<hbm>> -> memref<30522x384xi32, #tpu.memory_space<hbm>>
      tpu.wait_indirect_dma semaphore(%arg10 : memref<!tpu.dma_semaphore, #tpu.memory_space<semaphore_mem>>) src(%dma_wait3A_283 : memref<30522x384xi32, #tpu.memory_space<hbm>>) dst(%dma_wait3A_277 : memref<56x384xi32, #tpu.memory_space<vmem>>)
      %add3A_284 = arith.constant 5 : i32
      %add3A_285 = arith.addi %mul3A_87, %add3A_284 : i32
      %add3A_286 = arith.constant 4 : i32
      %add3A_287 = arith.addi %add3A_285, %add3A_286 : i32
      %sub3A_288 = arith.constant 1 : i32
      %sub3A_289 = arith.subi %add3A_287, %sub3A_288 : i32
      %min3A_290 = arith.constant 127 : i32
      %min3A_291 = arith.minsi %sub3A_289, %min3A_290 : i32
      %dma_start3A_292 = arith.constant 0 : i32
      %dma_start3A_293 = arith.constant 0 : i32
      %dma_start3A_294 = arith.constant 0 : i32
      %dma_start3A_295 = tpu.memref_slice %arg7[%dma_start3A_292, %dma_start3A_293, %dma_start3A_294] : memref<4x56x384xi32, #tpu.memory_space<vmem>> -> memref<1x56x384xi32, #tpu.memory_space<vmem>>
      %dma_start3A_296 = tpu.memref_squeeze %dma_start3A_295 : memref<1x56x384xi32, #tpu.memory_space<vmem>> -> memref<56x384xi32, #tpu.memory_space<vmem>>
      %dma_start3A_297 = arith.constant 0 : i32
      %dma_start3A_298 = tpu.memref_slice %arg6[%min3A_291, %dma_start3A_297] : memref<128x56xi32, #tpu.memory_space<vmem>> -> memref<1x56xi32, #tpu.memory_space<vmem>>
      %dma_start3A_299 = tpu.memref_squeeze %dma_start3A_298 : memref<1x56xi32, #tpu.memory_space<vmem>> -> memref<56xi32, #tpu.memory_space<vmem>>
      %dma_start3A_300 = arith.constant 0 : i32
      %dma_start3A_301 = arith.constant 0 : i32
      %dma_start3A_302 = tpu.memref_slice %arg3[%dma_start3A_300, %dma_start3A_301] : memref<30522x384xi32, #tpu.memory_space<hbm>> -> memref<30522x384xi32, #tpu.memory_space<hbm>>
      tpu.enqueue_indirect_dma source(%dma_start3A_302 : memref<30522x384xi32, #tpu.memory_space<hbm>>) target(%dma_start3A_296 : memref<56x384xi32, #tpu.memory_space<vmem>>) offsets(%dma_start3A_299 : memref<56xi32, #tpu.memory_space<vmem>>) semaphore(%arg9 : memref<!tpu.dma_semaphore, #tpu.memory_space<semaphore_mem>>)
      %scan3A_303 = arith.constant 1 : i32
      %scan3A_304 = arith.constant 0 : i32
      %scan3A_305 = arith.constant 24 : i32
      %scan3A_306 = arith.addi %scan3A_304, %scan3A_305 : i32
      %scan3A_307 = arith.constant 1 : i32
      scf.for %scan3A_386 = %scan3A_304 to %scan3A_306 step %scan3A_307  : i32 {
        %mul3A_387 = arith.constant 16 : i32
        %mul3A_388 = arith.muli %scan3A_386, %mul3A_387 : i32
        %add3A_389 = arith.constant 0 : i32
        %add3A_390 = arith.addi %add3A_389, %mul3A_388 : i32
        %broadcast_in_dim3A = arith.constant 0.000000e+00 : f32
        %broadcast_in_dim3A_391 = vector.broadcast %broadcast_in_dim3A : f32 to vector<16xf32>
        %scan3A_392 = arith.constant 0 : i32
        %scan3A_393 = arith.constant 5 : i32
        %scan3A_394 = arith.addi %scan3A_392, %scan3A_393 : i32
        %scan3A_395 = arith.constant 1 : i32
        %scan3A_396:2 = scf.for %scan3A_405 = %scan3A_392 to %scan3A_394 step %scan3A_395 iter_args(%scan3A_406 = %broadcast_in_dim3A_391, %scan3A_407 = %broadcast_in_dim3A_391) -> (vector<16xf32>, vector<16xf32>)  : i32 {
          %mul3A_408 = arith.constant 10 : i32
          %mul3A_409 = arith.muli %scan3A_405, %mul3A_408 : i32
          %add3A_410 = arith.constant 0 : i32
          %add3A_411 = arith.addi %mul3A_409, %add3A_410 : i32
          %get3A_412 = arith.constant 0 : i32
          %get3A_413 = arith.constant 0 : i32
          %get3A_414 = tpu.memref_slice %arg7[%scan3A_303, %get3A_412, %get3A_413] : memref<4x56x384xi32, #tpu.memory_space<vmem>> -> memref<1x56x384xi32, #tpu.memory_space<vmem>>
          %get3A_415 = tpu.memref_squeeze %get3A_414 : memref<1x56x384xi32, #tpu.memory_space<vmem>> -> memref<56x384xi32, #tpu.memory_space<vmem>>
          %get3A_416 = arith.index_cast %add3A_411 : i32 to index
          %get3A_417 = arith.index_cast %add3A_390 : i32 to index
          %get3A_418 = tpu.vector_load %get3A_415[%get3A_416, %get3A_417] {strides = array<i32>} : memref<56x384xi32, #tpu.memory_space<vmem>>, vector<16xi32>,
          %bitcast3A_419 = vector.bitcast %get3A_418 : vector<16xi32> to vector<32xbf16>
          %unpack3A = tpu.unpack_subelements %bitcast3A_419, 0 {pack_format = #tpu.pack_format<interleaved>} : vector<32xbf16> -> vector<16xf32>
          %unpack3A_420 = tpu.unpack_subelements %bitcast3A_419, 1 {pack_format = #tpu.pack_format<interleaved>} : vector<32xbf16> -> vector<16xf32>
          %add3A_421 = arith.addf %scan3A_406, %unpack3A : vector<16xf32>
          %add3A_422 = arith.addf %scan3A_407, %unpack3A_420 : vector<16xf32>
          %add3A_423 = arith.constant 1 : i32
          %add3A_424 = arith.addi %mul3A_409, %add3A_423 : i32
          %get3A_425 = arith.constant 0 : i32
          %get3A_426 = arith.constant 0 : i32
          %get3A_427 = tpu.memref_slice %arg7[%scan3A_303, %get3A_425, %get3A_426] : memref<4x56x384xi32, #tpu.memory_space<vmem>> -> memref<1x56x384xi32, #tpu.memory_space<vmem>>
          %get3A_428 = tpu.memref_squeeze %get3A_427 : memref<1x56x384xi32, #tpu.memory_space<vmem>> -> memref<56x384xi32, #tpu.memory_space<vmem>>
          %get3A_429 = arith.index_cast %add3A_424 : i32 to index
          %get3A_430 = arith.index_cast %add3A_390 : i32 to index
          %get3A_431 = tpu.vector_load %get3A_428[%get3A_429, %get3A_430] {strides = array<i32>} : memref<56x384xi32, #tpu.memory_space<vmem>>, vector<16xi32>,
          %bitcast3A_432 = vector.bitcast %get3A_431 : vector<16xi32> to vector<32xbf16>
          %unpack3A_433 = tpu.unpack_subelements %bitcast3A_432, 0 {pack_format = #tpu.pack_format<interleaved>} : vector<32xbf16> -> vector<16xf32>
          %unpack3A_434 = tpu.unpack_subelements %bitcast3A_432, 1 {pack_format = #tpu.pack_format<interleaved>} : vector<32xbf16> -> vector<16xf32>
          %add3A_435 = arith.addf %add3A_421, %unpack3A_433 : vector<16xf32>
          %add3A_436 = arith.addf %add3A_422, %unpack3A_434 : vector<16xf32>
          %add3A_437 = arith.constant 2 : i32
          %add3A_438 = arith.addi %mul3A_409, %add3A_437 : i32
          %get3A_439 = arith.constant 0 : i32
          %get3A_440 = arith.constant 0 : i32
          %get3A_441 = tpu.memref_slice %arg7[%scan3A_303, %get3A_439, %get3A_440] : memref<4x56x384xi32, #tpu.memory_space<vmem>> -> memref<1x56x384xi32, #tpu.memory_space<vmem>>
          %get3A_442 = tpu.memref_squeeze %get3A_441 : memref<1x56x384xi32, #tpu.memory_space<vmem>> -> memref<56x384xi32, #tpu.memory_space<vmem>>
          %get3A_443 = arith.index_cast %add3A_438 : i32 to index
          %get3A_444 = arith.index_cast %add3A_390 : i32 to index
          %get3A_445 = tpu.vector_load %get3A_442[%get3A_443, %get3A_444] {strides = array<i32>} : memref<56x384xi32, #tpu.memory_space<vmem>>, vector<16xi32>,
          %bitcast3A_446 = vector.bitcast %get3A_445 : vector<16xi32> to vector<32xbf16>
          %unpack3A_447 = tpu.unpack_subelements %bitcast3A_446, 0 {pack_format = #tpu.pack_format<interleaved>} : vector<32xbf16> -> vector<16xf32>
          %unpack3A_448 = tpu.unpack_subelements %bitcast3A_446, 1 {pack_format = #tpu.pack_format<interleaved>} : vector<32xbf16> -> vector<16xf32>
          %add3A_449 = arith.addf %add3A_435, %unpack3A_447 : vector<16xf32>
          %add3A_450 = arith.addf %add3A_436, %unpack3A_448 : vector<16xf32>
          %add3A_451 = arith.constant 3 : i32
          %add3A_452 = arith.addi %mul3A_409, %add3A_451 : i32
          %get3A_453 = arith.constant 0 : i32
          %get3A_454 = arith.constant 0 : i32
          %get3A_455 = tpu.memref_slice %arg7[%scan3A_303, %get3A_453, %get3A_454] : memref<4x56x384xi32, #tpu.memory_space<vmem>> -> memref<1x56x384xi32, #tpu.memory_space<vmem>>
          %get3A_456 = tpu.memref_squeeze %get3A_455 : memref<1x56x384xi32, #tpu.memory_space<vmem>> -> memref<56x384xi32, #tpu.memory_space<vmem>>
          %get3A_457 = arith.index_cast %add3A_452 : i32 to index
          %get3A_458 = arith.index_cast %add3A_390 : i32 to index
          %get3A_459 = tpu.vector_load %get3A_456[%get3A_457, %get3A_458] {strides = array<i32>} : memref<56x384xi32, #tpu.memory_space<vmem>>, vector<16xi32>,
          %bitcast3A_460 = vector.bitcast %get3A_459 : vector<16xi32> to vector<32xbf16>
          %unpack3A_461 = tpu.unpack_subelements %bitcast3A_460, 0 {pack_format = #tpu.pack_format<interleaved>} : vector<32xbf16> -> vector<16xf32>
          %unpack3A_462 = tpu.unpack_subelements %bitcast3A_460, 1 {pack_format = #tpu.pack_format<interleaved>} : vector<32xbf16> -> vector<16xf32>
          %add3A_463 = arith.addf %add3A_449, %unpack3A_461 : vector<16xf32>
          %add3A_464 = arith.addf %add3A_450, %unpack3A_462 : vector<16xf32>
          %add3A_465 = arith.constant 4 : i32
          %add3A_466 = arith.addi %mul3A_409, %add3A_465 : i32
          %get3A_467 = arith.constant 0 : i32
          %get3A_468 = arith.constant 0 : i32
          %get3A_469 = tpu.memref_slice %arg7[%scan3A_303, %get3A_467, %get3A_468] : memref<4x56x384xi32, #tpu.memory_space<vmem>> -> memref<1x56x384xi32, #tpu.memory_space<vmem>>
          %get3A_470 = tpu.memref_squeeze %get3A_469 : memref<1x56x384xi32, #tpu.memory_space<vmem>> -> memref<56x384xi32, #tpu.memory_space<vmem>>
          %get3A_471 = arith.index_cast %add3A_466 : i32 to index
          %get3A_472 = arith.index_cast %add3A_390 : i32 to index
          %get3A_473 = tpu.vector_load %get3A_470[%get3A_471, %get3A_472] {strides = array<i32>} : memref<56x384xi32, #tpu.memory_space<vmem>>, vector<16xi32>,
          %bitcast3A_474 = vector.bitcast %get3A_473 : vector<16xi32> to vector<32xbf16>
          %unpack3A_475 = tpu.unpack_subelements %bitcast3A_474, 0 {pack_format = #tpu.pack_format<interleaved>} : vector<32xbf16> -> vector<16xf32>
          %unpack3A_476 = tpu.unpack_subelements %bitcast3A_474, 1 {pack_format = #tpu.pack_format<interleaved>} : vector<32xbf16> -> vector<16xf32>
          %add3A_477 = arith.addf %add3A_463, %unpack3A_475 : vector<16xf32>
          %add3A_478 = arith.addf %add3A_464, %unpack3A_476 : vector<16xf32>
          %add3A_479 = arith.constant 5 : i32
          %add3A_480 = arith.addi %mul3A_409, %add3A_479 : i32
          %get3A_481 = arith.constant 0 : i32
          %get3A_482 = arith.constant 0 : i32
          %get3A_483 = tpu.memref_slice %arg7[%scan3A_303, %get3A_481, %get3A_482] : memref<4x56x384xi32, #tpu.memory_space<vmem>> -> memref<1x56x384xi32, #tpu.memory_space<vmem>>
          %get3A_484 = tpu.memref_squeeze %get3A_483 : memref<1x56x384xi32, #tpu.memory_space<vmem>> -> memref<56x384xi32, #tpu.memory_space<vmem>>
          %get3A_485 = arith.index_cast %add3A_480 : i32 to index
          %get3A_486 = arith.index_cast %add3A_390 : i32 to index
          %get3A_487 = tpu.vector_load %get3A_484[%get3A_485, %get3A_486] {strides = array<i32>} : memref<56x384xi32, #tpu.memory_space<vmem>>, vector<16xi32>,
          %bitcast3A_488 = vector.bitcast %get3A_487 : vector<16xi32> to vector<32xbf16>
          %unpack3A_489 = tpu.unpack_subelements %bitcast3A_488, 0 {pack_format = #tpu.pack_format<interleaved>} : vector<32xbf16> -> vector<16xf32>
          %unpack3A_490 = tpu.unpack_subelements %bitcast3A_488, 1 {pack_format = #tpu.pack_format<interleaved>} : vector<32xbf16> -> vector<16xf32>
          %add3A_491 = arith.addf %add3A_477, %unpack3A_489 : vector<16xf32>
          %add3A_492 = arith.addf %add3A_478, %unpack3A_490 : vector<16xf32>
          %add3A_493 = arith.constant 6 : i32
          %add3A_494 = arith.addi %mul3A_409, %add3A_493 : i32
          %get3A_495 = arith.constant 0 : i32
          %get3A_496 = arith.constant 0 : i32
          %get3A_497 = tpu.memref_slice %arg7[%scan3A_303, %get3A_495, %get3A_496] : memref<4x56x384xi32, #tpu.memory_space<vmem>> -> memref<1x56x384xi32, #tpu.memory_space<vmem>>
          %get3A_498 = tpu.memref_squeeze %get3A_497 : memref<1x56x384xi32, #tpu.memory_space<vmem>> -> memref<56x384xi32, #tpu.memory_space<vmem>>
          %get3A_499 = arith.index_cast %add3A_494 : i32 to index
          %get3A_500 = arith.index_cast %add3A_390 : i32 to index
          %get3A_501 = tpu.vector_load %get3A_498[%get3A_499, %get3A_500] {strides = array<i32>} : memref<56x384xi32, #tpu.memory_space<vmem>>, vector<16xi32>,
          %bitcast3A_502 = vector.bitcast %get3A_501 : vector<16xi32> to vector<32xbf16>
          %unpack3A_503 = tpu.unpack_subelements %bitcast3A_502, 0 {pack_format = #tpu.pack_format<interleaved>} : vector<32xbf16> -> vector<16xf32>
          %unpack3A_504 = tpu.unpack_subelements %bitcast3A_502, 1 {pack_format = #tpu.pack_format<interleaved>} : vector<32xbf16> -> vector<16xf32>
          %add3A_505 = arith.addf %add3A_491, %unpack3A_503 : vector<16xf32>
          %add3A_506 = arith.addf %add3A_492, %unpack3A_504 : vector<16xf32>
          %add3A_507 = arith.constant 7 : i32
          %add3A_508 = arith.addi %mul3A_409, %add3A_507 : i32
          %get3A_509 = arith.constant 0 : i32
          %get3A_510 = arith.constant 0 : i32
          %get3A_511 = tpu.memref_slice %arg7[%scan3A_303, %get3A_509, %get3A_510] : memref<4x56x384xi32, #tpu.memory_space<vmem>> -> memref<1x56x384xi32, #tpu.memory_space<vmem>>
          %get3A_512 = tpu.memref_squeeze %get3A_511 : memref<1x56x384xi32, #tpu.memory_space<vmem>> -> memref<56x384xi32, #tpu.memory_space<vmem>>
          %get3A_513 = arith.index_cast %add3A_508 : i32 to index
          %get3A_514 = arith.index_cast %add3A_390 : i32 to index
          %get3A_515 = tpu.vector_load %get3A_512[%get3A_513, %get3A_514] {strides = array<i32>} : memref<56x384xi32, #tpu.memory_space<vmem>>, vector<16xi32>,
          %bitcast3A_516 = vector.bitcast %get3A_515 : vector<16xi32> to vector<32xbf16>
          %unpack3A_517 = tpu.unpack_subelements %bitcast3A_516, 0 {pack_format = #tpu.pack_format<interleaved>} : vector<32xbf16> -> vector<16xf32>
          %unpack3A_518 = tpu.unpack_subelements %bitcast3A_516, 1 {pack_format = #tpu.pack_format<interleaved>} : vector<32xbf16> -> vector<16xf32>
          %add3A_519 = arith.addf %add3A_505, %unpack3A_517 : vector<16xf32>
          %add3A_520 = arith.addf %add3A_506, %unpack3A_518 : vector<16xf32>
          %add3A_521 = arith.constant 8 : i32
          %add3A_522 = arith.addi %mul3A_409, %add3A_521 : i32
          %get3A_523 = arith.constant 0 : i32
          %get3A_524 = arith.constant 0 : i32
          %get3A_525 = tpu.memref_slice %arg7[%scan3A_303, %get3A_523, %get3A_524] : memref<4x56x384xi32, #tpu.memory_space<vmem>> -> memref<1x56x384xi32, #tpu.memory_space<vmem>>
          %get3A_526 = tpu.memref_squeeze %get3A_525 : memref<1x56x384xi32, #tpu.memory_space<vmem>> -> memref<56x384xi32, #tpu.memory_space<vmem>>
          %get3A_527 = arith.index_cast %add3A_522 : i32 to index
          %get3A_528 = arith.index_cast %add3A_390 : i32 to index
          %get3A_529 = tpu.vector_load %get3A_526[%get3A_527, %get3A_528] {strides = array<i32>} : memref<56x384xi32, #tpu.memory_space<vmem>>, vector<16xi32>,
          %bitcast3A_530 = vector.bitcast %get3A_529 : vector<16xi32> to vector<32xbf16>
          %unpack3A_531 = tpu.unpack_subelements %bitcast3A_530, 0 {pack_format = #tpu.pack_format<interleaved>} : vector<32xbf16> -> vector<16xf32>
          %unpack3A_532 = tpu.unpack_subelements %bitcast3A_530, 1 {pack_format = #tpu.pack_format<interleaved>} : vector<32xbf16> -> vector<16xf32>
          %add3A_533 = arith.addf %add3A_519, %unpack3A_531 : vector<16xf32>
          %add3A_534 = arith.addf %add3A_520, %unpack3A_532 : vector<16xf32>
          %add3A_535 = arith.constant 9 : i32
          %add3A_536 = arith.addi %mul3A_409, %add3A_535 : i32
          %get3A_537 = arith.constant 0 : i32
          %get3A_538 = arith.constant 0 : i32
          %get3A_539 = tpu.memref_slice %arg7[%scan3A_303, %get3A_537, %get3A_538] : memref<4x56x384xi32, #tpu.memory_space<vmem>> -> memref<1x56x384xi32, #tpu.memory_space<vmem>>
          %get3A_540 = tpu.memref_squeeze %get3A_539 : memref<1x56x384xi32, #tpu.memory_space<vmem>> -> memref<56x384xi32, #tpu.memory_space<vmem>>
          %get3A_541 = arith.index_cast %add3A_536 : i32 to index
          %get3A_542 = arith.index_cast %add3A_390 : i32 to index
          %get3A_543 = tpu.vector_load %get3A_540[%get3A_541, %get3A_542] {strides = array<i32>} : memref<56x384xi32, #tpu.memory_space<vmem>>, vector<16xi32>,
          %bitcast3A_544 = vector.bitcast %get3A_543 : vector<16xi32> to vector<32xbf16>
          %unpack3A_545 = tpu.unpack_subelements %bitcast3A_544, 0 {pack_format = #tpu.pack_format<interleaved>} : vector<32xbf16> -> vector<16xf32>
          %unpack3A_546 = tpu.unpack_subelements %bitcast3A_544, 1 {pack_format = #tpu.pack_format<interleaved>} : vector<32xbf16> -> vector<16xf32>
          %add3A_547 = arith.addf %add3A_533, %unpack3A_545 : vector<16xf32>
          %add3A_548 = arith.addf %add3A_534, %unpack3A_546 : vector<16xf32>
          scf.yield %add3A_547, %add3A_548 : vector<16xf32>, vector<16xf32>
        }
        %scan3A_397 = arith.constant 5 : i32
        %mul3A_398 = vector.broadcast %squeeze3A : f32 to vector<16xf32>
        %mul3A_399 = arith.mulf %scan3A_396#0, %mul3A_398 : vector<16xf32>
        %mul3A_400 = vector.broadcast %squeeze3A : f32 to vector<16xf32>
        %mul3A_401 = arith.mulf %scan3A_396#1, %mul3A_400 : vector<16xf32>
        %pack3A = tpu.pack_subelements %mul3A_399, %mul3A_401 {pack_format = #tpu.pack_format<interleaved>, positions = array<i32: 0, 1>} : vector<16xf32>, vector<16xf32> -> vector<32xbf16>
        %bitcast3A = vector.bitcast %pack3A : vector<32xbf16> to vector<16xi32>
        %swap3A = arith.constant 5 : i32
        %swap3A_402 = arith.index_cast %swap3A : i32 to index
        %swap3A_403 = arith.index_cast %add3A_390 : i32 to index
        %swap3A_404 = tpu.vector_load %arg8[%swap3A_402, %swap3A_403] {strides = array<i32>} : memref<8x384xi32, #tpu.memory_space<vmem>>, vector<16xi32>,
        tpu.vector_store %arg8[%swap3A_402, %swap3A_403], %bitcast3A {strides = array<i32>} : memref<8x384xi32, #tpu.memory_space<vmem>>, vector<16xi32>,
      }
      %scan3A_308 = arith.constant 24 : i32
      %dma_wait3A_309 = arith.constant 0 : i32
      %dma_wait3A_310 = arith.constant 2 : i32
      %dma_wait3A_311 = arith.constant 0 : i32
      %dma_wait3A_312 = arith.constant 0 : i32
      %dma_wait3A_313 = tpu.memref_slice %arg7[%dma_wait3A_310, %dma_wait3A_311, %dma_wait3A_312] : memref<4x56x384xi32, #tpu.memory_space<vmem>> -> memref<1x56x384xi32, #tpu.memory_space<vmem>>
      %dma_wait3A_314 = tpu.memref_squeeze %dma_wait3A_313 : memref<1x56x384xi32, #tpu.memory_space<vmem>> -> memref<56x384xi32, #tpu.memory_space<vmem>>
      %dma_wait3A_315 = arith.constant 0 : i32
      %dma_wait3A_316 = tpu.memref_slice %arg6[%dma_wait3A_309, %dma_wait3A_315] : memref<128x56xi32, #tpu.memory_space<vmem>> -> memref<1x56xi32, #tpu.memory_space<vmem>>
      %dma_wait3A_317 = tpu.memref_squeeze %dma_wait3A_316 : memref<1x56xi32, #tpu.memory_space<vmem>> -> memref<56xi32, #tpu.memory_space<vmem>>
      %dma_wait3A_318 = arith.constant 0 : i32
      %dma_wait3A_319 = arith.constant 0 : i32
      %dma_wait3A_320 = tpu.memref_slice %arg3[%dma_wait3A_318, %dma_wait3A_319] : memref<30522x384xi32, #tpu.memory_space<hbm>> -> memref<30522x384xi32, #tpu.memory_space<hbm>>
      tpu.wait_indirect_dma semaphore(%arg11 : memref<!tpu.dma_semaphore, #tpu.memory_space<semaphore_mem>>) src(%dma_wait3A_320 : memref<30522x384xi32, #tpu.memory_space<hbm>>) dst(%dma_wait3A_314 : memref<56x384xi32, #tpu.memory_space<vmem>>)
      %add3A_321 = arith.constant 6 : i32
      %add3A_322 = arith.addi %mul3A_87, %add3A_321 : i32
      %add3A_323 = arith.constant 4 : i32
      %add3A_324 = arith.addi %add3A_322, %add3A_323 : i32
      %sub3A_325 = arith.constant 1 : i32
      %sub3A_326 = arith.subi %add3A_324, %sub3A_325 : i32
      %min3A_327 = arith.constant 127 : i32
      %min3A_328 = arith.minsi %sub3A_326, %min3A_327 : i32
      %dma_start3A_329 = arith.constant 1 : i32
      %dma_start3A_330 = arith.constant 0 : i32
      %dma_start3A_331 = arith.constant 0 : i32
      %dma_start3A_332 = tpu.memref_slice %arg7[%dma_start3A_329, %dma_start3A_330, %dma_start3A_331] : memref<4x56x384xi32, #tpu.memory_space<vmem>> -> memref<1x56x384xi32, #tpu.memory_space<vmem>>
      %dma_start3A_333 = tpu.memref_squeeze %dma_start3A_332 : memref<1x56x384xi32, #tpu.memory_space<vmem>> -> memref<56x384xi32, #tpu.memory_space<vmem>>
      %dma_start3A_334 = arith.constant 0 : i32
      %dma_start3A_335 = tpu.memref_slice %arg6[%min3A_328, %dma_start3A_334] : memref<128x56xi32, #tpu.memory_space<vmem>> -> memref<1x56xi32, #tpu.memory_space<vmem>>
      %dma_start3A_336 = tpu.memref_squeeze %dma_start3A_335 : memref<1x56xi32, #tpu.memory_space<vmem>> -> memref<56xi32, #tpu.memory_space<vmem>>
      %dma_start3A_337 = arith.constant 0 : i32
      %dma_start3A_338 = arith.constant 0 : i32
      %dma_start3A_339 = tpu.memref_slice %arg3[%dma_start3A_337, %dma_start3A_338] : memref<30522x384xi32, #tpu.memory_space<hbm>> -> memref<30522x384xi32, #tpu.memory_space<hbm>>
      tpu.enqueue_indirect_dma source(%dma_start3A_339 : memref<30522x384xi32, #tpu.memory_space<hbm>>) target(%dma_start3A_333 : memref<56x384xi32, #tpu.memory_space<vmem>>) offsets(%dma_start3A_336 : memref<56xi32, #tpu.memory_space<vmem>>) semaphore(%arg10 : memref<!tpu.dma_semaphore, #tpu.memory_space<semaphore_mem>>)
      %scan3A_340 = arith.constant 2 : i32
      %scan3A_341 = arith.constant 0 : i32
      %scan3A_342 = arith.constant 24 : i32
      %scan3A_343 = arith.addi %scan3A_341, %scan3A_342 : i32
      %scan3A_344 = arith.constant 1 : i32
      scf.for %scan3A_386 = %scan3A_341 to %scan3A_343 step %scan3A_344  : i32 {
        %mul3A_387 = arith.constant 16 : i32
        %mul3A_388 = arith.muli %scan3A_386, %mul3A_387 : i32
        %add3A_389 = arith.constant 0 : i32
        %add3A_390 = arith.addi %add3A_389, %mul3A_388 : i32
        %broadcast_in_dim3A = arith.constant 0.000000e+00 : f32
        %broadcast_in_dim3A_391 = vector.broadcast %broadcast_in_dim3A : f32 to vector<16xf32>
        %scan3A_392 = arith.constant 0 : i32
        %scan3A_393 = arith.constant 5 : i32
        %scan3A_394 = arith.addi %scan3A_392, %scan3A_393 : i32
        %scan3A_395 = arith.constant 1 : i32
        %scan3A_396:2 = scf.for %scan3A_405 = %scan3A_392 to %scan3A_394 step %scan3A_395 iter_args(%scan3A_406 = %broadcast_in_dim3A_391, %scan3A_407 = %broadcast_in_dim3A_391) -> (vector<16xf32>, vector<16xf32>)  : i32 {
          %mul3A_408 = arith.constant 10 : i32
          %mul3A_409 = arith.muli %scan3A_405, %mul3A_408 : i32
          %add3A_410 = arith.constant 0 : i32
          %add3A_411 = arith.addi %mul3A_409, %add3A_410 : i32
          %get3A_412 = arith.constant 0 : i32
          %get3A_413 = arith.constant 0 : i32
          %get3A_414 = tpu.memref_slice %arg7[%scan3A_340, %get3A_412, %get3A_413] : memref<4x56x384xi32, #tpu.memory_space<vmem>> -> memref<1x56x384xi32, #tpu.memory_space<vmem>>
          %get3A_415 = tpu.memref_squeeze %get3A_414 : memref<1x56x384xi32, #tpu.memory_space<vmem>> -> memref<56x384xi32, #tpu.memory_space<vmem>>
          %get3A_416 = arith.index_cast %add3A_411 : i32 to index
          %get3A_417 = arith.index_cast %add3A_390 : i32 to index
          %get3A_418 = tpu.vector_load %get3A_415[%get3A_416, %get3A_417] {strides = array<i32>} : memref<56x384xi32, #tpu.memory_space<vmem>>, vector<16xi32>,
          %bitcast3A_419 = vector.bitcast %get3A_418 : vector<16xi32> to vector<32xbf16>
          %unpack3A = tpu.unpack_subelements %bitcast3A_419, 0 {pack_format = #tpu.pack_format<interleaved>} : vector<32xbf16> -> vector<16xf32>
          %unpack3A_420 = tpu.unpack_subelements %bitcast3A_419, 1 {pack_format = #tpu.pack_format<interleaved>} : vector<32xbf16> -> vector<16xf32>
          %add3A_421 = arith.addf %scan3A_406, %unpack3A : vector<16xf32>
          %add3A_422 = arith.addf %scan3A_407, %unpack3A_420 : vector<16xf32>
          %add3A_423 = arith.constant 1 : i32
          %add3A_424 = arith.addi %mul3A_409, %add3A_423 : i32
          %get3A_425 = arith.constant 0 : i32
          %get3A_426 = arith.constant 0 : i32
          %get3A_427 = tpu.memref_slice %arg7[%scan3A_340, %get3A_425, %get3A_426] : memref<4x56x384xi32, #tpu.memory_space<vmem>> -> memref<1x56x384xi32, #tpu.memory_space<vmem>>
          %get3A_428 = tpu.memref_squeeze %get3A_427 : memref<1x56x384xi32, #tpu.memory_space<vmem>> -> memref<56x384xi32, #tpu.memory_space<vmem>>
          %get3A_429 = arith.index_cast %add3A_424 : i32 to index
          %get3A_430 = arith.index_cast %add3A_390 : i32 to index
          %get3A_431 = tpu.vector_load %get3A_428[%get3A_429, %get3A_430] {strides = array<i32>} : memref<56x384xi32, #tpu.memory_space<vmem>>, vector<16xi32>,
          %bitcast3A_432 = vector.bitcast %get3A_431 : vector<16xi32> to vector<32xbf16>
          %unpack3A_433 = tpu.unpack_subelements %bitcast3A_432, 0 {pack_format = #tpu.pack_format<interleaved>} : vector<32xbf16> -> vector<16xf32>
          %unpack3A_434 = tpu.unpack_subelements %bitcast3A_432, 1 {pack_format = #tpu.pack_format<interleaved>} : vector<32xbf16> -> vector<16xf32>
          %add3A_435 = arith.addf %add3A_421, %unpack3A_433 : vector<16xf32>
          %add3A_436 = arith.addf %add3A_422, %unpack3A_434 : vector<16xf32>
          %add3A_437 = arith.constant 2 : i32
          %add3A_438 = arith.addi %mul3A_409, %add3A_437 : i32
          %get3A_439 = arith.constant 0 : i32
          %get3A_440 = arith.constant 0 : i32
          %get3A_441 = tpu.memref_slice %arg7[%scan3A_340, %get3A_439, %get3A_440] : memref<4x56x384xi32, #tpu.memory_space<vmem>> -> memref<1x56x384xi32, #tpu.memory_space<vmem>>
          %get3A_442 = tpu.memref_squeeze %get3A_441 : memref<1x56x384xi32, #tpu.memory_space<vmem>> -> memref<56x384xi32, #tpu.memory_space<vmem>>
          %get3A_443 = arith.index_cast %add3A_438 : i32 to index
          %get3A_444 = arith.index_cast %add3A_390 : i32 to index
          %get3A_445 = tpu.vector_load %get3A_442[%get3A_443, %get3A_444] {strides = array<i32>} : memref<56x384xi32, #tpu.memory_space<vmem>>, vector<16xi32>,
          %bitcast3A_446 = vector.bitcast %get3A_445 : vector<16xi32> to vector<32xbf16>
          %unpack3A_447 = tpu.unpack_subelements %bitcast3A_446, 0 {pack_format = #tpu.pack_format<interleaved>} : vector<32xbf16> -> vector<16xf32>
          %unpack3A_448 = tpu.unpack_subelements %bitcast3A_446, 1 {pack_format = #tpu.pack_format<interleaved>} : vector<32xbf16> -> vector<16xf32>
          %add3A_449 = arith.addf %add3A_435, %unpack3A_447 : vector<16xf32>
          %add3A_450 = arith.addf %add3A_436, %unpack3A_448 : vector<16xf32>
          %add3A_451 = arith.constant 3 : i32
          %add3A_452 = arith.addi %mul3A_409, %add3A_451 : i32
          %get3A_453 = arith.constant 0 : i32
          %get3A_454 = arith.constant 0 : i32
          %get3A_455 = tpu.memref_slice %arg7[%scan3A_340, %get3A_453, %get3A_454] : memref<4x56x384xi32, #tpu.memory_space<vmem>> -> memref<1x56x384xi32, #tpu.memory_space<vmem>>
          %get3A_456 = tpu.memref_squeeze %get3A_455 : memref<1x56x384xi32, #tpu.memory_space<vmem>> -> memref<56x384xi32, #tpu.memory_space<vmem>>
          %get3A_457 = arith.index_cast %add3A_452 : i32 to index
          %get3A_458 = arith.index_cast %add3A_390 : i32 to index
          %get3A_459 = tpu.vector_load %get3A_456[%get3A_457, %get3A_458] {strides = array<i32>} : memref<56x384xi32, #tpu.memory_space<vmem>>, vector<16xi32>,
          %bitcast3A_460 = vector.bitcast %get3A_459 : vector<16xi32> to vector<32xbf16>
          %unpack3A_461 = tpu.unpack_subelements %bitcast3A_460, 0 {pack_format = #tpu.pack_format<interleaved>} : vector<32xbf16> -> vector<16xf32>
          %unpack3A_462 = tpu.unpack_subelements %bitcast3A_460, 1 {pack_format = #tpu.pack_format<interleaved>} : vector<32xbf16> -> vector<16xf32>
          %add3A_463 = arith.addf %add3A_449, %unpack3A_461 : vector<16xf32>
          %add3A_464 = arith.addf %add3A_450, %unpack3A_462 : vector<16xf32>
          %add3A_465 = arith.constant 4 : i32
          %add3A_466 = arith.addi %mul3A_409, %add3A_465 : i32
          %get3A_467 = arith.constant 0 : i32
          %get3A_468 = arith.constant 0 : i32
          %get3A_469 = tpu.memref_slice %arg7[%scan3A_340, %get3A_467, %get3A_468] : memref<4x56x384xi32, #tpu.memory_space<vmem>> -> memref<1x56x384xi32, #tpu.memory_space<vmem>>
          %get3A_470 = tpu.memref_squeeze %get3A_469 : memref<1x56x384xi32, #tpu.memory_space<vmem>> -> memref<56x384xi32, #tpu.memory_space<vmem>>
          %get3A_471 = arith.index_cast %add3A_466 : i32 to index
          %get3A_472 = arith.index_cast %add3A_390 : i32 to index
          %get3A_473 = tpu.vector_load %get3A_470[%get3A_471, %get3A_472] {strides = array<i32>} : memref<56x384xi32, #tpu.memory_space<vmem>>, vector<16xi32>,
          %bitcast3A_474 = vector.bitcast %get3A_473 : vector<16xi32> to vector<32xbf16>
          %unpack3A_475 = tpu.unpack_subelements %bitcast3A_474, 0 {pack_format = #tpu.pack_format<interleaved>} : vector<32xbf16> -> vector<16xf32>
          %unpack3A_476 = tpu.unpack_subelements %bitcast3A_474, 1 {pack_format = #tpu.pack_format<interleaved>} : vector<32xbf16> -> vector<16xf32>
          %add3A_477 = arith.addf %add3A_463, %unpack3A_475 : vector<16xf32>
          %add3A_478 = arith.addf %add3A_464, %unpack3A_476 : vector<16xf32>
          %add3A_479 = arith.constant 5 : i32
          %add3A_480 = arith.addi %mul3A_409, %add3A_479 : i32
          %get3A_481 = arith.constant 0 : i32
          %get3A_482 = arith.constant 0 : i32
          %get3A_483 = tpu.memref_slice %arg7[%scan3A_340, %get3A_481, %get3A_482] : memref<4x56x384xi32, #tpu.memory_space<vmem>> -> memref<1x56x384xi32, #tpu.memory_space<vmem>>
          %get3A_484 = tpu.memref_squeeze %get3A_483 : memref<1x56x384xi32, #tpu.memory_space<vmem>> -> memref<56x384xi32, #tpu.memory_space<vmem>>
          %get3A_485 = arith.index_cast %add3A_480 : i32 to index
          %get3A_486 = arith.index_cast %add3A_390 : i32 to index
          %get3A_487 = tpu.vector_load %get3A_484[%get3A_485, %get3A_486] {strides = array<i32>} : memref<56x384xi32, #tpu.memory_space<vmem>>, vector<16xi32>,
          %bitcast3A_488 = vector.bitcast %get3A_487 : vector<16xi32> to vector<32xbf16>
          %unpack3A_489 = tpu.unpack_subelements %bitcast3A_488, 0 {pack_format = #tpu.pack_format<interleaved>} : vector<32xbf16> -> vector<16xf32>
          %unpack3A_490 = tpu.unpack_subelements %bitcast3A_488, 1 {pack_format = #tpu.pack_format<interleaved>} : vector<32xbf16> -> vector<16xf32>
          %add3A_491 = arith.addf %add3A_477, %unpack3A_489 : vector<16xf32>
          %add3A_492 = arith.addf %add3A_478, %unpack3A_490 : vector<16xf32>
          %add3A_493 = arith.constant 6 : i32
          %add3A_494 = arith.addi %mul3A_409, %add3A_493 : i32
          %get3A_495 = arith.constant 0 : i32
          %get3A_496 = arith.constant 0 : i32
          %get3A_497 = tpu.memref_slice %arg7[%scan3A_340, %get3A_495, %get3A_496] : memref<4x56x384xi32, #tpu.memory_space<vmem>> -> memref<1x56x384xi32, #tpu.memory_space<vmem>>
          %get3A_498 = tpu.memref_squeeze %get3A_497 : memref<1x56x384xi32, #tpu.memory_space<vmem>> -> memref<56x384xi32, #tpu.memory_space<vmem>>
          %get3A_499 = arith.index_cast %add3A_494 : i32 to index
          %get3A_500 = arith.index_cast %add3A_390 : i32 to index
          %get3A_501 = tpu.vector_load %get3A_498[%get3A_499, %get3A_500] {strides = array<i32>} : memref<56x384xi32, #tpu.memory_space<vmem>>, vector<16xi32>,
          %bitcast3A_502 = vector.bitcast %get3A_501 : vector<16xi32> to vector<32xbf16>
          %unpack3A_503 = tpu.unpack_subelements %bitcast3A_502, 0 {pack_format = #tpu.pack_format<interleaved>} : vector<32xbf16> -> vector<16xf32>
          %unpack3A_504 = tpu.unpack_subelements %bitcast3A_502, 1 {pack_format = #tpu.pack_format<interleaved>} : vector<32xbf16> -> vector<16xf32>
          %add3A_505 = arith.addf %add3A_491, %unpack3A_503 : vector<16xf32>
          %add3A_506 = arith.addf %add3A_492, %unpack3A_504 : vector<16xf32>
          %add3A_507 = arith.constant 7 : i32
          %add3A_508 = arith.addi %mul3A_409, %add3A_507 : i32
          %get3A_509 = arith.constant 0 : i32
          %get3A_510 = arith.constant 0 : i32
          %get3A_511 = tpu.memref_slice %arg7[%scan3A_340, %get3A_509, %get3A_510] : memref<4x56x384xi32, #tpu.memory_space<vmem>> -> memref<1x56x384xi32, #tpu.memory_space<vmem>>
          %get3A_512 = tpu.memref_squeeze %get3A_511 : memref<1x56x384xi32, #tpu.memory_space<vmem>> -> memref<56x384xi32, #tpu.memory_space<vmem>>
          %get3A_513 = arith.index_cast %add3A_508 : i32 to index
          %get3A_514 = arith.index_cast %add3A_390 : i32 to index
          %get3A_515 = tpu.vector_load %get3A_512[%get3A_513, %get3A_514] {strides = array<i32>} : memref<56x384xi32, #tpu.memory_space<vmem>>, vector<16xi32>,
          %bitcast3A_516 = vector.bitcast %get3A_515 : vector<16xi32> to vector<32xbf16>
          %unpack3A_517 = tpu.unpack_subelements %bitcast3A_516, 0 {pack_format = #tpu.pack_format<interleaved>} : vector<32xbf16> -> vector<16xf32>
          %unpack3A_518 = tpu.unpack_subelements %bitcast3A_516, 1 {pack_format = #tpu.pack_format<interleaved>} : vector<32xbf16> -> vector<16xf32>
          %add3A_519 = arith.addf %add3A_505, %unpack3A_517 : vector<16xf32>
          %add3A_520 = arith.addf %add3A_506, %unpack3A_518 : vector<16xf32>
          %add3A_521 = arith.constant 8 : i32
          %add3A_522 = arith.addi %mul3A_409, %add3A_521 : i32
          %get3A_523 = arith.constant 0 : i32
          %get3A_524 = arith.constant 0 : i32
          %get3A_525 = tpu.memref_slice %arg7[%scan3A_340, %get3A_523, %get3A_524] : memref<4x56x384xi32, #tpu.memory_space<vmem>> -> memref<1x56x384xi32, #tpu.memory_space<vmem>>
          %get3A_526 = tpu.memref_squeeze %get3A_525 : memref<1x56x384xi32, #tpu.memory_space<vmem>> -> memref<56x384xi32, #tpu.memory_space<vmem>>
          %get3A_527 = arith.index_cast %add3A_522 : i32 to index
          %get3A_528 = arith.index_cast %add3A_390 : i32 to index
          %get3A_529 = tpu.vector_load %get3A_526[%get3A_527, %get3A_528] {strides = array<i32>} : memref<56x384xi32, #tpu.memory_space<vmem>>, vector<16xi32>,
          %bitcast3A_530 = vector.bitcast %get3A_529 : vector<16xi32> to vector<32xbf16>
          %unpack3A_531 = tpu.unpack_subelements %bitcast3A_530, 0 {pack_format = #tpu.pack_format<interleaved>} : vector<32xbf16> -> vector<16xf32>
          %unpack3A_532 = tpu.unpack_subelements %bitcast3A_530, 1 {pack_format = #tpu.pack_format<interleaved>} : vector<32xbf16> -> vector<16xf32>
          %add3A_533 = arith.addf %add3A_519, %unpack3A_531 : vector<16xf32>
          %add3A_534 = arith.addf %add3A_520, %unpack3A_532 : vector<16xf32>
          %add3A_535 = arith.constant 9 : i32
          %add3A_536 = arith.addi %mul3A_409, %add3A_535 : i32
          %get3A_537 = arith.constant 0 : i32
          %get3A_538 = arith.constant 0 : i32
          %get3A_539 = tpu.memref_slice %arg7[%scan3A_340, %get3A_537, %get3A_538] : memref<4x56x384xi32, #tpu.memory_space<vmem>> -> memref<1x56x384xi32, #tpu.memory_space<vmem>>
          %get3A_540 = tpu.memref_squeeze %get3A_539 : memref<1x56x384xi32, #tpu.memory_space<vmem>> -> memref<56x384xi32, #tpu.memory_space<vmem>>
          %get3A_541 = arith.index_cast %add3A_536 : i32 to index
          %get3A_542 = arith.index_cast %add3A_390 : i32 to index
          %get3A_543 = tpu.vector_load %get3A_540[%get3A_541, %get3A_542] {strides = array<i32>} : memref<56x384xi32, #tpu.memory_space<vmem>>, vector<16xi32>,
          %bitcast3A_544 = vector.bitcast %get3A_543 : vector<16xi32> to vector<32xbf16>
          %unpack3A_545 = tpu.unpack_subelements %bitcast3A_544, 0 {pack_format = #tpu.pack_format<interleaved>} : vector<32xbf16> -> vector<16xf32>
          %unpack3A_546 = tpu.unpack_subelements %bitcast3A_544, 1 {pack_format = #tpu.pack_format<interleaved>} : vector<32xbf16> -> vector<16xf32>
          %add3A_547 = arith.addf %add3A_533, %unpack3A_545 : vector<16xf32>
          %add3A_548 = arith.addf %add3A_534, %unpack3A_546 : vector<16xf32>
          scf.yield %add3A_547, %add3A_548 : vector<16xf32>, vector<16xf32>
        }
        %scan3A_397 = arith.constant 5 : i32
        %mul3A_398 = vector.broadcast %squeeze3A : f32 to vector<16xf32>
        %mul3A_399 = arith.mulf %scan3A_396#0, %mul3A_398 : vector<16xf32>
        %mul3A_400 = vector.broadcast %squeeze3A : f32 to vector<16xf32>
        %mul3A_401 = arith.mulf %scan3A_396#1, %mul3A_400 : vector<16xf32>
        %pack3A = tpu.pack_subelements %mul3A_399, %mul3A_401 {pack_format = #tpu.pack_format<interleaved>, positions = array<i32: 0, 1>} : vector<16xf32>, vector<16xf32> -> vector<32xbf16>
        %bitcast3A = vector.bitcast %pack3A : vector<32xbf16> to vector<16xi32>
        %swap3A = arith.constant 6 : i32
        %swap3A_402 = arith.index_cast %swap3A : i32 to index
        %swap3A_403 = arith.index_cast %add3A_390 : i32 to index
        %swap3A_404 = tpu.vector_load %arg8[%swap3A_402, %swap3A_403] {strides = array<i32>} : memref<8x384xi32, #tpu.memory_space<vmem>>, vector<16xi32>,
        tpu.vector_store %arg8[%swap3A_402, %swap3A_403], %bitcast3A {strides = array<i32>} : memref<8x384xi32, #tpu.memory_space<vmem>>, vector<16xi32>,
      }
      %scan3A_345 = arith.constant 24 : i32
      %dma_wait3A_346 = arith.constant 0 : i32
      %dma_wait3A_347 = arith.constant 3 : i32
      %dma_wait3A_348 = arith.constant 0 : i32
      %dma_wait3A_349 = arith.constant 0 : i32
      %dma_wait3A_350 = tpu.memref_slice %arg7[%dma_wait3A_347, %dma_wait3A_348, %dma_wait3A_349] : memref<4x56x384xi32, #tpu.memory_space<vmem>> -> memref<1x56x384xi32, #tpu.memory_space<vmem>>
      %dma_wait3A_351 = tpu.memref_squeeze %dma_wait3A_350 : memref<1x56x384xi32, #tpu.memory_space<vmem>> -> memref<56x384xi32, #tpu.memory_space<vmem>>
      %dma_wait3A_352 = arith.constant 0 : i32
      %dma_wait3A_353 = tpu.memref_slice %arg6[%dma_wait3A_346, %dma_wait3A_352] : memref<128x56xi32, #tpu.memory_space<vmem>> -> memref<1x56xi32, #tpu.memory_space<vmem>>
      %dma_wait3A_354 = tpu.memref_squeeze %dma_wait3A_353 : memref<1x56xi32, #tpu.memory_space<vmem>> -> memref<56xi32, #tpu.memory_space<vmem>>
      %dma_wait3A_355 = arith.constant 0 : i32
      %dma_wait3A_356 = arith.constant 0 : i32
      %dma_wait3A_357 = tpu.memref_slice %arg3[%dma_wait3A_355, %dma_wait3A_356] : memref<30522x384xi32, #tpu.memory_space<hbm>> -> memref<30522x384xi32, #tpu.memory_space<hbm>>
      tpu.wait_indirect_dma semaphore(%arg12 : memref<!tpu.dma_semaphore, #tpu.memory_space<semaphore_mem>>) src(%dma_wait3A_357 : memref<30522x384xi32, #tpu.memory_space<hbm>>) dst(%dma_wait3A_351 : memref<56x384xi32, #tpu.memory_space<vmem>>)
      %add3A_358 = arith.constant 7 : i32
      %add3A_359 = arith.addi %mul3A_87, %add3A_358 : i32
      %add3A_360 = arith.constant 4 : i32
      %add3A_361 = arith.addi %add3A_359, %add3A_360 : i32
      %sub3A_362 = arith.constant 1 : i32
      %sub3A_363 = arith.subi %add3A_361, %sub3A_362 : i32
      %min3A_364 = arith.constant 127 : i32
      %min3A_365 = arith.minsi %sub3A_363, %min3A_364 : i32
      %dma_start3A_366 = arith.constant 2 : i32
      %dma_start3A_367 = arith.constant 0 : i32
      %dma_start3A_368 = arith.constant 0 : i32
      %dma_start3A_369 = tpu.memref_slice %arg7[%dma_start3A_366, %dma_start3A_367, %dma_start3A_368] : memref<4x56x384xi32, #tpu.memory_space<vmem>> -> memref<1x56x384xi32, #tpu.memory_space<vmem>>
      %dma_start3A_370 = tpu.memref_squeeze %dma_start3A_369 : memref<1x56x384xi32, #tpu.memory_space<vmem>> -> memref<56x384xi32, #tpu.memory_space<vmem>>
      %dma_start3A_371 = arith.constant 0 : i32
      %dma_start3A_372 = tpu.memref_slice %arg6[%min3A_365, %dma_start3A_371] : memref<128x56xi32, #tpu.memory_space<vmem>> -> memref<1x56xi32, #tpu.memory_space<vmem>>
      %dma_start3A_373 = tpu.memref_squeeze %dma_start3A_372 : memref<1x56xi32, #tpu.memory_space<vmem>> -> memref<56xi32, #tpu.memory_space<vmem>>
      %dma_start3A_374 = arith.constant 0 : i32
      %dma_start3A_375 = arith.constant 0 : i32
      %dma_start3A_376 = tpu.memref_slice %arg3[%dma_start3A_374, %dma_start3A_375] : memref<30522x384xi32, #tpu.memory_space<hbm>> -> memref<30522x384xi32, #tpu.memory_space<hbm>>
      tpu.enqueue_indirect_dma source(%dma_start3A_376 : memref<30522x384xi32, #tpu.memory_space<hbm>>) target(%dma_start3A_370 : memref<56x384xi32, #tpu.memory_space<vmem>>) offsets(%dma_start3A_373 : memref<56xi32, #tpu.memory_space<vmem>>) semaphore(%arg11 : memref<!tpu.dma_semaphore, #tpu.memory_space<semaphore_mem>>)
      %scan3A_377 = arith.constant 3 : i32
      %scan3A_378 = arith.constant 0 : i32
      %scan3A_379 = arith.constant 24 : i32
      %scan3A_380 = arith.addi %scan3A_378, %scan3A_379 : i32
      %scan3A_381 = arith.constant 1 : i32
      scf.for %scan3A_386 = %scan3A_378 to %scan3A_380 step %scan3A_381  : i32 {
        %mul3A_387 = arith.constant 16 : i32
        %mul3A_388 = arith.muli %scan3A_386, %mul3A_387 : i32
        %add3A_389 = arith.constant 0 : i32
        %add3A_390 = arith.addi %add3A_389, %mul3A_388 : i32
        %broadcast_in_dim3A = arith.constant 0.000000e+00 : f32
        %broadcast_in_dim3A_391 = vector.broadcast %broadcast_in_dim3A : f32 to vector<16xf32>
        %scan3A_392 = arith.constant 0 : i32
        %scan3A_393 = arith.constant 5 : i32
        %scan3A_394 = arith.addi %scan3A_392, %scan3A_393 : i32
        %scan3A_395 = arith.constant 1 : i32
        %scan3A_396:2 = scf.for %scan3A_405 = %scan3A_392 to %scan3A_394 step %scan3A_395 iter_args(%scan3A_406 = %broadcast_in_dim3A_391, %scan3A_407 = %broadcast_in_dim3A_391) -> (vector<16xf32>, vector<16xf32>)  : i32 {
          %mul3A_408 = arith.constant 10 : i32
          %mul3A_409 = arith.muli %scan3A_405, %mul3A_408 : i32
          %add3A_410 = arith.constant 0 : i32
          %add3A_411 = arith.addi %mul3A_409, %add3A_410 : i32
          %get3A_412 = arith.constant 0 : i32
          %get3A_413 = arith.constant 0 : i32
          %get3A_414 = tpu.memref_slice %arg7[%scan3A_377, %get3A_412, %get3A_413] : memref<4x56x384xi32, #tpu.memory_space<vmem>> -> memref<1x56x384xi32, #tpu.memory_space<vmem>>
          %get3A_415 = tpu.memref_squeeze %get3A_414 : memref<1x56x384xi32, #tpu.memory_space<vmem>> -> memref<56x384xi32, #tpu.memory_space<vmem>>
          %get3A_416 = arith.index_cast %add3A_411 : i32 to index
          %get3A_417 = arith.index_cast %add3A_390 : i32 to index
          %get3A_418 = tpu.vector_load %get3A_415[%get3A_416, %get3A_417] {strides = array<i32>} : memref<56x384xi32, #tpu.memory_space<vmem>>, vector<16xi32>,
          %bitcast3A_419 = vector.bitcast %get3A_418 : vector<16xi32> to vector<32xbf16>
          %unpack3A = tpu.unpack_subelements %bitcast3A_419, 0 {pack_format = #tpu.pack_format<interleaved>} : vector<32xbf16> -> vector<16xf32>
          %unpack3A_420 = tpu.unpack_subelements %bitcast3A_419, 1 {pack_format = #tpu.pack_format<interleaved>} : vector<32xbf16> -> vector<16xf32>
          %add3A_421 = arith.addf %scan3A_406, %unpack3A : vector<16xf32>
          %add3A_422 = arith.addf %scan3A_407, %unpack3A_420 : vector<16xf32>
          %add3A_423 = arith.constant 1 : i32
          %add3A_424 = arith.addi %mul3A_409, %add3A_423 : i32
          %get3A_425 = arith.constant 0 : i32
          %get3A_426 = arith.constant 0 : i32
          %get3A_427 = tpu.memref_slice %arg7[%scan3A_377, %get3A_425, %get3A_426] : memref<4x56x384xi32, #tpu.memory_space<vmem>> -> memref<1x56x384xi32, #tpu.memory_space<vmem>>
          %get3A_428 = tpu.memref_squeeze %get3A_427 : memref<1x56x384xi32, #tpu.memory_space<vmem>> -> memref<56x384xi32, #tpu.memory_space<vmem>>
          %get3A_429 = arith.index_cast %add3A_424 : i32 to index
          %get3A_430 = arith.index_cast %add3A_390 : i32 to index
          %get3A_431 = tpu.vector_load %get3A_428[%get3A_429, %get3A_430] {strides = array<i32>} : memref<56x384xi32, #tpu.memory_space<vmem>>, vector<16xi32>,
          %bitcast3A_432 = vector.bitcast %get3A_431 : vector<16xi32> to vector<32xbf16>
          %unpack3A_433 = tpu.unpack_subelements %bitcast3A_432, 0 {pack_format = #tpu.pack_format<interleaved>} : vector<32xbf16> -> vector<16xf32>
          %unpack3A_434 = tpu.unpack_subelements %bitcast3A_432, 1 {pack_format = #tpu.pack_format<interleaved>} : vector<32xbf16> -> vector<16xf32>
          %add3A_435 = arith.addf %add3A_421, %unpack3A_433 : vector<16xf32>
          %add3A_436 = arith.addf %add3A_422, %unpack3A_434 : vector<16xf32>
          %add3A_437 = arith.constant 2 : i32
          %add3A_438 = arith.addi %mul3A_409, %add3A_437 : i32
          %get3A_439 = arith.constant 0 : i32
          %get3A_440 = arith.constant 0 : i32
          %get3A_441 = tpu.memref_slice %arg7[%scan3A_377, %get3A_439, %get3A_440] : memref<4x56x384xi32, #tpu.memory_space<vmem>> -> memref<1x56x384xi32, #tpu.memory_space<vmem>>
          %get3A_442 = tpu.memref_squeeze %get3A_441 : memref<1x56x384xi32, #tpu.memory_space<vmem>> -> memref<56x384xi32, #tpu.memory_space<vmem>>
          %get3A_443 = arith.index_cast %add3A_438 : i32 to index
          %get3A_444 = arith.index_cast %add3A_390 : i32 to index
          %get3A_445 = tpu.vector_load %get3A_442[%get3A_443, %get3A_444] {strides = array<i32>} : memref<56x384xi32, #tpu.memory_space<vmem>>, vector<16xi32>,
          %bitcast3A_446 = vector.bitcast %get3A_445 : vector<16xi32> to vector<32xbf16>
          %unpack3A_447 = tpu.unpack_subelements %bitcast3A_446, 0 {pack_format = #tpu.pack_format<interleaved>} : vector<32xbf16> -> vector<16xf32>
          %unpack3A_448 = tpu.unpack_subelements %bitcast3A_446, 1 {pack_format = #tpu.pack_format<interleaved>} : vector<32xbf16> -> vector<16xf32>
          %add3A_449 = arith.addf %add3A_435, %unpack3A_447 : vector<16xf32>
          %add3A_450 = arith.addf %add3A_436, %unpack3A_448 : vector<16xf32>
          %add3A_451 = arith.constant 3 : i32
          %add3A_452 = arith.addi %mul3A_409, %add3A_451 : i32
          %get3A_453 = arith.constant 0 : i32
          %get3A_454 = arith.constant 0 : i32
          %get3A_455 = tpu.memref_slice %arg7[%scan3A_377, %get3A_453, %get3A_454] : memref<4x56x384xi32, #tpu.memory_space<vmem>> -> memref<1x56x384xi32, #tpu.memory_space<vmem>>
          %get3A_456 = tpu.memref_squeeze %get3A_455 : memref<1x56x384xi32, #tpu.memory_space<vmem>> -> memref<56x384xi32, #tpu.memory_space<vmem>>
          %get3A_457 = arith.index_cast %add3A_452 : i32 to index
          %get3A_458 = arith.index_cast %add3A_390 : i32 to index
          %get3A_459 = tpu.vector_load %get3A_456[%get3A_457, %get3A_458] {strides = array<i32>} : memref<56x384xi32, #tpu.memory_space<vmem>>, vector<16xi32>,
          %bitcast3A_460 = vector.bitcast %get3A_459 : vector<16xi32> to vector<32xbf16>
          %unpack3A_461 = tpu.unpack_subelements %bitcast3A_460, 0 {pack_format = #tpu.pack_format<interleaved>} : vector<32xbf16> -> vector<16xf32>
          %unpack3A_462 = tpu.unpack_subelements %bitcast3A_460, 1 {pack_format = #tpu.pack_format<interleaved>} : vector<32xbf16> -> vector<16xf32>
          %add3A_463 = arith.addf %add3A_449, %unpack3A_461 : vector<16xf32>
          %add3A_464 = arith.addf %add3A_450, %unpack3A_462 : vector<16xf32>
          %add3A_465 = arith.constant 4 : i32
          %add3A_466 = arith.addi %mul3A_409, %add3A_465 : i32
          %get3A_467 = arith.constant 0 : i32
          %get3A_468 = arith.constant 0 : i32
          %get3A_469 = tpu.memref_slice %arg7[%scan3A_377, %get3A_467, %get3A_468] : memref<4x56x384xi32, #tpu.memory_space<vmem>> -> memref<1x56x384xi32, #tpu.memory_space<vmem>>
          %get3A_470 = tpu.memref_squeeze %get3A_469 : memref<1x56x384xi32, #tpu.memory_space<vmem>> -> memref<56x384xi32, #tpu.memory_space<vmem>>
          %get3A_471 = arith.index_cast %add3A_466 : i32 to index
          %get3A_472 = arith.index_cast %add3A_390 : i32 to index
          %get3A_473 = tpu.vector_load %get3A_470[%get3A_471, %get3A_472] {strides = array<i32>} : memref<56x384xi32, #tpu.memory_space<vmem>>, vector<16xi32>,
          %bitcast3A_474 = vector.bitcast %get3A_473 : vector<16xi32> to vector<32xbf16>
          %unpack3A_475 = tpu.unpack_subelements %bitcast3A_474, 0 {pack_format = #tpu.pack_format<interleaved>} : vector<32xbf16> -> vector<16xf32>
          %unpack3A_476 = tpu.unpack_subelements %bitcast3A_474, 1 {pack_format = #tpu.pack_format<interleaved>} : vector<32xbf16> -> vector<16xf32>
          %add3A_477 = arith.addf %add3A_463, %unpack3A_475 : vector<16xf32>
          %add3A_478 = arith.addf %add3A_464, %unpack3A_476 : vector<16xf32>
          %add3A_479 = arith.constant 5 : i32
          %add3A_480 = arith.addi %mul3A_409, %add3A_479 : i32
          %get3A_481 = arith.constant 0 : i32
          %get3A_482 = arith.constant 0 : i32
          %get3A_483 = tpu.memref_slice %arg7[%scan3A_377, %get3A_481, %get3A_482] : memref<4x56x384xi32, #tpu.memory_space<vmem>> -> memref<1x56x384xi32, #tpu.memory_space<vmem>>
          %get3A_484 = tpu.memref_squeeze %get3A_483 : memref<1x56x384xi32, #tpu.memory_space<vmem>> -> memref<56x384xi32, #tpu.memory_space<vmem>>
          %get3A_485 = arith.index_cast %add3A_480 : i32 to index
          %get3A_486 = arith.index_cast %add3A_390 : i32 to index
          %get3A_487 = tpu.vector_load %get3A_484[%get3A_485, %get3A_486] {strides = array<i32>} : memref<56x384xi32, #tpu.memory_space<vmem>>, vector<16xi32>,
          %bitcast3A_488 = vector.bitcast %get3A_487 : vector<16xi32> to vector<32xbf16>
          %unpack3A_489 = tpu.unpack_subelements %bitcast3A_488, 0 {pack_format = #tpu.pack_format<interleaved>} : vector<32xbf16> -> vector<16xf32>
          %unpack3A_490 = tpu.unpack_subelements %bitcast3A_488, 1 {pack_format = #tpu.pack_format<interleaved>} : vector<32xbf16> -> vector<16xf32>
          %add3A_491 = arith.addf %add3A_477, %unpack3A_489 : vector<16xf32>
          %add3A_492 = arith.addf %add3A_478, %unpack3A_490 : vector<16xf32>
          %add3A_493 = arith.constant 6 : i32
          %add3A_494 = arith.addi %mul3A_409, %add3A_493 : i32
          %get3A_495 = arith.constant 0 : i32
          %get3A_496 = arith.constant 0 : i32
          %get3A_497 = tpu.memref_slice %arg7[%scan3A_377, %get3A_495, %get3A_496] : memref<4x56x384xi32, #tpu.memory_space<vmem>> -> memref<1x56x384xi32, #tpu.memory_space<vmem>>
          %get3A_498 = tpu.memref_squeeze %get3A_497 : memref<1x56x384xi32, #tpu.memory_space<vmem>> -> memref<56x384xi32, #tpu.memory_space<vmem>>
          %get3A_499 = arith.index_cast %add3A_494 : i32 to index
          %get3A_500 = arith.index_cast %add3A_390 : i32 to index
          %get3A_501 = tpu.vector_load %get3A_498[%get3A_499, %get3A_500] {strides = array<i32>} : memref<56x384xi32, #tpu.memory_space<vmem>>, vector<16xi32>,
          %bitcast3A_502 = vector.bitcast %get3A_501 : vector<16xi32> to vector<32xbf16>
          %unpack3A_503 = tpu.unpack_subelements %bitcast3A_502, 0 {pack_format = #tpu.pack_format<interleaved>} : vector<32xbf16> -> vector<16xf32>
          %unpack3A_504 = tpu.unpack_subelements %bitcast3A_502, 1 {pack_format = #tpu.pack_format<interleaved>} : vector<32xbf16> -> vector<16xf32>
          %add3A_505 = arith.addf %add3A_491, %unpack3A_503 : vector<16xf32>
          %add3A_506 = arith.addf %add3A_492, %unpack3A_504 : vector<16xf32>
          %add3A_507 = arith.constant 7 : i32
          %add3A_508 = arith.addi %mul3A_409, %add3A_507 : i32
          %get3A_509 = arith.constant 0 : i32
          %get3A_510 = arith.constant 0 : i32
          %get3A_511 = tpu.memref_slice %arg7[%scan3A_377, %get3A_509, %get3A_510] : memref<4x56x384xi32, #tpu.memory_space<vmem>> -> memref<1x56x384xi32, #tpu.memory_space<vmem>>
          %get3A_512 = tpu.memref_squeeze %get3A_511 : memref<1x56x384xi32, #tpu.memory_space<vmem>> -> memref<56x384xi32, #tpu.memory_space<vmem>>
          %get3A_513 = arith.index_cast %add3A_508 : i32 to index
          %get3A_514 = arith.index_cast %add3A_390 : i32 to index
          %get3A_515 = tpu.vector_load %get3A_512[%get3A_513, %get3A_514] {strides = array<i32>} : memref<56x384xi32, #tpu.memory_space<vmem>>, vector<16xi32>,
          %bitcast3A_516 = vector.bitcast %get3A_515 : vector<16xi32> to vector<32xbf16>
          %unpack3A_517 = tpu.unpack_subelements %bitcast3A_516, 0 {pack_format = #tpu.pack_format<interleaved>} : vector<32xbf16> -> vector<16xf32>
          %unpack3A_518 = tpu.unpack_subelements %bitcast3A_516, 1 {pack_format = #tpu.pack_format<interleaved>} : vector<32xbf16> -> vector<16xf32>
          %add3A_519 = arith.addf %add3A_505, %unpack3A_517 : vector<16xf32>
          %add3A_520 = arith.addf %add3A_506, %unpack3A_518 : vector<16xf32>
          %add3A_521 = arith.constant 8 : i32
          %add3A_522 = arith.addi %mul3A_409, %add3A_521 : i32
          %get3A_523 = arith.constant 0 : i32
          %get3A_524 = arith.constant 0 : i32
          %get3A_525 = tpu.memref_slice %arg7[%scan3A_377, %get3A_523, %get3A_524] : memref<4x56x384xi32, #tpu.memory_space<vmem>> -> memref<1x56x384xi32, #tpu.memory_space<vmem>>
          %get3A_526 = tpu.memref_squeeze %get3A_525 : memref<1x56x384xi32, #tpu.memory_space<vmem>> -> memref<56x384xi32, #tpu.memory_space<vmem>>
          %get3A_527 = arith.index_cast %add3A_522 : i32 to index
          %get3A_528 = arith.index_cast %add3A_390 : i32 to index
          %get3A_529 = tpu.vector_load %get3A_526[%get3A_527, %get3A_528] {strides = array<i32>} : memref<56x384xi32, #tpu.memory_space<vmem>>, vector<16xi32>,
          %bitcast3A_530 = vector.bitcast %get3A_529 : vector<16xi32> to vector<32xbf16>
          %unpack3A_531 = tpu.unpack_subelements %bitcast3A_530, 0 {pack_format = #tpu.pack_format<interleaved>} : vector<32xbf16> -> vector<16xf32>
          %unpack3A_532 = tpu.unpack_subelements %bitcast3A_530, 1 {pack_format = #tpu.pack_format<interleaved>} : vector<32xbf16> -> vector<16xf32>
          %add3A_533 = arith.addf %add3A_519, %unpack3A_531 : vector<16xf32>
          %add3A_534 = arith.addf %add3A_520, %unpack3A_532 : vector<16xf32>
          %add3A_535 = arith.constant 9 : i32
          %add3A_536 = arith.addi %mul3A_409, %add3A_535 : i32
          %get3A_537 = arith.constant 0 : i32
          %get3A_538 = arith.constant 0 : i32
          %get3A_539 = tpu.memref_slice %arg7[%scan3A_377, %get3A_537, %get3A_538] : memref<4x56x384xi32, #tpu.memory_space<vmem>> -> memref<1x56x384xi32, #tpu.memory_space<vmem>>
          %get3A_540 = tpu.memref_squeeze %get3A_539 : memref<1x56x384xi32, #tpu.memory_space<vmem>> -> memref<56x384xi32, #tpu.memory_space<vmem>>
          %get3A_541 = arith.index_cast %add3A_536 : i32 to index
          %get3A_542 = arith.index_cast %add3A_390 : i32 to index
          %get3A_543 = tpu.vector_load %get3A_540[%get3A_541, %get3A_542] {strides = array<i32>} : memref<56x384xi32, #tpu.memory_space<vmem>>, vector<16xi32>,
          %bitcast3A_544 = vector.bitcast %get3A_543 : vector<16xi32> to vector<32xbf16>
          %unpack3A_545 = tpu.unpack_subelements %bitcast3A_544, 0 {pack_format = #tpu.pack_format<interleaved>} : vector<32xbf16> -> vector<16xf32>
          %unpack3A_546 = tpu.unpack_subelements %bitcast3A_544, 1 {pack_format = #tpu.pack_format<interleaved>} : vector<32xbf16> -> vector<16xf32>
          %add3A_547 = arith.addf %add3A_533, %unpack3A_545 : vector<16xf32>
          %add3A_548 = arith.addf %add3A_534, %unpack3A_546 : vector<16xf32>
          scf.yield %add3A_547, %add3A_548 : vector<16xf32>, vector<16xf32>
        }
        %scan3A_397 = arith.constant 5 : i32
        %mul3A_398 = vector.broadcast %squeeze3A : f32 to vector<16xf32>
        %mul3A_399 = arith.mulf %scan3A_396#0, %mul3A_398 : vector<16xf32>
        %mul3A_400 = vector.broadcast %squeeze3A : f32 to vector<16xf32>
        %mul3A_401 = arith.mulf %scan3A_396#1, %mul3A_400 : vector<16xf32>
        %pack3A = tpu.pack_subelements %mul3A_399, %mul3A_401 {pack_format = #tpu.pack_format<interleaved>, positions = array<i32: 0, 1>} : vector<16xf32>, vector<16xf32> -> vector<32xbf16>
        %bitcast3A = vector.bitcast %pack3A : vector<32xbf16> to vector<16xi32>
        %swap3A = arith.constant 7 : i32
        %swap3A_402 = arith.index_cast %swap3A : i32 to index
        %swap3A_403 = arith.index_cast %add3A_390 : i32 to index
        %swap3A_404 = tpu.vector_load %arg8[%swap3A_402, %swap3A_403] {strides = array<i32>} : memref<8x384xi32, #tpu.memory_space<vmem>>, vector<16xi32>,
        tpu.vector_store %arg8[%swap3A_402, %swap3A_403], %bitcast3A {strides = array<i32>} : memref<8x384xi32, #tpu.memory_space<vmem>>, vector<16xi32>,
      }
      %scan3A_382 = arith.constant 24 : i32
      %mul3A_383 = arith.constant 128 : i32
      %mul3A_384 = arith.muli %add3A, %mul3A_383 : i32
      %add3A_385 = arith.addi %mul3A_384, %mul3A_87 : i32
      "tpu.region"() ({
        %run_scoped3A = tpu.sem_alloc : memref<!tpu.dma_semaphore, #tpu.memory_space<semaphore_mem>>
        %dma_start3A_386 = arith.constant 0 : i32
        %dma_start3A_387 = tpu.memref_slice %arg5[%add3A_385, %dma_start3A_386] : memref<4096x384xi32, #tpu.memory_space<hbm>> -> memref<8x384xi32, #tpu.memory_space<hbm>>
        %dma_start3A_388 = arith.constant 0 : i32
        %dma_start3A_389 = tpu.memref_slice %arg5[%add3A_385, %dma_start3A_388] : memref<4096x384xi32, #tpu.memory_space<hbm>> -> memref<8x384xi32, #tpu.memory_space<hbm>>
        tpu.enqueue_dma source(%arg8 : memref<8x384xi32, #tpu.memory_space<vmem>>) target(%dma_start3A_389 : memref<8x384xi32, #tpu.memory_space<hbm>>) target_semaphore(%run_scoped3A : memref<!tpu.dma_semaphore, #tpu.memory_space<semaphore_mem>>)
        %dma_wait3A_390 = arith.constant 0 : i32
        %dma_wait3A_391 = tpu.memref_slice %arg5[%add3A_385, %dma_wait3A_390] : memref<4096x384xi32, #tpu.memory_space<hbm>> -> memref<8x384xi32, #tpu.memory_space<hbm>>
        %dma_wait3A_392 = arith.constant 0 : i32
        %dma_wait3A_393 = tpu.memref_slice %arg5[%add3A_385, %dma_wait3A_392] : memref<4096x384xi32, #tpu.memory_space<hbm>> -> memref<8x384xi32, #tpu.memory_space<hbm>>
        tpu.wait_dma2 semaphore(%run_scoped3A : memref<!tpu.dma_semaphore, #tpu.memory_space<semaphore_mem>>) src(%arg8 : memref<8x384xi32, #tpu.memory_space<vmem>>) dst(%dma_wait3A_393 : memref<8x384xi32, #tpu.memory_space<hbm>>)
        tpu.yield
      }) : () -> ()
    }
    %scan3A_45 = arith.constant 16 : i32
    %dma_wait3A = arith.constant 0 : i32
    %dma_wait3A_46 = arith.constant 0 : i32
    %dma_wait3A_47 = arith.constant 0 : i32
    %dma_wait3A_48 = arith.constant 0 : i32
    %dma_wait3A_49 = tpu.memref_slice %arg7[%dma_wait3A_46, %dma_wait3A_47, %dma_wait3A_48] : memref<4x56x384xi32, #tpu.memory_space<vmem>> -> memref<1x56x384xi32, #tpu.memory_space<vmem>>
    %dma_wait3A_50 = tpu.memref_squeeze %dma_wait3A_49 : memref<1x56x384xi32, #tpu.memory_space<vmem>> -> memref<56x384xi32, #tpu.memory_space<vmem>>
    %dma_wait3A_51 = arith.constant 0 : i32
    %dma_wait3A_52 = tpu.memref_slice %arg6[%dma_wait3A, %dma_wait3A_51] : memref<128x56xi32, #tpu.memory_space<vmem>> -> memref<1x56xi32, #tpu.memory_space<vmem>>
    %dma_wait3A_53 = tpu.memref_squeeze %dma_wait3A_52 : memref<1x56xi32, #tpu.memory_space<vmem>> -> memref<56xi32, #tpu.memory_space<vmem>>
    %dma_wait3A_54 = arith.constant 0 : i32
    %dma_wait3A_55 = arith.constant 0 : i32
    %dma_wait3A_56 = tpu.memref_slice %arg3[%dma_wait3A_54, %dma_wait3A_55] : memref<30522x384xi32, #tpu.memory_space<hbm>> -> memref<30522x384xi32, #tpu.memory_space<hbm>>
    tpu.wait_indirect_dma semaphore(%arg9 : memref<!tpu.dma_semaphore, #tpu.memory_space<semaphore_mem>>) src(%dma_wait3A_56 : memref<30522x384xi32, #tpu.memory_space<hbm>>) dst(%dma_wait3A_50 : memref<56x384xi32, #tpu.memory_space<vmem>>)
    %dma_wait3A_57 = arith.constant 0 : i32
    %dma_wait3A_58 = arith.constant 1 : i32
    %dma_wait3A_59 = arith.constant 0 : i32
    %dma_wait3A_60 = arith.constant 0 : i32
    %dma_wait3A_61 = tpu.memref_slice %arg7[%dma_wait3A_58, %dma_wait3A_59, %dma_wait3A_60] : memref<4x56x384xi32, #tpu.memory_space<vmem>> -> memref<1x56x384xi32, #tpu.memory_space<vmem>>
    %dma_wait3A_62 = tpu.memref_squeeze %dma_wait3A_61 : memref<1x56x384xi32, #tpu.memory_space<vmem>> -> memref<56x384xi32, #tpu.memory_space<vmem>>
    %dma_wait3A_63 = arith.constant 0 : i32
    %dma_wait3A_64 = tpu.memref_slice %arg6[%dma_wait3A_57, %dma_wait3A_63] : memref<128x56xi32, #tpu.memory_space<vmem>> -> memref<1x56xi32, #tpu.memory_space<vmem>>
    %dma_wait3A_65 = tpu.memref_squeeze %dma_wait3A_64 : memref<1x56xi32, #tpu.memory_space<vmem>> -> memref<56xi32, #tpu.memory_space<vmem>>
    %dma_wait3A_66 = arith.constant 0 : i32
    %dma_wait3A_67 = arith.constant 0 : i32
    %dma_wait3A_68 = tpu.memref_slice %arg3[%dma_wait3A_66, %dma_wait3A_67] : memref<30522x384xi32, #tpu.memory_space<hbm>> -> memref<30522x384xi32, #tpu.memory_space<hbm>>
    tpu.wait_indirect_dma semaphore(%arg10 : memref<!tpu.dma_semaphore, #tpu.memory_space<semaphore_mem>>) src(%dma_wait3A_68 : memref<30522x384xi32, #tpu.memory_space<hbm>>) dst(%dma_wait3A_62 : memref<56x384xi32, #tpu.memory_space<vmem>>)
    %dma_wait3A_69 = arith.constant 0 : i32
    %dma_wait3A_70 = arith.constant 2 : i32
    %dma_wait3A_71 = arith.constant 0 : i32
    %dma_wait3A_72 = arith.constant 0 : i32
    %dma_wait3A_73 = tpu.memref_slice %arg7[%dma_wait3A_70, %dma_wait3A_71, %dma_wait3A_72] : memref<4x56x384xi32, #tpu.memory_space<vmem>> -> memref<1x56x384xi32, #tpu.memory_space<vmem>>
    %dma_wait3A_74 = tpu.memref_squeeze %dma_wait3A_73 : memref<1x56x384xi32, #tpu.memory_space<vmem>> -> memref<56x384xi32, #tpu.memory_space<vmem>>
    %dma_wait3A_75 = arith.constant 0 : i32
    %dma_wait3A_76 = tpu.memref_slice %arg6[%dma_wait3A_69, %dma_wait3A_75] : memref<128x56xi32, #tpu.memory_space<vmem>> -> memref<1x56xi32, #tpu.memory_space<vmem>>
    %dma_wait3A_77 = tpu.memref_squeeze %dma_wait3A_76 : memref<1x56xi32, #tpu.memory_space<vmem>> -> memref<56xi32, #tpu.memory_space<vmem>>
    %dma_wait3A_78 = arith.constant 0 : i32
    %dma_wait3A_79 = arith.constant 0 : i32
    %dma_wait3A_80 = tpu.memref_slice %arg3[%dma_wait3A_78, %dma_wait3A_79] : memref<30522x384xi32, #tpu.memory_space<hbm>> -> memref<30522x384xi32, #tpu.memory_space<hbm>>
    tpu.wait_indirect_dma semaphore(%arg11 : memref<!tpu.dma_semaphore, #tpu.memory_space<semaphore_mem>>) src(%dma_wait3A_80 : memref<30522x384xi32, #tpu.memory_space<hbm>>) dst(%dma_wait3A_74 : memref<56x384xi32, #tpu.memory_space<vmem>>)
    return
  }
}

</mosaic_0001>

<sc_bundles>
// kernel: _pooled_lookup.3.cloned.1.call-start
scs
__scs_entry_jumppad:
0x0: {  	(pc) =	sbr.rel $0x88, $3  }
0x1: {  	(tag) =	ssettag $0x0;
	lr =	simm.s32 $0x1  }
0x2: {  	[smem:$0x3F9F] =	sst lr;
	_ =	strace $0xD0000000  }
0x3: {  	_ = 	snop  }
0x4: {  	_ = 	snop  }
0x5: {  	_ = 	snop  }
0x6: {  	_ = 	snop  }
0x7: {  	_ = 	snop  }
__scs_overlays_trampoline_lowered:
0x8: {  	[smem:$0x3FAE] =	sst s0  }
0x9: {  	[smem:$0x3FAF] =	sst s1  }
0xa: {  	[smem:$0x3FB0] =	sst s2  }
0xb: {  	[smem:$0x3FB1] =	sst s3  }
0xc: {  	[smem:$0x3FB2] =	sst s4  }
0xd: {  	[smem:$0x3FB3] =	sst s5  }
0xe: {  	[smem:$0x3FB4] =	sst s6  }
0xf: {  	[smem:$0x3FB5] =	sst s7  }
0x10: {  	[smem:$0x3FB6] =	sst s8  }
0x11: {  	[smem:$0x3FB7] =	sst s9;
	s0 =	simm.s32 @!p0 $0x0  }
0x12: {  	s1 =	sld [smem:$0x3F9D];
	s0 =	simm.s32 @p0 $0x1  }
0x13: {  	[smem:$0x3FB8] =	sst s0;
	s0 =	simm.s32 @!p1 $0x0  }
0x14: {  	s2 =	sld [smem:$0x3F9C];
	s0 =	simm.s32 @p1 $0x1  }
0x15: {  	[smem:$0x3FB9] =	sst s0;
	s0 =	simm.s32 @!p2 $0x0  }
0x16: {  	s3 =	sld [smem:$0x3FDB];
	s0 =	simm.s32 @p2 $0x1  }
0x17: {  	s4 =	simm.s32 $0x1BF5;
	[smem:$0x3FBB] =	sst s0  }
0x18: {  	s0 =	sld [smem:$0x3F9E];
	_ =	swait.ge [sflag:s4], $0x0  }
0x19: {  	s7 =	sld [smem:$0x3F9F]  }
0x1a: {  	s8 =	sadd.s32 $0xFFFFE003, lr  }
0x1b: {  	s9 =	sadd.s32 $0xFFFFFEF7, lr;
	s5 =	simm.s32 $0xFFFFFFFF;
	p2 =	slt.u32 s8, $0xFFFFF086  }
0x1c: {  	p1 =	slt.u32 s9, $0xF7A;
	s5 =	simm.s32 @!p2 $0x0  }
0x1d: {  	s5 =	simm.s32 @p1 $0x1;
	p0 =	seq.s32 s7, s2  }
0x1e: {  	s7 =	smul.u32 @!p0 $0xF7A, s2;
	p2 =	seq.s32 @!p0 s5, $0x0  }
0x1f: {  	s9 =	smul.u32 $0xF7A, s1;
	s8 =	simm.s32 @!p0 $0x1BF5;
	p2 =	por !p2, p0  }
0x20: {  	[sflag:s8] =	ssyncset.s32 @!p0 $0xFFFFF086;
	s6 =	sadd.s32 @!p0 s3, s7;
	s7 =	simm.s32 @!p0 $0x108  }
0x21: {  	s3 =	sadd.s32 s3, s9;
	s6 =	sadd.s32 @!p0 $0x88, s6;
	s7 =	simm.s32 @p2 $0x1082  }
0x22: {  	[simem:s7], [sflag:s8] =	dma.local @!p0 [hbm:s6], $0xF7A  }
0x23: {  	s9 =	sor.u32 $0xD0000000, s2;
	s6 =	simm.s32 $0x108;
	_ =	swait.ge @!p0 [sflag:s8], $0x0  }
0x24: {  	s3 =	sadd.s32 $0x88, s3;
	s6 =	simm.s32 @!p1 $0x1082;
	[sflag:s4] =	ssyncset.s32 $0xFFFFF086  }
0x25: {  	[simem:s6], [sflag:s4] =	dma.local [hbm:s3], $0xF7A  }
0x26: {  	[smem:$0x3F9F] =	sst s1;
	(tag) =	ssettag s2;
	_ =	strace s9  }
0x27: {  	s1 =	sld [smem:$0x3FAF]  }
0x28: {  	s2 =	sld [smem:$0x3FB0]  }
0x29: {  	s4 =	sld [smem:$0x3FB2]  }
0x2a: {  	p0 =	seq.s32 s5, $0x0;
	s5 =	sld [smem:$0x3FB3]  }
0x2b: {  	s6 =	sld [smem:$0x3FB4]  }
0x2c: {  	s7 =	sld [smem:$0x3FB5]  }
0x2d: {  	s3 =	simm.s32 $0x108;
	s8 =	sld [smem:$0x3FB6]  }
0x2e: {  	s3 =	simm.s32 @!p0 $0x1082;
	s9 =	sld [smem:$0x3FB7]  }
0x2f: {  	lr =	sadd.s32 s0, s3;
	s0 =	sld [smem:$0x3FAE]  }
0x30: {  	s3 =	sld [smem:$0x3FB1]  }
0x31: {  	[smem:$0x3FBA] =	sst s10  }
0x32: {  	s10 =	sld [smem:$0x3FB8];
	_ =	sdelay $0x3  }
0x33: {  	p0 =	seq.s32 s10, $0x1;
	s10 =	sld [smem:$0x3FBA];
	_ =	sdelay $0x3  }
0x34: {  	[smem:$0x3FBA] =	sst s10  }
0x35: {  	s10 =	sld [smem:$0x3FB9];
	_ =	sdelay $0x3  }
0x36: {  	p1 =	seq.s32 s10, $0x1;
	s10 =	sld [smem:$0x3FBA];
	_ =	sdelay $0x3  }
0x37: {  	[smem:$0x3FBA] =	sst s10  }
0x38: {  	s10 =	sld [smem:$0x3FBB]  }
0x39: {  	_ = 	snop;
	(pc) =	sbr.ind lr, $3  }
0x3a: {  	_ = 	snop  }
0x3b: {  	_ = 	snop  }
0x3c: {  	p2 =	seq.s32 s10, $0x1;
	s10 =	sld [smem:$0x3FBA]  }
0x3d: {  	_ =	shalt  }
0x3e: {  	_ =	shalt  }
0x3f: {  	_ =	shalt  }
0x40: {  	_ =	shalt  }
0x41: {  	_ =	shalt  }
0x42: {  	_ =	shalt  }
0x43: {  	_ =	shalt  }
0x44: {  	_ =	shalt  }
0x45: {  	_ =	shalt  }
0x46: {  	_ =	shalt  }
0x47: {  	_ =	shalt  }
0x48: {  	_ =	shalt  }
0x49: {  	_ =	shalt  }
0x4a: {  	_ =	shalt  }
0x4b: {  	_ =	shalt  }
0x4c: {  	_ =	shalt  }
0x4d: {  	_ =	shalt  }
0x4e: {  	_ =	shalt  }
0x4f: {  	_ =	shalt  }
0x50: {  	_ =	shalt  }
0x51: {  	_ =	shalt  }
0x52: {  	_ =	shalt  }
0x53: {  	_ =	shalt  }
0x54: {  	_ =	shalt  }
0x55: {  	_ =	shalt  }
0x56: {  	_ =	shalt  }
0x57: {  	_ =	shalt  }
0x58: {  	_ =	shalt  }
0x59: {  	_ =	shalt  }
0x5a: {  	_ =	shalt  }
0x5b: {  	_ =	shalt  }
0x5c: {  	_ =	shalt  }
0x5d: {  	_ =	shalt  }
0x5e: {  	_ =	shalt  }
0x5f: {  	_ =	shalt  }
0x60: {  	_ =	shalt  }
0x61: {  	_ =	shalt  }
0x62: {  	_ =	shalt  }
0x63: {  	_ =	shalt  }
0x64: {  	_ =	shalt  }
0x65: {  	_ =	shalt  }
0x66: {  	_ =	shalt  }
0x67: {  	_ =	shalt  }
0x68: {  	_ =	shalt  }
0x69: {  	_ =	shalt  }
0x6a: {  	_ =	shalt  }
0x6b: {  	_ =	shalt  }
0x6c: {  	_ =	shalt  }
0x6d: {  	_ =	shalt  }
0x6e: {  	_ =	shalt  }
0x6f: {  	_ =	shalt  }
0x70: {  	_ =	shalt  }
0x71: {  	_ =	shalt  }
0x72: {  	_ =	shalt  }
0x73: {  	_ =	shalt  }
0x74: {  	_ =	shalt  }
0x75: {  	_ =	shalt  }
0x76: {  	_ =	shalt  }
0x77: {  	_ =	shalt  }
0x78: {  	_ =	shalt  }
0x79: {  	_ =	shalt  }
0x7a: {  	_ =	shalt  }
0x7b: {  	_ =	shalt  }
0x7c: {  	_ =	shalt  }
0x7d: {  	_ =	shalt  }
0x7e: {  	_ =	shalt  }
0x7f: {  	_ =	shalt  }
0x80: {  	_ =	shalt  }
0x81: {  	_ =	shalt  }
0x82: {  	_ =	shalt  }
0x83: {  	_ =	shalt  }
0x84: {  	_ =	shalt  }
0x85: {  	_ =	shalt  }
0x86: {  	_ =	shalt  }
0x87: {  	_ =	shalt  }
.Lfunc_end0:
.L_simem_size_0:
called_computation_lowered:
.L_overlay_start_0:
0x88: {  	s2 =	sld [smem:$0x3FD9]  }
0x89: {  	s3 =	sld [smem:$0x3FFE];
	_ =	sdelay $0x1  }
0x8a: {  	s1 =	srdreg.scid  }
0x8b: {  	s0 =	sand.u32 $0x1, s1  }
0x8c: {  	s17 =	sshll.u32 s0, $0xA;
	s2 =	sadd.s32 s3, s2  }
0x8d: {  	s2 =	sadd.s32 s2, s17  }
0x8e: {  	[smem:$0x3FC6] =	sst s2  }
0x8f: {  	_ = 	snop  }
0x90: {  	s2 =	sld [smem:$0x3FC8]  }
0x91: {  	s18 =	sld [smem:$0x3FD0];
	(tm) =	ssettm $0x1  }
0x92: {  	s4 =	sld [smem:$0x3FFB];
	_ =	sdelay $0x3  }
0x93: {  	_ =	strace s4  }
0x94: {  	s4 =	sld [smem:$0x3FFC];
	_ =	sdelay $0x3  }
0x95: {  	_ =	strace s4  }
0x96: {  	s4 =	sld [smem:$0x3FFD];
	_ =	sdelay $0x3  }
0x97: {  	_ =	strace s4  }
0x98: {  	_ =	strace $0x8FFFFFFF  }
0x99: {  	s19 =	sld [smem:$0x3FDB];
	_ =	sdelay $0x1  }
0x9a: {  	s5 =	simm.s32 $_scs_section_size  }
0x9b: {  	s6 =	simm.s32 $_size__tile_overlayer_lowered;
	s7 =	simm.s32 $_tile_overlayer_lowered  }
0x9c: {  	s22 =	simm.s32 $0x1BFF;
	s21 =	sshll.u32 s7, $0x1;
	s4 =	sadd.s32 s5, s19  }
0x9d: {  	s8 =	simm.s32 $0x0;
	s20 =	sshll.u32 s6, $0x1;
	s6 =	sadd.s32 s21, s4  }
0x9e: {  	[timem:s8], [sflag:s22] =	dma.local [hbm:s6], s20  }
0x9f: {  	_ =	swait.ge [sflag:s22], s20  }
0xa0: {  	s5 =	ssub.s32 $0x0, s20;
	[sflag:s22] =	ssyncset.done $0x0  }
0xa1: {  	[sflag:s22] =	ssyncadd.s32 s5;
	_ =	sdelay $0x1  }
0xa2: {  	s23 =	simm.s32 $0x1B8B  }
0xa3: {  	_ =	swait.ge [sflag:s23], $0x1  }
0xa4: {  	[sflag:s23] =	ssyncset.done $0x0  }
0xa5: {  	s25 =	simm.s32 $0x1B8E;
	s24 =	sld [smem:$0x3FFE];
	[sflag:s23] =	ssyncadd.s32 $0xFFFFFFFF  }
0xa6: {  	s26 =	simm.s32 $execute0_lowered;
	[smem:$0x3FD2] =	sst s25  }
0xa7: {  	s6 =	sshll.u32 s26, $0x1;
	_ =	strace $0x80000046;
	[dreg:$0x1] =	wrdreg $0xFFFFFFFF  }
0xa8: {  	s28 =	simm.s32 $_size_execute0_lowered;
	s4 =	sadd.s32 s4, s6;
	[dreg:$0x0] =	wrdreg $0x0  }
0xa9: {  	s6 =	sshll.u32 s28, $0x1;
	[dreg:$0x2] =	wrdreg s4  }
0xaa: {  	[dreg:$0x3] =	wrdreg s6  }
0xab: {  	[dreg:$0x4] =	wrdreg $0xC0  }
0xac: {  	_ =	task [dreg:s8], $0x5FFFF  }
0xad: {  	[dreg:$0x1] =	wrdreg $0xFFFFFFFF  }
0xae: {  	[dreg:$0x0] =	wrdreg $0x60  }
0xaf: {  	[dreg:$0x2] =	wrdreg s24  }
0xb0: {  	[dreg:$0x3] =	wrdreg s2  }
0xb1: {  	[dreg:$0x4] =	wrdreg s18  }
0xb2: {  	[dreg:$0x5] =	wrdreg $0x9  }
0xb3: {  	_ =	task.clear_ibuf [dreg:s8], $0x6FFFF;
	_ =	strace $0x90000046  }
0xb4: {  	s29 =	simm.s32 $0x9;
	_ =	strace $0x80000048  }
0xb5: {  	_ =	swait.ge [sflag:s29], $0x1  }
0xb6: {  	[sflag:s29] =	ssyncadd.s32 $0xFFFFFFFF  }
0xb7: {  	_ =	strace $0x90000048  }
0xb8: {  	_ =	sfence  }
0xb9: {  	s30 =	sld [smem:$0x0];
	_ =	sdelay $0x2  }
0xba: {  	s31 =	sshll.u32 s1, $0xD;
	s1 =	sshrl.u32 s1, $0x2  }
0xbb: {  	s3 =	sand.u32 $0x4000, s31;
	s1 =	sadd.s32 s1, s30  }
0xbc: {  	s0 =	sor.u32 s3, s0;
	s1 =	sshll.u32 s1, $0x11  }
0xbd: {  	s0 =	sor.u32 s1, s0  }
0xbe: {  	s0 =	sadd.s32 $0x8F2B, s0  }
0xbf: {  	[sflag:s0] =	ssyncadd.remote.s32 $0x1  }
0xc0: {  	_ =	sfence.sel $0xFFFF  }
0xc1: {  	[dreg:$0x0] =	wrdreg $0xFFFFFFFF;
	(pc) =	sbr.abs _section_cstart, $3  }
0xc2: {  	[dreg:$0x1] =	wrdreg $0xFFFFFFFF  }
0xc3: {  	_ =	task.clear_ibuf [dreg:s8], $0x2FFFF;
	_ =	strace $0x9FFFFFFF  }
0xc4: {  	(tm) =	ssettm $0x7FFFFFFF  }
0xc5: {  	_ =	shalt  }
tec
execute0_lowered:
.L_overlay_start_1:
0x0: {  	(tag) =	ssettag $0x1  }
0x1: {  	s0 =	rddreg [dreg:$0x0]  }
0x2: {  	s2 =	rddreg [dreg:$0x1]  }
0x3: {  	s1 =	srdreg.scid;
	s3 =	stileid.u32;
	s4 =	simm.s32 $0x0  }
0x4: {  	s1 =	sand.u32 $0x1, s1;
	s3 =	sshll.u32 s3, $0x1;
	[smem:$0x7FF] =	sst s4  }
0x5: {  	s3 =	sor.u32 s1, s3;
	_ =	strace $0x80000047;
	s1 =	ssub.s32 $0x2, s1  }
0x6: {  	s5 =	sshll.u32 s3, $0xB;
	s28 =	sshrl.u32 s1, $0x1;
	s31 =	sshll.u32 s3, $0x4  }
0x7: {  	s5 =	sadd.s32 s5, s0;
	s0 =	sadd.s32 $0x10400, s0;
	[dreg:$0x6] =	wrdreg s31  }
0x8: {  	v2 =	vlaneseq.u32;
	[dreg:$0x4] =	wrdreg s0;
	s0 =	ssub.s32 s1, s28;
	s29 =	sadd.s32 $0x400, s5  }
0x9: {  	s30 =	simm.s32 $0x3;
	vm0 =	vmmov $0xffff;
	vm1 =	vmmov $0xff;
	v1 =	vshrl.u32 v2, $0x3;
	[dreg:$0x5] =	wrdreg s29;
	s0 =	smax.u32 s0, $0x1  }
0xa: {  	s7 =	sadd.s32 $0x100, s2;
	v0 =	vand.u32 $0x7, v2;
	v2 =	vor.u32 $0x8, v2;
	v1 =	vmul.u32 $0x8, v1;
	s1 =	simm.s32 $0x0;
	[dreg:$0x7] =	wrdreg s0  }
.LBB2_1:
0xb: {  	[dreg:$0x8] =	wrdreg s1;
	s0 =	simm.s32 $0x0  }
0xc: {  	s11 =	rddreg [dreg:$0x4];
	s3 =	simm.s32 $0x19C00;
	s12 =	simm.s32 $0x5  }
0xd: {  	[tilespmem:s3], [sflag:$0x5] =	stream.linear.gather [hbm4b:s11+s0], $0x1, $0x38;
	[tilespmem:$0x19C80] =	vst v63  }
0xe: {  	_ =	swait.ge [sflag:s12], $0x1  }
0xf: {  	[sflag:s12] =	ssyncset.done $0x0  }
0x10: {  	s13 =	rddreg [dreg:$0x5];
	[sflag:s12] =	ssyncadd.s32 $0xFFFFFFFF  }
0x11: {  	v3 =	vld.msk [tilespmem:$0x19C00 ss:$0x0], $0xffff;
	[tilespmem:s0], [sflag:$0x5] =	stream.linear.gather [hbm4b:s13+s0], $0x4000, $0x38  }
0x12: {  	_ =	swait.ge [sflag:s12], $0x4000  }
0x13: {  	[sflag:s12] =	ssyncset.done $0x0  }
0x14: {  	[sflag:s12] =	ssyncadd.s32 $0xFFFFC000  }
0x15: {  	v4 =	vld [tilespmem:$0x0];
	_ =	sdelay $0x4  }
0x16: {  	v5 =	vshrl.u32 v4, $0x3  }
0x17: {  	v5 =	vmul.u32 $0x18, v5  }
0x18: {  	v4 =	vand.u32 $0x7, v4  }
0x19: {  	v4 =	vor.u32 v4, v5  }
0x1a: {  	v5 =	vperm.xlane v4, v0;
	_ =	sdelay $0x1  }
0x1b: {  	v5 =	vadd.s32 v1, v5;
	_ =	sdelay $0x1  }
0x1c: {  	v4 =	vperm.xlane v4, v2;
	_ =	sdelay $0x1  }
0x1d: {  	s14 =	simm.s32 $0x4000;
	v4 =	vadd.s32 v1, v4  }
0x1e: {  	[tilespmem:s14], [sflag:$0x1] =	stream.indirect_vreg.gather [hbm4b:s2+s0], $0x80, v5, vm0, $0xb8;
	[tilespmem:$0x19C80] =	vst v63  }
0x1f: {  	s15 =	simm.s32 $0x4800  }
0x20: {  	[tilespmem:s15], [sflag:$0x1] =	stream.indirect_vreg.gather [hbm4b:s7+s0], $0x80, v5, vm1, $0xb8;
	[tilespmem:$0x19C80] =	vst v63  }
0x21: {  	s16 =	simm.s32 $0x4C00  }
0x22: {  	[tilespmem:s16], [sflag:$0x1] =	stream.indirect_vreg.gather [hbm4b:s2+s0], $0x80, v4, vm0, $0xb8;
	[tilespmem:$0x19C80] =	vst v63  }
0x23: {  	s17 =	simm.s32 $0x5400  }
0x24: {  	[tilespmem:s17], [sflag:$0x1] =	stream.indirect_vreg.gather [hbm4b:s7+s0], $0x80, v4, vm1, $0xb8;
	[tilespmem:$0x19C80] =	vst v63  }
0x25: {  	v4 =	vld [tilespmem:$0x10];
	_ =	sdelay $0x4  }
0x26: {  	v5 =	vshrl.u32 v4, $0x3  }
0x27: {  	v5 =	vmul.u32 $0x18, v5  }
0x28: {  	v4 =	vand.u32 $0x7, v4  }
0x29: {  	v4 =	vor.u32 v4, v5  }
0x2a: {  	v5 =	vperm.xlane v4, v0;
	_ =	sdelay $0x1  }
0x2b: {  	v5 =	vadd.s32 v1, v5;
	_ =	sdelay $0x1  }
0x2c: {  	v4 =	vperm.xlane v4, v2;
	_ =	sdelay $0x1  }
0x2d: {  	s18 =	simm.s32 $0x5800;
	v4 =	vadd.s32 v1, v4  }
0x2e: {  	[tilespmem:s18], [sflag:$0x1] =	stream.indirect_vreg.gather [hbm4b:s2+s0], $0x80, v5, vm0, $0xb8;
	[tilespmem:$0x19C80] =	vst v63  }
0x2f: {  	s19 =	simm.s32 $0x6000  }
0x30: {  	[tilespmem:s19], [sflag:$0x1] =	stream.indirect_vreg.gather [hbm4b:s7+s0], $0x80, v5, vm1, $0xb8;
	[tilespmem:$0x19C80] =	vst v63  }
0x31: {  	s20 =	simm.s32 $0x6400  }
0x32: {  	[tilespmem:s20], [sflag:$0x1] =	stream.indirect_vreg.gather [hbm4b:s2+s0], $0x80, v4, vm0, $0xb8;
	[tilespmem:$0x19C80] =	vst v63  }
0x33: {  	s21 =	simm.s32 $0x6C00  }
0x34: {  	[tilespmem:s21], [sflag:$0x1] =	stream.indirect_vreg.gather [hbm4b:s7+s0], $0x80, v4, vm1, $0xb8;
	[tilespmem:$0x19C80] =	vst v63  }
0x35: {  	v4 =	vld [tilespmem:$0x20];
	_ =	sdelay $0x4  }
0x36: {  	v5 =	vshrl.u32 v4, $0x3  }
0x37: {  	v5 =	vmul.u32 $0x18, v5  }
0x38: {  	v4 =	vand.u32 $0x7, v4  }
0x39: {  	v4 =	vor.u32 v4, v5  }
0x3a: {  	v5 =	vperm.xlane v4, v0;
	_ =	sdelay $0x1  }
0x3b: {  	v5 =	vadd.s32 v1, v5;
	_ =	sdelay $0x1  }
0x3c: {  	v4 =	vperm.xlane v4, v2;
	_ =	sdelay $0x1  }
0x3d: {  	s22 =	simm.s32 $0x7000;
	v4 =	vadd.s32 v1, v4  }
0x3e: {  	[tilespmem:s22], [sflag:$0x1] =	stream.indirect_vreg.gather [hbm4b:s2+s0], $0x80, v5, vm0, $0xb8;
	[tilespmem:$0x19C80] =	vst v63  }
0x3f: {  	s23 =	simm.s32 $0x7800  }
0x40: {  	[tilespmem:s23], [sflag:$0x1] =	stream.indirect_vreg.gather [hbm4b:s7+s0], $0x80, v5, vm1, $0xb8;
	[tilespmem:$0x19C80] =	vst v63  }
0x41: {  	s24 =	simm.s32 $0x7C00  }
0x42: {  	[tilespmem:s24], [sflag:$0x1] =	stream.indirect_vreg.gather [hbm4b:s2+s0], $0x80, v4, vm0, $0xb8;
	[tilespmem:$0x19C80] =	vst v63  }
0x43: {  	s25 =	simm.s32 $0x8400  }
0x44: {  	[tilespmem:s25], [sflag:$0x1] =	stream.indirect_vreg.gather [hbm4b:s7+s0], $0x80, v4, vm1, $0xb8;
	[tilespmem:$0x19C80] =	vst v63  }
0x45: {  	v4 =	vld.msk [tilespmem:$0x30], $0xff;
	_ =	sdelay $0x4  }
0x46: {  	v5 =	vshrl.u32 v4, $0x3  }
0x47: {  	v5 =	vmul.u32 $0x18, v5  }
0x48: {  	v4 =	vand.u32 $0x7, v4  }
0x49: {  	v4 =	vor.u32 v4, v5  }
0x4a: {  	v4 =	vperm.xlane v4, v0;
	_ =	sdelay $0x1  }
0x4b: {  	v4 =	vadd.s32 v1, v4;
	_ =	sdelay $0x3  }
0x4c: {  	s26 =	simm.s32 $0x8800  }
0x4d: {  	[tilespmem:s26], [sflag:$0x1] =	stream.indirect_vreg.gather [hbm4b:s2+s0], $0x80, v4, vm0, $0xb8;
	[tilespmem:$0x19C80] =	vst v63  }
0x4e: {  	s28 =	simm.s32 $0x9000  }
0x4f: {  	[tilespmem:s28], [sflag:$0x1] =	stream.indirect_vreg.gather [hbm4b:s7+s0], $0x80, v4, vm1, $0xb8;
	[tilespmem:$0x19C80] =	vst v63  }
0x50: {  	v4 =	vld [tilespmem:$0x80];
	_ =	sdelay $0x4  }
0x51: {  	v5 =	vshrl.u32 v4, $0x3  }
0x52: {  	v5 =	vmul.u32 $0x18, v5  }
0x53: {  	v4 =	vand.u32 $0x7, v4  }
0x54: {  	v4 =	vor.u32 v4, v5  }
0x55: {  	v5 =	vperm.xlane v4, v0;
	_ =	sdelay $0x1  }
0x56: {  	v5 =	vadd.s32 v1, v5;
	_ =	sdelay $0x1  }
0x57: {  	v4 =	vperm.xlane v4, v2;
	_ =	sdelay $0x1  }
0x58: {  	s29 =	simm.s32 $0x9400;
	v4 =	vadd.s32 v1, v4  }
0x59: {  	[tilespmem:s29], [sflag:$0x2] =	stream.indirect_vreg.gather [hbm4b:s2+s0], $0x80, v5, vm0, $0xb8;
	[tilespmem:$0x19C80] =	vst v63  }
0x5a: {  	s31 =	simm.s32 $0x9C00  }
0x5b: {  	[tilespmem:s31], [sflag:$0x2] =	stream.indirect_vreg.gather [hbm4b:s7+s0], $0x80, v5, vm1, $0xb8;
	[tilespmem:$0x19C80] =	vst v63  }
0x5c: {  	s3 =	simm.s32 $0xA000  }
0x5d: {  	[tilespmem:s3], [sflag:$0x2] =	stream.indirect_vreg.gather [hbm4b:s2+s0], $0x80, v4, vm0, $0xb8;
	[tilespmem:$0x19C80] =	vst v63  }
0x5e: {  	s4 =	simm.s32 $0xA800  }
0x5f: {  	[tilespmem:s4], [sflag:$0x2] =	stream.indirect_vreg.gather [hbm4b:s7+s0], $0x80, v4, vm1, $0xb8;
	[tilespmem:$0x19C80] =	vst v63  }
0x60: {  	v4 =	vld [tilespmem:$0x90];
	_ =	sdelay $0x4  }
0x61: {  	v5 =	vshrl.u32 v4, $0x3  }
0x62: {  	v5 =	vmul.u32 $0x18, v5  }
0x63: {  	v4 =	vand.u32 $0x7, v4  }
0x64: {  	v4 =	vor.u32 v4, v5  }
0x65: {  	v5 =	vperm.xlane v4, v0;
	_ =	sdelay $0x1  }
0x66: {  	v5 =	vadd.s32 v1, v5;
	_ =	sdelay $0x1  }
0x67: {  	v4 =	vperm.xlane v4, v2;
	_ =	sdelay $0x1  }
0x68: {  	s5 =	simm.s32 $0xAC00;
	v4 =	vadd.s32 v1, v4  }
0x69: {  	[tilespmem:s5], [sflag:$0x2] =	stream.indirect_vreg.gather [hbm4b:s2+s0], $0x80, v5, vm0, $0xb8;
	[tilespmem:$0x19C80] =	vst v63  }
0x6a: {  	s6 =	simm.s32 $0xB400  }
0x6b: {  	[tilespmem:s6], [sflag:$0x2] =	stream.indirect_vreg.gather [hbm4b:s7+s0], $0x80, v5, vm1, $0xb8;
	[tilespmem:$0x19C80] =	vst v63  }
0x6c: {  	s8 =	simm.s32 $0xB800  }
0x6d: {  	[tilespmem:s8], [sflag:$0x2] =	stream.indirect_vreg.gather [hbm4b:s2+s0], $0x80, v4, vm0, $0xb8;
	[tilespmem:$0x19C80] =	vst v63  }
0x6e: {  	s9 =	simm.s32 $0xC000  }
0x6f: {  	[tilespmem:s9], [sflag:$0x2] =	stream.indirect_vreg.gather [hbm4b:s7+s0], $0x80, v4, vm1, $0xb8;
	[tilespmem:$0x19C80] =	vst v63  }
0x70: {  	v4 =	vld [tilespmem:$0xA0];
	_ =	sdelay $0x4  }
0x71: {  	v5 =	vshrl.u32 v4, $0x3  }
0x72: {  	v5 =	vmul.u32 $0x18, v5  }
0x73: {  	v4 =	vand.u32 $0x7, v4  }
0x74: {  	v4 =	vor.u32 v4, v5  }
0x75: {  	v5 =	vperm.xlane v4, v0;
	_ =	sdelay $0x1  }
0x76: {  	v5 =	vadd.s32 v1, v5;
	_ =	sdelay $0x1  }
0x77: {  	v4 =	vperm.xlane v4, v2;
	_ =	sdelay $0x1  }
0x78: {  	s10 =	simm.s32 $0xC400;
	v4 =	vadd.s32 v1, v4  }
0x79: {  	[tilespmem:s10], [sflag:$0x2] =	stream.indirect_vreg.gather [hbm4b:s2+s0], $0x80, v5, vm0, $0xb8;
	[tilespmem:$0x19C80] =	vst v63  }
0x7a: {  	s11 =	simm.s32 $0xCC00  }
0x7b: {  	[tilespmem:s11], [sflag:$0x2] =	stream.indirect_vreg.gather [hbm4b:s7+s0], $0x80, v5, vm1, $0xb8;
	[tilespmem:$0x19C80] =	vst v63  }
0x7c: {  	s12 =	simm.s32 $0xD000  }
0x7d: {  	[tilespmem:s12], [sflag:$0x2] =	stream.indirect_vreg.gather [hbm4b:s2+s0], $0x80, v4, vm0, $0xb8;
	[tilespmem:$0x19C80] =	vst v63  }
0x7e: {  	s13 =	simm.s32 $0xD800  }
0x7f: {  	[tilespmem:s13], [sflag:$0x2] =	stream.indirect_vreg.gather [hbm4b:s7+s0], $0x80, v4, vm1, $0xb8;
	[tilespmem:$0x19C80] =	vst v63  }
0x80: {  	v4 =	vld.msk [tilespmem:$0xB0], $0xff;
	_ =	sdelay $0x4  }
0x81: {  	v5 =	vshrl.u32 v4, $0x3  }
0x82: {  	v5 =	vmul.u32 $0x18, v5  }
0x83: {  	v4 =	vand.u32 $0x7, v4  }
0x84: {  	v4 =	vor.u32 v4, v5  }
0x85: {  	v4 =	vperm.xlane v4, v0;
	_ =	sdelay $0x1  }
0x86: {  	v4 =	vadd.s32 v1, v4;
	_ =	sdelay $0x3  }
0x87: {  	s14 =	simm.s32 $0xDC00  }
0x88: {  	[tilespmem:s14], [sflag:$0x2] =	stream.indirect_vreg.gather [hbm4b:s2+s0], $0x80, v4, vm0, $0xb8;
	[tilespmem:$0x19C80] =	vst v63  }
0x89: {  	s15 =	simm.s32 $0xE400  }
0x8a: {  	[tilespmem:s15], [sflag:$0x2] =	stream.indirect_vreg.gather [hbm4b:s7+s0], $0x80, v4, vm1, $0xb8;
	[tilespmem:$0x19C80] =	vst v63  }
0x8b: {  	v4 =	vld [tilespmem:$0x100];
	_ =	sdelay $0x4  }
0x8c: {  	v5 =	vshrl.u32 v4, $0x3  }
0x8d: {  	v5 =	vmul.u32 $0x18, v5  }
0x8e: {  	v4 =	vand.u32 $0x7, v4  }
0x8f: {  	v4 =	vor.u32 v4, v5  }
0x90: {  	v5 =	vperm.xlane v4, v0;
	_ =	sdelay $0x1  }
0x91: {  	v5 =	vadd.s32 v1, v5;
	_ =	sdelay $0x1  }
0x92: {  	v4 =	vperm.xlane v4, v2;
	_ =	sdelay $0x1  }
0x93: {  	s16 =	simm.s32 $0xE800;
	v4 =	vadd.s32 v1, v4  }
0x94: {  	[tilespmem:s16], [sflag:$0x3] =	stream.indirect_vreg.gather [hbm4b:s2+s0], $0x80, v5, vm0, $0xb8;
	[tilespmem:$0x19C80] =	vst v63  }
0x95: {  	s17 =	simm.s32 $0xF000  }
0x96: {  	[tilespmem:s17], [sflag:$0x3] =	stream.indirect_vreg.gather [hbm4b:s7+s0], $0x80, v5, vm1, $0xb8;
	[tilespmem:$0x19C80] =	vst v63  }
0x97: {  	s18 =	simm.s32 $0xF400  }
0x98: {  	[tilespmem:s18], [sflag:$0x3] =	stream.indirect_vreg.gather [hbm4b:s2+s0], $0x80, v4, vm0, $0xb8;
	[tilespmem:$0x19C80] =	vst v63  }
0x99: {  	s19 =	simm.s32 $0xFC00  }
0x9a: {  	[tilespmem:s19], [sflag:$0x3] =	stream.indirect_vreg.gather [hbm4b:s7+s0], $0x80, v4, vm1, $0xb8;
	[tilespmem:$0x19C80] =	vst v63  }
0x9b: {  	v4 =	vld [tilespmem:$0x110];
	_ =	sdelay $0x4  }
0x9c: {  	v5 =	vshrl.u32 v4, $0x3  }
0x9d: {  	v5 =	vmul.u32 $0x18, v5  }
0x9e: {  	v4 =	vand.u32 $0x7, v4  }
0x9f: {  	v4 =	vor.u32 v4, v5  }
0xa0: {  	v5 =	vperm.xlane v4, v0;
	_ =	sdelay $0x1  }
0xa1: {  	v5 =	vadd.s32 v1, v5;
	_ =	sdelay $0x1  }
0xa2: {  	v4 =	vperm.xlane v4, v2;
	_ =	sdelay $0x1  }
0xa3: {  	s20 =	simm.s32 $0x10000;
	v4 =	vadd.s32 v1, v4  }
0xa4: {  	[tilespmem:s20], [sflag:$0x3] =	stream.indirect_vreg.gather [hbm4b:s2+s0], $0x80, v5, vm0, $0xb8;
	[tilespmem:$0x19C80] =	vst v63  }
0xa5: {  	s21 =	simm.s32 $0x10800  }
0xa6: {  	[tilespmem:s21], [sflag:$0x3] =	stream.indirect_vreg.gather [hbm4b:s7+s0], $0x80, v5, vm1, $0xb8;
	[tilespmem:$0x19C80] =	vst v63  }
0xa7: {  	s22 =	simm.s32 $0x10C00  }
0xa8: {  	[tilespmem:s22], [sflag:$0x3] =	stream.indirect_vreg.gather [hbm4b:s2+s0], $0x80, v4, vm0, $0xb8;
	[tilespmem:$0x19C80] =	vst v63  }
0xa9: {  	s23 =	simm.s32 $0x11400  }
0xaa: {  	[tilespmem:s23], [sflag:$0x3] =	stream.indirect_vreg.gather [hbm4b:s7+s0], $0x80, v4, vm1, $0xb8;
	[tilespmem:$0x19C80] =	vst v63  }
0xab: {  	v4 =	vld [tilespmem:$0x120];
	_ =	sdelay $0x4  }
0xac: {  	v5 =	vshrl.u32 v4, $0x3  }
0xad: {  	v5 =	vmul.u32 $0x18, v5  }
0xae: {  	v4 =	vand.u32 $0x7, v4  }
0xaf: {  	v4 =	vor.u32 v4, v5  }
0xb0: {  	v5 =	vperm.xlane v4, v0;
	_ =	sdelay $0x1  }
0xb1: {  	v5 =	vadd.s32 v1, v5;
	_ =	sdelay $0x1  }
0xb2: {  	v4 =	vperm.xlane v4, v2;
	_ =	sdelay $0x1  }
0xb3: {  	s24 =	simm.s32 $0x11800;
	v4 =	vadd.s32 v1, v4  }
0xb4: {  	[tilespmem:s24], [sflag:$0x3] =	stream.indirect_vreg.gather [hbm4b:s2+s0], $0x80, v5, vm0, $0xb8;
	[tilespmem:$0x19C80] =	vst v63  }
0xb5: {  	s25 =	simm.s32 $0x12000  }
0xb6: {  	[tilespmem:s25], [sflag:$0x3] =	stream.indirect_vreg.gather [hbm4b:s7+s0], $0x80, v5, vm1, $0xb8;
	[tilespmem:$0x19C80] =	vst v63  }
0xb7: {  	s26 =	simm.s32 $0x12400  }
0xb8: {  	[tilespmem:s26], [sflag:$0x3] =	stream.indirect_vreg.gather [hbm4b:s2+s0], $0x80, v4, vm0, $0xb8;
	[tilespmem:$0x19C80] =	vst v63  }
0xb9: {  	s28 =	simm.s32 $0x12C00  }
0xba: {  	[tilespmem:s28], [sflag:$0x3] =	stream.indirect_vreg.gather [hbm4b:s7+s0], $0x80, v4, vm1, $0xb8;
	[tilespmem:$0x19C80] =	vst v63  }
0xbb: {  	v4 =	vld.msk [tilespmem:$0x130], $0xff;
	_ =	sdelay $0x4  }
0xbc: {  	v5 =	vshrl.u32 v4, $0x3  }
0xbd: {  	v5 =	vmul.u32 $0x18, v5  }
0xbe: {  	v4 =	vand.u32 $0x7, v4  }
0xbf: {  	v4 =	vor.u32 v4, v5  }
0xc0: {  	v4 =	vperm.xlane v4, v0;
	_ =	sdelay $0x1  }
0xc1: {  	v4 =	vadd.s32 v1, v4;
	_ =	sdelay $0x3  }
0xc2: {  	s29 =	simm.s32 $0x13000  }
0xc3: {  	[tilespmem:s29], [sflag:$0x3] =	stream.indirect_vreg.gather [hbm4b:s2+s0], $0x80, v4, vm0, $0xb8;
	[tilespmem:$0x19C80] =	vst v63  }
0xc4: {  	s31 =	simm.s32 $0x13800  }
0xc5: {  	[tilespmem:s31], [sflag:$0x3] =	stream.indirect_vreg.gather [hbm4b:s7+s0], $0x80, v4, vm1, $0xb8;
	[tilespmem:$0x19C80] =	vst v63  }
0xc6: {  	s0 =	simm.s32 $0x0  }
.LBB2_2:
0xc7: {  	s3 =	simm.s32 $0x1  }
0xc8: {  	_ =	swait.ge [sflag:s3], $0x5400  }
0xc9: {  	s1 =	sshll.u32 s0, $0xA;
	[sflag:s3] =	ssyncset.done $0x0  }
0xca: {  	s1 =	sand.u32 $0x3FFFFC00, s1;
	[sflag:s3] =	ssyncadd.s32 $0xFFFFAC00  }
0xcb: {  	v4 =	vld [tilespmem:s1+$0x180];
	_ =	sdelay $0x4  }
0xcc: {  	v5 =	vshrl.u32 v4, $0x3  }
0xcd: {  	v5 =	vmul.u32 $0x18, v5  }
0xce: {  	v4 =	vand.u32 $0x7, v4  }
0xcf: {  	v4 =	vor.u32 v4, v5  }
0xd0: {  	v5 =	vperm.xlane v4, v0;
	_ =	sdelay $0x1  }
0xd1: {  	v5 =	vadd.s32 v1, v5;
	_ =	sdelay $0x1  }
0xd2: {  	v4 =	vperm.xlane v4, v2;
	_ =	sdelay $0x1  }
0xd3: {  	s10 =	simm.s32 $0x0;
	s15 =	simm.s32 $0x13C00;
	v4 =	vadd.s32 v1, v4  }
0xd4: {  	[tilespmem:s15], [sflag:$0x4] =	stream.indirect_vreg.gather [hbm4b:s2+s10], $0x80, v5, vm0, $0xb8;
	[tilespmem:$0x19C80] =	vst v63  }
0xd5: {  	s16 =	simm.s32 $0x14400  }
0xd6: {  	[tilespmem:s16], [sflag:$0x4] =	stream.indirect_vreg.gather [hbm4b:s7+s10], $0x80, v5, vm1, $0xb8;
	[tilespmem:$0x19C80] =	vst v63  }
0xd7: {  	s17 =	simm.s32 $0x14800  }
0xd8: {  	[tilespmem:s17], [sflag:$0x4] =	stream.indirect_vreg.gather [hbm4b:s2+s10], $0x80, v4, vm0, $0xb8;
	[tilespmem:$0x19C80] =	vst v63  }
0xd9: {  	s18 =	simm.s32 $0x15000  }
0xda: {  	[tilespmem:s18], [sflag:$0x4] =	stream.indirect_vreg.gather [hbm4b:s7+s10], $0x80, v4, vm1, $0xb8;
	[tilespmem:$0x19C80] =	vst v63  }
0xdb: {  	v4 =	vld [tilespmem:s1+$0x190];
	_ =	sdelay $0x4  }
0xdc: {  	v5 =	vshrl.u32 v4, $0x3  }
0xdd: {  	v5 =	vmul.u32 $0x18, v5  }
0xde: {  	v4 =	vand.u32 $0x7, v4  }
0xdf: {  	v4 =	vor.u32 v4, v5  }
0xe0: {  	v5 =	vperm.xlane v4, v0;
	_ =	sdelay $0x1  }
0xe1: {  	v5 =	vadd.s32 v1, v5;
	_ =	sdelay $0x1  }
0xe2: {  	v4 =	vperm.xlane v4, v2;
	_ =	sdelay $0x1  }
0xe3: {  	s19 =	simm.s32 $0x15400;
	v4 =	vadd.s32 v1, v4  }
0xe4: {  	[tilespmem:s19], [sflag:$0x4] =	stream.indirect_vreg.gather [hbm4b:s2+s10], $0x80, v5, vm0, $0xb8;
	[tilespmem:$0x19C80] =	vst v63  }
0xe5: {  	s20 =	simm.s32 $0x15C00  }
0xe6: {  	[tilespmem:s20], [sflag:$0x4] =	stream.indirect_vreg.gather [hbm4b:s7+s10], $0x80, v5, vm1, $0xb8;
	[tilespmem:$0x19C80] =	vst v63  }
0xe7: {  	s21 =	simm.s32 $0x16000  }
0xe8: {  	[tilespmem:s21], [sflag:$0x4] =	stream.indirect_vreg.gather [hbm4b:s2+s10], $0x80, v4, vm0, $0xb8;
	[tilespmem:$0x19C80] =	vst v63  }
0xe9: {  	s22 =	simm.s32 $0x16800  }
0xea: {  	[tilespmem:s22], [sflag:$0x4] =	stream.indirect_vreg.gather [hbm4b:s7+s10], $0x80, v4, vm1, $0xb8;
	[tilespmem:$0x19C80] =	vst v63  }
0xeb: {  	v4 =	vld [tilespmem:s1+$0x1A0];
	_ =	sdelay $0x4  }
0xec: {  	v5 =	vshrl.u32 v4, $0x3  }
0xed: {  	v5 =	vmul.u32 $0x18, v5  }
0xee: {  	v4 =	vand.u32 $0x7, v4  }
0xef: {  	v4 =	vor.u32 v4, v5  }
0xf0: {  	v5 =	vperm.xlane v4, v0;
	_ =	sdelay $0x1  }
0xf1: {  	v5 =	vadd.s32 v1, v5;
	_ =	sdelay $0x1  }
0xf2: {  	v4 =	vperm.xlane v4, v2;
	_ =	sdelay $0x1  }
0xf3: {  	s23 =	simm.s32 $0x16C00;
	v4 =	vadd.s32 v1, v4  }
0xf4: {  	[tilespmem:s23], [sflag:$0x4] =	stream.indirect_vreg.gather [hbm4b:s2+s10], $0x80, v5, vm0, $0xb8;
	[tilespmem:$0x19C80] =	vst v63  }
0xf5: {  	s24 =	simm.s32 $0x17400  }
0xf6: {  	[tilespmem:s24], [sflag:$0x4] =	stream.indirect_vreg.gather [hbm4b:s7+s10], $0x80, v5, vm1, $0xb8;
	[tilespmem:$0x19C80] =	vst v63  }
0xf7: {  	s25 =	simm.s32 $0x17800  }
0xf8: {  	[tilespmem:s25], [sflag:$0x4] =	stream.indirect_vreg.gather [hbm4b:s2+s10], $0x80, v4, vm0, $0xb8;
	[tilespmem:$0x19C80] =	vst v63  }
0xf9: {  	s26 =	simm.s32 $0x18000;
	s28 =	sor.u32 $0x1B0, s1  }
0xfa: {  	[tilespmem:s26], [sflag:$0x4] =	stream.indirect_vreg.gather [hbm4b:s7+s10], $0x80, v4, vm1, $0xb8;
	[tilespmem:$0x19C80] =	vst v63  }
0xfb: {  	v4 =	vld.msk [tilespmem:s28+$0x0], $0xff;
	_ =	sdelay $0x4  }
0xfc: {  	v5 =	vshrl.u32 v4, $0x3  }
0xfd: {  	v5 =	vmul.u32 $0x18, v5  }
0xfe: {  	v4 =	vand.u32 $0x7, v4  }
0xff: {  	v4 =	vor.u32 v4, v5  }
0x100: {  	v4 =	vperm.xlane v4, v0;
	_ =	sdelay $0x1  }
0x101: {  	v4 =	vadd.s32 v1, v4;
	_ =	sdelay $0x3  }
0x102: {  	s29 =	simm.s32 $0x18400  }
0x103: {  	[tilespmem:s29], [sflag:$0x4] =	stream.indirect_vreg.gather [hbm4b:s2+s10], $0x80, v4, vm0, $0xb8;
	[tilespmem:$0x19C80] =	vst v63  }
0x104: {  	s31 =	simm.s32 $0x18C00;
	s5 =	simm.s32 $0x0  }
0x105: {  	[tilespmem:s31], [sflag:$0x4] =	stream.indirect_vreg.gather [hbm4b:s7+s10], $0x80, v4, vm1, $0xb8;
	[tilespmem:$0x19C80] =	vst v63  }
.LBB2_3:
0x106: {  	s3 =	sshll.u32 s5, $0x4;
	s8 =	sshll.u32 s5, $0x7  }
0x107: {  	s12 =	simm.s32 $0x0;
	s14 =	simm.s32 $0x480;
	s15 =	simm.s32 $0x300  }
0x108: {  	s16 =	simm.s32 $0x0;
	s17 =	simm.s32 $0x280;
	s6 =	sand.u32 $0x70, s3  }
0x109: {  	s18 =	simm.s32 $0x0;
	s19 =	simm.s32 $0x180;
	s24 =	smul.u32 $0x3000, s12;
	v4 =	vmov s6  }
0x10a: {  	s20 =	simm.s32 $0x200;
	s21 =	simm.s32 $0x100;
	s9 =	sand.u32 $0xC00, s8  }
0x10b: {  	s22 =	simm.s32 $0x0;
	s3 =	sor.u32 $0x4000, s9;
	s13 =	sshra.s32 s24, $0x2  }
0x10c: {  	s8 =	sand.u32 $0x300, s10;
	s16 =	smul.u32 $0x3000, s16;
	s13 =	sadd.s32 s13, s3  }
0x10d: {  	s29 =	simm.s32 $0x0;
	s18 =	smul.u32 $0x3000, s18;
	s13 =	sadd.s32 s8, s13  }
0x10e: {  	s21 =	sand.u32 $0x300, s21;
	s28 =	smul.u32 $0x3000, s22;
	s19 =	sand.u32 $0x380, s19;
	v5 =	vld.idx.msk [tilespmem:v4+s13+$0x0 ss:$0x1], $0xffff  }
0x10f: {  	s11 =	smul.u32 $0x3000, s29;
	s22 =	simm.s32 $0x0;
	s16 =	sshra.s32 s16, $0x2  }
0x110: {  	s17 =	sand.u32 $0x380, s17;
	s15 =	sand.u32 $0x300, s15;
	s16 =	sadd.s32 s16, s3;
	v6 =	vld.idx.msk [tilespmem:v4+s13+$0x80 ss:$0x1], $0xffff  }
0x111: {  	s26 =	sshra.s32 s18, $0x2;
	s4 =	sshra.s32 s28, $0x2;
	s25 =	sadd.s32 s21, s16  }
0x112: {  	s24 =	sshra.s32 s11, $0x2;
	s16 =	sadd.s32 s26, s3;
	v7 =	vld.idx.msk [tilespmem:v4+s25+$0x0 ss:$0x1], $0xffff;
	s25 =	smul.u32 $0x3000, s22  }
0x113: {  	v8 =	vimm.f32 $0.0e+00;
	s21 =	sand.u32 $0x300, s20;
	s31 =	sadd.s32 s19, s16;
	s16 =	sadd.s32 s4, s3;
	v9 =	vunpack.i.l.bf16.f32 v5;
	v5 =	vunpack.i.u.bf16.f32 v5  }
0x114: {  	v10 =	vld.idx.msk [tilespmem:v4+s31+$0x0 ss:$0x1], $0xffff;
	s23 =	sadd.s32 s21, s16;
	s16 =	sadd.s32 s24, s3;
	s29 =	sshra.s32 s25, $0x2;
	v9 =	vadd.f32 v9, v8;
	v5 =	vadd.f32 v5, v8  }
0x115: {  	s26 =	simm.s32 $0x0;
	s28 =	sadd.s32 s17, s16;
	s16 =	sadd.s32 s29, s3;
	v8 =	vunpack.i.l.bf16.f32 v6;
	v6 =	vunpack.i.u.bf16.f32 v6  }
0x116: {  	s12 =	simm.s32 $0xA;
	s31 =	smul.u32 $0x3000, s26;
	v11 =	vld.idx.msk [tilespmem:v4+s23+$0x0 ss:$0x1], $0xffff;
	s16 =	sadd.s32 s15, s16;
	v8 =	vadd.f32 v8, v9;
	v5 =	vadd.f32 v6, v5  }
0x117: {  	s11 =	simm.s32 $0x380;
	s18 =	simm.s32 $0x10;
	s4 =	simm.s32 $0x1;
	v12 =	vld.idx.msk [tilespmem:v4+s16+$0x0 ss:$0x1], $0xffff;
	v6 =	vunpack.i.l.bf16.f32 v7;
	v7 =	vunpack.i.u.bf16.f32 v7  }
0x118: {  	s20 =	smul.u32 $0x3000, s4;
	s23 =	simm.s32 $0x1;
	s21 =	sshra.s32 s31, $0x2;
	v9 =	vld.idx.msk [tilespmem:v4+s28+$0x0 ss:$0x1], $0xffff;
	v6 =	vadd.f32 v6, v8;
	v5 =	vadd.f32 v7, v5  }
0x119: {  	s22 =	sand.u32 $0x380, s11;
	s25 =	smul.u32 $0x3000, s23;
	s24 =	sadd.s32 s21, s3;
	v7 =	vunpack.i.l.bf16.f32 v10;
	v8 =	vunpack.i.u.bf16.f32 v10  }
0x11a: {  	s19 =	simm.s32 $0x1;
	s15 =	sshra.s32 s20, $0x2;
	s13 =	sadd.s32 s22, s24;
	v6 =	vadd.f32 v7, v6;
	v5 =	vadd.f32 v8, v5  }
0x11b: {  	s26 =	sadd.s32 s15, s3;
	s15 =	simm.s32 $0x100;
	s16 =	sshra.s32 s25, $0x2;
	v7 =	vunpack.i.l.bf16.f32 v11;
	v8 =	vunpack.i.u.bf16.f32 v11  }
0x11c: {  	s17 =	sadd.s32 s8, s26;
	s29 =	sadd.s32 s16, s3;
	s28 =	sand.u32 $0x380, s14;
	v6 =	vadd.f32 v7, v6;
	v7 =	vld.idx.msk [tilespmem:v4+s13+$0x0 ss:$0x1], $0xffff;
	v10 =	vadd.f32 v8, v5  }
0x11d: {  	s8 =	simm.s32 $0x980;
	s16 =	simm.s32 $0x11;
	s31 =	sadd.s32 s28, s29;
	v11 =	vunpack.i.l.bf16.f32 v12;
	v8 =	vunpack.i.l.bf16.f32 v9;
	v9 =	vunpack.i.u.bf16.f32 v9;
	v5 =	vld.idx.msk [tilespmem:v4+s17+$0x0 ss:$0x1], $0xffff  }
0x11e: {  	s14 =	simm.s32 $0x12;
	s13 =	simm.s32 $0x13;
	s17 =	simm.s32 $0x14;
	v8 =	vadd.f32 v8, v6;
	v9 =	vadd.f32 v9, v10;
	v10 =	vunpack.i.u.bf16.f32 v12;
	v6 =	vld.idx.msk [tilespmem:v4+s31+$0x0 ss:$0x1], $0xffff  }
.LBB2_4:
0x11f: {  	p0 =	sne.s32 s17, $0x28;
	s20 =	smul.u32 $0x3000, s19;
	s23 =	sadd.s32 $0x5, s12  }
0x120: {  	v8 =	vadd.f32 v11, v8;
	v9 =	vadd.f32 v10, v9;
	s19 =	smov.u32 s8;
	s21 =	smov.u32 s12;
	s12 =	smov.u32 s17  }
0x121: {  	v10 =	vunpack.i.u.bf16.f32 v7;
	v7 =	vunpack.i.l.bf16.f32 v7;
	s24 =	sadd.s32 $0x2, s21;
	s25 =	sadd.s32 $0x3, s21;
	s26 =	sadd.s32 $0x4, s21  }
0x122: {  	s22 =	sadd.s32 $0xFFFFFE80, s8;
	s21 =	sadd.s32 $0xFFFFFF00, s8;
	s4 =	sshra.s32 s20, $0x2;
	v7 =	vadd.f32 v7, v8;
	v8 =	vadd.f32 v10, v9  }
0x123: {  	s20 =	sand.u32 $0x300, s15;
	s24 =	sshrl.u32 s24, $0x3;
	v9 =	vunpack.i.u.bf16.f32 v5;
	v5 =	vunpack.i.l.bf16.f32 v5;
	s4 =	sadd.s32 s4, s3  }
0x124: {  	s11 =	sadd.s32 $0xFFFFFE00, s8;
	s24 =	smul.u32 $0x3000, s24;
	s4 =	sadd.s32 s20, s4;
	v5 =	vadd.f32 v5, v7;
	v7 =	vadd.f32 v9, v8  }
0x125: {  	s31 =	sadd.s32 $0xFFFFFD00, s8;
	s28 =	sadd.s32 $0xFFFFFD80, s8;
	s25 =	sshrl.u32 s25, $0x3;
	v9 =	vunpack.i.u.bf16.f32 v6;
	v6 =	vunpack.i.l.bf16.f32 v6;
	v8 =	vld.idx.msk [tilespmem:v4+s4+$0x0 ss:$0x1], $0xffff  }
0x126: {  	s29 =	sadd.s32 $0xFFFFFC80, s8;
	s25 =	smul.u32 $0x3000, s25;
	s24 =	sshra.s32 s24, $0x2;
	v5 =	vadd.f32 v6, v5;
	v6 =	vadd.f32 v9, v7  }
0x127: {  	s26 =	sshrl.u32 s26, $0x3;
	s24 =	sadd.s32 s24, s3;
	v7 =	vld.idx.msk [tilespmem:v4+s4+$0x80 ss:$0x1], $0xffff;
	s4 =	sand.u32 $0x300, s29  }
0x128: {  	s4 =	sadd.s32 s4, s24;
	s24 =	sshra.s32 s25, $0x2;
	s25 =	smul.u32 $0x3000, s26  }
0x129: {  	s23 =	sshrl.u32 s23, $0x3;
	v9 =	vld.idx.msk [tilespmem:v4+s4+$0x0 ss:$0x1], $0xffff;
	s4 =	sand.u32 $0x380, s31;
	s24 =	sadd.s32 s24, s3  }
0x12a: {  	s23 =	smul.u32 $0x3000, s23;
	s4 =	sadd.s32 s4, s24;
	s24 =	sshra.s32 s25, $0x2  }
0x12b: {  	s18 =	sshrl.u32 s18, $0x3;
	v10 =	vunpack.i.u.bf16.f32 v8;
	v8 =	vunpack.i.l.bf16.f32 v8;
	v11 =	vld.idx.msk [tilespmem:v4+s4+$0x0 ss:$0x1], $0xffff;
	s4 =	sand.u32 $0x300, s28;
	s24 =	sadd.s32 s24, s3  }
0x12c: {  	s18 =	smul.u32 $0x3000, s18;
	s23 =	sshra.s32 s23, $0x2;
	v5 =	vadd.f32 v8, v5;
	v6 =	vadd.f32 v10, v6;
	s4 =	sadd.s32 s4, s24  }
0x12d: {  	s16 =	sshrl.u32 s16, $0x3;
	v8 =	vunpack.i.u.bf16.f32 v7;
	v7 =	vunpack.i.l.bf16.f32 v7;
	v10 =	vld.idx.msk [tilespmem:v4+s4+$0x0 ss:$0x1], $0xffff;
	s4 =	sand.u32 $0x380, s11;
	s11 =	sadd.s32 s23, s3  }
0x12e: {  	s16 =	smul.u32 $0x3000, s16;
	v5 =	vadd.f32 v7, v5;
	v6 =	vadd.f32 v8, v6;
	s4 =	sadd.s32 s4, s11;
	s11 =	sshra.s32 s18, $0x2  }
0x12f: {  	s14 =	sshrl.u32 s14, $0x3;
	v7 =	vunpack.i.u.bf16.f32 v9;
	v8 =	vunpack.i.l.bf16.f32 v9;
	v9 =	vld.idx.msk [tilespmem:v4+s4+$0x0 ss:$0x1], $0xffff;
	s4 =	sand.u32 $0x300, s22;
	s11 =	sadd.s32 s11, s3  }
0x130: {  	s14 =	smul.u32 $0x3000, s14;
	v5 =	vadd.f32 v8, v5;
	v6 =	vadd.f32 v7, v6;
	s4 =	sadd.s32 s4, s11;
	s11 =	sshra.s32 s16, $0x2  }
0x131: {  	s13 =	sshrl.u32 s13, $0x3;
	v7 =	vunpack.i.u.bf16.f32 v11;
	v8 =	vunpack.i.l.bf16.f32 v11;
	v11 =	vld.idx.msk [tilespmem:v4+s4+$0x0 ss:$0x1], $0xffff;
	s4 =	sand.u32 $0x380, s21;
	s11 =	sadd.s32 s11, s3  }
0x132: {  	s13 =	smul.u32 $0x3000, s13;
	v5 =	vadd.f32 v8, v5;
	v6 =	vadd.f32 v7, v6;
	s4 =	sadd.s32 s4, s11;
	s11 =	sshra.s32 s14, $0x2  }
.Ltmp0:
0x133: {  	s15 =	sadd.s32 $0x100, s15;
	v8 =	vunpack.i.u.bf16.f32 v10;
	v10 =	vunpack.i.l.bf16.f32 v10;
	v7 =	vld.idx.msk [tilespmem:v4+s4+$0x0 ss:$0x1], $0xffff;
	s4 =	sadd.s32 s11, s3;
	(pc) =	sbr.rel @p0 .LBB2_4-.Ltmp0, $4  }
0x134: {  	s8 =	sadd.s32 $0x500, s8;
	v10 =	vadd.f32 v10, v5;
	v6 =	vadd.f32 v8, v6;
	s11 =	sshra.s32 s13, $0x2;
	s4 =	sadd.s32 s20, s4  }
0x135: {  	s13 =	sadd.s32 $0x9, s17;
	v12 =	vunpack.i.u.bf16.f32 v9;
	v8 =	vunpack.i.l.bf16.f32 v9;
	s11 =	sadd.s32 s11, s3;
	v5 =	vld.idx.msk [tilespmem:v4+s4+$0x0 ss:$0x1], $0xffff;
	s4 =	sand.u32 $0x380, s19  }
0x136: {  	s16 =	sadd.s32 $0x7, s17;
	s14 =	sadd.s32 $0x8, s17;
	v8 =	vadd.f32 v8, v10;
	v9 =	vadd.f32 v12, v6;
	s4 =	sadd.s32 s4, s11  }
0x137: {  	s18 =	sadd.s32 $0x6, s12;
	s17 =	sadd.s32 $0xA, s17;
	s19 =	sshrl.u32 s12, $0x3;
	v10 =	vunpack.i.u.bf16.f32 v11;
	v11 =	vunpack.i.l.bf16.f32 v11;
	v6 =	vld.idx.msk [tilespmem:v4+s4+$0x0 ss:$0x1], $0xffff  }
0x138: {  	s4 =	smul.u32 $0x3000, s19;
	s11 =	sadd.s32 $0x5, s12  }
0x139: {  	s20 =	sadd.s32 $0x2, s12;
	s21 =	sadd.s32 $0x3, s12;
	s22 =	sadd.s32 $0x4, s12  }
0x13a: {  	s19 =	sadd.s32 $0xFFFFFE80, s8;
	s17 =	sadd.s32 $0xFFFFFF00, s8;
	s4 =	sshra.s32 s4, $0x2  }
0x13b: {  	v8 =	vadd.f32 v11, v8;
	v9 =	vadd.f32 v10, v9;
	s12 =	sand.u32 $0x300, s15;
	s29 =	sshrl.u32 s20, $0x3;
	s4 =	sadd.s32 s4, s3  }
0x13c: {  	v31 =	vunpack.i.u.bf16.f32 v7;
	v32 =	vunpack.i.l.bf16.f32 v7;
	s23 =	sadd.s32 $0xFFFFFD00, s8;
	s15 =	smul.u32 $0x3000, s29;
	s4 =	sadd.s32 s12, s4  }
0x13d: {  	s24 =	sadd.s32 $0xFFFFFD80, s8;
	s25 =	sadd.s32 $0xFFFFFC80, s8;
	s21 =	sshrl.u32 s21, $0x3;
	v7 =	vadd.f32 v32, v8;
	v33 =	vadd.f32 v31, v9;
	v34 =	vld.idx.msk [tilespmem:v4+s4+$0x0 ss:$0x1], $0xffff  }
0x13e: {  	s18 =	sshrl.u32 s18, $0x3;
	v35 =	vunpack.i.u.bf16.f32 v5;
	v5 =	vunpack.i.l.bf16.f32 v5;
	s21 =	smul.u32 $0x3000, s21;
	s15 =	sshra.s32 s15, $0x2  }
0x13f: {  	s31 =	sand.u32 $0x300, s25;
	s22 =	sshrl.u32 s22, $0x3;
	v5 =	vadd.f32 v5, v7;
	v36 =	vadd.f32 v35, v33;
	v37 =	vld.idx.msk [tilespmem:v4+s4+$0x80 ss:$0x1], $0xffff;
	s15 =	sadd.s32 s15, s3  }
0x140: {  	s22 =	smul.u32 $0x3000, s22;
	v38 =	vunpack.i.u.bf16.f32 v6;
	v39 =	vunpack.i.l.bf16.f32 v6;
	s21 =	sshra.s32 s21, $0x2;
	s4 =	sadd.s32 s31, s15  }
0x141: {  	s25 =	sand.u32 $0x380, s23;
	s11 =	sshrl.u32 s11, $0x3;
	v5 =	vadd.f32 v39, v5;
	v40 =	vadd.f32 v38, v36;
	s15 =	sadd.s32 s21, s3;
	v41 =	vld.idx.msk [tilespmem:v4+s4+$0x0 ss:$0x1], $0xffff  }
0x142: {  	s11 =	smul.u32 $0x3000, s11;
	s26 =	sshra.s32 s22, $0x2;
	s4 =	sadd.s32 s25, s15;
	v42 =	vunpack.i.u.bf16.f32 v34;
	v9 =	vunpack.i.l.bf16.f32 v34  }
0x143: {  	s20 =	sadd.s32 $0xFFFFFE00, s8;
	s28 =	sand.u32 $0x300, s24;
	s15 =	sadd.s32 s26, s3;
	v43 =	vld.idx.msk [tilespmem:v4+s4+$0x0 ss:$0x1], $0xffff;
	v5 =	vadd.f32 v9, v5;
	v6 =	vadd.f32 v42, v40  }
0x144: {  	s29 =	smul.u32 $0x3000, s18;
	s11 =	sshra.s32 s11, $0x2;
	s4 =	sadd.s32 s28, s15;
	v44 =	vunpack.i.u.bf16.f32 v37;
	v8 =	vunpack.i.l.bf16.f32 v37  }
0x145: {  	s16 =	sshrl.u32 s16, $0x3;
	s11 =	sadd.s32 s11, s3;
	s31 =	sand.u32 $0x380, s20;
	v45 =	vld.idx.msk [tilespmem:v4+s4+$0x0 ss:$0x1], $0xffff;
	v5 =	vadd.f32 v8, v5;
	v6 =	vadd.f32 v44, v6  }
0x146: {  	s18 =	sshra.s32 s29, $0x2;
	s20 =	smul.u32 $0x3000, s16;
	s4 =	sadd.s32 s31, s11;
	v46 =	vunpack.i.u.bf16.f32 v41;
	v7 =	vunpack.i.l.bf16.f32 v41  }
0x147: {  	s14 =	sshrl.u32 s14, $0x3;
	s21 =	sand.u32 $0x300, s19;
	s11 =	sadd.s32 s18, s3;
	v47 =	vld.idx.msk [tilespmem:v4+s4+$0x0 ss:$0x1], $0xffff;
	v5 =	vadd.f32 v7, v5;
	v6 =	vadd.f32 v46, v6  }
0x148: {  	s14 =	smul.u32 $0x3000, s14;
	s22 =	sshra.s32 s20, $0x2;
	s4 =	sadd.s32 s21, s11;
	v48 =	vunpack.i.u.bf16.f32 v43;
	v49 =	vunpack.i.l.bf16.f32 v43  }
0x149: {  	s13 =	sshrl.u32 s13, $0x3;
	s23 =	sand.u32 $0x380, s17;
	s11 =	sadd.s32 s22, s3;
	v50 =	vld.idx.msk [tilespmem:v4+s4+$0x0 ss:$0x1], $0xffff;
	v5 =	vadd.f32 v49, v5;
	v6 =	vadd.f32 v48, v6  }
0x14a: {  	s13 =	smul.u32 $0x3000, s13;
	s24 =	sshra.s32 s14, $0x2;
	s4 =	sadd.s32 s23, s11;
	v51 =	vunpack.i.u.bf16.f32 v45;
	v52 =	vunpack.i.l.bf16.f32 v45  }
0x14b: {  	s25 =	sadd.s32 s24, s3;
	v53 =	vld.idx.msk [tilespmem:v4+s4+$0x0 ss:$0x1], $0xffff;
	v5 =	vadd.f32 v52, v5;
	v6 =	vadd.f32 v51, v6  }
0x14c: {  	s26 =	sshra.s32 s13, $0x2;
	s4 =	sadd.s32 s12, s25;
	v54 =	vunpack.i.u.bf16.f32 v47;
	v55 =	vunpack.i.l.bf16.f32 v47  }
0x14d: {  	s28 =	sand.u32 $0x380, s8;
	s29 =	sadd.s32 s26, s3;
	v56 =	vld.idx.msk [tilespmem:v4+s4+$0x0 ss:$0x1], $0xffff;
	v5 =	vadd.f32 v55, v5;
	v6 =	vadd.f32 v54, v6  }
0x14e: {  	s3 =	sadd.s32 s28, s29;
	v57 =	vunpack.i.u.bf16.f32 v50;
	v58 =	vunpack.i.l.bf16.f32 v50  }
0x14f: {  	v4 =	vld.idx.msk [tilespmem:v4+s3+$0x0 ss:$0x1], $0xffff;
	v5 =	vadd.f32 v58, v5;
	v6 =	vadd.f32 v57, v6  }
0x150: {  	v59 =	vunpack.i.u.bf16.f32 v53;
	v60 =	vunpack.i.l.bf16.f32 v53  }
0x151: {  	v5 =	vadd.f32 v60, v5;
	v6 =	vadd.f32 v59, v6  }
0x152: {  	v61 =	vunpack.i.u.bf16.f32 v56;
	v62 =	vunpack.i.l.bf16.f32 v56  }
0x153: {  	v5 =	vadd.f32 v62, v5;
	v6 =	vadd.f32 v61, v6  }
0x154: {  	s5 =	sadd.s32 $0x1, s5;
	v63 =	vunpack.i.u.bf16.f32 v4;
	v4 =	vunpack.i.l.bf16.f32 v4  }
0x155: {  	p0 =	sne.s32 s5, $0x18;
	v4 =	vadd.f32 v4, v5;
	v5 =	vadd.f32 v63, v6  }
.Ltmp1:
0x156: {  	_ = 	snop;
	(pc) =	sbr.rel @p0 .LBB2_3-.Ltmp1, $3  }
0x157: {  	v4 =	vmul.f32 v4, v3;
	v5 =	vmul.f32 v5, v3;
	_ =	sdelay $0x1  }
0x158: {  	s31 =	sadd.s32 s6, s9;
	v4 =	vpack.i.f32.bf16 v5, v4  }
0x159: {  	[tilespmem:s31+$0x19000] =	vst v4  }
0x15a: {  	s3 =	simm.s32 $0x2  }
0x15b: {  	_ =	swait.ge [sflag:s3], $0x5400  }
0x15c: {  	[sflag:s3] =	ssyncset.done $0x0  }
0x15d: {  	[sflag:s3] =	ssyncadd.s32 $0xFFFFAC00  }
0x15e: {  	v4 =	vld [tilespmem:s1+$0x200];
	_ =	sdelay $0x4  }
0x15f: {  	v5 =	vshrl.u32 v4, $0x3  }
0x160: {  	v5 =	vmul.u32 $0x18, v5  }
0x161: {  	v4 =	vand.u32 $0x7, v4  }
0x162: {  	v4 =	vor.u32 v4, v5  }
0x163: {  	v5 =	vperm.xlane v4, v0;
	_ =	sdelay $0x1  }
0x164: {  	v5 =	vadd.s32 v1, v5;
	_ =	sdelay $0x1  }
0x165: {  	v4 =	vperm.xlane v4, v2;
	_ =	sdelay $0x1  }
0x166: {  	s10 =	simm.s32 $0x0;
	s16 =	simm.s32 $0x4000;
	v4 =	vadd.s32 v1, v4  }
0x167: {  	[tilespmem:s16], [sflag:$0x1] =	stream.indirect_vreg.gather [hbm4b:s2+s10], $0x80, v5, vm0, $0xb8;
	[tilespmem:$0x19C80] =	vst v63  }
0x168: {  	s17 =	simm.s32 $0x4800  }
0x169: {  	[tilespmem:s17], [sflag:$0x1] =	stream.indirect_vreg.gather [hbm4b:s7+s10], $0x80, v5, vm1, $0xb8;
	[tilespmem:$0x19C80] =	vst v63  }
0x16a: {  	s18 =	simm.s32 $0x4C00  }
0x16b: {  	[tilespmem:s18], [sflag:$0x1] =	stream.indirect_vreg.gather [hbm4b:s2+s10], $0x80, v4, vm0, $0xb8;
	[tilespmem:$0x19C80] =	vst v63  }
0x16c: {  	s19 =	simm.s32 $0x5400  }
0x16d: {  	[tilespmem:s19], [sflag:$0x1] =	stream.indirect_vreg.gather [hbm4b:s7+s10], $0x80, v4, vm1, $0xb8;
	[tilespmem:$0x19C80] =	vst v63  }
0x16e: {  	v4 =	vld [tilespmem:s1+$0x210];
	_ =	sdelay $0x4  }
0x16f: {  	v5 =	vshrl.u32 v4, $0x3  }
0x170: {  	v5 =	vmul.u32 $0x18, v5  }
0x171: {  	v4 =	vand.u32 $0x7, v4  }
0x172: {  	v4 =	vor.u32 v4, v5  }
0x173: {  	v5 =	vperm.xlane v4, v0;
	_ =	sdelay $0x1  }
0x174: {  	v5 =	vadd.s32 v1, v5;
	_ =	sdelay $0x1  }
0x175: {  	v4 =	vperm.xlane v4, v2;
	_ =	sdelay $0x1  }
0x176: {  	s20 =	simm.s32 $0x5800;
	v4 =	vadd.s32 v1, v4  }
0x177: {  	[tilespmem:s20], [sflag:$0x1] =	stream.indirect_vreg.gather [hbm4b:s2+s10], $0x80, v5, vm0, $0xb8;
	[tilespmem:$0x19C80] =	vst v63  }
0x178: {  	s21 =	simm.s32 $0x6000  }
0x179: {  	[tilespmem:s21], [sflag:$0x1] =	stream.indirect_vreg.gather [hbm4b:s7+s10], $0x80, v5, vm1, $0xb8;
	[tilespmem:$0x19C80] =	vst v63  }
0x17a: {  	s22 =	simm.s32 $0x6400  }
0x17b: {  	[tilespmem:s22], [sflag:$0x1] =	stream.indirect_vreg.gather [hbm4b:s2+s10], $0x80, v4, vm0, $0xb8;
	[tilespmem:$0x19C80] =	vst v63  }
0x17c: {  	s23 =	simm.s32 $0x6C00  }
0x17d: {  	[tilespmem:s23], [sflag:$0x1] =	stream.indirect_vreg.gather [hbm4b:s7+s10], $0x80, v4, vm1, $0xb8;
	[tilespmem:$0x19C80] =	vst v63  }
0x17e: {  	v4 =	vld [tilespmem:s1+$0x220];
	_ =	sdelay $0x4  }
0x17f: {  	v5 =	vshrl.u32 v4, $0x3  }
0x180: {  	v5 =	vmul.u32 $0x18, v5  }
0x181: {  	v4 =	vand.u32 $0x7, v4  }
0x182: {  	v4 =	vor.u32 v4, v5  }
0x183: {  	v5 =	vperm.xlane v4, v0;
	_ =	sdelay $0x1  }
0x184: {  	v5 =	vadd.s32 v1, v5;
	_ =	sdelay $0x1  }
0x185: {  	v4 =	vperm.xlane v4, v2;
	_ =	sdelay $0x1  }
0x186: {  	s24 =	simm.s32 $0x7000;
	v4 =	vadd.s32 v1, v4  }
0x187: {  	[tilespmem:s24], [sflag:$0x1] =	stream.indirect_vreg.gather [hbm4b:s2+s10], $0x80, v5, vm0, $0xb8;
	[tilespmem:$0x19C80] =	vst v63  }
0x188: {  	s25 =	simm.s32 $0x7800  }
0x189: {  	[tilespmem:s25], [sflag:$0x1] =	stream.indirect_vreg.gather [hbm4b:s7+s10], $0x80, v5, vm1, $0xb8;
	[tilespmem:$0x19C80] =	vst v63  }
0x18a: {  	s26 =	simm.s32 $0x7C00  }
0x18b: {  	[tilespmem:s26], [sflag:$0x1] =	stream.indirect_vreg.gather [hbm4b:s2+s10], $0x80, v4, vm0, $0xb8;
	[tilespmem:$0x19C80] =	vst v63  }
0x18c: {  	s28 =	simm.s32 $0x8400  }
0x18d: {  	[tilespmem:s28], [sflag:$0x1] =	stream.indirect_vreg.gather [hbm4b:s7+s10], $0x80, v4, vm1, $0xb8;
	[tilespmem:$0x19C80] =	vst v63  }
0x18e: {  	v4 =	vld.msk [tilespmem:s1+$0x230], $0xff;
	_ =	sdelay $0x4  }
0x18f: {  	v5 =	vshrl.u32 v4, $0x3  }
0x190: {  	v5 =	vmul.u32 $0x18, v5  }
0x191: {  	v4 =	vand.u32 $0x7, v4  }
0x192: {  	v4 =	vor.u32 v4, v5  }
0x193: {  	v4 =	vperm.xlane v4, v0;
	_ =	sdelay $0x1  }
0x194: {  	v4 =	vadd.s32 v1, v4;
	_ =	sdelay $0x3  }
0x195: {  	s29 =	simm.s32 $0x8800  }
0x196: {  	[tilespmem:s29], [sflag:$0x1] =	stream.indirect_vreg.gather [hbm4b:s2+s10], $0x80, v4, vm0, $0xb8;
	[tilespmem:$0x19C80] =	vst v63  }
0x197: {  	s31 =	simm.s32 $0x9000;
	s5 =	simm.s32 $0x0  }
0x198: {  	[tilespmem:s31], [sflag:$0x1] =	stream.indirect_vreg.gather [hbm4b:s7+s10], $0x80, v4, vm1, $0xb8;
	[tilespmem:$0x19C80] =	vst v63  }
.LBB2_7:
0x199: {  	s3 =	sshll.u32 s5, $0x4;
	s4 =	sshll.u32 s5, $0x7  }
0x19a: {  	s8 =	simm.s32 $0x0;
	s14 =	simm.s32 $0x480;
	s12 =	simm.s32 $0xA  }
0x19b: {  	s11 =	simm.s32 $0x300;
	s13 =	simm.s32 $0x0;
	s6 =	sand.u32 $0x70, s3  }
0x19c: {  	s15 =	simm.s32 $0x280;
	s16 =	simm.s32 $0x0;
	s29 =	smul.u32 $0x3000, s8;
	v4 =	vmov s6  }
0x19d: {  	s17 =	simm.s32 $0x180;
	s18 =	simm.s32 $0x200;
	s9 =	sand.u32 $0xC00, s4  }
0x19e: {  	s19 =	simm.s32 $0x100;
	s3 =	sadd.s32 $0x9400, s9;
	s4 =	sshra.s32 s29, $0x2  }
0x19f: {  	s8 =	sand.u32 $0x300, s10;
	s13 =	smul.u32 $0x3000, s13;
	s4 =	sadd.s32 s4, s3  }
0x1a0: {  	s20 =	simm.s32 $0x0;
	s25 =	simm.s32 $0x0;
	s4 =	sadd.s32 s8, s4  }
0x1a1: {  	s16 =	smul.u32 $0x3000, s16;
	s19 =	sand.u32 $0x300, s19;
	s13 =	sshra.s32 s13, $0x2;
	v5 =	vld.idx.msk [tilespmem:v4+s4+$0x0 ss:$0x1], $0xffff  }
0x1a2: {  	s17 =	sand.u32 $0x380, s17;
	s24 =	sand.u32 $0x300, s18;
	s13 =	sadd.s32 s13, s3  }
0x1a3: {  	s31 =	sadd.s32 s19, s13;
	s19 =	smul.u32 $0x3000, s20;
	s20 =	simm.s32 $0x0;
	v6 =	vld.idx.msk [tilespmem:v4+s4+$0x80 ss:$0x1], $0xffff  }
0x1a4: {  	s15 =	sand.u32 $0x380, s15;
	s16 =	sshra.s32 s16, $0x2;
	s23 =	smul.u32 $0x3000, s20  }
0x1a5: {  	s29 =	smul.u32 $0x3000, s25;
	s13 =	sadd.s32 s16, s3;
	v7 =	vld.idx.msk [tilespmem:v4+s31+$0x0 ss:$0x1], $0xffff;
	s22 =	sshra.s32 s19, $0x2  }
0x1a6: {  	v8 =	vimm.f32 $0.0e+00;
	s21 =	sadd.s32 s17, s13;
	s13 =	sadd.s32 s22, s3;
	s28 =	sshra.s32 s23, $0x2;
	v9 =	vunpack.i.l.bf16.f32 v5;
	v5 =	vunpack.i.u.bf16.f32 v5  }
0x1a7: {  	s16 =	sshra.s32 s29, $0x2;
	v10 =	vld.idx.msk [tilespmem:v4+s21+$0x0 ss:$0x1], $0xffff;
	s26 =	sadd.s32 s24, s13;
	s13 =	sadd.s32 s28, s3;
	v9 =	vadd.f32 v9, v8;
	v5 =	vadd.f32 v5, v8  }
0x1a8: {  	s11 =	sand.u32 $0x300, s11;
	s15 =	sadd.s32 s15, s13;
	s13 =	sadd.s32 s16, s3;
	v8 =	vunpack.i.l.bf16.f32 v6;
	v6 =	vunpack.i.u.bf16.f32 v6  }
0x1a9: {  	s25 =	simm.s32 $0x1;
	s31 =	simm.s32 $0x0;
	v11 =	vld.idx.msk [tilespmem:v4+s26+$0x0 ss:$0x1], $0xffff;
	s21 =	sadd.s32 s11, s13;
	v8 =	vadd.f32 v8, v9;
	v5 =	vadd.f32 v6, v5  }
0x1aa: {  	s29 =	sand.u32 $0x380, s14;
	s19 =	simm.s32 $0x1;
	s18 =	smul.u32 $0x3000, s31;
	v12 =	vld.idx.msk [tilespmem:v4+s21+$0x0 ss:$0x1], $0xffff;
	v6 =	vunpack.i.l.bf16.f32 v7;
	v7 =	vunpack.i.u.bf16.f32 v7  }
0x1ab: {  	s14 =	simm.s32 $0x12;
	s20 =	simm.s32 $0x380;
	s22 =	smul.u32 $0x3000, s19;
	v9 =	vld.idx.msk [tilespmem:v4+s15+$0x0 ss:$0x1], $0xffff;
	v6 =	vadd.f32 v6, v8;
	v5 =	vadd.f32 v7, v5  }
0x1ac: {  	s17 =	simm.s32 $0x14;
	s28 =	smul.u32 $0x3000, s25;
	s23 =	sshra.s32 s18, $0x2;
	v7 =	vunpack.i.l.bf16.f32 v10;
	v8 =	vunpack.i.u.bf16.f32 v10  }
0x1ad: {  	s24 =	sand.u32 $0x380, s20;
	s26 =	sadd.s32 s23, s3;
	s11 =	sshra.s32 s22, $0x2;
	v6 =	vadd.f32 v7, v6;
	v5 =	vadd.f32 v8, v5  }
0x1ae: {  	s16 =	sshra.s32 s28, $0x2;
	s4 =	sadd.s32 s24, s26;
	s11 =	sadd.s32 s11, s3;
	v7 =	vunpack.i.l.bf16.f32 v11;
	v8 =	vunpack.i.u.bf16.f32 v11  }
0x1af: {  	s19 =	simm.s32 $0x1;
	s31 =	sadd.s32 s16, s3;
	s11 =	sadd.s32 s8, s11;
	v6 =	vadd.f32 v7, v6;
	v7 =	vld.idx.msk [tilespmem:v4+s4+$0x0 ss:$0x1], $0xffff;
	v10 =	vadd.f32 v8, v5  }
0x1b0: {  	s18 =	simm.s32 $0x10;
	s13 =	simm.s32 $0x13;
	v11 =	vunpack.i.l.bf16.f32 v12;
	v8 =	vunpack.i.l.bf16.f32 v9;
	v9 =	vunpack.i.u.bf16.f32 v9;
	v5 =	vld.idx.msk [tilespmem:v4+s11+$0x0 ss:$0x1], $0xffff;
	s4 =	sadd.s32 s29, s31  }
0x1b1: {  	s16 =	simm.s32 $0x11;
	s8 =	simm.s32 $0x980;
	s15 =	simm.s32 $0x100;
	v8 =	vadd.f32 v8, v6;
	v9 =	vadd.f32 v9, v10;
	v10 =	vunpack.i.u.bf16.f32 v12;
	v6 =	vld.idx.msk [tilespmem:v4+s4+$0x0 ss:$0x1], $0xffff  }
.LBB2_8:
0x1b2: {  	p0 =	sne.s32 s17, $0x28;
	s4 =	smul.u32 $0x3000, s19;
	s11 =	sadd.s32 $0x5, s12  }
0x1b3: {  	v8 =	vadd.f32 v11, v8;
	v9 =	vadd.f32 v10, v9;
	s19 =	smov.u32 s8;
	s20 =	smov.u32 s12;
	s12 =	smov.u32 s17  }
0x1b4: {  	v10 =	vunpack.i.u.bf16.f32 v7;
	v7 =	vunpack.i.l.bf16.f32 v7;
	s23 =	sadd.s32 $0x2, s20;
	s24 =	sadd.s32 $0x3, s20;
	s25 =	sadd.s32 $0x4, s20  }
0x1b5: {  	s22 =	sadd.s32 $0xFFFFFE80, s8;
	s21 =	sadd.s32 $0xFFFFFF00, s8;
	s4 =	sshra.s32 s4, $0x2;
	v7 =	vadd.f32 v7, v8;
	v8 =	vadd.f32 v10, v9  }
0x1b6: {  	s20 =	sand.u32 $0x300, s15;
	s23 =	sshrl.u32 s23, $0x3;
	v9 =	vunpack.i.u.bf16.f32 v5;
	v5 =	vunpack.i.l.bf16.f32 v5;
	s4 =	sadd.s32 s4, s3  }
0x1b7: {  	s26 =	sadd.s32 $0xFFFFFE00, s8;
	s23 =	smul.u32 $0x3000, s23;
	s4 =	sadd.s32 s20, s4;
	v5 =	vadd.f32 v5, v7;
	v7 =	vadd.f32 v9, v8  }
0x1b8: {  	s28 =	sadd.s32 $0xFFFFFD00, s8;
	s29 =	sadd.s32 $0xFFFFFD80, s8;
	s24 =	sshrl.u32 s24, $0x3;
	v9 =	vunpack.i.u.bf16.f32 v6;
	v6 =	vunpack.i.l.bf16.f32 v6;
	v8 =	vld.idx.msk [tilespmem:v4+s4+$0x0 ss:$0x1], $0xffff  }
0x1b9: {  	s31 =	sadd.s32 $0xFFFFFC80, s8;
	s24 =	smul.u32 $0x3000, s24;
	s23 =	sshra.s32 s23, $0x2;
	v5 =	vadd.f32 v6, v5;
	v6 =	vadd.f32 v9, v7  }
0x1ba: {  	s25 =	sshrl.u32 s25, $0x3;
	s23 =	sadd.s32 s23, s3;
	v7 =	vld.idx.msk [tilespmem:v4+s4+$0x80 ss:$0x1], $0xffff;
	s4 =	sand.u32 $0x300, s31  }
0x1bb: {  	s4 =	sadd.s32 s4, s23;
	s23 =	sshra.s32 s24, $0x2;
	s24 =	smul.u32 $0x3000, s25  }
0x1bc: {  	s11 =	sshrl.u32 s11, $0x3;
	v9 =	vld.idx.msk [tilespmem:v4+s4+$0x0 ss:$0x1], $0xffff;
	s4 =	sand.u32 $0x380, s28;
	s23 =	sadd.s32 s23, s3  }
0x1bd: {  	s11 =	smul.u32 $0x3000, s11;
	s4 =	sadd.s32 s4, s23;
	s23 =	sshra.s32 s24, $0x2  }
0x1be: {  	s18 =	sshrl.u32 s18, $0x3;
	v10 =	vunpack.i.u.bf16.f32 v8;
	v8 =	vunpack.i.l.bf16.f32 v8;
	v11 =	vld.idx.msk [tilespmem:v4+s4+$0x0 ss:$0x1], $0xffff;
	s4 =	sand.u32 $0x300, s29;
	s23 =	sadd.s32 s23, s3  }
0x1bf: {  	s18 =	smul.u32 $0x3000, s18;
	s11 =	sshra.s32 s11, $0x2;
	v5 =	vadd.f32 v8, v5;
	v6 =	vadd.f32 v10, v6;
	s4 =	sadd.s32 s4, s23  }
0x1c0: {  	s16 =	sshrl.u32 s16, $0x3;
	s11 =	sadd.s32 s11, s3;
	v8 =	vunpack.i.u.bf16.f32 v7;
	v7 =	vunpack.i.l.bf16.f32 v7;
	v10 =	vld.idx.msk [tilespmem:v4+s4+$0x0 ss:$0x1], $0xffff;
	s4 =	sand.u32 $0x380, s26  }
0x1c1: {  	s16 =	smul.u32 $0x3000, s16;
	v5 =	vadd.f32 v7, v5;
	v6 =	vadd.f32 v8, v6;
	s4 =	sadd.s32 s4, s11;
	s11 =	sshra.s32 s18, $0x2  }
0x1c2: {  	s14 =	sshrl.u32 s14, $0x3;
	v7 =	vunpack.i.u.bf16.f32 v9;
	v8 =	vunpack.i.l.bf16.f32 v9;
	v9 =	vld.idx.msk [tilespmem:v4+s4+$0x0 ss:$0x1], $0xffff;
	s4 =	sand.u32 $0x300, s22;
	s11 =	sadd.s32 s11, s3  }
0x1c3: {  	s14 =	smul.u32 $0x3000, s14;
	v5 =	vadd.f32 v8, v5;
	v6 =	vadd.f32 v7, v6;
	s4 =	sadd.s32 s4, s11;
	s11 =	sshra.s32 s16, $0x2  }
0x1c4: {  	s13 =	sshrl.u32 s13, $0x3;
	v7 =	vunpack.i.u.bf16.f32 v11;
	v8 =	vunpack.i.l.bf16.f32 v11;
	v11 =	vld.idx.msk [tilespmem:v4+s4+$0x0 ss:$0x1], $0xffff;
	s4 =	sand.u32 $0x380, s21;
	s11 =	sadd.s32 s11, s3  }
0x1c5: {  	s13 =	smul.u32 $0x3000, s13;
	v5 =	vadd.f32 v8, v5;
	v6 =	vadd.f32 v7, v6;
	s4 =	sadd.s32 s4, s11;
	s11 =	sshra.s32 s14, $0x2  }
.Ltmp2:
0x1c6: {  	s15 =	sadd.s32 $0x100, s15;
	v8 =	vunpack.i.u.bf16.f32 v10;
	v10 =	vunpack.i.l.bf16.f32 v10;
	v7 =	vld.idx.msk [tilespmem:v4+s4+$0x0 ss:$0x1], $0xffff;
	s4 =	sadd.s32 s11, s3;
	(pc) =	sbr.rel @p0 .LBB2_8-.Ltmp2, $4  }
0x1c7: {  	s8 =	sadd.s32 $0x500, s8;
	v10 =	vadd.f32 v10, v5;
	v6 =	vadd.f32 v8, v6;
	s11 =	sshra.s32 s13, $0x2;
	s4 =	sadd.s32 s20, s4  }
0x1c8: {  	s13 =	sadd.s32 $0x9, s17;
	v12 =	vunpack.i.u.bf16.f32 v9;
	v8 =	vunpack.i.l.bf16.f32 v9;
	s11 =	sadd.s32 s11, s3;
	v5 =	vld.idx.msk [tilespmem:v4+s4+$0x0 ss:$0x1], $0xffff;
	s4 =	sand.u32 $0x380, s19  }
0x1c9: {  	s16 =	sadd.s32 $0x7, s17;
	s14 =	sadd.s32 $0x8, s17;
	v8 =	vadd.f32 v8, v10;
	v9 =	vadd.f32 v12, v6;
	s4 =	sadd.s32 s4, s11  }
0x1ca: {  	s18 =	sadd.s32 $0x6, s12;
	s17 =	sadd.s32 $0xA, s17;
	s19 =	sshrl.u32 s12, $0x3;
	v10 =	vunpack.i.u.bf16.f32 v11;
	v11 =	vunpack.i.l.bf16.f32 v11;
	v6 =	vld.idx.msk [tilespmem:v4+s4+$0x0 ss:$0x1], $0xffff  }
0x1cb: {  	s4 =	smul.u32 $0x3000, s19;
	s11 =	sadd.s32 $0x5, s12  }
0x1cc: {  	s20 =	sadd.s32 $0x2, s12;
	s21 =	sadd.s32 $0x3, s12;
	s22 =	sadd.s32 $0x4, s12  }
0x1cd: {  	s19 =	sadd.s32 $0xFFFFFE80, s8;
	s17 =	sadd.s32 $0xFFFFFF00, s8;
	s4 =	sshra.s32 s4, $0x2  }
0x1ce: {  	v8 =	vadd.f32 v11, v8;
	v9 =	vadd.f32 v10, v9;
	s12 =	sand.u32 $0x300, s15;
	s29 =	sshrl.u32 s20, $0x3;
	s4 =	sadd.s32 s4, s3  }
0x1cf: {  	v31 =	vunpack.i.u.bf16.f32 v7;
	v32 =	vunpack.i.l.bf16.f32 v7;
	s23 =	sadd.s32 $0xFFFFFD00, s8;
	s15 =	smul.u32 $0x3000, s29;
	s4 =	sadd.s32 s12, s4  }
0x1d0: {  	s24 =	sadd.s32 $0xFFFFFD80, s8;
	s25 =	sadd.s32 $0xFFFFFC80, s8;
	s21 =	sshrl.u32 s21, $0x3;
	v7 =	vadd.f32 v32, v8;
	v33 =	vadd.f32 v31, v9;
	v34 =	vld.idx.msk [tilespmem:v4+s4+$0x0 ss:$0x1], $0xffff  }
0x1d1: {  	s18 =	sshrl.u32 s18, $0x3;
	v35 =	vunpack.i.u.bf16.f32 v5;
	v5 =	vunpack.i.l.bf16.f32 v5;
	s21 =	smul.u32 $0x3000, s21;
	s15 =	sshra.s32 s15, $0x2  }
0x1d2: {  	s31 =	sand.u32 $0x300, s25;
	s22 =	sshrl.u32 s22, $0x3;
	v5 =	vadd.f32 v5, v7;
	v36 =	vadd.f32 v35, v33;
	v37 =	vld.idx.msk [tilespmem:v4+s4+$0x80 ss:$0x1], $0xffff;
	s15 =	sadd.s32 s15, s3  }
0x1d3: {  	s22 =	smul.u32 $0x3000, s22;
	v38 =	vunpack.i.u.bf16.f32 v6;
	v39 =	vunpack.i.l.bf16.f32 v6;
	s21 =	sshra.s32 s21, $0x2;
	s4 =	sadd.s32 s31, s15  }
0x1d4: {  	s25 =	sand.u32 $0x380, s23;
	s11 =	sshrl.u32 s11, $0x3;
	v5 =	vadd.f32 v39, v5;
	v40 =	vadd.f32 v38, v36;
	s15 =	sadd.s32 s21, s3;
	v41 =	vld.idx.msk [tilespmem:v4+s4+$0x0 ss:$0x1], $0xffff  }
0x1d5: {  	s11 =	smul.u32 $0x3000, s11;
	s26 =	sshra.s32 s22, $0x2;
	s4 =	sadd.s32 s25, s15;
	v42 =	vunpack.i.u.bf16.f32 v34;
	v9 =	vunpack.i.l.bf16.f32 v34  }
0x1d6: {  	s20 =	sadd.s32 $0xFFFFFE00, s8;
	s28 =	sand.u32 $0x300, s24;
	s15 =	sadd.s32 s26, s3;
	v43 =	vld.idx.msk [tilespmem:v4+s4+$0x0 ss:$0x1], $0xffff;
	v5 =	vadd.f32 v9, v5;
	v6 =	vadd.f32 v42, v40  }
0x1d7: {  	s29 =	smul.u32 $0x3000, s18;
	s11 =	sshra.s32 s11, $0x2;
	s4 =	sadd.s32 s28, s15;
	v44 =	vunpack.i.u.bf16.f32 v37;
	v8 =	vunpack.i.l.bf16.f32 v37  }
0x1d8: {  	s16 =	sshrl.u32 s16, $0x3;
	s11 =	sadd.s32 s11, s3;
	s31 =	sand.u32 $0x380, s20;
	v45 =	vld.idx.msk [tilespmem:v4+s4+$0x0 ss:$0x1], $0xffff;
	v5 =	vadd.f32 v8, v5;
	v6 =	vadd.f32 v44, v6  }
0x1d9: {  	s18 =	sshra.s32 s29, $0x2;
	s20 =	smul.u32 $0x3000, s16;
	s4 =	sadd.s32 s31, s11;
	v46 =	vunpack.i.u.bf16.f32 v41;
	v7 =	vunpack.i.l.bf16.f32 v41  }
0x1da: {  	s14 =	sshrl.u32 s14, $0x3;
	s21 =	sand.u32 $0x300, s19;
	s11 =	sadd.s32 s18, s3;
	v47 =	vld.idx.msk [tilespmem:v4+s4+$0x0 ss:$0x1], $0xffff;
	v5 =	vadd.f32 v7, v5;
	v6 =	vadd.f32 v46, v6  }
0x1db: {  	s14 =	smul.u32 $0x3000, s14;
	s22 =	sshra.s32 s20, $0x2;
	s4 =	sadd.s32 s21, s11;
	v48 =	vunpack.i.u.bf16.f32 v43;
	v49 =	vunpack.i.l.bf16.f32 v43  }
0x1dc: {  	s13 =	sshrl.u32 s13, $0x3;
	s23 =	sand.u32 $0x380, s17;
	s11 =	sadd.s32 s22, s3;
	v50 =	vld.idx.msk [tilespmem:v4+s4+$0x0 ss:$0x1], $0xffff;
	v5 =	vadd.f32 v49, v5;
	v6 =	vadd.f32 v48, v6  }
0x1dd: {  	s13 =	smul.u32 $0x3000, s13;
	s24 =	sshra.s32 s14, $0x2;
	s4 =	sadd.s32 s23, s11;
	v51 =	vunpack.i.u.bf16.f32 v45;
	v52 =	vunpack.i.l.bf16.f32 v45  }
0x1de: {  	s25 =	sadd.s32 s24, s3;
	v53 =	vld.idx.msk [tilespmem:v4+s4+$0x0 ss:$0x1], $0xffff;
	v5 =	vadd.f32 v52, v5;
	v6 =	vadd.f32 v51, v6  }
0x1df: {  	s26 =	sshra.s32 s13, $0x2;
	s4 =	sadd.s32 s12, s25;
	v54 =	vunpack.i.u.bf16.f32 v47;
	v55 =	vunpack.i.l.bf16.f32 v47  }
0x1e0: {  	s28 =	sand.u32 $0x380, s8;
	s29 =	sadd.s32 s26, s3;
	v56 =	vld.idx.msk [tilespmem:v4+s4+$0x0 ss:$0x1], $0xffff;
	v5 =	vadd.f32 v55, v5;
	v6 =	vadd.f32 v54, v6  }
0x1e1: {  	s3 =	sadd.s32 s28, s29;
	v57 =	vunpack.i.u.bf16.f32 v50;
	v58 =	vunpack.i.l.bf16.f32 v50  }
0x1e2: {  	v4 =	vld.idx.msk [tilespmem:v4+s3+$0x0 ss:$0x1], $0xffff;
	v5 =	vadd.f32 v58, v5;
	v6 =	vadd.f32 v57, v6  }
0x1e3: {  	v59 =	vunpack.i.u.bf16.f32 v53;
	v60 =	vunpack.i.l.bf16.f32 v53  }
0x1e4: {  	v5 =	vadd.f32 v60, v5;
	v6 =	vadd.f32 v59, v6  }
0x1e5: {  	v61 =	vunpack.i.u.bf16.f32 v56;
	v62 =	vunpack.i.l.bf16.f32 v56  }
0x1e6: {  	v5 =	vadd.f32 v62, v5;
	v6 =	vadd.f32 v61, v6  }
0x1e7: {  	s5 =	sadd.s32 $0x1, s5;
	v63 =	vunpack.i.u.bf16.f32 v4;
	v4 =	vunpack.i.l.bf16.f32 v4  }
0x1e8: {  	p0 =	sne.s32 s5, $0x18;
	v4 =	vadd.f32 v4, v5;
	v5 =	vadd.f32 v63, v6  }
.Ltmp3:
0x1e9: {  	_ = 	snop;
	(pc) =	sbr.rel @p0 .LBB2_7-.Ltmp3, $3  }
0x1ea: {  	v4 =	vmul.f32 v4, v3;
	v5 =	vmul.f32 v5, v3;
	_ =	sdelay $0x1  }
0x1eb: {  	s31 =	sadd.s32 s6, s9;
	v4 =	vpack.i.f32.bf16 v5, v4  }
0x1ec: {  	[tilespmem:s31+$0x19080] =	vst v4  }
0x1ed: {  	_ =	swait.ge [sflag:s30], $0x5400  }
0x1ee: {  	[sflag:s30] =	ssyncset.done $0x0  }
0x1ef: {  	[sflag:s30] =	ssyncadd.s32 $0xFFFFAC00  }
0x1f0: {  	v4 =	vld [tilespmem:s1+$0x280];
	_ =	sdelay $0x4  }
0x1f1: {  	v5 =	vshrl.u32 v4, $0x3  }
0x1f2: {  	v5 =	vmul.u32 $0x18, v5  }
0x1f3: {  	v4 =	vand.u32 $0x7, v4  }
0x1f4: {  	v4 =	vor.u32 v4, v5  }
0x1f5: {  	v5 =	vperm.xlane v4, v0;
	_ =	sdelay $0x1  }
0x1f6: {  	v5 =	vadd.s32 v1, v5;
	_ =	sdelay $0x1  }
0x1f7: {  	v4 =	vperm.xlane v4, v2;
	_ =	sdelay $0x1  }
0x1f8: {  	s10 =	simm.s32 $0x0;
	s3 =	simm.s32 $0x9400;
	v4 =	vadd.s32 v1, v4  }
0x1f9: {  	[tilespmem:s3], [sflag:$0x2] =	stream.indirect_vreg.gather [hbm4b:s2+s10], $0x80, v5, vm0, $0xb8;
	[tilespmem:$0x19C80] =	vst v63  }
0x1fa: {  	s17 =	simm.s32 $0x9C00  }
0x1fb: {  	[tilespmem:s17], [sflag:$0x2] =	stream.indirect_vreg.gather [hbm4b:s7+s10], $0x80, v5, vm1, $0xb8;
	[tilespmem:$0x19C80] =	vst v63  }
0x1fc: {  	s18 =	simm.s32 $0xA000  }
0x1fd: {  	[tilespmem:s18], [sflag:$0x2] =	stream.indirect_vreg.gather [hbm4b:s2+s10], $0x80, v4, vm0, $0xb8;
	[tilespmem:$0x19C80] =	vst v63  }
0x1fe: {  	s19 =	simm.s32 $0xA800  }
0x1ff: {  	[tilespmem:s19], [sflag:$0x2] =	stream.indirect_vreg.gather [hbm4b:s7+s10], $0x80, v4, vm1, $0xb8;
	[tilespmem:$0x19C80] =	vst v63  }
0x200: {  	v4 =	vld [tilespmem:s1+$0x290];
	_ =	sdelay $0x4  }
0x201: {  	v5 =	vshrl.u32 v4, $0x3  }
0x202: {  	v5 =	vmul.u32 $0x18, v5  }
0x203: {  	v4 =	vand.u32 $0x7, v4  }
0x204: {  	v4 =	vor.u32 v4, v5  }
0x205: {  	v5 =	vperm.xlane v4, v0;
	_ =	sdelay $0x1  }
0x206: {  	v5 =	vadd.s32 v1, v5;
	_ =	sdelay $0x1  }
0x207: {  	v4 =	vperm.xlane v4, v2;
	_ =	sdelay $0x1  }
0x208: {  	s20 =	simm.s32 $0xAC00;
	v4 =	vadd.s32 v1, v4  }
0x209: {  	[tilespmem:s20], [sflag:$0x2] =	stream.indirect_vreg.gather [hbm4b:s2+s10], $0x80, v5, vm0, $0xb8;
	[tilespmem:$0x19C80] =	vst v63  }
0x20a: {  	s21 =	simm.s32 $0xB400  }
0x20b: {  	[tilespmem:s21], [sflag:$0x2] =	stream.indirect_vreg.gather [hbm4b:s7+s10], $0x80, v5, vm1, $0xb8;
	[tilespmem:$0x19C80] =	vst v63  }
0x20c: {  	s22 =	simm.s32 $0xB800  }
0x20d: {  	[tilespmem:s22], [sflag:$0x2] =	stream.indirect_vreg.gather [hbm4b:s2+s10], $0x80, v4, vm0, $0xb8;
	[tilespmem:$0x19C80] =	vst v63  }
0x20e: {  	s23 =	simm.s32 $0xC000  }
0x20f: {  	[tilespmem:s23], [sflag:$0x2] =	stream.indirect_vreg.gather [hbm4b:s7+s10], $0x80, v4, vm1, $0xb8;
	[tilespmem:$0x19C80] =	vst v63  }
0x210: {  	v4 =	vld [tilespmem:s1+$0x2A0];
	_ =	sdelay $0x4  }
0x211: {  	v5 =	vshrl.u32 v4, $0x3  }
0x212: {  	v5 =	vmul.u32 $0x18, v5  }
0x213: {  	v4 =	vand.u32 $0x7, v4  }
0x214: {  	v4 =	vor.u32 v4, v5  }
0x215: {  	v5 =	vperm.xlane v4, v0;
	_ =	sdelay $0x1  }
0x216: {  	v5 =	vadd.s32 v1, v5;
	_ =	sdelay $0x1  }
0x217: {  	v4 =	vperm.xlane v4, v2;
	_ =	sdelay $0x1  }
0x218: {  	s24 =	simm.s32 $0xC400;
	v4 =	vadd.s32 v1, v4  }
0x219: {  	[tilespmem:s24], [sflag:$0x2] =	stream.indirect_vreg.gather [hbm4b:s2+s10], $0x80, v5, vm0, $0xb8;
	[tilespmem:$0x19C80] =	vst v63  }
0x21a: {  	s25 =	simm.s32 $0xCC00  }
0x21b: {  	[tilespmem:s25], [sflag:$0x2] =	stream.indirect_vreg.gather [hbm4b:s7+s10], $0x80, v5, vm1, $0xb8;
	[tilespmem:$0x19C80] =	vst v63  }
0x21c: {  	s26 =	simm.s32 $0xD000  }
0x21d: {  	[tilespmem:s26], [sflag:$0x2] =	stream.indirect_vreg.gather [hbm4b:s2+s10], $0x80, v4, vm0, $0xb8;
	[tilespmem:$0x19C80] =	vst v63  }
0x21e: {  	s28 =	simm.s32 $0xD800  }
0x21f: {  	[tilespmem:s28], [sflag:$0x2] =	stream.indirect_vreg.gather [hbm4b:s7+s10], $0x80, v4, vm1, $0xb8;
	[tilespmem:$0x19C80] =	vst v63  }
0x220: {  	v4 =	vld.msk [tilespmem:s1+$0x2B0], $0xff;
	_ =	sdelay $0x4  }
0x221: {  	v5 =	vshrl.u32 v4, $0x3  }
0x222: {  	v5 =	vmul.u32 $0x18, v5  }
0x223: {  	v4 =	vand.u32 $0x7, v4  }
0x224: {  	v4 =	vor.u32 v4, v5  }
0x225: {  	v4 =	vperm.xlane v4, v0;
	_ =	sdelay $0x1  }
0x226: {  	v4 =	vadd.s32 v1, v4;
	_ =	sdelay $0x3  }
0x227: {  	s29 =	simm.s32 $0xDC00  }
0x228: {  	[tilespmem:s29], [sflag:$0x2] =	stream.indirect_vreg.gather [hbm4b:s2+s10], $0x80, v4, vm0, $0xb8;
	[tilespmem:$0x19C80] =	vst v63  }
0x229: {  	s31 =	simm.s32 $0xE400;
	s5 =	simm.s32 $0x0  }
0x22a: {  	[tilespmem:s31], [sflag:$0x2] =	stream.indirect_vreg.gather [hbm4b:s7+s10], $0x80, v4, vm1, $0xb8;
	[tilespmem:$0x19C80] =	vst v63  }
.LBB2_11:
0x22b: {  	s3 =	sshll.u32 s5, $0x4;
	s4 =	sshll.u32 s5, $0x7  }
0x22c: {  	s8 =	simm.s32 $0x0;
	s14 =	simm.s32 $0x480;
	s12 =	simm.s32 $0xA  }
0x22d: {  	s11 =	simm.s32 $0x300;
	s13 =	simm.s32 $0x0;
	s6 =	sand.u32 $0x70, s3  }
0x22e: {  	s15 =	simm.s32 $0x280;
	s16 =	simm.s32 $0x0;
	s29 =	smul.u32 $0x3000, s8;
	v4 =	vmov s6  }
0x22f: {  	s17 =	simm.s32 $0x180;
	s18 =	simm.s32 $0x200;
	s9 =	sand.u32 $0xC00, s4  }
0x230: {  	s19 =	simm.s32 $0x100;
	s3 =	sadd.s32 $0xE800, s9;
	s4 =	sshra.s32 s29, $0x2  }
0x231: {  	s8 =	sand.u32 $0x300, s10;
	s13 =	smul.u32 $0x3000, s13;
	s4 =	sadd.s32 s4, s3  }
0x232: {  	s20 =	simm.s32 $0x0;
	s25 =	simm.s32 $0x0;
	s4 =	sadd.s32 s8, s4  }
0x233: {  	s16 =	smul.u32 $0x3000, s16;
	s19 =	sand.u32 $0x300, s19;
	s13 =	sshra.s32 s13, $0x2;
	v5 =	vld.idx.msk [tilespmem:v4+s4+$0x0 ss:$0x1], $0xffff  }
0x234: {  	s17 =	sand.u32 $0x380, s17;
	s24 =	sand.u32 $0x300, s18;
	s13 =	sadd.s32 s13, s3  }
0x235: {  	s31 =	sadd.s32 s19, s13;
	s19 =	smul.u32 $0x3000, s20;
	s20 =	simm.s32 $0x0;
	v6 =	vld.idx.msk [tilespmem:v4+s4+$0x80 ss:$0x1], $0xffff  }
0x236: {  	s15 =	sand.u32 $0x380, s15;
	s16 =	sshra.s32 s16, $0x2;
	s23 =	smul.u32 $0x3000, s20  }
0x237: {  	s29 =	smul.u32 $0x3000, s25;
	s13 =	sadd.s32 s16, s3;
	v7 =	vld.idx.msk [tilespmem:v4+s31+$0x0 ss:$0x1], $0xffff;
	s22 =	sshra.s32 s19, $0x2  }
0x238: {  	v8 =	vimm.f32 $0.0e+00;
	s21 =	sadd.s32 s17, s13;
	s13 =	sadd.s32 s22, s3;
	s28 =	sshra.s32 s23, $0x2;
	v9 =	vunpack.i.l.bf16.f32 v5;
	v5 =	vunpack.i.u.bf16.f32 v5  }
0x239: {  	s16 =	sshra.s32 s29, $0x2;
	v10 =	vld.idx.msk [tilespmem:v4+s21+$0x0 ss:$0x1], $0xffff;
	s26 =	sadd.s32 s24, s13;
	s13 =	sadd.s32 s28, s3;
	v9 =	vadd.f32 v9, v8;
	v5 =	vadd.f32 v5, v8  }
0x23a: {  	s11 =	sand.u32 $0x300, s11;
	s15 =	sadd.s32 s15, s13;
	s13 =	sadd.s32 s16, s3;
	v8 =	vunpack.i.l.bf16.f32 v6;
	v6 =	vunpack.i.u.bf16.f32 v6  }
0x23b: {  	s25 =	simm.s32 $0x1;
	s31 =	simm.s32 $0x0;
	v11 =	vld.idx.msk [tilespmem:v4+s26+$0x0 ss:$0x1], $0xffff;
	s21 =	sadd.s32 s11, s13;
	v8 =	vadd.f32 v8, v9;
	v5 =	vadd.f32 v6, v5  }
0x23c: {  	s29 =	sand.u32 $0x380, s14;
	s19 =	simm.s32 $0x1;
	s18 =	smul.u32 $0x3000, s31;
	v12 =	vld.idx.msk [tilespmem:v4+s21+$0x0 ss:$0x1], $0xffff;
	v6 =	vunpack.i.l.bf16.f32 v7;
	v7 =	vunpack.i.u.bf16.f32 v7  }
0x23d: {  	s14 =	simm.s32 $0x12;
	s20 =	simm.s32 $0x380;
	s22 =	smul.u32 $0x3000, s19;
	v9 =	vld.idx.msk [tilespmem:v4+s15+$0x0 ss:$0x1], $0xffff;
	v6 =	vadd.f32 v6, v8;
	v5 =	vadd.f32 v7, v5  }
0x23e: {  	s17 =	simm.s32 $0x14;
	s28 =	smul.u32 $0x3000, s25;
	s23 =	sshra.s32 s18, $0x2;
	v7 =	vunpack.i.l.bf16.f32 v10;
	v8 =	vunpack.i.u.bf16.f32 v10  }
0x23f: {  	s24 =	sand.u32 $0x380, s20;
	s26 =	sadd.s32 s23, s3;
	s11 =	sshra.s32 s22, $0x2;
	v6 =	vadd.f32 v7, v6;
	v5 =	vadd.f32 v8, v5  }
0x240: {  	s16 =	sshra.s32 s28, $0x2;
	s4 =	sadd.s32 s24, s26;
	s11 =	sadd.s32 s11, s3;
	v7 =	vunpack.i.l.bf16.f32 v11;
	v8 =	vunpack.i.u.bf16.f32 v11  }
0x241: {  	s19 =	simm.s32 $0x1;
	s31 =	sadd.s32 s16, s3;
	s11 =	sadd.s32 s8, s11;
	v6 =	vadd.f32 v7, v6;
	v7 =	vld.idx.msk [tilespmem:v4+s4+$0x0 ss:$0x1], $0xffff;
	v10 =	vadd.f32 v8, v5  }
0x242: {  	s18 =	simm.s32 $0x10;
	s13 =	simm.s32 $0x13;
	v11 =	vunpack.i.l.bf16.f32 v12;
	v8 =	vunpack.i.l.bf16.f32 v9;
	v9 =	vunpack.i.u.bf16.f32 v9;
	v5 =	vld.idx.msk [tilespmem:v4+s11+$0x0 ss:$0x1], $0xffff;
	s4 =	sadd.s32 s29, s31  }
0x243: {  	s16 =	simm.s32 $0x11;
	s8 =	simm.s32 $0x980;
	s15 =	simm.s32 $0x100;
	v8 =	vadd.f32 v8, v6;
	v9 =	vadd.f32 v9, v10;
	v10 =	vunpack.i.u.bf16.f32 v12;
	v6 =	vld.idx.msk [tilespmem:v4+s4+$0x0 ss:$0x1], $0xffff  }
.LBB2_12:
0x244: {  	p0 =	sne.s32 s17, $0x28;
	s4 =	smul.u32 $0x3000, s19;
	s11 =	sadd.s32 $0x5, s12  }
0x245: {  	v8 =	vadd.f32 v11, v8;
	v9 =	vadd.f32 v10, v9;
	s19 =	smov.u32 s8;
	s20 =	smov.u32 s12;
	s12 =	smov.u32 s17  }
0x246: {  	v10 =	vunpack.i.u.bf16.f32 v7;
	v7 =	vunpack.i.l.bf16.f32 v7;
	s23 =	sadd.s32 $0x2, s20;
	s24 =	sadd.s32 $0x3, s20;
	s25 =	sadd.s32 $0x4, s20  }
0x247: {  	s22 =	sadd.s32 $0xFFFFFE80, s8;
	s21 =	sadd.s32 $0xFFFFFF00, s8;
	s4 =	sshra.s32 s4, $0x2;
	v7 =	vadd.f32 v7, v8;
	v8 =	vadd.f32 v10, v9  }
0x248: {  	s20 =	sand.u32 $0x300, s15;
	s23 =	sshrl.u32 s23, $0x3;
	v9 =	vunpack.i.u.bf16.f32 v5;
	v5 =	vunpack.i.l.bf16.f32 v5;
	s4 =	sadd.s32 s4, s3  }
0x249: {  	s26 =	sadd.s32 $0xFFFFFE00, s8;
	s23 =	smul.u32 $0x3000, s23;
	s4 =	sadd.s32 s20, s4;
	v5 =	vadd.f32 v5, v7;
	v7 =	vadd.f32 v9, v8  }
0x24a: {  	s28 =	sadd.s32 $0xFFFFFD00, s8;
	s29 =	sadd.s32 $0xFFFFFD80, s8;
	s24 =	sshrl.u32 s24, $0x3;
	v9 =	vunpack.i.u.bf16.f32 v6;
	v6 =	vunpack.i.l.bf16.f32 v6;
	v8 =	vld.idx.msk [tilespmem:v4+s4+$0x0 ss:$0x1], $0xffff  }
0x24b: {  	s31 =	sadd.s32 $0xFFFFFC80, s8;
	s24 =	smul.u32 $0x3000, s24;
	s23 =	sshra.s32 s23, $0x2;
	v5 =	vadd.f32 v6, v5;
	v6 =	vadd.f32 v9, v7  }
0x24c: {  	s25 =	sshrl.u32 s25, $0x3;
	s23 =	sadd.s32 s23, s3;
	v7 =	vld.idx.msk [tilespmem:v4+s4+$0x80 ss:$0x1], $0xffff;
	s4 =	sand.u32 $0x300, s31  }
0x24d: {  	s4 =	sadd.s32 s4, s23;
	s23 =	sshra.s32 s24, $0x2;
	s24 =	smul.u32 $0x3000, s25  }
0x24e: {  	s11 =	sshrl.u32 s11, $0x3;
	v9 =	vld.idx.msk [tilespmem:v4+s4+$0x0 ss:$0x1], $0xffff;
	s4 =	sand.u32 $0x380, s28;
	s23 =	sadd.s32 s23, s3  }
0x24f: {  	s11 =	smul.u32 $0x3000, s11;
	s4 =	sadd.s32 s4, s23;
	s23 =	sshra.s32 s24, $0x2  }
0x250: {  	s18 =	sshrl.u32 s18, $0x3;
	v10 =	vunpack.i.u.bf16.f32 v8;
	v8 =	vunpack.i.l.bf16.f32 v8;
	v11 =	vld.idx.msk [tilespmem:v4+s4+$0x0 ss:$0x1], $0xffff;
	s4 =	sand.u32 $0x300, s29;
	s23 =	sadd.s32 s23, s3  }
0x251: {  	s18 =	smul.u32 $0x3000, s18;
	s11 =	sshra.s32 s11, $0x2;
	v5 =	vadd.f32 v8, v5;
	v6 =	vadd.f32 v10, v6;
	s4 =	sadd.s32 s4, s23  }
0x252: {  	s16 =	sshrl.u32 s16, $0x3;
	s11 =	sadd.s32 s11, s3;
	v8 =	vunpack.i.u.bf16.f32 v7;
	v7 =	vunpack.i.l.bf16.f32 v7;
	v10 =	vld.idx.msk [tilespmem:v4+s4+$0x0 ss:$0x1], $0xffff;
	s4 =	sand.u32 $0x380, s26  }
0x253: {  	s16 =	smul.u32 $0x3000, s16;
	v5 =	vadd.f32 v7, v5;
	v6 =	vadd.f32 v8, v6;
	s4 =	sadd.s32 s4, s11;
	s11 =	sshra.s32 s18, $0x2  }
0x254: {  	s14 =	sshrl.u32 s14, $0x3;
	v7 =	vunpack.i.u.bf16.f32 v9;
	v8 =	vunpack.i.l.bf16.f32 v9;
	v9 =	vld.idx.msk [tilespmem:v4+s4+$0x0 ss:$0x1], $0xffff;
	s4 =	sand.u32 $0x300, s22;
	s11 =	sadd.s32 s11, s3  }
0x255: {  	s14 =	smul.u32 $0x3000, s14;
	v5 =	vadd.f32 v8, v5;
	v6 =	vadd.f32 v7, v6;
	s4 =	sadd.s32 s4, s11;
	s11 =	sshra.s32 s16, $0x2  }
0x256: {  	s13 =	sshrl.u32 s13, $0x3;
	v7 =	vunpack.i.u.bf16.f32 v11;
	v8 =	vunpack.i.l.bf16.f32 v11;
	v11 =	vld.idx.msk [tilespmem:v4+s4+$0x0 ss:$0x1], $0xffff;
	s4 =	sand.u32 $0x380, s21;
	s11 =	sadd.s32 s11, s3  }
0x257: {  	s13 =	smul.u32 $0x3000, s13;
	v5 =	vadd.f32 v8, v5;
	v6 =	vadd.f32 v7, v6;
	s4 =	sadd.s32 s4, s11;
	s11 =	sshra.s32 s14, $0x2  }
.Ltmp4:
0x258: {  	s15 =	sadd.s32 $0x100, s15;
	v8 =	vunpack.i.u.bf16.f32 v10;
	v10 =	vunpack.i.l.bf16.f32 v10;
	v7 =	vld.idx.msk [tilespmem:v4+s4+$0x0 ss:$0x1], $0xffff;
	s4 =	sadd.s32 s11, s3;
	(pc) =	sbr.rel @p0 .LBB2_12-.Ltmp4, $4  }
0x259: {  	s8 =	sadd.s32 $0x500, s8;
	v10 =	vadd.f32 v10, v5;
	v6 =	vadd.f32 v8, v6;
	s11 =	sshra.s32 s13, $0x2;
	s4 =	sadd.s32 s20, s4  }
0x25a: {  	s13 =	sadd.s32 $0x9, s17;
	v12 =	vunpack.i.u.bf16.f32 v9;
	v8 =	vunpack.i.l.bf16.f32 v9;
	s11 =	sadd.s32 s11, s3;
	v5 =	vld.idx.msk [tilespmem:v4+s4+$0x0 ss:$0x1], $0xffff;
	s4 =	sand.u32 $0x380, s19  }
0x25b: {  	s16 =	sadd.s32 $0x7, s17;
	s14 =	sadd.s32 $0x8, s17;
	v8 =	vadd.f32 v8, v10;
	v9 =	vadd.f32 v12, v6;
	s4 =	sadd.s32 s4, s11  }
0x25c: {  	s18 =	sadd.s32 $0x6, s12;
	s17 =	sadd.s32 $0xA, s17;
	s19 =	sshrl.u32 s12, $0x3;
	v10 =	vunpack.i.u.bf16.f32 v11;
	v11 =	vunpack.i.l.bf16.f32 v11;
	v6 =	vld.idx.msk [tilespmem:v4+s4+$0x0 ss:$0x1], $0xffff  }
0x25d: {  	s4 =	smul.u32 $0x3000, s19;
	s11 =	sadd.s32 $0x5, s12  }
0x25e: {  	s20 =	sadd.s32 $0x2, s12;
	s21 =	sadd.s32 $0x3, s12;
	s22 =	sadd.s32 $0x4, s12  }
0x25f: {  	s19 =	sadd.s32 $0xFFFFFE80, s8;
	s17 =	sadd.s32 $0xFFFFFF00, s8;
	s4 =	sshra.s32 s4, $0x2  }
0x260: {  	v8 =	vadd.f32 v11, v8;
	v9 =	vadd.f32 v10, v9;
	s12 =	sand.u32 $0x300, s15;
	s29 =	sshrl.u32 s20, $0x3;
	s4 =	sadd.s32 s4, s3  }
0x261: {  	v31 =	vunpack.i.u.bf16.f32 v7;
	v32 =	vunpack.i.l.bf16.f32 v7;
	s23 =	sadd.s32 $0xFFFFFD00, s8;
	s15 =	smul.u32 $0x3000, s29;
	s4 =	sadd.s32 s12, s4  }
0x262: {  	s24 =	sadd.s32 $0xFFFFFD80, s8;
	s25 =	sadd.s32 $0xFFFFFC80, s8;
	s21 =	sshrl.u32 s21, $0x3;
	v7 =	vadd.f32 v32, v8;
	v33 =	vadd.f32 v31, v9;
	v34 =	vld.idx.msk [tilespmem:v4+s4+$0x0 ss:$0x1], $0xffff  }
0x263: {  	s18 =	sshrl.u32 s18, $0x3;
	v35 =	vunpack.i.u.bf16.f32 v5;
	v5 =	vunpack.i.l.bf16.f32 v5;
	s21 =	smul.u32 $0x3000, s21;
	s15 =	sshra.s32 s15, $0x2  }
0x264: {  	s31 =	sand.u32 $0x300, s25;
	s22 =	sshrl.u32 s22, $0x3;
	v5 =	vadd.f32 v5, v7;
	v36 =	vadd.f32 v35, v33;
	v37 =	vld.idx.msk [tilespmem:v4+s4+$0x80 ss:$0x1], $0xffff;
	s15 =	sadd.s32 s15, s3  }
0x265: {  	s22 =	smul.u32 $0x3000, s22;
	v38 =	vunpack.i.u.bf16.f32 v6;
	v39 =	vunpack.i.l.bf16.f32 v6;
	s21 =	sshra.s32 s21, $0x2;
	s4 =	sadd.s32 s31, s15  }
0x266: {  	s25 =	sand.u32 $0x380, s23;
	s11 =	sshrl.u32 s11, $0x3;
	v5 =	vadd.f32 v39, v5;
	v40 =	vadd.f32 v38, v36;
	s15 =	sadd.s32 s21, s3;
	v41 =	vld.idx.msk [tilespmem:v4+s4+$0x0 ss:$0x1], $0xffff  }
0x267: {  	s11 =	smul.u32 $0x3000, s11;
	s26 =	sshra.s32 s22, $0x2;
	s4 =	sadd.s32 s25, s15;
	v42 =	vunpack.i.u.bf16.f32 v34;
	v9 =	vunpack.i.l.bf16.f32 v34  }
0x268: {  	s20 =	sadd.s32 $0xFFFFFE00, s8;
	s28 =	sand.u32 $0x300, s24;
	s15 =	sadd.s32 s26, s3;
	v43 =	vld.idx.msk [tilespmem:v4+s4+$0x0 ss:$0x1], $0xffff;
	v5 =	vadd.f32 v9, v5;
	v6 =	vadd.f32 v42, v40  }
0x269: {  	s29 =	smul.u32 $0x3000, s18;
	s11 =	sshra.s32 s11, $0x2;
	s4 =	sadd.s32 s28, s15;
	v44 =	vunpack.i.u.bf16.f32 v37;
	v8 =	vunpack.i.l.bf16.f32 v37  }
0x26a: {  	s16 =	sshrl.u32 s16, $0x3;
	s11 =	sadd.s32 s11, s3;
	s31 =	sand.u32 $0x380, s20;
	v45 =	vld.idx.msk [tilespmem:v4+s4+$0x0 ss:$0x1], $0xffff;
	v5 =	vadd.f32 v8, v5;
	v6 =	vadd.f32 v44, v6  }
0x26b: {  	s18 =	sshra.s32 s29, $0x2;
	s20 =	smul.u32 $0x3000, s16;
	s4 =	sadd.s32 s31, s11;
	v46 =	vunpack.i.u.bf16.f32 v41;
	v7 =	vunpack.i.l.bf16.f32 v41  }
0x26c: {  	s14 =	sshrl.u32 s14, $0x3;
	s21 =	sand.u32 $0x300, s19;
	s11 =	sadd.s32 s18, s3;
	v47 =	vld.idx.msk [tilespmem:v4+s4+$0x0 ss:$0x1], $0xffff;
	v5 =	vadd.f32 v7, v5;
	v6 =	vadd.f32 v46, v6  }
0x26d: {  	s14 =	smul.u32 $0x3000, s14;
	s22 =	sshra.s32 s20, $0x2;
	s4 =	sadd.s32 s21, s11;
	v48 =	vunpack.i.u.bf16.f32 v43;
	v49 =	vunpack.i.l.bf16.f32 v43  }
0x26e: {  	s13 =	sshrl.u32 s13, $0x3;
	s23 =	sand.u32 $0x380, s17;
	s11 =	sadd.s32 s22, s3;
	v50 =	vld.idx.msk [tilespmem:v4+s4+$0x0 ss:$0x1], $0xffff;
	v5 =	vadd.f32 v49, v5;
	v6 =	vadd.f32 v48, v6  }
0x26f: {  	s13 =	smul.u32 $0x3000, s13;
	s24 =	sshra.s32 s14, $0x2;
	s4 =	sadd.s32 s23, s11;
	v51 =	vunpack.i.u.bf16.f32 v45;
	v52 =	vunpack.i.l.bf16.f32 v45  }
0x270: {  	s25 =	sadd.s32 s24, s3;
	v53 =	vld.idx.msk [tilespmem:v4+s4+$0x0 ss:$0x1], $0xffff;
	v5 =	vadd.f32 v52, v5;
	v6 =	vadd.f32 v51, v6  }
0x271: {  	s26 =	sshra.s32 s13, $0x2;
	s4 =	sadd.s32 s12, s25;
	v54 =	vunpack.i.u.bf16.f32 v47;
	v55 =	vunpack.i.l.bf16.f32 v47  }
0x272: {  	s28 =	sand.u32 $0x380, s8;
	s29 =	sadd.s32 s26, s3;
	v56 =	vld.idx.msk [tilespmem:v4+s4+$0x0 ss:$0x1], $0xffff;
	v5 =	vadd.f32 v55, v5;
	v6 =	vadd.f32 v54, v6  }
0x273: {  	s3 =	sadd.s32 s28, s29;
	v57 =	vunpack.i.u.bf16.f32 v50;
	v58 =	vunpack.i.l.bf16.f32 v50  }
0x274: {  	v4 =	vld.idx.msk [tilespmem:v4+s3+$0x0 ss:$0x1], $0xffff;
	v5 =	vadd.f32 v58, v5;
	v6 =	vadd.f32 v57, v6  }
0x275: {  	v59 =	vunpack.i.u.bf16.f32 v53;
	v60 =	vunpack.i.l.bf16.f32 v53  }
0x276: {  	v5 =	vadd.f32 v60, v5;
	v6 =	vadd.f32 v59, v6  }
0x277: {  	v61 =	vunpack.i.u.bf16.f32 v56;
	v62 =	vunpack.i.l.bf16.f32 v56  }
0x278: {  	v5 =	vadd.f32 v62, v5;
	v6 =	vadd.f32 v61, v6  }
0x279: {  	s5 =	sadd.s32 $0x1, s5;
	v63 =	vunpack.i.u.bf16.f32 v4;
	v4 =	vunpack.i.l.bf16.f32 v4  }
0x27a: {  	p0 =	sne.s32 s5, $0x18;
	v4 =	vadd.f32 v4, v5;
	v5 =	vadd.f32 v63, v6  }
.Ltmp5:
0x27b: {  	_ = 	snop;
	(pc) =	sbr.rel @p0 .LBB2_11-.Ltmp5, $3  }
0x27c: {  	v4 =	vmul.f32 v4, v3;
	v5 =	vmul.f32 v5, v3;
	_ =	sdelay $0x1  }
0x27d: {  	s31 =	sadd.s32 s6, s9;
	v4 =	vpack.i.f32.bf16 v5, v4  }
0x27e: {  	[tilespmem:s31+$0x19100] =	vst v4  }
0x27f: {  	s3 =	simm.s32 $0x4  }
0x280: {  	_ =	swait.ge [sflag:s3], $0x5400  }
0x281: {  	[sflag:s3] =	ssyncset.done $0x0  }
0x282: {  	[sflag:s3] =	ssyncadd.s32 $0xFFFFAC00  }
0x283: {  	v4 =	vld [tilespmem:s1+$0x300];
	_ =	sdelay $0x4  }
0x284: {  	v5 =	vshrl.u32 v4, $0x3  }
0x285: {  	v5 =	vmul.u32 $0x18, v5  }
0x286: {  	v4 =	vand.u32 $0x7, v4  }
0x287: {  	v4 =	vor.u32 v4, v5  }
0x288: {  	v5 =	vperm.xlane v4, v0;
	_ =	sdelay $0x1  }
0x289: {  	v5 =	vadd.s32 v1, v5;
	_ =	sdelay $0x1  }
0x28a: {  	v4 =	vperm.xlane v4, v2;
	_ =	sdelay $0x1  }
0x28b: {  	s10 =	simm.s32 $0x0;
	s16 =	simm.s32 $0xE800;
	v4 =	vadd.s32 v1, v4  }
0x28c: {  	[tilespmem:s16], [sflag:$0x3] =	stream.indirect_vreg.gather [hbm4b:s2+s10], $0x80, v5, vm0, $0xb8;
	[tilespmem:$0x19C80] =	vst v63  }
0x28d: {  	s17 =	simm.s32 $0xF000  }
0x28e: {  	[tilespmem:s17], [sflag:$0x3] =	stream.indirect_vreg.gather [hbm4b:s7+s10], $0x80, v5, vm1, $0xb8;
	[tilespmem:$0x19C80] =	vst v63  }
0x28f: {  	s18 =	simm.s32 $0xF400  }
0x290: {  	[tilespmem:s18], [sflag:$0x3] =	stream.indirect_vreg.gather [hbm4b:s2+s10], $0x80, v4, vm0, $0xb8;
	[tilespmem:$0x19C80] =	vst v63  }
0x291: {  	s19 =	simm.s32 $0xFC00  }
0x292: {  	[tilespmem:s19], [sflag:$0x3] =	stream.indirect_vreg.gather [hbm4b:s7+s10], $0x80, v4, vm1, $0xb8;
	[tilespmem:$0x19C80] =	vst v63  }
0x293: {  	v4 =	vld [tilespmem:s1+$0x310];
	_ =	sdelay $0x4  }
0x294: {  	v5 =	vshrl.u32 v4, $0x3  }
0x295: {  	v5 =	vmul.u32 $0x18, v5  }
0x296: {  	v4 =	vand.u32 $0x7, v4  }
0x297: {  	v4 =	vor.u32 v4, v5  }
0x298: {  	v5 =	vperm.xlane v4, v0;
	_ =	sdelay $0x1  }
0x299: {  	v5 =	vadd.s32 v1, v5;
	_ =	sdelay $0x1  }
0x29a: {  	v4 =	vperm.xlane v4, v2;
	_ =	sdelay $0x1  }
0x29b: {  	s20 =	simm.s32 $0x10000;
	v4 =	vadd.s32 v1, v4  }
0x29c: {  	[tilespmem:s20], [sflag:$0x3] =	stream.indirect_vreg.gather [hbm4b:s2+s10], $0x80, v5, vm0, $0xb8;
	[tilespmem:$0x19C80] =	vst v63  }
0x29d: {  	s21 =	simm.s32 $0x10800  }
0x29e: {  	[tilespmem:s21], [sflag:$0x3] =	stream.indirect_vreg.gather [hbm4b:s7+s10], $0x80, v5, vm1, $0xb8;
	[tilespmem:$0x19C80] =	vst v63  }
0x29f: {  	s22 =	simm.s32 $0x10C00  }
0x2a0: {  	[tilespmem:s22], [sflag:$0x3] =	stream.indirect_vreg.gather [hbm4b:s2+s10], $0x80, v4, vm0, $0xb8;
	[tilespmem:$0x19C80] =	vst v63  }
0x2a1: {  	s23 =	simm.s32 $0x11400  }
0x2a2: {  	[tilespmem:s23], [sflag:$0x3] =	stream.indirect_vreg.gather [hbm4b:s7+s10], $0x80, v4, vm1, $0xb8;
	[tilespmem:$0x19C80] =	vst v63  }
0x2a3: {  	v4 =	vld [tilespmem:s1+$0x320];
	_ =	sdelay $0x4  }
0x2a4: {  	v5 =	vshrl.u32 v4, $0x3  }
0x2a5: {  	v5 =	vmul.u32 $0x18, v5  }
0x2a6: {  	v4 =	vand.u32 $0x7, v4  }
0x2a7: {  	v4 =	vor.u32 v4, v5  }
0x2a8: {  	v5 =	vperm.xlane v4, v0;
	_ =	sdelay $0x1  }
0x2a9: {  	v5 =	vadd.s32 v1, v5;
	_ =	sdelay $0x1  }
0x2aa: {  	v4 =	vperm.xlane v4, v2;
	_ =	sdelay $0x1  }
0x2ab: {  	s24 =	simm.s32 $0x11800;
	v4 =	vadd.s32 v1, v4  }
0x2ac: {  	[tilespmem:s24], [sflag:$0x3] =	stream.indirect_vreg.gather [hbm4b:s2+s10], $0x80, v5, vm0, $0xb8;
	[tilespmem:$0x19C80] =	vst v63  }
0x2ad: {  	s25 =	simm.s32 $0x12000  }
0x2ae: {  	[tilespmem:s25], [sflag:$0x3] =	stream.indirect_vreg.gather [hbm4b:s7+s10], $0x80, v5, vm1, $0xb8;
	[tilespmem:$0x19C80] =	vst v63  }
0x2af: {  	s26 =	simm.s32 $0x12400  }
0x2b0: {  	[tilespmem:s26], [sflag:$0x3] =	stream.indirect_vreg.gather [hbm4b:s2+s10], $0x80, v4, vm0, $0xb8;
	[tilespmem:$0x19C80] =	vst v63  }
0x2b1: {  	s28 =	simm.s32 $0x12C00  }
0x2b2: {  	[tilespmem:s28], [sflag:$0x3] =	stream.indirect_vreg.gather [hbm4b:s7+s10], $0x80, v4, vm1, $0xb8;
	[tilespmem:$0x19C80] =	vst v63  }
0x2b3: {  	v4 =	vld.msk [tilespmem:s1+$0x330], $0xff;
	_ =	sdelay $0x4  }
0x2b4: {  	v5 =	vshrl.u32 v4, $0x3  }
0x2b5: {  	v5 =	vmul.u32 $0x18, v5  }
0x2b6: {  	v4 =	vand.u32 $0x7, v4  }
0x2b7: {  	v4 =	vor.u32 v4, v5  }
0x2b8: {  	v4 =	vperm.xlane v4, v0;
	_ =	sdelay $0x1  }
0x2b9: {  	v4 =	vadd.s32 v1, v4;
	_ =	sdelay $0x3  }
0x2ba: {  	s29 =	simm.s32 $0x13000  }
0x2bb: {  	[tilespmem:s29], [sflag:$0x3] =	stream.indirect_vreg.gather [hbm4b:s2+s10], $0x80, v4, vm0, $0xb8;
	[tilespmem:$0x19C80] =	vst v63  }
0x2bc: {  	s31 =	simm.s32 $0x13800;
	s5 =	simm.s32 $0x0  }
0x2bd: {  	[tilespmem:s31], [sflag:$0x3] =	stream.indirect_vreg.gather [hbm4b:s7+s10], $0x80, v4, vm1, $0xb8;
	[tilespmem:$0x19C80] =	vst v63  }
.LBB2_15:
0x2be: {  	s3 =	sshll.u32 s5, $0x4;
	s4 =	sshll.u32 s5, $0x7  }
0x2bf: {  	s8 =	simm.s32 $0x0;
	s14 =	simm.s32 $0x480;
	s12 =	simm.s32 $0xA  }
0x2c0: {  	s11 =	simm.s32 $0x300;
	s13 =	simm.s32 $0x0;
	s6 =	sand.u32 $0x70, s3  }
0x2c1: {  	s15 =	simm.s32 $0x280;
	s16 =	simm.s32 $0x0;
	s29 =	smul.u32 $0x3000, s8;
	v4 =	vmov s6  }
0x2c2: {  	s17 =	simm.s32 $0x180;
	s18 =	simm.s32 $0x200;
	s9 =	sand.u32 $0xC00, s4  }
0x2c3: {  	s19 =	simm.s32 $0x100;
	s3 =	sadd.s32 $0x13C00, s9;
	s4 =	sshra.s32 s29, $0x2  }
0x2c4: {  	s8 =	sand.u32 $0x300, s10;
	s13 =	smul.u32 $0x3000, s13;
	s4 =	sadd.s32 s4, s3  }
0x2c5: {  	s20 =	simm.s32 $0x0;
	s25 =	simm.s32 $0x0;
	s4 =	sadd.s32 s8, s4  }
0x2c6: {  	s16 =	smul.u32 $0x3000, s16;
	s19 =	sand.u32 $0x300, s19;
	s13 =	sshra.s32 s13, $0x2;
	v5 =	vld.idx.msk [tilespmem:v4+s4+$0x0 ss:$0x1], $0xffff  }
0x2c7: {  	s17 =	sand.u32 $0x380, s17;
	s24 =	sand.u32 $0x300, s18;
	s13 =	sadd.s32 s13, s3  }
0x2c8: {  	s31 =	sadd.s32 s19, s13;
	s19 =	smul.u32 $0x3000, s20;
	s20 =	simm.s32 $0x0;
	v6 =	vld.idx.msk [tilespmem:v4+s4+$0x80 ss:$0x1], $0xffff  }
0x2c9: {  	s15 =	sand.u32 $0x380, s15;
	s16 =	sshra.s32 s16, $0x2;
	s23 =	smul.u32 $0x3000, s20  }
0x2ca: {  	s29 =	smul.u32 $0x3000, s25;
	s13 =	sadd.s32 s16, s3;
	v7 =	vld.idx.msk [tilespmem:v4+s31+$0x0 ss:$0x1], $0xffff;
	s22 =	sshra.s32 s19, $0x2  }
0x2cb: {  	v8 =	vimm.f32 $0.0e+00;
	s21 =	sadd.s32 s17, s13;
	s13 =	sadd.s32 s22, s3;
	s28 =	sshra.s32 s23, $0x2;
	v9 =	vunpack.i.l.bf16.f32 v5;
	v5 =	vunpack.i.u.bf16.f32 v5  }
0x2cc: {  	s16 =	sshra.s32 s29, $0x2;
	v10 =	vld.idx.msk [tilespmem:v4+s21+$0x0 ss:$0x1], $0xffff;
	s26 =	sadd.s32 s24, s13;
	s13 =	sadd.s32 s28, s3;
	v9 =	vadd.f32 v9, v8;
	v5 =	vadd.f32 v5, v8  }
0x2cd: {  	s11 =	sand.u32 $0x300, s11;
	s15 =	sadd.s32 s15, s13;
	s13 =	sadd.s32 s16, s3;
	v8 =	vunpack.i.l.bf16.f32 v6;
	v6 =	vunpack.i.u.bf16.f32 v6  }
0x2ce: {  	s25 =	simm.s32 $0x1;
	s31 =	simm.s32 $0x0;
	v11 =	vld.idx.msk [tilespmem:v4+s26+$0x0 ss:$0x1], $0xffff;
	s21 =	sadd.s32 s11, s13;
	v8 =	vadd.f32 v8, v9;
	v5 =	vadd.f32 v6, v5  }
0x2cf: {  	s29 =	sand.u32 $0x380, s14;
	s19 =	simm.s32 $0x1;
	s18 =	smul.u32 $0x3000, s31;
	v12 =	vld.idx.msk [tilespmem:v4+s21+$0x0 ss:$0x1], $0xffff;
	v6 =	vunpack.i.l.bf16.f32 v7;
	v7 =	vunpack.i.u.bf16.f32 v7  }
0x2d0: {  	s14 =	simm.s32 $0x12;
	s20 =	simm.s32 $0x380;
	s22 =	smul.u32 $0x3000, s19;
	v9 =	vld.idx.msk [tilespmem:v4+s15+$0x0 ss:$0x1], $0xffff;
	v6 =	vadd.f32 v6, v8;
	v5 =	vadd.f32 v7, v5  }
0x2d1: {  	s17 =	simm.s32 $0x14;
	s28 =	smul.u32 $0x3000, s25;
	s23 =	sshra.s32 s18, $0x2;
	v7 =	vunpack.i.l.bf16.f32 v10;
	v8 =	vunpack.i.u.bf16.f32 v10  }
0x2d2: {  	s24 =	sand.u32 $0x380, s20;
	s26 =	sadd.s32 s23, s3;
	s11 =	sshra.s32 s22, $0x2;
	v6 =	vadd.f32 v7, v6;
	v5 =	vadd.f32 v8, v5  }
0x2d3: {  	s16 =	sshra.s32 s28, $0x2;
	s4 =	sadd.s32 s24, s26;
	s11 =	sadd.s32 s11, s3;
	v7 =	vunpack.i.l.bf16.f32 v11;
	v8 =	vunpack.i.u.bf16.f32 v11  }
0x2d4: {  	s19 =	simm.s32 $0x1;
	s31 =	sadd.s32 s16, s3;
	s11 =	sadd.s32 s8, s11;
	v6 =	vadd.f32 v7, v6;
	v7 =	vld.idx.msk [tilespmem:v4+s4+$0x0 ss:$0x1], $0xffff;
	v10 =	vadd.f32 v8, v5  }
0x2d5: {  	s18 =	simm.s32 $0x10;
	s13 =	simm.s32 $0x13;
	v11 =	vunpack.i.l.bf16.f32 v12;
	v8 =	vunpack.i.l.bf16.f32 v9;
	v9 =	vunpack.i.u.bf16.f32 v9;
	v5 =	vld.idx.msk [tilespmem:v4+s11+$0x0 ss:$0x1], $0xffff;
	s4 =	sadd.s32 s29, s31  }
0x2d6: {  	s16 =	simm.s32 $0x11;
	s8 =	simm.s32 $0x980;
	s15 =	simm.s32 $0x100;
	v8 =	vadd.f32 v8, v6;
	v9 =	vadd.f32 v9, v10;
	v10 =	vunpack.i.u.bf16.f32 v12;
	v6 =	vld.idx.msk [tilespmem:v4+s4+$0x0 ss:$0x1], $0xffff  }
.LBB2_16:
0x2d7: {  	p0 =	sne.s32 s17, $0x28;
	s4 =	smul.u32 $0x3000, s19;
	s11 =	sadd.s32 $0x5, s12  }
0x2d8: {  	v8 =	vadd.f32 v11, v8;
	v9 =	vadd.f32 v10, v9;
	s19 =	smov.u32 s8;
	s20 =	smov.u32 s12;
	s12 =	smov.u32 s17  }
0x2d9: {  	v10 =	vunpack.i.u.bf16.f32 v7;
	v7 =	vunpack.i.l.bf16.f32 v7;
	s23 =	sadd.s32 $0x2, s20;
	s24 =	sadd.s32 $0x3, s20;
	s25 =	sadd.s32 $0x4, s20  }
0x2da: {  	s22 =	sadd.s32 $0xFFFFFE80, s8;
	s21 =	sadd.s32 $0xFFFFFF00, s8;
	s4 =	sshra.s32 s4, $0x2;
	v7 =	vadd.f32 v7, v8;
	v8 =	vadd.f32 v10, v9  }
0x2db: {  	s20 =	sand.u32 $0x300, s15;
	s23 =	sshrl.u32 s23, $0x3;
	v9 =	vunpack.i.u.bf16.f32 v5;
	v5 =	vunpack.i.l.bf16.f32 v5;
	s4 =	sadd.s32 s4, s3  }
0x2dc: {  	s26 =	sadd.s32 $0xFFFFFE00, s8;
	s23 =	smul.u32 $0x3000, s23;
	s4 =	sadd.s32 s20, s4;
	v5 =	vadd.f32 v5, v7;
	v7 =	vadd.f32 v9, v8  }
0x2dd: {  	s28 =	sadd.s32 $0xFFFFFD00, s8;
	s29 =	sadd.s32 $0xFFFFFD80, s8;
	s24 =	sshrl.u32 s24, $0x3;
	v9 =	vunpack.i.u.bf16.f32 v6;
	v6 =	vunpack.i.l.bf16.f32 v6;
	v8 =	vld.idx.msk [tilespmem:v4+s4+$0x0 ss:$0x1], $0xffff  }
0x2de: {  	s31 =	sadd.s32 $0xFFFFFC80, s8;
	s24 =	smul.u32 $0x3000, s24;
	s23 =	sshra.s32 s23, $0x2;
	v5 =	vadd.f32 v6, v5;
	v6 =	vadd.f32 v9, v7  }
0x2df: {  	s25 =	sshrl.u32 s25, $0x3;
	s23 =	sadd.s32 s23, s3;
	v7 =	vld.idx.msk [tilespmem:v4+s4+$0x80 ss:$0x1], $0xffff;
	s4 =	sand.u32 $0x300, s31  }
0x2e0: {  	s4 =	sadd.s32 s4, s23;
	s23 =	sshra.s32 s24, $0x2;
	s24 =	smul.u32 $0x3000, s25  }
0x2e1: {  	s11 =	sshrl.u32 s11, $0x3;
	v9 =	vld.idx.msk [tilespmem:v4+s4+$0x0 ss:$0x1], $0xffff;
	s4 =	sand.u32 $0x380, s28;
	s23 =	sadd.s32 s23, s3  }
0x2e2: {  	s11 =	smul.u32 $0x3000, s11;
	s4 =	sadd.s32 s4, s23;
	s23 =	sshra.s32 s24, $0x2  }
0x2e3: {  	s18 =	sshrl.u32 s18, $0x3;
	v10 =	vunpack.i.u.bf16.f32 v8;
	v8 =	vunpack.i.l.bf16.f32 v8;
	v11 =	vld.idx.msk [tilespmem:v4+s4+$0x0 ss:$0x1], $0xffff;
	s4 =	sand.u32 $0x300, s29;
	s23 =	sadd.s32 s23, s3  }
0x2e4: {  	s18 =	smul.u32 $0x3000, s18;
	s11 =	sshra.s32 s11, $0x2;
	v5 =	vadd.f32 v8, v5;
	v6 =	vadd.f32 v10, v6;
	s4 =	sadd.s32 s4, s23  }
0x2e5: {  	s16 =	sshrl.u32 s16, $0x3;
	s11 =	sadd.s32 s11, s3;
	v8 =	vunpack.i.u.bf16.f32 v7;
	v7 =	vunpack.i.l.bf16.f32 v7;
	v10 =	vld.idx.msk [tilespmem:v4+s4+$0x0 ss:$0x1], $0xffff;
	s4 =	sand.u32 $0x380, s26  }
0x2e6: {  	s16 =	smul.u32 $0x3000, s16;
	v5 =	vadd.f32 v7, v5;
	v6 =	vadd.f32 v8, v6;
	s4 =	sadd.s32 s4, s11;
	s11 =	sshra.s32 s18, $0x2  }
0x2e7: {  	s14 =	sshrl.u32 s14, $0x3;
	v7 =	vunpack.i.u.bf16.f32 v9;
	v8 =	vunpack.i.l.bf16.f32 v9;
	v9 =	vld.idx.msk [tilespmem:v4+s4+$0x0 ss:$0x1], $0xffff;
	s4 =	sand.u32 $0x300, s22;
	s11 =	sadd.s32 s11, s3  }
0x2e8: {  	s14 =	smul.u32 $0x3000, s14;
	v5 =	vadd.f32 v8, v5;
	v6 =	vadd.f32 v7, v6;
	s4 =	sadd.s32 s4, s11;
	s11 =	sshra.s32 s16, $0x2  }
0x2e9: {  	s13 =	sshrl.u32 s13, $0x3;
	v7 =	vunpack.i.u.bf16.f32 v11;
	v8 =	vunpack.i.l.bf16.f32 v11;
	v11 =	vld.idx.msk [tilespmem:v4+s4+$0x0 ss:$0x1], $0xffff;
	s4 =	sand.u32 $0x380, s21;
	s11 =	sadd.s32 s11, s3  }
0x2ea: {  	s13 =	smul.u32 $0x3000, s13;
	v5 =	vadd.f32 v8, v5;
	v6 =	vadd.f32 v7, v6;
	s4 =	sadd.s32 s4, s11;
	s11 =	sshra.s32 s14, $0x2  }
.Ltmp6:
0x2eb: {  	s15 =	sadd.s32 $0x100, s15;
	v8 =	vunpack.i.u.bf16.f32 v10;
	v10 =	vunpack.i.l.bf16.f32 v10;
	v7 =	vld.idx.msk [tilespmem:v4+s4+$0x0 ss:$0x1], $0xffff;
	s4 =	sadd.s32 s11, s3;
	(pc) =	sbr.rel @p0 .LBB2_16-.Ltmp6, $4  }
0x2ec: {  	s8 =	sadd.s32 $0x500, s8;
	v10 =	vadd.f32 v10, v5;
	v6 =	vadd.f32 v8, v6;
	s11 =	sshra.s32 s13, $0x2;
	s4 =	sadd.s32 s20, s4  }
0x2ed: {  	s13 =	sadd.s32 $0x9, s17;
	v12 =	vunpack.i.u.bf16.f32 v9;
	v8 =	vunpack.i.l.bf16.f32 v9;
	s11 =	sadd.s32 s11, s3;
	v5 =	vld.idx.msk [tilespmem:v4+s4+$0x0 ss:$0x1], $0xffff;
	s4 =	sand.u32 $0x380, s19  }
0x2ee: {  	s16 =	sadd.s32 $0x7, s17;
	s14 =	sadd.s32 $0x8, s17;
	v8 =	vadd.f32 v8, v10;
	v9 =	vadd.f32 v12, v6;
	s4 =	sadd.s32 s4, s11  }
0x2ef: {  	s18 =	sadd.s32 $0x6, s12;
	s17 =	sadd.s32 $0xA, s17;
	s19 =	sshrl.u32 s12, $0x3;
	v10 =	vunpack.i.u.bf16.f32 v11;
	v11 =	vunpack.i.l.bf16.f32 v11;
	v6 =	vld.idx.msk [tilespmem:v4+s4+$0x0 ss:$0x1], $0xffff  }
0x2f0: {  	s4 =	smul.u32 $0x3000, s19;
	s11 =	sadd.s32 $0x5, s12  }
0x2f1: {  	s20 =	sadd.s32 $0x2, s12;
	s21 =	sadd.s32 $0x3, s12;
	s22 =	sadd.s32 $0x4, s12  }
0x2f2: {  	s19 =	sadd.s32 $0xFFFFFE80, s8;
	s17 =	sadd.s32 $0xFFFFFF00, s8;
	s4 =	sshra.s32 s4, $0x2  }
0x2f3: {  	v8 =	vadd.f32 v11, v8;
	v9 =	vadd.f32 v10, v9;
	s12 =	sand.u32 $0x300, s15;
	s29 =	sshrl.u32 s20, $0x3;
	s4 =	sadd.s32 s4, s3  }
0x2f4: {  	v31 =	vunpack.i.u.bf16.f32 v7;
	v32 =	vunpack.i.l.bf16.f32 v7;
	s23 =	sadd.s32 $0xFFFFFD00, s8;
	s15 =	smul.u32 $0x3000, s29;
	s4 =	sadd.s32 s12, s4  }
0x2f5: {  	s24 =	sadd.s32 $0xFFFFFD80, s8;
	s25 =	sadd.s32 $0xFFFFFC80, s8;
	s21 =	sshrl.u32 s21, $0x3;
	v7 =	vadd.f32 v32, v8;
	v33 =	vadd.f32 v31, v9;
	v34 =	vld.idx.msk [tilespmem:v4+s4+$0x0 ss:$0x1], $0xffff  }
0x2f6: {  	s18 =	sshrl.u32 s18, $0x3;
	v35 =	vunpack.i.u.bf16.f32 v5;
	v5 =	vunpack.i.l.bf16.f32 v5;
	s21 =	smul.u32 $0x3000, s21;
	s15 =	sshra.s32 s15, $0x2  }
0x2f7: {  	s31 =	sand.u32 $0x300, s25;
	s22 =	sshrl.u32 s22, $0x3;
	v5 =	vadd.f32 v5, v7;
	v36 =	vadd.f32 v35, v33;
	v37 =	vld.idx.msk [tilespmem:v4+s4+$0x80 ss:$0x1], $0xffff;
	s15 =	sadd.s32 s15, s3  }
0x2f8: {  	s22 =	smul.u32 $0x3000, s22;
	v38 =	vunpack.i.u.bf16.f32 v6;
	v39 =	vunpack.i.l.bf16.f32 v6;
	s21 =	sshra.s32 s21, $0x2;
	s4 =	sadd.s32 s31, s15  }
0x2f9: {  	s25 =	sand.u32 $0x380, s23;
	s11 =	sshrl.u32 s11, $0x3;
	v5 =	vadd.f32 v39, v5;
	v40 =	vadd.f32 v38, v36;
	s15 =	sadd.s32 s21, s3;
	v41 =	vld.idx.msk [tilespmem:v4+s4+$0x0 ss:$0x1], $0xffff  }
0x2fa: {  	s11 =	smul.u32 $0x3000, s11;
	s26 =	sshra.s32 s22, $0x2;
	s4 =	sadd.s32 s25, s15;
	v42 =	vunpack.i.u.bf16.f32 v34;
	v9 =	vunpack.i.l.bf16.f32 v34  }
0x2fb: {  	s20 =	sadd.s32 $0xFFFFFE00, s8;
	s28 =	sand.u32 $0x300, s24;
	s15 =	sadd.s32 s26, s3;
	v43 =	vld.idx.msk [tilespmem:v4+s4+$0x0 ss:$0x1], $0xffff;
	v5 =	vadd.f32 v9, v5;
	v6 =	vadd.f32 v42, v40  }
0x2fc: {  	s29 =	smul.u32 $0x3000, s18;
	s11 =	sshra.s32 s11, $0x2;
	s4 =	sadd.s32 s28, s15;
	v44 =	vunpack.i.u.bf16.f32 v37;
	v8 =	vunpack.i.l.bf16.f32 v37  }
0x2fd: {  	s16 =	sshrl.u32 s16, $0x3;
	s11 =	sadd.s32 s11, s3;
	s31 =	sand.u32 $0x380, s20;
	v45 =	vld.idx.msk [tilespmem:v4+s4+$0x0 ss:$0x1], $0xffff;
	v5 =	vadd.f32 v8, v5;
	v6 =	vadd.f32 v44, v6  }
0x2fe: {  	s18 =	sshra.s32 s29, $0x2;
	s20 =	smul.u32 $0x3000, s16;
	s4 =	sadd.s32 s31, s11;
	v46 =	vunpack.i.u.bf16.f32 v41;
	v7 =	vunpack.i.l.bf16.f32 v41  }
0x2ff: {  	s14 =	sshrl.u32 s14, $0x3;
	s21 =	sand.u32 $0x300, s19;
	s11 =	sadd.s32 s18, s3;
	v47 =	vld.idx.msk [tilespmem:v4+s4+$0x0 ss:$0x1], $0xffff;
	v5 =	vadd.f32 v7, v5;
	v6 =	vadd.f32 v46, v6  }
0x300: {  	s14 =	smul.u32 $0x3000, s14;
	s22 =	sshra.s32 s20, $0x2;
	s4 =	sadd.s32 s21, s11;
	v48 =	vunpack.i.u.bf16.f32 v43;
	v49 =	vunpack.i.l.bf16.f32 v43  }
0x301: {  	s13 =	sshrl.u32 s13, $0x3;
	s23 =	sand.u32 $0x380, s17;
	s11 =	sadd.s32 s22, s3;
	v50 =	vld.idx.msk [tilespmem:v4+s4+$0x0 ss:$0x1], $0xffff;
	v5 =	vadd.f32 v49, v5;
	v6 =	vadd.f32 v48, v6  }
0x302: {  	s13 =	smul.u32 $0x3000, s13;
	s24 =	sshra.s32 s14, $0x2;
	s4 =	sadd.s32 s23, s11;
	v51 =	vunpack.i.u.bf16.f32 v45;
	v52 =	vunpack.i.l.bf16.f32 v45  }
0x303: {  	s25 =	sadd.s32 s24, s3;
	v53 =	vld.idx.msk [tilespmem:v4+s4+$0x0 ss:$0x1], $0xffff;
	v5 =	vadd.f32 v52, v5;
	v6 =	vadd.f32 v51, v6  }
0x304: {  	s26 =	sshra.s32 s13, $0x2;
	s4 =	sadd.s32 s12, s25;
	v54 =	vunpack.i.u.bf16.f32 v47;
	v55 =	vunpack.i.l.bf16.f32 v47  }
0x305: {  	s28 =	sand.u32 $0x380, s8;
	s29 =	sadd.s32 s26, s3;
	v56 =	vld.idx.msk [tilespmem:v4+s4+$0x0 ss:$0x1], $0xffff;
	v5 =	vadd.f32 v55, v5;
	v6 =	vadd.f32 v54, v6  }
0x306: {  	s3 =	sadd.s32 s28, s29;
	v57 =	vunpack.i.u.bf16.f32 v50;
	v58 =	vunpack.i.l.bf16.f32 v50  }
0x307: {  	v4 =	vld.idx.msk [tilespmem:v4+s3+$0x0 ss:$0x1], $0xffff;
	v5 =	vadd.f32 v58, v5;
	v6 =	vadd.f32 v57, v6  }
0x308: {  	v59 =	vunpack.i.u.bf16.f32 v53;
	v60 =	vunpack.i.l.bf16.f32 v53  }
0x309: {  	v5 =	vadd.f32 v60, v5;
	v6 =	vadd.f32 v59, v6  }
0x30a: {  	v61 =	vunpack.i.u.bf16.f32 v56;
	v62 =	vunpack.i.l.bf16.f32 v56  }
0x30b: {  	v5 =	vadd.f32 v62, v5;
	v6 =	vadd.f32 v61, v6  }
0x30c: {  	s5 =	sadd.s32 $0x1, s5;
	v63 =	vunpack.i.u.bf16.f32 v4;
	v4 =	vunpack.i.l.bf16.f32 v4  }
0x30d: {  	p0 =	sne.s32 s5, $0x18;
	v4 =	vadd.f32 v4, v5;
	v5 =	vadd.f32 v63, v6  }
.Ltmp7:
0x30e: {  	_ = 	snop;
	(pc) =	sbr.rel @p0 .LBB2_15-.Ltmp7, $3  }
0x30f: {  	v4 =	vmul.f32 v4, v3;
	v5 =	vmul.f32 v5, v3;
	_ =	sdelay $0x1  }
0x310: {  	s31 =	sadd.s32 s6, s9;
	v4 =	vpack.i.f32.bf16 v5, v4  }
0x311: {  	[tilespmem:s31+$0x19180] =	vst v4  }
0x312: {  	s3 =	simm.s32 $0x1  }
0x313: {  	_ =	swait.ge [sflag:s3], $0x5400  }
0x314: {  	[sflag:s3] =	ssyncset.done $0x0  }
0x315: {  	[sflag:s3] =	ssyncadd.s32 $0xFFFFAC00  }
0x316: {  	v4 =	vld [tilespmem:s1+$0x380];
	_ =	sdelay $0x4  }
0x317: {  	v5 =	vshrl.u32 v4, $0x3  }
0x318: {  	v5 =	vmul.u32 $0x18, v5  }
0x319: {  	v4 =	vand.u32 $0x7, v4  }
0x31a: {  	v4 =	vor.u32 v4, v5  }
0x31b: {  	v5 =	vperm.xlane v4, v0;
	_ =	sdelay $0x1  }
0x31c: {  	v5 =	vadd.s32 v1, v5;
	_ =	sdelay $0x1  }
0x31d: {  	v4 =	vperm.xlane v4, v2;
	_ =	sdelay $0x1  }
0x31e: {  	s10 =	simm.s32 $0x0;
	s16 =	simm.s32 $0x13C00;
	v4 =	vadd.s32 v1, v4  }
0x31f: {  	[tilespmem:s16], [sflag:$0x4] =	stream.indirect_vreg.gather [hbm4b:s2+s10], $0x80, v5, vm0, $0xb8;
	[tilespmem:$0x19C80] =	vst v63  }
0x320: {  	s17 =	simm.s32 $0x14400  }
0x321: {  	[tilespmem:s17], [sflag:$0x4] =	stream.indirect_vreg.gather [hbm4b:s7+s10], $0x80, v5, vm1, $0xb8;
	[tilespmem:$0x19C80] =	vst v63  }
0x322: {  	s18 =	simm.s32 $0x14800  }
0x323: {  	[tilespmem:s18], [sflag:$0x4] =	stream.indirect_vreg.gather [hbm4b:s2+s10], $0x80, v4, vm0, $0xb8;
	[tilespmem:$0x19C80] =	vst v63  }
0x324: {  	s19 =	simm.s32 $0x15000  }
0x325: {  	[tilespmem:s19], [sflag:$0x4] =	stream.indirect_vreg.gather [hbm4b:s7+s10], $0x80, v4, vm1, $0xb8;
	[tilespmem:$0x19C80] =	vst v63  }
0x326: {  	v4 =	vld [tilespmem:s1+$0x390];
	_ =	sdelay $0x4  }
0x327: {  	v5 =	vshrl.u32 v4, $0x3  }
0x328: {  	v5 =	vmul.u32 $0x18, v5  }
0x329: {  	v4 =	vand.u32 $0x7, v4  }
0x32a: {  	v4 =	vor.u32 v4, v5  }
0x32b: {  	v5 =	vperm.xlane v4, v0;
	_ =	sdelay $0x1  }
0x32c: {  	v5 =	vadd.s32 v1, v5;
	_ =	sdelay $0x1  }
0x32d: {  	v4 =	vperm.xlane v4, v2;
	_ =	sdelay $0x1  }
0x32e: {  	s20 =	simm.s32 $0x15400;
	v4 =	vadd.s32 v1, v4  }
0x32f: {  	[tilespmem:s20], [sflag:$0x4] =	stream.indirect_vreg.gather [hbm4b:s2+s10], $0x80, v5, vm0, $0xb8;
	[tilespmem:$0x19C80] =	vst v63  }
0x330: {  	s21 =	simm.s32 $0x15C00  }
0x331: {  	[tilespmem:s21], [sflag:$0x4] =	stream.indirect_vreg.gather [hbm4b:s7+s10], $0x80, v5, vm1, $0xb8;
	[tilespmem:$0x19C80] =	vst v63  }
0x332: {  	s22 =	simm.s32 $0x16000  }
0x333: {  	[tilespmem:s22], [sflag:$0x4] =	stream.indirect_vreg.gather [hbm4b:s2+s10], $0x80, v4, vm0, $0xb8;
	[tilespmem:$0x19C80] =	vst v63  }
0x334: {  	s23 =	simm.s32 $0x16800  }
0x335: {  	[tilespmem:s23], [sflag:$0x4] =	stream.indirect_vreg.gather [hbm4b:s7+s10], $0x80, v4, vm1, $0xb8;
	[tilespmem:$0x19C80] =	vst v63  }
0x336: {  	v4 =	vld [tilespmem:s1+$0x3A0];
	_ =	sdelay $0x4  }
0x337: {  	v5 =	vshrl.u32 v4, $0x3  }
0x338: {  	v5 =	vmul.u32 $0x18, v5  }
0x339: {  	v4 =	vand.u32 $0x7, v4  }
0x33a: {  	v4 =	vor.u32 v4, v5  }
0x33b: {  	v5 =	vperm.xlane v4, v0;
	_ =	sdelay $0x1  }
0x33c: {  	v5 =	vadd.s32 v1, v5;
	_ =	sdelay $0x1  }
0x33d: {  	v4 =	vperm.xlane v4, v2;
	_ =	sdelay $0x1  }
0x33e: {  	s24 =	simm.s32 $0x16C00;
	v4 =	vadd.s32 v1, v4  }
0x33f: {  	[tilespmem:s24], [sflag:$0x4] =	stream.indirect_vreg.gather [hbm4b:s2+s10], $0x80, v5, vm0, $0xb8;
	[tilespmem:$0x19C80] =	vst v63  }
0x340: {  	s25 =	simm.s32 $0x17400  }
0x341: {  	[tilespmem:s25], [sflag:$0x4] =	stream.indirect_vreg.gather [hbm4b:s7+s10], $0x80, v5, vm1, $0xb8;
	[tilespmem:$0x19C80] =	vst v63  }
0x342: {  	s26 =	simm.s32 $0x17800  }
0x343: {  	[tilespmem:s26], [sflag:$0x4] =	stream.indirect_vreg.gather [hbm4b:s2+s10], $0x80, v4, vm0, $0xb8;
	[tilespmem:$0x19C80] =	vst v63  }
0x344: {  	s28 =	simm.s32 $0x18000  }
0x345: {  	[tilespmem:s28], [sflag:$0x4] =	stream.indirect_vreg.gather [hbm4b:s7+s10], $0x80, v4, vm1, $0xb8;
	[tilespmem:$0x19C80] =	vst v63  }
0x346: {  	v4 =	vld.msk [tilespmem:s1+$0x3B0], $0xff;
	_ =	sdelay $0x4  }
0x347: {  	v5 =	vshrl.u32 v4, $0x3  }
0x348: {  	v5 =	vmul.u32 $0x18, v5  }
0x349: {  	v4 =	vand.u32 $0x7, v4  }
0x34a: {  	v4 =	vor.u32 v4, v5  }
0x34b: {  	v4 =	vperm.xlane v4, v0;
	_ =	sdelay $0x1  }
0x34c: {  	v4 =	vadd.s32 v1, v4;
	_ =	sdelay $0x3  }
0x34d: {  	s29 =	simm.s32 $0x18400  }
0x34e: {  	[tilespmem:s29], [sflag:$0x4] =	stream.indirect_vreg.gather [hbm4b:s2+s10], $0x80, v4, vm0, $0xb8;
	[tilespmem:$0x19C80] =	vst v63  }
0x34f: {  	s31 =	simm.s32 $0x18C00;
	s1 =	simm.s32 $0x0  }
0x350: {  	[tilespmem:s31], [sflag:$0x4] =	stream.indirect_vreg.gather [hbm4b:s7+s10], $0x80, v4, vm1, $0xb8;
	[tilespmem:$0x19C80] =	vst v63  }
.LBB2_19:
0x351: {  	s3 =	sshll.u32 s1, $0x4;
	s4 =	sshll.u32 s1, $0x7  }
0x352: {  	s8 =	simm.s32 $0x0;
	s13 =	simm.s32 $0x480;
	s9 =	simm.s32 $0xA  }
0x353: {  	s11 =	simm.s32 $0x300;
	s12 =	simm.s32 $0x0;
	s5 =	sand.u32 $0x70, s3  }
0x354: {  	s14 =	simm.s32 $0x280;
	s15 =	simm.s32 $0x0;
	s29 =	smul.u32 $0x3000, s8;
	v4 =	vmov s5  }
0x355: {  	s16 =	simm.s32 $0x180;
	s17 =	simm.s32 $0x200;
	s6 =	sand.u32 $0xC00, s4  }
0x356: {  	s18 =	simm.s32 $0x100;
	s3 =	sor.u32 $0x4000, s6;
	s4 =	sshra.s32 s29, $0x2  }
0x357: {  	s19 =	simm.s32 $0x0;
	s8 =	sand.u32 $0x300, s10;
	s4 =	sadd.s32 s4, s3  }
0x358: {  	s20 =	simm.s32 $0x0;
	s12 =	smul.u32 $0x3000, s12;
	s4 =	sadd.s32 s8, s4  }
0x359: {  	s25 =	simm.s32 $0x0;
	s15 =	smul.u32 $0x3000, s15;
	s18 =	sand.u32 $0x300, s18;
	v5 =	vld.idx.msk [tilespmem:v4+s4+$0x0 ss:$0x1], $0xffff  }
0x35a: {  	s19 =	smul.u32 $0x3000, s19;
	s16 =	sand.u32 $0x380, s16;
	s12 =	sshra.s32 s12, $0x2  }
0x35b: {  	s23 =	smul.u32 $0x3000, s20;
	s24 =	sand.u32 $0x300, s17;
	s12 =	sadd.s32 s12, s3;
	v6 =	vld.idx.msk [tilespmem:v4+s4+$0x80 ss:$0x1], $0xffff  }
0x35c: {  	s14 =	sand.u32 $0x380, s14;
	s31 =	sadd.s32 s18, s12;
	s18 =	sshra.s32 s15, $0x2  }
0x35d: {  	s22 =	sshra.s32 s19, $0x2;
	s29 =	smul.u32 $0x3000, s25;
	s12 =	sadd.s32 s18, s3;
	v7 =	vld.idx.msk [tilespmem:v4+s31+$0x0 ss:$0x1], $0xffff  }
0x35e: {  	v8 =	vimm.f32 $0.0e+00;
	s28 =	sshra.s32 s23, $0x2;
	s21 =	sadd.s32 s16, s12;
	s12 =	sadd.s32 s22, s3;
	v9 =	vunpack.i.l.bf16.f32 v5;
	v5 =	vunpack.i.u.bf16.f32 v5  }
0x35f: {  	s17 =	sshra.s32 s29, $0x2;
	v10 =	vld.idx.msk [tilespmem:v4+s21+$0x0 ss:$0x1], $0xffff;
	s26 =	sadd.s32 s24, s12;
	s12 =	sadd.s32 s28, s3;
	v9 =	vadd.f32 v9, v8;
	v5 =	vadd.f32 v5, v8  }
0x360: {  	s11 =	sand.u32 $0x300, s11;
	s14 =	sadd.s32 s14, s12;
	s12 =	sadd.s32 s17, s3;
	v8 =	vunpack.i.l.bf16.f32 v6;
	v6 =	vunpack.i.u.bf16.f32 v6  }
0x361: {  	s20 =	simm.s32 $0x380;
	s31 =	simm.s32 $0x0;
	v11 =	vld.idx.msk [tilespmem:v4+s26+$0x0 ss:$0x1], $0xffff;
	s21 =	sadd.s32 s11, s12;
	v8 =	vadd.f32 v8, v9;
	v5 =	vadd.f32 v6, v5  }
0x362: {  	s19 =	simm.s32 $0x1;
	s25 =	simm.s32 $0x1;
	s18 =	smul.u32 $0x3000, s31;
	v12 =	vld.idx.msk [tilespmem:v4+s21+$0x0 ss:$0x1], $0xffff;
	v6 =	vunpack.i.l.bf16.f32 v7;
	v7 =	vunpack.i.u.bf16.f32 v7  }
0x363: {  	s29 =	sand.u32 $0x380, s13;
	s13 =	simm.s32 $0x12;
	s22 =	smul.u32 $0x3000, s19;
	v9 =	vld.idx.msk [tilespmem:v4+s14+$0x0 ss:$0x1], $0xffff;
	v6 =	vadd.f32 v6, v8;
	v5 =	vadd.f32 v7, v5  }
0x364: {  	s16 =	simm.s32 $0x14;
	s28 =	smul.u32 $0x3000, s25;
	s23 =	sshra.s32 s18, $0x2;
	v7 =	vunpack.i.l.bf16.f32 v10;
	v8 =	vunpack.i.u.bf16.f32 v10  }
0x365: {  	s24 =	sand.u32 $0x380, s20;
	s11 =	sshra.s32 s22, $0x2;
	s26 =	sadd.s32 s23, s3;
	v6 =	vadd.f32 v7, v6;
	v5 =	vadd.f32 v8, v5  }
0x366: {  	s15 =	sshra.s32 s28, $0x2;
	s11 =	sadd.s32 s11, s3;
	s4 =	sadd.s32 s24, s26;
	v7 =	vunpack.i.l.bf16.f32 v11;
	v8 =	vunpack.i.u.bf16.f32 v11  }
0x367: {  	s17 =	simm.s32 $0x10;
	s31 =	sadd.s32 s15, s3;
	s11 =	sadd.s32 s8, s11;
	v6 =	vadd.f32 v7, v6;
	v7 =	vld.idx.msk [tilespmem:v4+s4+$0x0 ss:$0x1], $0xffff;
	v10 =	vadd.f32 v8, v5  }
0x368: {  	s12 =	simm.s32 $0x13;
	s18 =	simm.s32 $0x1;
	v11 =	vunpack.i.l.bf16.f32 v12;
	v8 =	vunpack.i.l.bf16.f32 v9;
	v9 =	vunpack.i.u.bf16.f32 v9;
	v5 =	vld.idx.msk [tilespmem:v4+s11+$0x0 ss:$0x1], $0xffff;
	s4 =	sadd.s32 s29, s31  }
0x369: {  	s15 =	simm.s32 $0x11;
	s8 =	simm.s32 $0x980;
	s14 =	simm.s32 $0x100;
	v8 =	vadd.f32 v8, v6;
	v9 =	vadd.f32 v9, v10;
	v10 =	vunpack.i.u.bf16.f32 v12;
	v6 =	vld.idx.msk [tilespmem:v4+s4+$0x0 ss:$0x1], $0xffff  }
.LBB2_20:
0x36a: {  	p0 =	sne.s32 s16, $0x28;
	s4 =	smul.u32 $0x3000, s18;
	s11 =	sadd.s32 $0x5, s9  }
0x36b: {  	v8 =	vadd.f32 v11, v8;
	v9 =	vadd.f32 v10, v9;
	s18 =	smov.u32 s8;
	s19 =	smov.u32 s9;
	s9 =	smov.u32 s16  }
0x36c: {  	v10 =	vunpack.i.u.bf16.f32 v7;
	v7 =	vunpack.i.l.bf16.f32 v7;
	s22 =	sadd.s32 $0x2, s19;
	s23 =	sadd.s32 $0x3, s19;
	s24 =	sadd.s32 $0x4, s19  }
0x36d: {  	s21 =	sadd.s32 $0xFFFFFE80, s8;
	s20 =	sadd.s32 $0xFFFFFF00, s8;
	s4 =	sshra.s32 s4, $0x2;
	v7 =	vadd.f32 v7, v8;
	v8 =	vadd.f32 v10, v9  }
0x36e: {  	s19 =	sand.u32 $0x300, s14;
	s22 =	sshrl.u32 s22, $0x3;
	v9 =	vunpack.i.u.bf16.f32 v5;
	v5 =	vunpack.i.l.bf16.f32 v5;
	s4 =	sadd.s32 s4, s3  }
0x36f: {  	s25 =	sadd.s32 $0xFFFFFE00, s8;
	s22 =	smul.u32 $0x3000, s22;
	s4 =	sadd.s32 s19, s4;
	v5 =	vadd.f32 v5, v7;
	v7 =	vadd.f32 v9, v8  }
0x370: {  	s26 =	sadd.s32 $0xFFFFFD00, s8;
	s28 =	sadd.s32 $0xFFFFFD80, s8;
	s23 =	sshrl.u32 s23, $0x3;
	v9 =	vunpack.i.u.bf16.f32 v6;
	v6 =	vunpack.i.l.bf16.f32 v6;
	v8 =	vld.idx.msk [tilespmem:v4+s4+$0x0 ss:$0x1], $0xffff  }
0x371: {  	s29 =	sadd.s32 $0xFFFFFC80, s8;
	s23 =	smul.u32 $0x3000, s23;
	s22 =	sshra.s32 s22, $0x2;
	v5 =	vadd.f32 v6, v5;
	v6 =	vadd.f32 v9, v7  }
0x372: {  	s24 =	sshrl.u32 s24, $0x3;
	s22 =	sadd.s32 s22, s3;
	v7 =	vld.idx.msk [tilespmem:v4+s4+$0x80 ss:$0x1], $0xffff;
	s4 =	sand.u32 $0x300, s29  }
0x373: {  	s4 =	sadd.s32 s4, s22;
	s22 =	sshra.s32 s23, $0x2;
	s23 =	smul.u32 $0x3000, s24  }
0x374: {  	s11 =	sshrl.u32 s11, $0x3;
	v9 =	vld.idx.msk [tilespmem:v4+s4+$0x0 ss:$0x1], $0xffff;
	s4 =	sand.u32 $0x380, s26;
	s22 =	sadd.s32 s22, s3  }
0x375: {  	s11 =	smul.u32 $0x3000, s11;
	s4 =	sadd.s32 s4, s22;
	s22 =	sshra.s32 s23, $0x2  }
0x376: {  	s17 =	sshrl.u32 s17, $0x3;
	v10 =	vunpack.i.u.bf16.f32 v8;
	v8 =	vunpack.i.l.bf16.f32 v8;
	v11 =	vld.idx.msk [tilespmem:v4+s4+$0x0 ss:$0x1], $0xffff;
	s4 =	sand.u32 $0x300, s28;
	s22 =	sadd.s32 s22, s3  }
0x377: {  	s17 =	smul.u32 $0x3000, s17;
	s11 =	sshra.s32 s11, $0x2;
	v5 =	vadd.f32 v8, v5;
	v6 =	vadd.f32 v10, v6;
	s4 =	sadd.s32 s4, s22  }
0x378: {  	s15 =	sshrl.u32 s15, $0x3;
	s11 =	sadd.s32 s11, s3;
	v8 =	vunpack.i.u.bf16.f32 v7;
	v7 =	vunpack.i.l.bf16.f32 v7;
	v10 =	vld.idx.msk [tilespmem:v4+s4+$0x0 ss:$0x1], $0xffff;
	s4 =	sand.u32 $0x380, s25  }
0x379: {  	s15 =	smul.u32 $0x3000, s15;
	v5 =	vadd.f32 v7, v5;
	v6 =	vadd.f32 v8, v6;
	s4 =	sadd.s32 s4, s11;
	s11 =	sshra.s32 s17, $0x2  }
0x37a: {  	s13 =	sshrl.u32 s13, $0x3;
	v7 =	vunpack.i.u.bf16.f32 v9;
	v8 =	vunpack.i.l.bf16.f32 v9;
	v9 =	vld.idx.msk [tilespmem:v4+s4+$0x0 ss:$0x1], $0xffff;
	s4 =	sand.u32 $0x300, s21;
	s11 =	sadd.s32 s11, s3  }
0x37b: {  	s13 =	smul.u32 $0x3000, s13;
	v5 =	vadd.f32 v8, v5;
	v6 =	vadd.f32 v7, v6;
	s4 =	sadd.s32 s4, s11;
	s11 =	sshra.s32 s15, $0x2  }
0x37c: {  	s12 =	sshrl.u32 s12, $0x3;
	v7 =	vunpack.i.u.bf16.f32 v11;
	v8 =	vunpack.i.l.bf16.f32 v11;
	v11 =	vld.idx.msk [tilespmem:v4+s4+$0x0 ss:$0x1], $0xffff;
	s4 =	sand.u32 $0x380, s20;
	s11 =	sadd.s32 s11, s3  }
0x37d: {  	s12 =	smul.u32 $0x3000, s12;
	v5 =	vadd.f32 v8, v5;
	v6 =	vadd.f32 v7, v6;
	s4 =	sadd.s32 s4, s11;
	s11 =	sshra.s32 s13, $0x2  }
.Ltmp8:
0x37e: {  	s14 =	sadd.s32 $0x100, s14;
	v8 =	vunpack.i.u.bf16.f32 v10;
	v10 =	vunpack.i.l.bf16.f32 v10;
	v7 =	vld.idx.msk [tilespmem:v4+s4+$0x0 ss:$0x1], $0xffff;
	s4 =	sadd.s32 s11, s3;
	(pc) =	sbr.rel @p0 .LBB2_20-.Ltmp8, $4  }
0x37f: {  	s8 =	sadd.s32 $0x500, s8;
	v10 =	vadd.f32 v10, v5;
	v6 =	vadd.f32 v8, v6;
	s11 =	sshra.s32 s12, $0x2;
	s4 =	sadd.s32 s19, s4  }
0x380: {  	s12 =	sadd.s32 $0x9, s16;
	v12 =	vunpack.i.u.bf16.f32 v9;
	v8 =	vunpack.i.l.bf16.f32 v9;
	s11 =	sadd.s32 s11, s3;
	v5 =	vld.idx.msk [tilespmem:v4+s4+$0x0 ss:$0x1], $0xffff;
	s4 =	sand.u32 $0x380, s18  }
0x381: {  	s15 =	sadd.s32 $0x7, s16;
	s13 =	sadd.s32 $0x8, s16;
	v8 =	vadd.f32 v8, v10;
	v9 =	vadd.f32 v12, v6;
	s4 =	sadd.s32 s4, s11  }
0x382: {  	s17 =	sadd.s32 $0x6, s9;
	s16 =	sadd.s32 $0xA, s16;
	s18 =	sshrl.u32 s9, $0x3;
	v10 =	vunpack.i.u.bf16.f32 v11;
	v11 =	vunpack.i.l.bf16.f32 v11;
	v6 =	vld.idx.msk [tilespmem:v4+s4+$0x0 ss:$0x1], $0xffff  }
0x383: {  	s4 =	smul.u32 $0x3000, s18;
	s11 =	sadd.s32 $0x5, s9  }
0x384: {  	s19 =	sadd.s32 $0x2, s9;
	s20 =	sadd.s32 $0x3, s9;
	s21 =	sadd.s32 $0x4, s9  }
0x385: {  	s18 =	sadd.s32 $0xFFFFFE80, s8;
	s16 =	sadd.s32 $0xFFFFFF00, s8;
	s4 =	sshra.s32 s4, $0x2  }
0x386: {  	v8 =	vadd.f32 v11, v8;
	v9 =	vadd.f32 v10, v9;
	s9 =	sand.u32 $0x300, s14;
	s29 =	sshrl.u32 s19, $0x3;
	s4 =	sadd.s32 s4, s3  }
0x387: {  	v31 =	vunpack.i.u.bf16.f32 v7;
	v32 =	vunpack.i.l.bf16.f32 v7;
	s22 =	sadd.s32 $0xFFFFFD00, s8;
	s14 =	smul.u32 $0x3000, s29;
	s4 =	sadd.s32 s9, s4  }
0x388: {  	s23 =	sadd.s32 $0xFFFFFD80, s8;
	s24 =	sadd.s32 $0xFFFFFC80, s8;
	s20 =	sshrl.u32 s20, $0x3;
	v7 =	vadd.f32 v32, v8;
	v33 =	vadd.f32 v31, v9;
	v34 =	vld.idx.msk [tilespmem:v4+s4+$0x0 ss:$0x1], $0xffff  }
0x389: {  	s17 =	sshrl.u32 s17, $0x3;
	v35 =	vunpack.i.u.bf16.f32 v5;
	v5 =	vunpack.i.l.bf16.f32 v5;
	s20 =	smul.u32 $0x3000, s20;
	s14 =	sshra.s32 s14, $0x2  }
0x38a: {  	s31 =	sand.u32 $0x300, s24;
	s21 =	sshrl.u32 s21, $0x3;
	v5 =	vadd.f32 v5, v7;
	v36 =	vadd.f32 v35, v33;
	v37 =	vld.idx.msk [tilespmem:v4+s4+$0x80 ss:$0x1], $0xffff;
	s14 =	sadd.s32 s14, s3  }
0x38b: {  	s25 =	smul.u32 $0x3000, s21;
	v38 =	vunpack.i.u.bf16.f32 v6;
	v39 =	vunpack.i.l.bf16.f32 v6;
	s24 =	sshra.s32 s20, $0x2;
	s4 =	sadd.s32 s31, s14  }
0x38c: {  	s26 =	sand.u32 $0x380, s22;
	s11 =	sshrl.u32 s11, $0x3;
	v5 =	vadd.f32 v39, v5;
	v40 =	vadd.f32 v38, v36;
	s14 =	sadd.s32 s24, s3;
	v41 =	vld.idx.msk [tilespmem:v4+s4+$0x0 ss:$0x1], $0xffff  }
0x38d: {  	s11 =	smul.u32 $0x3000, s11;
	s28 =	sshra.s32 s25, $0x2;
	s4 =	sadd.s32 s26, s14;
	v42 =	vunpack.i.u.bf16.f32 v34;
	v9 =	vunpack.i.l.bf16.f32 v34  }
0x38e: {  	s19 =	sadd.s32 $0xFFFFFE00, s8;
	s29 =	sand.u32 $0x300, s23;
	s14 =	sadd.s32 s28, s3;
	v43 =	vld.idx.msk [tilespmem:v4+s4+$0x0 ss:$0x1], $0xffff;
	v5 =	vadd.f32 v9, v5;
	v6 =	vadd.f32 v42, v40  }
0x38f: {  	s11 =	sshra.s32 s11, $0x2;
	s31 =	smul.u32 $0x3000, s17;
	s4 =	sadd.s32 s29, s14;
	v44 =	vunpack.i.u.bf16.f32 v37;
	v8 =	vunpack.i.l.bf16.f32 v37  }
0x390: {  	s15 =	sshrl.u32 s15, $0x3;
	s11 =	sadd.s32 s11, s3;
	s17 =	sand.u32 $0x380, s19;
	v45 =	vld.idx.msk [tilespmem:v4+s4+$0x0 ss:$0x1], $0xffff;
	v5 =	vadd.f32 v8, v5;
	v6 =	vadd.f32 v44, v6  }
0x391: {  	s20 =	smul.u32 $0x3000, s15;
	s19 =	sshra.s32 s31, $0x2;
	s4 =	sadd.s32 s17, s11;
	v46 =	vunpack.i.u.bf16.f32 v41;
	v7 =	vunpack.i.l.bf16.f32 v41  }
0x392: {  	s13 =	sshrl.u32 s13, $0x3;
	s21 =	sand.u32 $0x300, s18;
	s11 =	sadd.s32 s19, s3;
	v47 =	vld.idx.msk [tilespmem:v4+s4+$0x0 ss:$0x1], $0xffff;
	v5 =	vadd.f32 v7, v5;
	v6 =	vadd.f32 v46, v6  }
0x393: {  	s13 =	smul.u32 $0x3000, s13;
	s22 =	sshra.s32 s20, $0x2;
	s4 =	sadd.s32 s21, s11;
	v48 =	vunpack.i.u.bf16.f32 v43;
	v49 =	vunpack.i.l.bf16.f32 v43  }
0x394: {  	s12 =	sshrl.u32 s12, $0x3;
	s23 =	sand.u32 $0x380, s16;
	s11 =	sadd.s32 s22, s3;
	v50 =	vld.idx.msk [tilespmem:v4+s4+$0x0 ss:$0x1], $0xffff;
	v5 =	vadd.f32 v49, v5;
	v6 =	vadd.f32 v48, v6  }
0x395: {  	s12 =	smul.u32 $0x3000, s12;
	s24 =	sshra.s32 s13, $0x2;
	s4 =	sadd.s32 s23, s11;
	v51 =	vunpack.i.u.bf16.f32 v45;
	v52 =	vunpack.i.l.bf16.f32 v45  }
0x396: {  	s25 =	sadd.s32 s24, s3;
	v53 =	vld.idx.msk [tilespmem:v4+s4+$0x0 ss:$0x1], $0xffff;
	v5 =	vadd.f32 v52, v5;
	v6 =	vadd.f32 v51, v6  }
0x397: {  	s26 =	sshra.s32 s12, $0x2;
	s4 =	sadd.s32 s9, s25;
	v54 =	vunpack.i.u.bf16.f32 v47;
	v55 =	vunpack.i.l.bf16.f32 v47  }
0x398: {  	s28 =	sand.u32 $0x380, s8;
	s29 =	sadd.s32 s26, s3;
	v56 =	vld.idx.msk [tilespmem:v4+s4+$0x0 ss:$0x1], $0xffff;
	v5 =	vadd.f32 v55, v5;
	v6 =	vadd.f32 v54, v6  }
0x399: {  	s3 =	sadd.s32 s28, s29;
	v57 =	vunpack.i.u.bf16.f32 v50;
	v58 =	vunpack.i.l.bf16.f32 v50  }
0x39a: {  	v4 =	vld.idx.msk [tilespmem:v4+s3+$0x0 ss:$0x1], $0xffff;
	v5 =	vadd.f32 v58, v5;
	v6 =	vadd.f32 v57, v6  }
0x39b: {  	v59 =	vunpack.i.u.bf16.f32 v53;
	v60 =	vunpack.i.l.bf16.f32 v53  }
0x39c: {  	v5 =	vadd.f32 v60, v5;
	v6 =	vadd.f32 v59, v6  }
0x39d: {  	v61 =	vunpack.i.u.bf16.f32 v56;
	v62 =	vunpack.i.l.bf16.f32 v56  }
0x39e: {  	v5 =	vadd.f32 v62, v5;
	v6 =	vadd.f32 v61, v6  }
0x39f: {  	s1 =	sadd.s32 $0x1, s1;
	v63 =	vunpack.i.u.bf16.f32 v4;
	v4 =	vunpack.i.l.bf16.f32 v4  }
0x3a0: {  	p0 =	sne.s32 s1, $0x18;
	v4 =	vadd.f32 v4, v5;
	v5 =	vadd.f32 v63, v6  }
.Ltmp9:
0x3a1: {  	_ = 	snop;
	(pc) =	sbr.rel @p0 .LBB2_19-.Ltmp9, $3  }
0x3a2: {  	v4 =	vmul.f32 v4, v3;
	v5 =	vmul.f32 v5, v3;
	_ =	sdelay $0x1  }
0x3a3: {  	s31 =	sadd.s32 s5, s6;
	v4 =	vpack.i.f32.bf16 v5, v4  }
0x3a4: {  	[tilespmem:s31+$0x19200] =	vst v4  }
0x3a5: {  	s4 =	simm.s32 $0x2  }
0x3a6: {  	s1 =	sshll.u32 s0, $0x3;
	_ =	swait.ge [sflag:s4], $0x5400  }
0x3a7: {  	s3 =	smin.u32 s1, $0x77;
	[sflag:s4] =	ssyncset.done $0x0  }
0x3a8: {  	s3 =	sshll.u32 s3, $0x7;
	[sflag:s4] =	ssyncadd.s32 $0xFFFFAC00  }
0x3a9: {  	v4 =	vld [tilespmem:s3+$0x400];
	_ =	sdelay $0x4  }
0x3aa: {  	v5 =	vshrl.u32 v4, $0x3  }
0x3ab: {  	v5 =	vmul.u32 $0x18, v5  }
0x3ac: {  	v4 =	vand.u32 $0x7, v4  }
0x3ad: {  	v4 =	vor.u32 v4, v5  }
0x3ae: {  	v5 =	vperm.xlane v4, v0;
	_ =	sdelay $0x1  }
0x3af: {  	v5 =	vadd.s32 v1, v5;
	_ =	sdelay $0x1  }
0x3b0: {  	v4 =	vperm.xlane v4, v2;
	_ =	sdelay $0x1  }
0x3b1: {  	s10 =	simm.s32 $0x0;
	s16 =	simm.s32 $0x4000;
	v4 =	vadd.s32 v1, v4  }
0x3b2: {  	[tilespmem:s16], [sflag:$0x1] =	stream.indirect_vreg.gather [hbm4b:s2+s10], $0x80, v5, vm0, $0xb8;
	[tilespmem:$0x19C80] =	vst v63  }
0x3b3: {  	s17 =	simm.s32 $0x4800  }
0x3b4: {  	[tilespmem:s17], [sflag:$0x1] =	stream.indirect_vreg.gather [hbm4b:s7+s10], $0x80, v5, vm1, $0xb8;
	[tilespmem:$0x19C80] =	vst v63  }
0x3b5: {  	s18 =	simm.s32 $0x4C00  }
0x3b6: {  	[tilespmem:s18], [sflag:$0x1] =	stream.indirect_vreg.gather [hbm4b:s2+s10], $0x80, v4, vm0, $0xb8;
	[tilespmem:$0x19C80] =	vst v63  }
0x3b7: {  	s19 =	simm.s32 $0x5400  }
0x3b8: {  	[tilespmem:s19], [sflag:$0x1] =	stream.indirect_vreg.gather [hbm4b:s7+s10], $0x80, v4, vm1, $0xb8;
	[tilespmem:$0x19C80] =	vst v63  }
0x3b9: {  	v4 =	vld [tilespmem:s3+$0x410];
	_ =	sdelay $0x4  }
0x3ba: {  	v5 =	vshrl.u32 v4, $0x3  }
0x3bb: {  	v5 =	vmul.u32 $0x18, v5  }
0x3bc: {  	v4 =	vand.u32 $0x7, v4  }
0x3bd: {  	v4 =	vor.u32 v4, v5  }
0x3be: {  	v5 =	vperm.xlane v4, v0;
	_ =	sdelay $0x1  }
0x3bf: {  	v5 =	vadd.s32 v1, v5;
	_ =	sdelay $0x1  }
0x3c0: {  	v4 =	vperm.xlane v4, v2;
	_ =	sdelay $0x1  }
0x3c1: {  	s20 =	simm.s32 $0x5800;
	v4 =	vadd.s32 v1, v4  }
0x3c2: {  	[tilespmem:s20], [sflag:$0x1] =	stream.indirect_vreg.gather [hbm4b:s2+s10], $0x80, v5, vm0, $0xb8;
	[tilespmem:$0x19C80] =	vst v63  }
0x3c3: {  	s21 =	simm.s32 $0x6000  }
0x3c4: {  	[tilespmem:s21], [sflag:$0x1] =	stream.indirect_vreg.gather [hbm4b:s7+s10], $0x80, v5, vm1, $0xb8;
	[tilespmem:$0x19C80] =	vst v63  }
0x3c5: {  	s22 =	simm.s32 $0x6400  }
0x3c6: {  	[tilespmem:s22], [sflag:$0x1] =	stream.indirect_vreg.gather [hbm4b:s2+s10], $0x80, v4, vm0, $0xb8;
	[tilespmem:$0x19C80] =	vst v63  }
0x3c7: {  	s23 =	simm.s32 $0x6C00  }
0x3c8: {  	[tilespmem:s23], [sflag:$0x1] =	stream.indirect_vreg.gather [hbm4b:s7+s10], $0x80, v4, vm1, $0xb8;
	[tilespmem:$0x19C80] =	vst v63  }
0x3c9: {  	v4 =	vld [tilespmem:s3+$0x420];
	_ =	sdelay $0x4  }
0x3ca: {  	v5 =	vshrl.u32 v4, $0x3  }
0x3cb: {  	v5 =	vmul.u32 $0x18, v5  }
0x3cc: {  	v4 =	vand.u32 $0x7, v4  }
0x3cd: {  	v4 =	vor.u32 v4, v5  }
0x3ce: {  	v5 =	vperm.xlane v4, v0;
	_ =	sdelay $0x1  }
0x3cf: {  	v5 =	vadd.s32 v1, v5;
	_ =	sdelay $0x1  }
0x3d0: {  	v4 =	vperm.xlane v4, v2;
	_ =	sdelay $0x1  }
0x3d1: {  	s24 =	simm.s32 $0x7000;
	v4 =	vadd.s32 v1, v4  }
0x3d2: {  	[tilespmem:s24], [sflag:$0x1] =	stream.indirect_vreg.gather [hbm4b:s2+s10], $0x80, v5, vm0, $0xb8;
	[tilespmem:$0x19C80] =	vst v63  }
0x3d3: {  	s25 =	simm.s32 $0x7800  }
0x3d4: {  	[tilespmem:s25], [sflag:$0x1] =	stream.indirect_vreg.gather [hbm4b:s7+s10], $0x80, v5, vm1, $0xb8;
	[tilespmem:$0x19C80] =	vst v63  }
0x3d5: {  	s26 =	simm.s32 $0x7C00  }
0x3d6: {  	[tilespmem:s26], [sflag:$0x1] =	stream.indirect_vreg.gather [hbm4b:s2+s10], $0x80, v4, vm0, $0xb8;
	[tilespmem:$0x19C80] =	vst v63  }
0x3d7: {  	s28 =	simm.s32 $0x8400  }
0x3d8: {  	[tilespmem:s28], [sflag:$0x1] =	stream.indirect_vreg.gather [hbm4b:s7+s10], $0x80, v4, vm1, $0xb8;
	[tilespmem:$0x19C80] =	vst v63  }
0x3d9: {  	v4 =	vld.msk [tilespmem:s3+$0x430], $0xff;
	_ =	sdelay $0x4  }
0x3da: {  	v5 =	vshrl.u32 v4, $0x3  }
0x3db: {  	v5 =	vmul.u32 $0x18, v5  }
0x3dc: {  	v4 =	vand.u32 $0x7, v4  }
0x3dd: {  	v4 =	vor.u32 v4, v5  }
0x3de: {  	v4 =	vperm.xlane v4, v0;
	_ =	sdelay $0x1  }
0x3df: {  	v4 =	vadd.s32 v1, v4;
	_ =	sdelay $0x3  }
0x3e0: {  	s29 =	simm.s32 $0x8800  }
0x3e1: {  	[tilespmem:s29], [sflag:$0x1] =	stream.indirect_vreg.gather [hbm4b:s2+s10], $0x80, v4, vm0, $0xb8;
	[tilespmem:$0x19C80] =	vst v63  }
0x3e2: {  	s31 =	simm.s32 $0x9000;
	s5 =	simm.s32 $0x0  }
0x3e3: {  	[tilespmem:s31], [sflag:$0x1] =	stream.indirect_vreg.gather [hbm4b:s7+s10], $0x80, v4, vm1, $0xb8;
	[tilespmem:$0x19C80] =	vst v63  }
.LBB2_23:
0x3e4: {  	s3 =	sshll.u32 s5, $0x4;
	s4 =	sshll.u32 s5, $0x7  }
0x3e5: {  	s8 =	simm.s32 $0x0;
	s14 =	simm.s32 $0x480;
	s12 =	simm.s32 $0xA  }
0x3e6: {  	s11 =	simm.s32 $0x300;
	s13 =	simm.s32 $0x0;
	s6 =	sand.u32 $0x70, s3  }
0x3e7: {  	s15 =	simm.s32 $0x280;
	s16 =	simm.s32 $0x0;
	s29 =	smul.u32 $0x3000, s8;
	v4 =	vmov s6  }
0x3e8: {  	s17 =	simm.s32 $0x180;
	s18 =	simm.s32 $0x200;
	s9 =	sand.u32 $0xC00, s4  }
0x3e9: {  	s19 =	simm.s32 $0x100;
	s3 =	sadd.s32 $0x9400, s9;
	s4 =	sshra.s32 s29, $0x2  }
0x3ea: {  	s8 =	sand.u32 $0x300, s10;
	s13 =	smul.u32 $0x3000, s13;
	s4 =	sadd.s32 s4, s3  }
0x3eb: {  	s20 =	simm.s32 $0x0;
	s25 =	simm.s32 $0x0;
	s4 =	sadd.s32 s8, s4  }
0x3ec: {  	s16 =	smul.u32 $0x3000, s16;
	s19 =	sand.u32 $0x300, s19;
	s13 =	sshra.s32 s13, $0x2;
	v5 =	vld.idx.msk [tilespmem:v4+s4+$0x0 ss:$0x1], $0xffff  }
0x3ed: {  	s17 =	sand.u32 $0x380, s17;
	s24 =	sand.u32 $0x300, s18;
	s13 =	sadd.s32 s13, s3  }
0x3ee: {  	s31 =	sadd.s32 s19, s13;
	s19 =	smul.u32 $0x3000, s20;
	s20 =	simm.s32 $0x0;
	v6 =	vld.idx.msk [tilespmem:v4+s4+$0x80 ss:$0x1], $0xffff  }
0x3ef: {  	s15 =	sand.u32 $0x380, s15;
	s16 =	sshra.s32 s16, $0x2;
	s23 =	smul.u32 $0x3000, s20  }
0x3f0: {  	s29 =	smul.u32 $0x3000, s25;
	s13 =	sadd.s32 s16, s3;
	v7 =	vld.idx.msk [tilespmem:v4+s31+$0x0 ss:$0x1], $0xffff;
	s22 =	sshra.s32 s19, $0x2  }
0x3f1: {  	v8 =	vimm.f32 $0.0e+00;
	s21 =	sadd.s32 s17, s13;
	s13 =	sadd.s32 s22, s3;
	s28 =	sshra.s32 s23, $0x2;
	v9 =	vunpack.i.l.bf16.f32 v5;
	v5 =	vunpack.i.u.bf16.f32 v5  }
0x3f2: {  	s16 =	sshra.s32 s29, $0x2;
	v10 =	vld.idx.msk [tilespmem:v4+s21+$0x0 ss:$0x1], $0xffff;
	s26 =	sadd.s32 s24, s13;
	s13 =	sadd.s32 s28, s3;
	v9 =	vadd.f32 v9, v8;
	v5 =	vadd.f32 v5, v8  }
0x3f3: {  	s11 =	sand.u32 $0x300, s11;
	s15 =	sadd.s32 s15, s13;
	s13 =	sadd.s32 s16, s3;
	v8 =	vunpack.i.l.bf16.f32 v6;
	v6 =	vunpack.i.u.bf16.f32 v6  }
0x3f4: {  	s25 =	simm.s32 $0x1;
	s31 =	simm.s32 $0x0;
	v11 =	vld.idx.msk [tilespmem:v4+s26+$0x0 ss:$0x1], $0xffff;
	s21 =	sadd.s32 s11, s13;
	v8 =	vadd.f32 v8, v9;
	v5 =	vadd.f32 v6, v5  }
0x3f5: {  	s29 =	sand.u32 $0x380, s14;
	s19 =	simm.s32 $0x1;
	s18 =	smul.u32 $0x3000, s31;
	v12 =	vld.idx.msk [tilespmem:v4+s21+$0x0 ss:$0x1], $0xffff;
	v6 =	vunpack.i.l.bf16.f32 v7;
	v7 =	vunpack.i.u.bf16.f32 v7  }
0x3f6: {  	s14 =	simm.s32 $0x12;
	s20 =	simm.s32 $0x380;
	s22 =	smul.u32 $0x3000, s19;
	v9 =	vld.idx.msk [tilespmem:v4+s15+$0x0 ss:$0x1], $0xffff;
	v6 =	vadd.f32 v6, v8;
	v5 =	vadd.f32 v7, v5  }
0x3f7: {  	s17 =	simm.s32 $0x14;
	s28 =	smul.u32 $0x3000, s25;
	s23 =	sshra.s32 s18, $0x2;
	v7 =	vunpack.i.l.bf16.f32 v10;
	v8 =	vunpack.i.u.bf16.f32 v10  }
0x3f8: {  	s24 =	sand.u32 $0x380, s20;
	s26 =	sadd.s32 s23, s3;
	s11 =	sshra.s32 s22, $0x2;
	v6 =	vadd.f32 v7, v6;
	v5 =	vadd.f32 v8, v5  }
0x3f9: {  	s16 =	sshra.s32 s28, $0x2;
	s4 =	sadd.s32 s24, s26;
	s11 =	sadd.s32 s11, s3;
	v7 =	vunpack.i.l.bf16.f32 v11;
	v8 =	vunpack.i.u.bf16.f32 v11  }
0x3fa: {  	s19 =	simm.s32 $0x1;
	s31 =	sadd.s32 s16, s3;
	s11 =	sadd.s32 s8, s11;
	v6 =	vadd.f32 v7, v6;
	v7 =	vld.idx.msk [tilespmem:v4+s4+$0x0 ss:$0x1], $0xffff;
	v10 =	vadd.f32 v8, v5  }
0x3fb: {  	s18 =	simm.s32 $0x10;
	s13 =	simm.s32 $0x13;
	v11 =	vunpack.i.l.bf16.f32 v12;
	v8 =	vunpack.i.l.bf16.f32 v9;
	v9 =	vunpack.i.u.bf16.f32 v9;
	v5 =	vld.idx.msk [tilespmem:v4+s11+$0x0 ss:$0x1], $0xffff;
	s4 =	sadd.s32 s29, s31  }
0x3fc: {  	s16 =	simm.s32 $0x11;
	s8 =	simm.s32 $0x980;
	s15 =	simm.s32 $0x100;
	v8 =	vadd.f32 v8, v6;
	v9 =	vadd.f32 v9, v10;
	v10 =	vunpack.i.u.bf16.f32 v12;
	v6 =	vld.idx.msk [tilespmem:v4+s4+$0x0 ss:$0x1], $0xffff  }
.LBB2_24:
0x3fd: {  	p0 =	sne.s32 s17, $0x28;
	s4 =	smul.u32 $0x3000, s19;
	s11 =	sadd.s32 $0x5, s12  }
0x3fe: {  	v8 =	vadd.f32 v11, v8;
	v9 =	vadd.f32 v10, v9;
	s19 =	smov.u32 s8;
	s20 =	smov.u32 s12;
	s12 =	smov.u32 s17  }
0x3ff: {  	v10 =	vunpack.i.u.bf16.f32 v7;
	v7 =	vunpack.i.l.bf16.f32 v7;
	s23 =	sadd.s32 $0x2, s20;
	s24 =	sadd.s32 $0x3, s20;
	s25 =	sadd.s32 $0x4, s20  }
0x400: {  	s22 =	sadd.s32 $0xFFFFFE80, s8;
	s21 =	sadd.s32 $0xFFFFFF00, s8;
	s4 =	sshra.s32 s4, $0x2;
	v7 =	vadd.f32 v7, v8;
	v8 =	vadd.f32 v10, v9  }
0x401: {  	s20 =	sand.u32 $0x300, s15;
	s23 =	sshrl.u32 s23, $0x3;
	v9 =	vunpack.i.u.bf16.f32 v5;
	v5 =	vunpack.i.l.bf16.f32 v5;
	s4 =	sadd.s32 s4, s3  }
0x402: {  	s26 =	sadd.s32 $0xFFFFFE00, s8;
	s23 =	smul.u32 $0x3000, s23;
	s4 =	sadd.s32 s20, s4;
	v5 =	vadd.f32 v5, v7;
	v7 =	vadd.f32 v9, v8  }
0x403: {  	s28 =	sadd.s32 $0xFFFFFD00, s8;
	s29 =	sadd.s32 $0xFFFFFD80, s8;
	s24 =	sshrl.u32 s24, $0x3;
	v9 =	vunpack.i.u.bf16.f32 v6;
	v6 =	vunpack.i.l.bf16.f32 v6;
	v8 =	vld.idx.msk [tilespmem:v4+s4+$0x0 ss:$0x1], $0xffff  }
0x404: {  	s31 =	sadd.s32 $0xFFFFFC80, s8;
	s24 =	smul.u32 $0x3000, s24;
	s23 =	sshra.s32 s23, $0x2;
	v5 =	vadd.f32 v6, v5;
	v6 =	vadd.f32 v9, v7  }
0x405: {  	s25 =	sshrl.u32 s25, $0x3;
	s23 =	sadd.s32 s23, s3;
	v7 =	vld.idx.msk [tilespmem:v4+s4+$0x80 ss:$0x1], $0xffff;
	s4 =	sand.u32 $0x300, s31  }
0x406: {  	s4 =	sadd.s32 s4, s23;
	s23 =	sshra.s32 s24, $0x2;
	s24 =	smul.u32 $0x3000, s25  }
0x407: {  	s11 =	sshrl.u32 s11, $0x3;
	v9 =	vld.idx.msk [tilespmem:v4+s4+$0x0 ss:$0x1], $0xffff;
	s4 =	sand.u32 $0x380, s28;
	s23 =	sadd.s32 s23, s3  }
0x408: {  	s11 =	smul.u32 $0x3000, s11;
	s4 =	sadd.s32 s4, s23;
	s23 =	sshra.s32 s24, $0x2  }
0x409: {  	s18 =	sshrl.u32 s18, $0x3;
	v10 =	vunpack.i.u.bf16.f32 v8;
	v8 =	vunpack.i.l.bf16.f32 v8;
	v11 =	vld.idx.msk [tilespmem:v4+s4+$0x0 ss:$0x1], $0xffff;
	s4 =	sand.u32 $0x300, s29;
	s23 =	sadd.s32 s23, s3  }
0x40a: {  	s18 =	smul.u32 $0x3000, s18;
	s11 =	sshra.s32 s11, $0x2;
	v5 =	vadd.f32 v8, v5;
	v6 =	vadd.f32 v10, v6;
	s4 =	sadd.s32 s4, s23  }
0x40b: {  	s16 =	sshrl.u32 s16, $0x3;
	s11 =	sadd.s32 s11, s3;
	v8 =	vunpack.i.u.bf16.f32 v7;
	v7 =	vunpack.i.l.bf16.f32 v7;
	v10 =	vld.idx.msk [tilespmem:v4+s4+$0x0 ss:$0x1], $0xffff;
	s4 =	sand.u32 $0x380, s26  }
0x40c: {  	s16 =	smul.u32 $0x3000, s16;
	v5 =	vadd.f32 v7, v5;
	v6 =	vadd.f32 v8, v6;
	s4 =	sadd.s32 s4, s11;
	s11 =	sshra.s32 s18, $0x2  }
0x40d: {  	s14 =	sshrl.u32 s14, $0x3;
	v7 =	vunpack.i.u.bf16.f32 v9;
	v8 =	vunpack.i.l.bf16.f32 v9;
	v9 =	vld.idx.msk [tilespmem:v4+s4+$0x0 ss:$0x1], $0xffff;
	s4 =	sand.u32 $0x300, s22;
	s11 =	sadd.s32 s11, s3  }
0x40e: {  	s14 =	smul.u32 $0x3000, s14;
	v5 =	vadd.f32 v8, v5;
	v6 =	vadd.f32 v7, v6;
	s4 =	sadd.s32 s4, s11;
	s11 =	sshra.s32 s16, $0x2  }
0x40f: {  	s13 =	sshrl.u32 s13, $0x3;
	v7 =	vunpack.i.u.bf16.f32 v11;
	v8 =	vunpack.i.l.bf16.f32 v11;
	v11 =	vld.idx.msk [tilespmem:v4+s4+$0x0 ss:$0x1], $0xffff;
	s4 =	sand.u32 $0x380, s21;
	s11 =	sadd.s32 s11, s3  }
0x410: {  	s13 =	smul.u32 $0x3000, s13;
	v5 =	vadd.f32 v8, v5;
	v6 =	vadd.f32 v7, v6;
	s4 =	sadd.s32 s4, s11;
	s11 =	sshra.s32 s14, $0x2  }
.Ltmp10:
0x411: {  	s15 =	sadd.s32 $0x100, s15;
	v8 =	vunpack.i.u.bf16.f32 v10;
	v10 =	vunpack.i.l.bf16.f32 v10;
	v7 =	vld.idx.msk [tilespmem:v4+s4+$0x0 ss:$0x1], $0xffff;
	s4 =	sadd.s32 s11, s3;
	(pc) =	sbr.rel @p0 .LBB2_24-.Ltmp10, $4  }
0x412: {  	s8 =	sadd.s32 $0x500, s8;
	v10 =	vadd.f32 v10, v5;
	v6 =	vadd.f32 v8, v6;
	s11 =	sshra.s32 s13, $0x2;
	s4 =	sadd.s32 s20, s4  }
0x413: {  	s13 =	sadd.s32 $0x9, s17;
	v12 =	vunpack.i.u.bf16.f32 v9;
	v8 =	vunpack.i.l.bf16.f32 v9;
	s11 =	sadd.s32 s11, s3;
	v5 =	vld.idx.msk [tilespmem:v4+s4+$0x0 ss:$0x1], $0xffff;
	s4 =	sand.u32 $0x380, s19  }
0x414: {  	s16 =	sadd.s32 $0x7, s17;
	s14 =	sadd.s32 $0x8, s17;
	v8 =	vadd.f32 v8, v10;
	v9 =	vadd.f32 v12, v6;
	s4 =	sadd.s32 s4, s11  }
0x415: {  	s18 =	sadd.s32 $0x6, s12;
	s17 =	sadd.s32 $0xA, s17;
	s19 =	sshrl.u32 s12, $0x3;
	v10 =	vunpack.i.u.bf16.f32 v11;
	v11 =	vunpack.i.l.bf16.f32 v11;
	v6 =	vld.idx.msk [tilespmem:v4+s4+$0x0 ss:$0x1], $0xffff  }
0x416: {  	s4 =	smul.u32 $0x3000, s19;
	s11 =	sadd.s32 $0x5, s12  }
0x417: {  	s20 =	sadd.s32 $0x2, s12;
	s21 =	sadd.s32 $0x3, s12;
	s22 =	sadd.s32 $0x4, s12  }
0x418: {  	s19 =	sadd.s32 $0xFFFFFE80, s8;
	s17 =	sadd.s32 $0xFFFFFF00, s8;
	s4 =	sshra.s32 s4, $0x2  }
0x419: {  	v8 =	vadd.f32 v11, v8;
	v9 =	vadd.f32 v10, v9;
	s12 =	sand.u32 $0x300, s15;
	s29 =	sshrl.u32 s20, $0x3;
	s4 =	sadd.s32 s4, s3  }
0x41a: {  	v31 =	vunpack.i.u.bf16.f32 v7;
	v32 =	vunpack.i.l.bf16.f32 v7;
	s23 =	sadd.s32 $0xFFFFFD00, s8;
	s15 =	smul.u32 $0x3000, s29;
	s4 =	sadd.s32 s12, s4  }
0x41b: {  	s24 =	sadd.s32 $0xFFFFFD80, s8;
	s25 =	sadd.s32 $0xFFFFFC80, s8;
	s21 =	sshrl.u32 s21, $0x3;
	v7 =	vadd.f32 v32, v8;
	v33 =	vadd.f32 v31, v9;
	v34 =	vld.idx.msk [tilespmem:v4+s4+$0x0 ss:$0x1], $0xffff  }
0x41c: {  	s18 =	sshrl.u32 s18, $0x3;
	v35 =	vunpack.i.u.bf16.f32 v5;
	v5 =	vunpack.i.l.bf16.f32 v5;
	s21 =	smul.u32 $0x3000, s21;
	s15 =	sshra.s32 s15, $0x2  }
0x41d: {  	s31 =	sand.u32 $0x300, s25;
	s22 =	sshrl.u32 s22, $0x3;
	v5 =	vadd.f32 v5, v7;
	v36 =	vadd.f32 v35, v33;
	v37 =	vld.idx.msk [tilespmem:v4+s4+$0x80 ss:$0x1], $0xffff;
	s15 =	sadd.s32 s15, s3  }
0x41e: {  	s22 =	smul.u32 $0x3000, s22;
	v38 =	vunpack.i.u.bf16.f32 v6;
	v39 =	vunpack.i.l.bf16.f32 v6;
	s21 =	sshra.s32 s21, $0x2;
	s4 =	sadd.s32 s31, s15  }
0x41f: {  	s25 =	sand.u32 $0x380, s23;
	s11 =	sshrl.u32 s11, $0x3;
	v5 =	vadd.f32 v39, v5;
	v40 =	vadd.f32 v38, v36;
	s15 =	sadd.s32 s21, s3;
	v41 =	vld.idx.msk [tilespmem:v4+s4+$0x0 ss:$0x1], $0xffff  }
0x420: {  	s11 =	smul.u32 $0x3000, s11;
	s26 =	sshra.s32 s22, $0x2;
	s4 =	sadd.s32 s25, s15;
	v42 =	vunpack.i.u.bf16.f32 v34;
	v9 =	vunpack.i.l.bf16.f32 v34  }
0x421: {  	s20 =	sadd.s32 $0xFFFFFE00, s8;
	s28 =	sand.u32 $0x300, s24;
	s15 =	sadd.s32 s26, s3;
	v43 =	vld.idx.msk [tilespmem:v4+s4+$0x0 ss:$0x1], $0xffff;
	v5 =	vadd.f32 v9, v5;
	v6 =	vadd.f32 v42, v40  }
0x422: {  	s29 =	smul.u32 $0x3000, s18;
	s11 =	sshra.s32 s11, $0x2;
	s4 =	sadd.s32 s28, s15;
	v44 =	vunpack.i.u.bf16.f32 v37;
	v8 =	vunpack.i.l.bf16.f32 v37  }
0x423: {  	s16 =	sshrl.u32 s16, $0x3;
	s11 =	sadd.s32 s11, s3;
	s31 =	sand.u32 $0x380, s20;
	v45 =	vld.idx.msk [tilespmem:v4+s4+$0x0 ss:$0x1], $0xffff;
	v5 =	vadd.f32 v8, v5;
	v6 =	vadd.f32 v44, v6  }
0x424: {  	s18 =	sshra.s32 s29, $0x2;
	s20 =	smul.u32 $0x3000, s16;
	s4 =	sadd.s32 s31, s11;
	v46 =	vunpack.i.u.bf16.f32 v41;
	v7 =	vunpack.i.l.bf16.f32 v41  }
0x425: {  	s14 =	sshrl.u32 s14, $0x3;
	s21 =	sand.u32 $0x300, s19;
	s11 =	sadd.s32 s18, s3;
	v47 =	vld.idx.msk [tilespmem:v4+s4+$0x0 ss:$0x1], $0xffff;
	v5 =	vadd.f32 v7, v5;
	v6 =	vadd.f32 v46, v6  }
0x426: {  	s14 =	smul.u32 $0x3000, s14;
	s22 =	sshra.s32 s20, $0x2;
	s4 =	sadd.s32 s21, s11;
	v48 =	vunpack.i.u.bf16.f32 v43;
	v49 =	vunpack.i.l.bf16.f32 v43  }
0x427: {  	s13 =	sshrl.u32 s13, $0x3;
	s23 =	sand.u32 $0x380, s17;
	s11 =	sadd.s32 s22, s3;
	v50 =	vld.idx.msk [tilespmem:v4+s4+$0x0 ss:$0x1], $0xffff;
	v5 =	vadd.f32 v49, v5;
	v6 =	vadd.f32 v48, v6  }
0x428: {  	s13 =	smul.u32 $0x3000, s13;
	s24 =	sshra.s32 s14, $0x2;
	s4 =	sadd.s32 s23, s11;
	v51 =	vunpack.i.u.bf16.f32 v45;
	v52 =	vunpack.i.l.bf16.f32 v45  }
0x429: {  	s25 =	sadd.s32 s24, s3;
	v53 =	vld.idx.msk [tilespmem:v4+s4+$0x0 ss:$0x1], $0xffff;
	v5 =	vadd.f32 v52, v5;
	v6 =	vadd.f32 v51, v6  }
0x42a: {  	s26 =	sshra.s32 s13, $0x2;
	s4 =	sadd.s32 s12, s25;
	v54 =	vunpack.i.u.bf16.f32 v47;
	v55 =	vunpack.i.l.bf16.f32 v47  }
0x42b: {  	s28 =	sand.u32 $0x380, s8;
	s29 =	sadd.s32 s26, s3;
	v56 =	vld.idx.msk [tilespmem:v4+s4+$0x0 ss:$0x1], $0xffff;
	v5 =	vadd.f32 v55, v5;
	v6 =	vadd.f32 v54, v6  }
0x42c: {  	s3 =	sadd.s32 s28, s29;
	v57 =	vunpack.i.u.bf16.f32 v50;
	v58 =	vunpack.i.l.bf16.f32 v50  }
0x42d: {  	v4 =	vld.idx.msk [tilespmem:v4+s3+$0x0 ss:$0x1], $0xffff;
	v5 =	vadd.f32 v58, v5;
	v6 =	vadd.f32 v57, v6  }
0x42e: {  	v59 =	vunpack.i.u.bf16.f32 v53;
	v60 =	vunpack.i.l.bf16.f32 v53  }
0x42f: {  	v5 =	vadd.f32 v60, v5;
	v6 =	vadd.f32 v59, v6  }
0x430: {  	v61 =	vunpack.i.u.bf16.f32 v56;
	v62 =	vunpack.i.l.bf16.f32 v56  }
0x431: {  	v5 =	vadd.f32 v62, v5;
	v6 =	vadd.f32 v61, v6  }
0x432: {  	s5 =	sadd.s32 $0x1, s5;
	v63 =	vunpack.i.u.bf16.f32 v4;
	v4 =	vunpack.i.l.bf16.f32 v4  }
0x433: {  	p0 =	sne.s32 s5, $0x18;
	v4 =	vadd.f32 v4, v5;
	v5 =	vadd.f32 v63, v6  }
.Ltmp11:
0x434: {  	_ = 	snop;
	(pc) =	sbr.rel @p0 .LBB2_23-.Ltmp11, $3  }
0x435: {  	v4 =	vmul.f32 v4, v3;
	v5 =	vmul.f32 v5, v3;
	_ =	sdelay $0x1  }
0x436: {  	s31 =	sadd.s32 s6, s9;
	v4 =	vpack.i.f32.bf16 v5, v4  }
0x437: {  	[tilespmem:s31+$0x19280] =	vst v4  }
0x438: {  	_ =	swait.ge [sflag:s30], $0x5400  }
0x439: {  	s3 =	smin.u32 s1, $0x76;
	[sflag:s30] =	ssyncset.done $0x0  }
0x43a: {  	s3 =	sshll.u32 s3, $0x7;
	[sflag:s30] =	ssyncadd.s32 $0xFFFFAC00  }
0x43b: {  	v4 =	vld [tilespmem:s3+$0x480];
	_ =	sdelay $0x4  }
0x43c: {  	v5 =	vshrl.u32 v4, $0x3  }
0x43d: {  	v5 =	vmul.u32 $0x18, v5  }
0x43e: {  	v4 =	vand.u32 $0x7, v4  }
0x43f: {  	v4 =	vor.u32 v4, v5  }
0x440: {  	v5 =	vperm.xlane v4, v0;
	_ =	sdelay $0x1  }
0x441: {  	v5 =	vadd.s32 v1, v5;
	_ =	sdelay $0x1  }
0x442: {  	v4 =	vperm.xlane v4, v2;
	_ =	sdelay $0x1  }
0x443: {  	s10 =	simm.s32 $0x0;
	s4 =	simm.s32 $0x9400;
	v4 =	vadd.s32 v1, v4  }
0x444: {  	[tilespmem:s4], [sflag:$0x2] =	stream.indirect_vreg.gather [hbm4b:s2+s10], $0x80, v5, vm0, $0xb8;
	[tilespmem:$0x19C80] =	vst v63  }
0x445: {  	s17 =	simm.s32 $0x9C00  }
0x446: {  	[tilespmem:s17], [sflag:$0x2] =	stream.indirect_vreg.gather [hbm4b:s7+s10], $0x80, v5, vm1, $0xb8;
	[tilespmem:$0x19C80] =	vst v63  }
0x447: {  	s18 =	simm.s32 $0xA000  }
0x448: {  	[tilespmem:s18], [sflag:$0x2] =	stream.indirect_vreg.gather [hbm4b:s2+s10], $0x80, v4, vm0, $0xb8;
	[tilespmem:$0x19C80] =	vst v63  }
0x449: {  	s19 =	simm.s32 $0xA800  }
0x44a: {  	[tilespmem:s19], [sflag:$0x2] =	stream.indirect_vreg.gather [hbm4b:s7+s10], $0x80, v4, vm1, $0xb8;
	[tilespmem:$0x19C80] =	vst v63  }
0x44b: {  	v4 =	vld [tilespmem:s3+$0x490];
	_ =	sdelay $0x4  }
0x44c: {  	v5 =	vshrl.u32 v4, $0x3  }
0x44d: {  	v5 =	vmul.u32 $0x18, v5  }
0x44e: {  	v4 =	vand.u32 $0x7, v4  }
0x44f: {  	v4 =	vor.u32 v4, v5  }
0x450: {  	v5 =	vperm.xlane v4, v0;
	_ =	sdelay $0x1  }
0x451: {  	v5 =	vadd.s32 v1, v5;
	_ =	sdelay $0x1  }
0x452: {  	v4 =	vperm.xlane v4, v2;
	_ =	sdelay $0x1  }
0x453: {  	s20 =	simm.s32 $0xAC00;
	v4 =	vadd.s32 v1, v4  }
0x454: {  	[tilespmem:s20], [sflag:$0x2] =	stream.indirect_vreg.gather [hbm4b:s2+s10], $0x80, v5, vm0, $0xb8;
	[tilespmem:$0x19C80] =	vst v63  }
0x455: {  	s21 =	simm.s32 $0xB400  }
0x456: {  	[tilespmem:s21], [sflag:$0x2] =	stream.indirect_vreg.gather [hbm4b:s7+s10], $0x80, v5, vm1, $0xb8;
	[tilespmem:$0x19C80] =	vst v63  }
0x457: {  	s22 =	simm.s32 $0xB800  }
0x458: {  	[tilespmem:s22], [sflag:$0x2] =	stream.indirect_vreg.gather [hbm4b:s2+s10], $0x80, v4, vm0, $0xb8;
	[tilespmem:$0x19C80] =	vst v63  }
0x459: {  	s23 =	simm.s32 $0xC000  }
0x45a: {  	[tilespmem:s23], [sflag:$0x2] =	stream.indirect_vreg.gather [hbm4b:s7+s10], $0x80, v4, vm1, $0xb8;
	[tilespmem:$0x19C80] =	vst v63  }
0x45b: {  	v4 =	vld [tilespmem:s3+$0x4A0];
	_ =	sdelay $0x4  }
0x45c: {  	v5 =	vshrl.u32 v4, $0x3  }
0x45d: {  	v5 =	vmul.u32 $0x18, v5  }
0x45e: {  	v4 =	vand.u32 $0x7, v4  }
0x45f: {  	v4 =	vor.u32 v4, v5  }
0x460: {  	v5 =	vperm.xlane v4, v0;
	_ =	sdelay $0x1  }
0x461: {  	v5 =	vadd.s32 v1, v5;
	_ =	sdelay $0x1  }
0x462: {  	v4 =	vperm.xlane v4, v2;
	_ =	sdelay $0x1  }
0x463: {  	s24 =	simm.s32 $0xC400;
	v4 =	vadd.s32 v1, v4  }
0x464: {  	[tilespmem:s24], [sflag:$0x2] =	stream.indirect_vreg.gather [hbm4b:s2+s10], $0x80, v5, vm0, $0xb8;
	[tilespmem:$0x19C80] =	vst v63  }
0x465: {  	s25 =	simm.s32 $0xCC00  }
0x466: {  	[tilespmem:s25], [sflag:$0x2] =	stream.indirect_vreg.gather [hbm4b:s7+s10], $0x80, v5, vm1, $0xb8;
	[tilespmem:$0x19C80] =	vst v63  }
0x467: {  	s26 =	simm.s32 $0xD000  }
0x468: {  	[tilespmem:s26], [sflag:$0x2] =	stream.indirect_vreg.gather [hbm4b:s2+s10], $0x80, v4, vm0, $0xb8;
	[tilespmem:$0x19C80] =	vst v63  }
0x469: {  	s28 =	simm.s32 $0xD800  }
0x46a: {  	[tilespmem:s28], [sflag:$0x2] =	stream.indirect_vreg.gather [hbm4b:s7+s10], $0x80, v4, vm1, $0xb8;
	[tilespmem:$0x19C80] =	vst v63  }
0x46b: {  	v4 =	vld.msk [tilespmem:s3+$0x4B0], $0xff;
	_ =	sdelay $0x4  }
0x46c: {  	v5 =	vshrl.u32 v4, $0x3  }
0x46d: {  	v5 =	vmul.u32 $0x18, v5  }
0x46e: {  	v4 =	vand.u32 $0x7, v4  }
0x46f: {  	v4 =	vor.u32 v4, v5  }
0x470: {  	v4 =	vperm.xlane v4, v0;
	_ =	sdelay $0x1  }
0x471: {  	v4 =	vadd.s32 v1, v4;
	_ =	sdelay $0x3  }
0x472: {  	s29 =	simm.s32 $0xDC00  }
0x473: {  	[tilespmem:s29], [sflag:$0x2] =	stream.indirect_vreg.gather [hbm4b:s2+s10], $0x80, v4, vm0, $0xb8;
	[tilespmem:$0x19C80] =	vst v63  }
0x474: {  	s31 =	simm.s32 $0xE400;
	s5 =	simm.s32 $0x0  }
0x475: {  	[tilespmem:s31], [sflag:$0x2] =	stream.indirect_vreg.gather [hbm4b:s7+s10], $0x80, v4, vm1, $0xb8;
	[tilespmem:$0x19C80] =	vst v63  }
.LBB2_27:
0x476: {  	s3 =	sshll.u32 s5, $0x4;
	s4 =	sshll.u32 s5, $0x7  }
0x477: {  	s8 =	simm.s32 $0x0;
	s14 =	simm.s32 $0x480;
	s12 =	simm.s32 $0xA  }
0x478: {  	s11 =	simm.s32 $0x300;
	s13 =	simm.s32 $0x0;
	s6 =	sand.u32 $0x70, s3  }
0x479: {  	s15 =	simm.s32 $0x280;
	s16 =	simm.s32 $0x0;
	s29 =	smul.u32 $0x3000, s8;
	v4 =	vmov s6  }
0x47a: {  	s17 =	simm.s32 $0x180;
	s18 =	simm.s32 $0x200;
	s9 =	sand.u32 $0xC00, s4  }
0x47b: {  	s19 =	simm.s32 $0x100;
	s3 =	sadd.s32 $0xE800, s9;
	s4 =	sshra.s32 s29, $0x2  }
0x47c: {  	s8 =	sand.u32 $0x300, s10;
	s13 =	smul.u32 $0x3000, s13;
	s4 =	sadd.s32 s4, s3  }
0x47d: {  	s20 =	simm.s32 $0x0;
	s25 =	simm.s32 $0x0;
	s4 =	sadd.s32 s8, s4  }
0x47e: {  	s16 =	smul.u32 $0x3000, s16;
	s19 =	sand.u32 $0x300, s19;
	s13 =	sshra.s32 s13, $0x2;
	v5 =	vld.idx.msk [tilespmem:v4+s4+$0x0 ss:$0x1], $0xffff  }
0x47f: {  	s17 =	sand.u32 $0x380, s17;
	s24 =	sand.u32 $0x300, s18;
	s13 =	sadd.s32 s13, s3  }
0x480: {  	s31 =	sadd.s32 s19, s13;
	s19 =	smul.u32 $0x3000, s20;
	s20 =	simm.s32 $0x0;
	v6 =	vld.idx.msk [tilespmem:v4+s4+$0x80 ss:$0x1], $0xffff  }
0x481: {  	s15 =	sand.u32 $0x380, s15;
	s16 =	sshra.s32 s16, $0x2;
	s23 =	smul.u32 $0x3000, s20  }
0x482: {  	s29 =	smul.u32 $0x3000, s25;
	s13 =	sadd.s32 s16, s3;
	v7 =	vld.idx.msk [tilespmem:v4+s31+$0x0 ss:$0x1], $0xffff;
	s22 =	sshra.s32 s19, $0x2  }
0x483: {  	v8 =	vimm.f32 $0.0e+00;
	s21 =	sadd.s32 s17, s13;
	s13 =	sadd.s32 s22, s3;
	s28 =	sshra.s32 s23, $0x2;
	v9 =	vunpack.i.l.bf16.f32 v5;
	v5 =	vunpack.i.u.bf16.f32 v5  }
0x484: {  	s16 =	sshra.s32 s29, $0x2;
	v10 =	vld.idx.msk [tilespmem:v4+s21+$0x0 ss:$0x1], $0xffff;
	s26 =	sadd.s32 s24, s13;
	s13 =	sadd.s32 s28, s3;
	v9 =	vadd.f32 v9, v8;
	v5 =	vadd.f32 v5, v8  }
0x485: {  	s11 =	sand.u32 $0x300, s11;
	s15 =	sadd.s32 s15, s13;
	s13 =	sadd.s32 s16, s3;
	v8 =	vunpack.i.l.bf16.f32 v6;
	v6 =	vunpack.i.u.bf16.f32 v6  }
0x486: {  	s25 =	simm.s32 $0x1;
	s31 =	simm.s32 $0x0;
	v11 =	vld.idx.msk [tilespmem:v4+s26+$0x0 ss:$0x1], $0xffff;
	s21 =	sadd.s32 s11, s13;
	v8 =	vadd.f32 v8, v9;
	v5 =	vadd.f32 v6, v5  }
0x487: {  	s29 =	sand.u32 $0x380, s14;
	s19 =	simm.s32 $0x1;
	s18 =	smul.u32 $0x3000, s31;
	v12 =	vld.idx.msk [tilespmem:v4+s21+$0x0 ss:$0x1], $0xffff;
	v6 =	vunpack.i.l.bf16.f32 v7;
	v7 =	vunpack.i.u.bf16.f32 v7  }
0x488: {  	s14 =	simm.s32 $0x12;
	s20 =	simm.s32 $0x380;
	s22 =	smul.u32 $0x3000, s19;
	v9 =	vld.idx.msk [tilespmem:v4+s15+$0x0 ss:$0x1], $0xffff;
	v6 =	vadd.f32 v6, v8;
	v5 =	vadd.f32 v7, v5  }
0x489: {  	s17 =	simm.s32 $0x14;
	s28 =	smul.u32 $0x3000, s25;
	s23 =	sshra.s32 s18, $0x2;
	v7 =	vunpack.i.l.bf16.f32 v10;
	v8 =	vunpack.i.u.bf16.f32 v10  }
0x48a: {  	s24 =	sand.u32 $0x380, s20;
	s26 =	sadd.s32 s23, s3;
	s11 =	sshra.s32 s22, $0x2;
	v6 =	vadd.f32 v7, v6;
	v5 =	vadd.f32 v8, v5  }
0x48b: {  	s16 =	sshra.s32 s28, $0x2;
	s4 =	sadd.s32 s24, s26;
	s11 =	sadd.s32 s11, s3;
	v7 =	vunpack.i.l.bf16.f32 v11;
	v8 =	vunpack.i.u.bf16.f32 v11  }
0x48c: {  	s19 =	simm.s32 $0x1;
	s31 =	sadd.s32 s16, s3;
	s11 =	sadd.s32 s8, s11;
	v6 =	vadd.f32 v7, v6;
	v7 =	vld.idx.msk [tilespmem:v4+s4+$0x0 ss:$0x1], $0xffff;
	v10 =	vadd.f32 v8, v5  }
0x48d: {  	s18 =	simm.s32 $0x10;
	s13 =	simm.s32 $0x13;
	v11 =	vunpack.i.l.bf16.f32 v12;
	v8 =	vunpack.i.l.bf16.f32 v9;
	v9 =	vunpack.i.u.bf16.f32 v9;
	v5 =	vld.idx.msk [tilespmem:v4+s11+$0x0 ss:$0x1], $0xffff;
	s4 =	sadd.s32 s29, s31  }
0x48e: {  	s16 =	simm.s32 $0x11;
	s8 =	simm.s32 $0x980;
	s15 =	simm.s32 $0x100;
	v8 =	vadd.f32 v8, v6;
	v9 =	vadd.f32 v9, v10;
	v10 =	vunpack.i.u.bf16.f32 v12;
	v6 =	vld.idx.msk [tilespmem:v4+s4+$0x0 ss:$0x1], $0xffff  }
.LBB2_28:
0x48f: {  	p0 =	sne.s32 s17, $0x28;
	s4 =	smul.u32 $0x3000, s19;
	s11 =	sadd.s32 $0x5, s12  }
0x490: {  	v8 =	vadd.f32 v11, v8;
	v9 =	vadd.f32 v10, v9;
	s19 =	smov.u32 s8;
	s20 =	smov.u32 s12;
	s12 =	smov.u32 s17  }
0x491: {  	v10 =	vunpack.i.u.bf16.f32 v7;
	v7 =	vunpack.i.l.bf16.f32 v7;
	s23 =	sadd.s32 $0x2, s20;
	s24 =	sadd.s32 $0x3, s20;
	s25 =	sadd.s32 $0x4, s20  }
0x492: {  	s22 =	sadd.s32 $0xFFFFFE80, s8;
	s21 =	sadd.s32 $0xFFFFFF00, s8;
	s4 =	sshra.s32 s4, $0x2;
	v7 =	vadd.f32 v7, v8;
	v8 =	vadd.f32 v10, v9  }
0x493: {  	s20 =	sand.u32 $0x300, s15;
	s23 =	sshrl.u32 s23, $0x3;
	v9 =	vunpack.i.u.bf16.f32 v5;
	v5 =	vunpack.i.l.bf16.f32 v5;
	s4 =	sadd.s32 s4, s3  }
0x494: {  	s26 =	sadd.s32 $0xFFFFFE00, s8;
	s23 =	smul.u32 $0x3000, s23;
	s4 =	sadd.s32 s20, s4;
	v5 =	vadd.f32 v5, v7;
	v7 =	vadd.f32 v9, v8  }
0x495: {  	s28 =	sadd.s32 $0xFFFFFD00, s8;
	s29 =	sadd.s32 $0xFFFFFD80, s8;
	s24 =	sshrl.u32 s24, $0x3;
	v9 =	vunpack.i.u.bf16.f32 v6;
	v6 =	vunpack.i.l.bf16.f32 v6;
	v8 =	vld.idx.msk [tilespmem:v4+s4+$0x0 ss:$0x1], $0xffff  }
0x496: {  	s31 =	sadd.s32 $0xFFFFFC80, s8;
	s24 =	smul.u32 $0x3000, s24;
	s23 =	sshra.s32 s23, $0x2;
	v5 =	vadd.f32 v6, v5;
	v6 =	vadd.f32 v9, v7  }
0x497: {  	s25 =	sshrl.u32 s25, $0x3;
	s23 =	sadd.s32 s23, s3;
	v7 =	vld.idx.msk [tilespmem:v4+s4+$0x80 ss:$0x1], $0xffff;
	s4 =	sand.u32 $0x300, s31  }
0x498: {  	s4 =	sadd.s32 s4, s23;
	s23 =	sshra.s32 s24, $0x2;
	s24 =	smul.u32 $0x3000, s25  }
0x499: {  	s11 =	sshrl.u32 s11, $0x3;
	v9 =	vld.idx.msk [tilespmem:v4+s4+$0x0 ss:$0x1], $0xffff;
	s4 =	sand.u32 $0x380, s28;
	s23 =	sadd.s32 s23, s3  }
0x49a: {  	s11 =	smul.u32 $0x3000, s11;
	s4 =	sadd.s32 s4, s23;
	s23 =	sshra.s32 s24, $0x2  }
0x49b: {  	s18 =	sshrl.u32 s18, $0x3;
	v10 =	vunpack.i.u.bf16.f32 v8;
	v8 =	vunpack.i.l.bf16.f32 v8;
	v11 =	vld.idx.msk [tilespmem:v4+s4+$0x0 ss:$0x1], $0xffff;
	s4 =	sand.u32 $0x300, s29;
	s23 =	sadd.s32 s23, s3  }
0x49c: {  	s18 =	smul.u32 $0x3000, s18;
	s11 =	sshra.s32 s11, $0x2;
	v5 =	vadd.f32 v8, v5;
	v6 =	vadd.f32 v10, v6;
	s4 =	sadd.s32 s4, s23  }
0x49d: {  	s16 =	sshrl.u32 s16, $0x3;
	s11 =	sadd.s32 s11, s3;
	v8 =	vunpack.i.u.bf16.f32 v7;
	v7 =	vunpack.i.l.bf16.f32 v7;
	v10 =	vld.idx.msk [tilespmem:v4+s4+$0x0 ss:$0x1], $0xffff;
	s4 =	sand.u32 $0x380, s26  }
0x49e: {  	s16 =	smul.u32 $0x3000, s16;
	v5 =	vadd.f32 v7, v5;
	v6 =	vadd.f32 v8, v6;
	s4 =	sadd.s32 s4, s11;
	s11 =	sshra.s32 s18, $0x2  }
0x49f: {  	s14 =	sshrl.u32 s14, $0x3;
	v7 =	vunpack.i.u.bf16.f32 v9;
	v8 =	vunpack.i.l.bf16.f32 v9;
	v9 =	vld.idx.msk [tilespmem:v4+s4+$0x0 ss:$0x1], $0xffff;
	s4 =	sand.u32 $0x300, s22;
	s11 =	sadd.s32 s11, s3  }
0x4a0: {  	s14 =	smul.u32 $0x3000, s14;
	v5 =	vadd.f32 v8, v5;
	v6 =	vadd.f32 v7, v6;
	s4 =	sadd.s32 s4, s11;
	s11 =	sshra.s32 s16, $0x2  }
0x4a1: {  	s13 =	sshrl.u32 s13, $0x3;
	v7 =	vunpack.i.u.bf16.f32 v11;
	v8 =	vunpack.i.l.bf16.f32 v11;
	v11 =	vld.idx.msk [tilespmem:v4+s4+$0x0 ss:$0x1], $0xffff;
	s4 =	sand.u32 $0x380, s21;
	s11 =	sadd.s32 s11, s3  }
0x4a2: {  	s13 =	smul.u32 $0x3000, s13;
	v5 =	vadd.f32 v8, v5;
	v6 =	vadd.f32 v7, v6;
	s4 =	sadd.s32 s4, s11;
	s11 =	sshra.s32 s14, $0x2  }
.Ltmp12:
0x4a3: {  	s15 =	sadd.s32 $0x100, s15;
	v8 =	vunpack.i.u.bf16.f32 v10;
	v10 =	vunpack.i.l.bf16.f32 v10;
	v7 =	vld.idx.msk [tilespmem:v4+s4+$0x0 ss:$0x1], $0xffff;
	s4 =	sadd.s32 s11, s3;
	(pc) =	sbr.rel @p0 .LBB2_28-.Ltmp12, $4  }
0x4a4: {  	s8 =	sadd.s32 $0x500, s8;
	v10 =	vadd.f32 v10, v5;
	v6 =	vadd.f32 v8, v6;
	s11 =	sshra.s32 s13, $0x2;
	s4 =	sadd.s32 s20, s4  }
0x4a5: {  	s13 =	sadd.s32 $0x9, s17;
	v12 =	vunpack.i.u.bf16.f32 v9;
	v8 =	vunpack.i.l.bf16.f32 v9;
	s11 =	sadd.s32 s11, s3;
	v5 =	vld.idx.msk [tilespmem:v4+s4+$0x0 ss:$0x1], $0xffff;
	s4 =	sand.u32 $0x380, s19  }
0x4a6: {  	s16 =	sadd.s32 $0x7, s17;
	s14 =	sadd.s32 $0x8, s17;
	v8 =	vadd.f32 v8, v10;
	v9 =	vadd.f32 v12, v6;
	s4 =	sadd.s32 s4, s11  }
0x4a7: {  	s18 =	sadd.s32 $0x6, s12;
	s17 =	sadd.s32 $0xA, s17;
	s19 =	sshrl.u32 s12, $0x3;
	v10 =	vunpack.i.u.bf16.f32 v11;
	v11 =	vunpack.i.l.bf16.f32 v11;
	v6 =	vld.idx.msk [tilespmem:v4+s4+$0x0 ss:$0x1], $0xffff  }
0x4a8: {  	s4 =	smul.u32 $0x3000, s19;
	s11 =	sadd.s32 $0x5, s12  }
0x4a9: {  	s20 =	sadd.s32 $0x2, s12;
	s21 =	sadd.s32 $0x3, s12;
	s22 =	sadd.s32 $0x4, s12  }
0x4aa: {  	s19 =	sadd.s32 $0xFFFFFE80, s8;
	s17 =	sadd.s32 $0xFFFFFF00, s8;
	s4 =	sshra.s32 s4, $0x2  }
0x4ab: {  	v8 =	vadd.f32 v11, v8;
	v9 =	vadd.f32 v10, v9;
	s12 =	sand.u32 $0x300, s15;
	s29 =	sshrl.u32 s20, $0x3;
	s4 =	sadd.s32 s4, s3  }
0x4ac: {  	v31 =	vunpack.i.u.bf16.f32 v7;
	v32 =	vunpack.i.l.bf16.f32 v7;
	s23 =	sadd.s32 $0xFFFFFD00, s8;
	s15 =	smul.u32 $0x3000, s29;
	s4 =	sadd.s32 s12, s4  }
0x4ad: {  	s24 =	sadd.s32 $0xFFFFFD80, s8;
	s25 =	sadd.s32 $0xFFFFFC80, s8;
	s21 =	sshrl.u32 s21, $0x3;
	v7 =	vadd.f32 v32, v8;
	v33 =	vadd.f32 v31, v9;
	v34 =	vld.idx.msk [tilespmem:v4+s4+$0x0 ss:$0x1], $0xffff  }
0x4ae: {  	s18 =	sshrl.u32 s18, $0x3;
	v35 =	vunpack.i.u.bf16.f32 v5;
	v5 =	vunpack.i.l.bf16.f32 v5;
	s21 =	smul.u32 $0x3000, s21;
	s15 =	sshra.s32 s15, $0x2  }
0x4af: {  	s31 =	sand.u32 $0x300, s25;
	s22 =	sshrl.u32 s22, $0x3;
	v5 =	vadd.f32 v5, v7;
	v36 =	vadd.f32 v35, v33;
	v37 =	vld.idx.msk [tilespmem:v4+s4+$0x80 ss:$0x1], $0xffff;
	s15 =	sadd.s32 s15, s3  }
0x4b0: {  	s22 =	smul.u32 $0x3000, s22;
	v38 =	vunpack.i.u.bf16.f32 v6;
	v39 =	vunpack.i.l.bf16.f32 v6;
	s21 =	sshra.s32 s21, $0x2;
	s4 =	sadd.s32 s31, s15  }
0x4b1: {  	s25 =	sand.u32 $0x380, s23;
	s11 =	sshrl.u32 s11, $0x3;
	v5 =	vadd.f32 v39, v5;
	v40 =	vadd.f32 v38, v36;
	s15 =	sadd.s32 s21, s3;
	v41 =	vld.idx.msk [tilespmem:v4+s4+$0x0 ss:$0x1], $0xffff  }
0x4b2: {  	s11 =	smul.u32 $0x3000, s11;
	s26 =	sshra.s32 s22, $0x2;
	s4 =	sadd.s32 s25, s15;
	v42 =	vunpack.i.u.bf16.f32 v34;
	v9 =	vunpack.i.l.bf16.f32 v34  }
0x4b3: {  	s20 =	sadd.s32 $0xFFFFFE00, s8;
	s28 =	sand.u32 $0x300, s24;
	s15 =	sadd.s32 s26, s3;
	v43 =	vld.idx.msk [tilespmem:v4+s4+$0x0 ss:$0x1], $0xffff;
	v5 =	vadd.f32 v9, v5;
	v6 =	vadd.f32 v42, v40  }
0x4b4: {  	s29 =	smul.u32 $0x3000, s18;
	s11 =	sshra.s32 s11, $0x2;
	s4 =	sadd.s32 s28, s15;
	v44 =	vunpack.i.u.bf16.f32 v37;
	v8 =	vunpack.i.l.bf16.f32 v37  }
0x4b5: {  	s16 =	sshrl.u32 s16, $0x3;
	s11 =	sadd.s32 s11, s3;
	s31 =	sand.u32 $0x380, s20;
	v45 =	vld.idx.msk [tilespmem:v4+s4+$0x0 ss:$0x1], $0xffff;
	v5 =	vadd.f32 v8, v5;
	v6 =	vadd.f32 v44, v6  }
0x4b6: {  	s18 =	sshra.s32 s29, $0x2;
	s20 =	smul.u32 $0x3000, s16;
	s4 =	sadd.s32 s31, s11;
	v46 =	vunpack.i.u.bf16.f32 v41;
	v7 =	vunpack.i.l.bf16.f32 v41  }
0x4b7: {  	s14 =	sshrl.u32 s14, $0x3;
	s21 =	sand.u32 $0x300, s19;
	s11 =	sadd.s32 s18, s3;
	v47 =	vld.idx.msk [tilespmem:v4+s4+$0x0 ss:$0x1], $0xffff;
	v5 =	vadd.f32 v7, v5;
	v6 =	vadd.f32 v46, v6  }
0x4b8: {  	s14 =	smul.u32 $0x3000, s14;
	s22 =	sshra.s32 s20, $0x2;
	s4 =	sadd.s32 s21, s11;
	v48 =	vunpack.i.u.bf16.f32 v43;
	v49 =	vunpack.i.l.bf16.f32 v43  }
0x4b9: {  	s13 =	sshrl.u32 s13, $0x3;
	s23 =	sand.u32 $0x380, s17;
	s11 =	sadd.s32 s22, s3;
	v50 =	vld.idx.msk [tilespmem:v4+s4+$0x0 ss:$0x1], $0xffff;
	v5 =	vadd.f32 v49, v5;
	v6 =	vadd.f32 v48, v6  }
0x4ba: {  	s13 =	smul.u32 $0x3000, s13;
	s24 =	sshra.s32 s14, $0x2;
	s4 =	sadd.s32 s23, s11;
	v51 =	vunpack.i.u.bf16.f32 v45;
	v52 =	vunpack.i.l.bf16.f32 v45  }
0x4bb: {  	s25 =	sadd.s32 s24, s3;
	v53 =	vld.idx.msk [tilespmem:v4+s4+$0x0 ss:$0x1], $0xffff;
	v5 =	vadd.f32 v52, v5;
	v6 =	vadd.f32 v51, v6  }
0x4bc: {  	s26 =	sshra.s32 s13, $0x2;
	s4 =	sadd.s32 s12, s25;
	v54 =	vunpack.i.u.bf16.f32 v47;
	v55 =	vunpack.i.l.bf16.f32 v47  }
0x4bd: {  	s28 =	sand.u32 $0x380, s8;
	s29 =	sadd.s32 s26, s3;
	v56 =	vld.idx.msk [tilespmem:v4+s4+$0x0 ss:$0x1], $0xffff;
	v5 =	vadd.f32 v55, v5;
	v6 =	vadd.f32 v54, v6  }
0x4be: {  	s3 =	sadd.s32 s28, s29;
	v57 =	vunpack.i.u.bf16.f32 v50;
	v58 =	vunpack.i.l.bf16.f32 v50  }
0x4bf: {  	v4 =	vld.idx.msk [tilespmem:v4+s3+$0x0 ss:$0x1], $0xffff;
	v5 =	vadd.f32 v58, v5;
	v6 =	vadd.f32 v57, v6  }
0x4c0: {  	v59 =	vunpack.i.u.bf16.f32 v53;
	v60 =	vunpack.i.l.bf16.f32 v53  }
0x4c1: {  	v5 =	vadd.f32 v60, v5;
	v6 =	vadd.f32 v59, v6  }
0x4c2: {  	v61 =	vunpack.i.u.bf16.f32 v56;
	v62 =	vunpack.i.l.bf16.f32 v56  }
0x4c3: {  	v5 =	vadd.f32 v62, v5;
	v6 =	vadd.f32 v61, v6  }
0x4c4: {  	s5 =	sadd.s32 $0x1, s5;
	v63 =	vunpack.i.u.bf16.f32 v4;
	v4 =	vunpack.i.l.bf16.f32 v4  }
0x4c5: {  	p0 =	sne.s32 s5, $0x18;
	v4 =	vadd.f32 v4, v5;
	v5 =	vadd.f32 v63, v6  }
.Ltmp13:
0x4c6: {  	_ = 	snop;
	(pc) =	sbr.rel @p0 .LBB2_27-.Ltmp13, $3  }
0x4c7: {  	v4 =	vmul.f32 v4, v3;
	v5 =	vmul.f32 v5, v3;
	_ =	sdelay $0x1  }
0x4c8: {  	s31 =	sadd.s32 s6, s9;
	v4 =	vpack.i.f32.bf16 v5, v4  }
0x4c9: {  	[tilespmem:s31+$0x19300] =	vst v4  }
0x4ca: {  	s3 =	simm.s32 $0x4  }
0x4cb: {  	_ =	swait.ge [sflag:s3], $0x5400  }
0x4cc: {  	s1 =	smin.u32 s1, $0x75;
	[sflag:s3] =	ssyncset.done $0x0  }
0x4cd: {  	s16 =	sshll.u32 s1, $0x7;
	[sflag:s3] =	ssyncadd.s32 $0xFFFFAC00  }
0x4ce: {  	v4 =	vld [tilespmem:s16+$0x500];
	_ =	sdelay $0x4  }
0x4cf: {  	v5 =	vshrl.u32 v4, $0x3  }
0x4d0: {  	v5 =	vmul.u32 $0x18, v5  }
0x4d1: {  	v4 =	vand.u32 $0x7, v4  }
0x4d2: {  	v4 =	vor.u32 v4, v5  }
0x4d3: {  	v5 =	vperm.xlane v4, v0;
	_ =	sdelay $0x1  }
0x4d4: {  	v5 =	vadd.s32 v1, v5;
	_ =	sdelay $0x1  }
0x4d5: {  	v4 =	vperm.xlane v4, v2;
	_ =	sdelay $0x1  }
0x4d6: {  	s4 =	simm.s32 $0xE800;
	s1 =	simm.s32 $0x0;
	v4 =	vadd.s32 v1, v4  }
0x4d7: {  	[tilespmem:s4], [sflag:$0x3] =	stream.indirect_vreg.gather [hbm4b:s2+s1], $0x80, v5, vm0, $0xb8;
	[tilespmem:$0x19C80] =	vst v63  }
0x4d8: {  	s17 =	simm.s32 $0xF000  }
0x4d9: {  	[tilespmem:s17], [sflag:$0x3] =	stream.indirect_vreg.gather [hbm4b:s7+s1], $0x80, v5, vm1, $0xb8;
	[tilespmem:$0x19C80] =	vst v63  }
0x4da: {  	s18 =	simm.s32 $0xF400  }
0x4db: {  	[tilespmem:s18], [sflag:$0x3] =	stream.indirect_vreg.gather [hbm4b:s2+s1], $0x80, v4, vm0, $0xb8;
	[tilespmem:$0x19C80] =	vst v63  }
0x4dc: {  	s19 =	simm.s32 $0xFC00  }
0x4dd: {  	[tilespmem:s19], [sflag:$0x3] =	stream.indirect_vreg.gather [hbm4b:s7+s1], $0x80, v4, vm1, $0xb8;
	[tilespmem:$0x19C80] =	vst v63  }
0x4de: {  	v4 =	vld [tilespmem:s16+$0x510];
	_ =	sdelay $0x4  }
0x4df: {  	v5 =	vshrl.u32 v4, $0x3  }
0x4e0: {  	v5 =	vmul.u32 $0x18, v5  }
0x4e1: {  	v4 =	vand.u32 $0x7, v4  }
0x4e2: {  	v4 =	vor.u32 v4, v5  }
0x4e3: {  	v5 =	vperm.xlane v4, v0;
	_ =	sdelay $0x1  }
0x4e4: {  	v5 =	vadd.s32 v1, v5;
	_ =	sdelay $0x1  }
0x4e5: {  	v4 =	vperm.xlane v4, v2;
	_ =	sdelay $0x1  }
0x4e6: {  	s20 =	simm.s32 $0x10000;
	v4 =	vadd.s32 v1, v4  }
0x4e7: {  	[tilespmem:s20], [sflag:$0x3] =	stream.indirect_vreg.gather [hbm4b:s2+s1], $0x80, v5, vm0, $0xb8;
	[tilespmem:$0x19C80] =	vst v63  }
0x4e8: {  	s21 =	simm.s32 $0x10800  }
0x4e9: {  	[tilespmem:s21], [sflag:$0x3] =	stream.indirect_vreg.gather [hbm4b:s7+s1], $0x80, v5, vm1, $0xb8;
	[tilespmem:$0x19C80] =	vst v63  }
0x4ea: {  	s22 =	simm.s32 $0x10C00  }
0x4eb: {  	[tilespmem:s22], [sflag:$0x3] =	stream.indirect_vreg.gather [hbm4b:s2+s1], $0x80, v4, vm0, $0xb8;
	[tilespmem:$0x19C80] =	vst v63  }
0x4ec: {  	s23 =	simm.s32 $0x11400  }
0x4ed: {  	[tilespmem:s23], [sflag:$0x3] =	stream.indirect_vreg.gather [hbm4b:s7+s1], $0x80, v4, vm1, $0xb8;
	[tilespmem:$0x19C80] =	vst v63  }
0x4ee: {  	v4 =	vld [tilespmem:s16+$0x520];
	_ =	sdelay $0x4  }
0x4ef: {  	v5 =	vshrl.u32 v4, $0x3  }
0x4f0: {  	v5 =	vmul.u32 $0x18, v5  }
0x4f1: {  	v4 =	vand.u32 $0x7, v4  }
0x4f2: {  	v4 =	vor.u32 v4, v5  }
0x4f3: {  	v5 =	vperm.xlane v4, v0;
	_ =	sdelay $0x1  }
0x4f4: {  	v5 =	vadd.s32 v1, v5;
	_ =	sdelay $0x1  }
0x4f5: {  	v4 =	vperm.xlane v4, v2;
	_ =	sdelay $0x1  }
0x4f6: {  	s24 =	simm.s32 $0x11800;
	v4 =	vadd.s32 v1, v4  }
0x4f7: {  	[tilespmem:s24], [sflag:$0x3] =	stream.indirect_vreg.gather [hbm4b:s2+s1], $0x80, v5, vm0, $0xb8;
	[tilespmem:$0x19C80] =	vst v63  }
0x4f8: {  	s25 =	simm.s32 $0x12000  }
0x4f9: {  	[tilespmem:s25], [sflag:$0x3] =	stream.indirect_vreg.gather [hbm4b:s7+s1], $0x80, v5, vm1, $0xb8;
	[tilespmem:$0x19C80] =	vst v63  }
0x4fa: {  	s26 =	simm.s32 $0x12400  }
0x4fb: {  	[tilespmem:s26], [sflag:$0x3] =	stream.indirect_vreg.gather [hbm4b:s2+s1], $0x80, v4, vm0, $0xb8;
	[tilespmem:$0x19C80] =	vst v63  }
0x4fc: {  	s28 =	simm.s32 $0x12C00  }
0x4fd: {  	[tilespmem:s28], [sflag:$0x3] =	stream.indirect_vreg.gather [hbm4b:s7+s1], $0x80, v4, vm1, $0xb8;
	[tilespmem:$0x19C80] =	vst v63  }
0x4fe: {  	v4 =	vld.msk [tilespmem:s16+$0x530], $0xff;
	_ =	sdelay $0x4  }
0x4ff: {  	v5 =	vshrl.u32 v4, $0x3  }
0x500: {  	v5 =	vmul.u32 $0x18, v5  }
0x501: {  	v4 =	vand.u32 $0x7, v4  }
0x502: {  	v4 =	vor.u32 v4, v5  }
0x503: {  	v4 =	vperm.xlane v4, v0;
	_ =	sdelay $0x1  }
0x504: {  	v4 =	vadd.s32 v1, v4;
	_ =	sdelay $0x3  }
0x505: {  	s29 =	simm.s32 $0x13000  }
0x506: {  	[tilespmem:s29], [sflag:$0x3] =	stream.indirect_vreg.gather [hbm4b:s2+s1], $0x80, v4, vm0, $0xb8;
	[tilespmem:$0x19C80] =	vst v63  }
0x507: {  	s31 =	simm.s32 $0x13800;
	s10 =	simm.s32 $0x0  }
0x508: {  	[tilespmem:s31], [sflag:$0x3] =	stream.indirect_vreg.gather [hbm4b:s7+s1], $0x80, v4, vm1, $0xb8;
	[tilespmem:$0x19C80] =	vst v63  }
.LBB2_31:
0x509: {  	s5 =	sshll.u32 s10, $0x4;
	s6 =	sshll.u32 s10, $0x7  }
0x50a: {  	s3 =	simm.s32 $0x0;
	s13 =	simm.s32 $0x480;
	s9 =	simm.s32 $0xA  }
0x50b: {  	s12 =	simm.s32 $0x0;
	s14 =	simm.s32 $0x280;
	s4 =	sand.u32 $0x70, s5  }
0x50c: {  	s15 =	simm.s32 $0x0;
	s16 =	simm.s32 $0x180;
	s11 =	smul.u32 $0x3000, s3;
	v4 =	vmov s4  }
0x50d: {  	s17 =	simm.s32 $0x200;
	s18 =	simm.s32 $0x100;
	s8 =	sand.u32 $0xC00, s6  }
0x50e: {  	s19 =	simm.s32 $0x0;
	s3 =	sadd.s32 $0x13C00, s8;
	s29 =	sshra.s32 s11, $0x2  }
0x50f: {  	s12 =	smul.u32 $0x3000, s12;
	s8 =	sand.u32 $0x300, s1;
	s4 =	sadd.s32 s29, s3  }
0x510: {  	s20 =	simm.s32 $0x0;
	s15 =	smul.u32 $0x3000, s15;
	s4 =	sadd.s32 s8, s4  }
0x511: {  	s25 =	simm.s32 $0x0;
	s18 =	sand.u32 $0x300, s18;
	s19 =	smul.u32 $0x3000, s19;
	v5 =	vld.idx.msk [tilespmem:v4+s4+$0x0 ss:$0x1], $0xffff  }
0x512: {  	s16 =	sand.u32 $0x380, s16;
	s23 =	smul.u32 $0x3000, s20;
	s12 =	sshra.s32 s12, $0x2  }
0x513: {  	s24 =	sand.u32 $0x300, s17;
	s14 =	sand.u32 $0x380, s14;
	s12 =	sadd.s32 s12, s3;
	v6 =	vld.idx.msk [tilespmem:v4+s4+$0x80 ss:$0x1], $0xffff  }
0x514: {  	s11 =	simm.s32 $0x300;
	s31 =	sadd.s32 s18, s12;
	s18 =	sshra.s32 s15, $0x2  }
0x515: {  	s22 =	sshra.s32 s19, $0x2;
	s29 =	smul.u32 $0x3000, s25;
	s12 =	sadd.s32 s18, s3;
	v7 =	vld.idx.msk [tilespmem:v4+s31+$0x0 ss:$0x1], $0xffff  }
0x516: {  	v8 =	vimm.f32 $0.0e+00;
	s28 =	sshra.s32 s23, $0x2;
	s21 =	sadd.s32 s16, s12;
	s12 =	sadd.s32 s22, s3;
	v9 =	vunpack.i.l.bf16.f32 v5;
	v5 =	vunpack.i.u.bf16.f32 v5  }
0x517: {  	s17 =	sshra.s32 s29, $0x2;
	v10 =	vld.idx.msk [tilespmem:v4+s21+$0x0 ss:$0x1], $0xffff;
	s26 =	sadd.s32 s24, s12;
	s12 =	sadd.s32 s28, s3;
	v9 =	vadd.f32 v9, v8;
	v5 =	vadd.f32 v5, v8  }
0x518: {  	s11 =	sand.u32 $0x300, s11;
	s14 =	sadd.s32 s14, s12;
	s12 =	sadd.s32 s17, s3;
	v8 =	vunpack.i.l.bf16.f32 v6;
	v6 =	vunpack.i.u.bf16.f32 v6  }
0x519: {  	s20 =	simm.s32 $0x380;
	s31 =	simm.s32 $0x0;
	v11 =	vld.idx.msk [tilespmem:v4+s26+$0x0 ss:$0x1], $0xffff;
	s21 =	sadd.s32 s11, s12;
	v8 =	vadd.f32 v8, v9;
	v5 =	vadd.f32 v6, v5  }
0x51a: {  	s19 =	simm.s32 $0x1;
	s25 =	simm.s32 $0x1;
	s18 =	smul.u32 $0x3000, s31;
	v12 =	vld.idx.msk [tilespmem:v4+s21+$0x0 ss:$0x1], $0xffff;
	v6 =	vunpack.i.l.bf16.f32 v7;
	v7 =	vunpack.i.u.bf16.f32 v7  }
0x51b: {  	s29 =	sand.u32 $0x380, s13;
	s13 =	simm.s32 $0x12;
	s22 =	smul.u32 $0x3000, s19;
	v9 =	vld.idx.msk [tilespmem:v4+s14+$0x0 ss:$0x1], $0xffff;
	v6 =	vadd.f32 v6, v8;
	v5 =	vadd.f32 v7, v5  }
0x51c: {  	s16 =	simm.s32 $0x14;
	s28 =	smul.u32 $0x3000, s25;
	s23 =	sshra.s32 s18, $0x2;
	v7 =	vunpack.i.l.bf16.f32 v10;
	v8 =	vunpack.i.u.bf16.f32 v10  }
0x51d: {  	s24 =	sand.u32 $0x380, s20;
	s11 =	sshra.s32 s22, $0x2;
	s26 =	sadd.s32 s23, s3;
	v6 =	vadd.f32 v7, v6;
	v5 =	vadd.f32 v8, v5  }
0x51e: {  	s15 =	sshra.s32 s28, $0x2;
	s11 =	sadd.s32 s11, s3;
	s4 =	sadd.s32 s24, s26;
	v7 =	vunpack.i.l.bf16.f32 v11;
	v8 =	vunpack.i.u.bf16.f32 v11  }
0x51f: {  	s17 =	simm.s32 $0x10;
	s31 =	sadd.s32 s15, s3;
	s11 =	sadd.s32 s8, s11;
	v6 =	vadd.f32 v7, v6;
	v7 =	vld.idx.msk [tilespmem:v4+s4+$0x0 ss:$0x1], $0xffff;
	v10 =	vadd.f32 v8, v5  }
0x520: {  	s12 =	simm.s32 $0x13;
	s18 =	simm.s32 $0x1;
	v11 =	vunpack.i.l.bf16.f32 v12;
	v8 =	vunpack.i.l.bf16.f32 v9;
	v9 =	vunpack.i.u.bf16.f32 v9;
	v5 =	vld.idx.msk [tilespmem:v4+s11+$0x0 ss:$0x1], $0xffff;
	s4 =	sadd.s32 s29, s31  }
0x521: {  	s15 =	simm.s32 $0x11;
	s8 =	simm.s32 $0x980;
	s14 =	simm.s32 $0x100;
	v8 =	vadd.f32 v8, v6;
	v9 =	vadd.f32 v9, v10;
	v10 =	vunpack.i.u.bf16.f32 v12;
	v6 =	vld.idx.msk [tilespmem:v4+s4+$0x0 ss:$0x1], $0xffff  }
.LBB2_32:
0x522: {  	p0 =	sne.s32 s16, $0x28;
	s4 =	smul.u32 $0x3000, s18;
	s11 =	sadd.s32 $0x5, s9  }
0x523: {  	v8 =	vadd.f32 v11, v8;
	v9 =	vadd.f32 v10, v9;
	s18 =	smov.u32 s8;
	s19 =	smov.u32 s9;
	s9 =	smov.u32 s16  }
0x524: {  	v10 =	vunpack.i.u.bf16.f32 v7;
	v7 =	vunpack.i.l.bf16.f32 v7;
	s22 =	sadd.s32 $0x2, s19;
	s23 =	sadd.s32 $0x3, s19;
	s24 =	sadd.s32 $0x4, s19  }
0x525: {  	s21 =	sadd.s32 $0xFFFFFE80, s8;
	s20 =	sadd.s32 $0xFFFFFF00, s8;
	s4 =	sshra.s32 s4, $0x2;
	v7 =	vadd.f32 v7, v8;
	v8 =	vadd.f32 v10, v9  }
0x526: {  	s19 =	sand.u32 $0x300, s14;
	s22 =	sshrl.u32 s22, $0x3;
	v9 =	vunpack.i.u.bf16.f32 v5;
	v5 =	vunpack.i.l.bf16.f32 v5;
	s4 =	sadd.s32 s4, s3  }
0x527: {  	s25 =	sadd.s32 $0xFFFFFE00, s8;
	s22 =	smul.u32 $0x3000, s22;
	s4 =	sadd.s32 s19, s4;
	v5 =	vadd.f32 v5, v7;
	v7 =	vadd.f32 v9, v8  }
0x528: {  	s26 =	sadd.s32 $0xFFFFFD00, s8;
	s28 =	sadd.s32 $0xFFFFFD80, s8;
	s23 =	sshrl.u32 s23, $0x3;
	v9 =	vunpack.i.u.bf16.f32 v6;
	v6 =	vunpack.i.l.bf16.f32 v6;
	v8 =	vld.idx.msk [tilespmem:v4+s4+$0x0 ss:$0x1], $0xffff  }
0x529: {  	s29 =	sadd.s32 $0xFFFFFC80, s8;
	s23 =	smul.u32 $0x3000, s23;
	s22 =	sshra.s32 s22, $0x2;
	v5 =	vadd.f32 v6, v5;
	v6 =	vadd.f32 v9, v7  }
0x52a: {  	s24 =	sshrl.u32 s24, $0x3;
	s22 =	sadd.s32 s22, s3;
	v7 =	vld.idx.msk [tilespmem:v4+s4+$0x80 ss:$0x1], $0xffff;
	s4 =	sand.u32 $0x300, s29  }
0x52b: {  	s4 =	sadd.s32 s4, s22;
	s22 =	sshra.s32 s23, $0x2;
	s23 =	smul.u32 $0x3000, s24  }
0x52c: {  	s11 =	sshrl.u32 s11, $0x3;
	v9 =	vld.idx.msk [tilespmem:v4+s4+$0x0 ss:$0x1], $0xffff;
	s4 =	sand.u32 $0x380, s26;
	s22 =	sadd.s32 s22, s3  }
0x52d: {  	s11 =	smul.u32 $0x3000, s11;
	s4 =	sadd.s32 s4, s22;
	s22 =	sshra.s32 s23, $0x2  }
0x52e: {  	s17 =	sshrl.u32 s17, $0x3;
	v10 =	vunpack.i.u.bf16.f32 v8;
	v8 =	vunpack.i.l.bf16.f32 v8;
	v11 =	vld.idx.msk [tilespmem:v4+s4+$0x0 ss:$0x1], $0xffff;
	s4 =	sand.u32 $0x300, s28;
	s22 =	sadd.s32 s22, s3  }
0x52f: {  	s17 =	smul.u32 $0x3000, s17;
	s11 =	sshra.s32 s11, $0x2;
	v5 =	vadd.f32 v8, v5;
	v6 =	vadd.f32 v10, v6;
	s4 =	sadd.s32 s4, s22  }
0x530: {  	s15 =	sshrl.u32 s15, $0x3;
	s11 =	sadd.s32 s11, s3;
	v8 =	vunpack.i.u.bf16.f32 v7;
	v7 =	vunpack.i.l.bf16.f32 v7;
	v10 =	vld.idx.msk [tilespmem:v4+s4+$0x0 ss:$0x1], $0xffff;
	s4 =	sand.u32 $0x380, s25  }
0x531: {  	s15 =	smul.u32 $0x3000, s15;
	v5 =	vadd.f32 v7, v5;
	v6 =	vadd.f32 v8, v6;
	s4 =	sadd.s32 s4, s11;
	s11 =	sshra.s32 s17, $0x2  }
0x532: {  	s13 =	sshrl.u32 s13, $0x3;
	v7 =	vunpack.i.u.bf16.f32 v9;
	v8 =	vunpack.i.l.bf16.f32 v9;
	v9 =	vld.idx.msk [tilespmem:v4+s4+$0x0 ss:$0x1], $0xffff;
	s4 =	sand.u32 $0x300, s21;
	s11 =	sadd.s32 s11, s3  }
0x533: {  	s13 =	smul.u32 $0x3000, s13;
	v5 =	vadd.f32 v8, v5;
	v6 =	vadd.f32 v7, v6;
	s4 =	sadd.s32 s4, s11;
	s11 =	sshra.s32 s15, $0x2  }
0x534: {  	s12 =	sshrl.u32 s12, $0x3;
	v7 =	vunpack.i.u.bf16.f32 v11;
	v8 =	vunpack.i.l.bf16.f32 v11;
	v11 =	vld.idx.msk [tilespmem:v4+s4+$0x0 ss:$0x1], $0xffff;
	s4 =	sand.u32 $0x380, s20;
	s11 =	sadd.s32 s11, s3  }
0x535: {  	s12 =	smul.u32 $0x3000, s12;
	v5 =	vadd.f32 v8, v5;
	v6 =	vadd.f32 v7, v6;
	s4 =	sadd.s32 s4, s11;
	s11 =	sshra.s32 s13, $0x2  }
.Ltmp14:
0x536: {  	s14 =	sadd.s32 $0x100, s14;
	v8 =	vunpack.i.u.bf16.f32 v10;
	v10 =	vunpack.i.l.bf16.f32 v10;
	v7 =	vld.idx.msk [tilespmem:v4+s4+$0x0 ss:$0x1], $0xffff;
	s4 =	sadd.s32 s11, s3;
	(pc) =	sbr.rel @p0 .LBB2_32-.Ltmp14, $4  }
0x537: {  	s8 =	sadd.s32 $0x500, s8;
	v10 =	vadd.f32 v10, v5;
	v6 =	vadd.f32 v8, v6;
	s11 =	sshra.s32 s12, $0x2;
	s4 =	sadd.s32 s19, s4  }
0x538: {  	s12 =	sadd.s32 $0x9, s16;
	v12 =	vunpack.i.u.bf16.f32 v9;
	v8 =	vunpack.i.l.bf16.f32 v9;
	s11 =	sadd.s32 s11, s3;
	v5 =	vld.idx.msk [tilespmem:v4+s4+$0x0 ss:$0x1], $0xffff;
	s4 =	sand.u32 $0x380, s18  }
0x539: {  	s15 =	sadd.s32 $0x7, s16;
	s13 =	sadd.s32 $0x8, s16;
	v8 =	vadd.f32 v8, v10;
	v9 =	vadd.f32 v12, v6;
	s4 =	sadd.s32 s4, s11  }
0x53a: {  	s17 =	sadd.s32 $0x6, s9;
	s16 =	sadd.s32 $0xA, s16;
	s18 =	sshrl.u32 s9, $0x3;
	v10 =	vunpack.i.u.bf16.f32 v11;
	v11 =	vunpack.i.l.bf16.f32 v11;
	v6 =	vld.idx.msk [tilespmem:v4+s4+$0x0 ss:$0x1], $0xffff  }
0x53b: {  	s4 =	smul.u32 $0x3000, s18;
	s11 =	sadd.s32 $0x5, s9  }
0x53c: {  	s19 =	sadd.s32 $0x2, s9;
	s20 =	sadd.s32 $0x3, s9;
	s21 =	sadd.s32 $0x4, s9  }
0x53d: {  	s18 =	sadd.s32 $0xFFFFFE80, s8;
	s16 =	sadd.s32 $0xFFFFFF00, s8;
	s4 =	sshra.s32 s4, $0x2  }
0x53e: {  	v8 =	vadd.f32 v11, v8;
	v9 =	vadd.f32 v10, v9;
	s9 =	sand.u32 $0x300, s14;
	s29 =	sshrl.u32 s19, $0x3;
	s4 =	sadd.s32 s4, s3  }
0x53f: {  	v31 =	vunpack.i.u.bf16.f32 v7;
	v32 =	vunpack.i.l.bf16.f32 v7;
	s22 =	sadd.s32 $0xFFFFFD00, s8;
	s14 =	smul.u32 $0x3000, s29;
	s4 =	sadd.s32 s9, s4  }
0x540: {  	s23 =	sadd.s32 $0xFFFFFD80, s8;
	s24 =	sadd.s32 $0xFFFFFC80, s8;
	s20 =	sshrl.u32 s20, $0x3;
	v7 =	vadd.f32 v32, v8;
	v33 =	vadd.f32 v31, v9;
	v34 =	vld.idx.msk [tilespmem:v4+s4+$0x0 ss:$0x1], $0xffff  }
0x541: {  	s17 =	sshrl.u32 s17, $0x3;
	v35 =	vunpack.i.u.bf16.f32 v5;
	v5 =	vunpack.i.l.bf16.f32 v5;
	s20 =	smul.u32 $0x3000, s20;
	s14 =	sshra.s32 s14, $0x2  }
0x542: {  	s31 =	sand.u32 $0x300, s24;
	s21 =	sshrl.u32 s21, $0x3;
	v5 =	vadd.f32 v5, v7;
	v36 =	vadd.f32 v35, v33;
	v37 =	vld.idx.msk [tilespmem:v4+s4+$0x80 ss:$0x1], $0xffff;
	s14 =	sadd.s32 s14, s3  }
0x543: {  	s25 =	smul.u32 $0x3000, s21;
	v38 =	vunpack.i.u.bf16.f32 v6;
	v39 =	vunpack.i.l.bf16.f32 v6;
	s24 =	sshra.s32 s20, $0x2;
	s4 =	sadd.s32 s31, s14  }
0x544: {  	s26 =	sand.u32 $0x380, s22;
	s11 =	sshrl.u32 s11, $0x3;
	v5 =	vadd.f32 v39, v5;
	v40 =	vadd.f32 v38, v36;
	s14 =	sadd.s32 s24, s3;
	v41 =	vld.idx.msk [tilespmem:v4+s4+$0x0 ss:$0x1], $0xffff  }
0x545: {  	s11 =	smul.u32 $0x3000, s11;
	s28 =	sshra.s32 s25, $0x2;
	s4 =	sadd.s32 s26, s14;
	v42 =	vunpack.i.u.bf16.f32 v34;
	v9 =	vunpack.i.l.bf16.f32 v34  }
0x546: {  	s19 =	sadd.s32 $0xFFFFFE00, s8;
	s29 =	sand.u32 $0x300, s23;
	s14 =	sadd.s32 s28, s3;
	v43 =	vld.idx.msk [tilespmem:v4+s4+$0x0 ss:$0x1], $0xffff;
	v5 =	vadd.f32 v9, v5;
	v6 =	vadd.f32 v42, v40  }
0x547: {  	s11 =	sshra.s32 s11, $0x2;
	s31 =	smul.u32 $0x3000, s17;
	s4 =	sadd.s32 s29, s14;
	v44 =	vunpack.i.u.bf16.f32 v37;
	v8 =	vunpack.i.l.bf16.f32 v37  }
0x548: {  	s15 =	sshrl.u32 s15, $0x3;
	s11 =	sadd.s32 s11, s3;
	s17 =	sand.u32 $0x380, s19;
	v45 =	vld.idx.msk [tilespmem:v4+s4+$0x0 ss:$0x1], $0xffff;
	v5 =	vadd.f32 v8, v5;
	v6 =	vadd.f32 v44, v6  }
0x549: {  	s20 =	smul.u32 $0x3000, s15;
	s19 =	sshra.s32 s31, $0x2;
	s4 =	sadd.s32 s17, s11;
	v46 =	vunpack.i.u.bf16.f32 v41;
	v7 =	vunpack.i.l.bf16.f32 v41  }
0x54a: {  	s13 =	sshrl.u32 s13, $0x3;
	s21 =	sand.u32 $0x300, s18;
	s11 =	sadd.s32 s19, s3;
	v47 =	vld.idx.msk [tilespmem:v4+s4+$0x0 ss:$0x1], $0xffff;
	v5 =	vadd.f32 v7, v5;
	v6 =	vadd.f32 v46, v6  }
0x54b: {  	s13 =	smul.u32 $0x3000, s13;
	s22 =	sshra.s32 s20, $0x2;
	s4 =	sadd.s32 s21, s11;
	v48 =	vunpack.i.u.bf16.f32 v43;
	v49 =	vunpack.i.l.bf16.f32 v43  }
0x54c: {  	s12 =	sshrl.u32 s12, $0x3;
	s23 =	sand.u32 $0x380, s16;
	s11 =	sadd.s32 s22, s3;
	v50 =	vld.idx.msk [tilespmem:v4+s4+$0x0 ss:$0x1], $0xffff;
	v5 =	vadd.f32 v49, v5;
	v6 =	vadd.f32 v48, v6  }
0x54d: {  	s12 =	smul.u32 $0x3000, s12;
	s24 =	sshra.s32 s13, $0x2;
	s4 =	sadd.s32 s23, s11;
	v51 =	vunpack.i.u.bf16.f32 v45;
	v52 =	vunpack.i.l.bf16.f32 v45  }
0x54e: {  	s25 =	sadd.s32 s24, s3;
	v53 =	vld.idx.msk [tilespmem:v4+s4+$0x0 ss:$0x1], $0xffff;
	v5 =	vadd.f32 v52, v5;
	v6 =	vadd.f32 v51, v6  }
0x54f: {  	s26 =	sshra.s32 s12, $0x2;
	s4 =	sadd.s32 s9, s25;
	v54 =	vunpack.i.u.bf16.f32 v47;
	v55 =	vunpack.i.l.bf16.f32 v47  }
0x550: {  	s28 =	sand.u32 $0x380, s8;
	s29 =	sadd.s32 s26, s3;
	v56 =	vld.idx.msk [tilespmem:v4+s4+$0x0 ss:$0x1], $0xffff;
	v5 =	vadd.f32 v55, v5;
	v6 =	vadd.f32 v54, v6  }
0x551: {  	s3 =	sadd.s32 s28, s29;
	v57 =	vunpack.i.u.bf16.f32 v50;
	v58 =	vunpack.i.l.bf16.f32 v50  }
0x552: {  	v4 =	vld.idx.msk [tilespmem:v4+s3+$0x0 ss:$0x1], $0xffff;
	v5 =	vadd.f32 v58, v5;
	v6 =	vadd.f32 v57, v6  }
0x553: {  	v59 =	vunpack.i.u.bf16.f32 v53;
	v60 =	vunpack.i.l.bf16.f32 v53  }
0x554: {  	v5 =	vadd.f32 v60, v5;
	v6 =	vadd.f32 v59, v6  }
0x555: {  	v61 =	vunpack.i.u.bf16.f32 v56;
	v62 =	vunpack.i.l.bf16.f32 v56  }
0x556: {  	v5 =	vadd.f32 v62, v5;
	v6 =	vadd.f32 v61, v6  }
0x557: {  	s10 =	sadd.s32 $0x1, s10;
	v63 =	vunpack.i.u.bf16.f32 v4;
	v4 =	vunpack.i.l.bf16.f32 v4  }
0x558: {  	p0 =	sne.s32 s10, $0x18;
	v4 =	vadd.f32 v4, v5;
	v5 =	vadd.f32 v63, v6  }
.Ltmp15:
0x559: {  	_ = 	snop;
	(pc) =	sbr.rel @p0 .LBB2_31-.Ltmp15, $4  }
0x55a: {  	v4 =	vmul.f32 v4, v3;
	v5 =	vmul.f32 v5, v3  }
0x55b: {  	s31 =	sor.u32 s6, s5  }
0x55c: {  	s3 =	sor.u32 $0x380, s31;
	v4 =	vpack.i.f32.bf16 v5, v4  }
0x55d: {  	[tilespmem:s3+$0x19000] =	vst v4  }
0x55e: {  	s1 =	rddreg [dreg:$0x6]  }
0x55f: {  	s1 =	sadd.s32 s1, s0  }
0x560: {  	s3 =	rddreg [dreg:$0x2];
	s0 =	sadd.s32 $0x1, s0;
	s1 =	smul.u32 $0x180, s1  }
0x561: {  	s29 =	simm.s32 $0x0;
	s4 =	simm.s32 $0x19000;
	p0 =	sne.s32 s0, $0x10  }
.Ltmp16:
0x562: {  	s31 =	simm.s32 $0x5;
	s1 =	sadd.s32 s3, s1;
	(pc) =	sbr.rel @p0 .LBB2_2-.Ltmp16, $4  }
0x563: {  	[hbm4b:s1+s29] =	stream.linear.scatter [tilespmem:s4], [sflag:$0x5], $0xC00, $0x38;
	[tilespmem:$0x19C80] =	vst v63  }
0x564: {  	_ =	swait.ge [sflag:s31], $0xC00  }
0x565: {  	[sflag:s31] =	ssyncset.done $0x0  }
0x566: {  	[sflag:s31] =	ssyncadd.s32 $0xFFFFF400  }
0x567: {  	s0 =	simm.s32 $0x1  }
0x568: {  	_ =	swait.ge [sflag:s0], $0x5400  }
0x569: {  	[sflag:s0] =	ssyncset.done $0x0  }
0x56a: {  	s29 =	simm.s32 $0x2;
	[sflag:s0] =	ssyncadd.s32 $0xFFFFAC00  }
0x56b: {  	_ =	swait.ge [sflag:s29], $0x5400  }
0x56c: {  	[sflag:s29] =	ssyncset.done $0x0  }
0x56d: {  	[sflag:s29] =	ssyncadd.s32 $0xFFFFAC00  }
0x56e: {  	_ =	swait.ge [sflag:s30], $0x5400  }
0x56f: {  	s1 =	rddreg [dreg:$0x8]  }
0x570: {  	s31 =	rddreg [dreg:$0x7];
	s1 =	sadd.s32 $0x1, s1  }
0x571: {  	p0 =	sne.s32 s1, s31  }
.Ltmp17:
0x572: {  	_ = 	snop;
	(pc) =	sbr.rel @p0 .LBB2_1-.Ltmp17, $3  }
0x573: {  	_ =	sdelay $0x1  }
0x574: {  	[sflag:s30] =	ssyncset.done $0x0  }
0x575: {  	[sflag:s30] =	ssyncadd.s32 $0xFFFFAC00  }
0x576: {  	_ =	sfence.sel $0x180000  }
0x577: {  	[bflag:$0x0] =	sbarrier.arrive $0xFFFF  }
0x578: {  	_ =	strace $0x90000047  }
0x579: {  	s0 =	stileid.u32;
	[bflag:$0x2] =	sbarrier.arrive $0xFFFF  }
0x57a: {  	p0 =	sne.s32 s0, $0x0;
	s0 =	rddreg [dreg:$0x3]  }
0x57b: {  	s0 =	sadd.s32 @!p0 $0x100000, s0  }
0x57c: {  	[sflag:s0] =	ssyncadd.tile.s32 @!p0 $0x1;
	_ =	shalt  }
.Lfunc_end2:
_tile_overlayer_lowered:
.L_overlay_start_2:
0x57d: {  	(tag) =	ssettag $0x2  }
0x57e: {  	s0 =	rddreg [dreg:$0x0];
	s2 =	stileid.u32  }
0x57f: {  	s1 =	rddreg [dreg:$0x1];
	p0 =	sne.s32 s2, $0x0  }
0x580: {  	s3 =	rddreg [dreg:$0x2];
	[bflag:$0x3] =	sbarrier.arrive $0xFFFF;
	s2 =	simm.s32 @!p0 $0x1C05  }
0x581: {  	[timem:s3], [sflag:s2] =	dma.local @!p0 [hbm:s0], s1  }
0x582: {  	s0 =	simm.s32 @!p0 $0x5  }
0x583: {  	_ =	swait.ge @!p0 [sflag:s0], s1  }
0x584: {  	s1 =	ssub.s32 @!p0 $0x0, s1;
	[sflag:s0] =	ssyncset.done @!p0 $0x0  }
0x585: {  	[sflag:s0] =	ssyncadd.s32 @!p0 s1  }
0x586: {  	[bflag:$0x3] =	sbarrier.arrive $0xFFFF  }
0x587: {  	_ =	shalt  }

</sc_bundles>
